<compile_context>
chip_gen: v7x
topology: tpu7x:2x2x1
jax: 0.10.2.dev20260603
libtpu: 0.0.44.dev20260713+nightly
codegen_flags: <defaults>
</compile_context>

<pallas_src>
import functools

import jax
import jax.numpy as jnp
from jax import lax
from jax.experimental import pallas as pl
from jax.experimental.pallas import tpu as pltpu
from jax.experimental.pallas import tpu_sc as plsc

B = 16384
D = 64
CH = 128


@functools.cache
def _build_kernel():
    info = plsc.get_sparse_core_info()
    nw = info.num_cores * info.num_subcores
    b_per_w = B // nw
    n_ch = b_per_w // CH
    mesh = plsc.VectorSubcoreMesh(core_axis_name="c", subcore_axis_name="s")

    @functools.partial(
        pl.kernel,
        mesh=mesh,
        out_type=(
            jax.ShapeDtypeStruct((B, D), jnp.float32),
            jax.ShapeDtypeStruct((B, D), jnp.float32),
        ),
        scratch_types=[
            pltpu.VMEM((b_per_w,), jnp.int32),
            [pltpu.VMEM((CH, D), jnp.float32)] * 2,
            [pltpu.VMEM((CH, D), jnp.float32)] * 2,
            [pltpu.SemaphoreType.DMA] * 2,
            [pltpu.SemaphoreType.DMA] * 2,
            [pltpu.SemaphoreType.DMA] * 2,
        ],
        compiler_params=pltpu.CompilerParams(needs_layout_passes=False),
    )
    def k(ids_hbm, ws_hbm, wa_hbm, out_s_hbm, out_a_hbm,
          idx_v, rows_s, rows_a, gsems, osems_s, osems_a):
        wid = lax.axis_index("s") * info.num_cores + lax.axis_index("c")
        base = wid * b_per_w
        pltpu.sync_copy(ids_hbm.at[pl.ds(base, b_per_w)], idx_v)

        def fire(ch):
            bi = ch % 2

            def grp(g):
                v = idx_v[pl.ds(ch * CH + g * 16, 16)]
                for l in range(16):
                    r = v[l]
                    i = g * 16 + l
                    pltpu.async_copy(
                        ws_hbm.at[pl.ds(r, 1)],
                        rows_s[bi].at[pl.ds(i, 1)], gsems[bi])
                    pltpu.async_copy(
                        wa_hbm.at[pl.ds(r, 1)],
                        rows_a[bi].at[pl.ds(i, 1)], gsems[bi])

            plsc.parallel_loop(0, CH // 16, 1, unroll=4)(grp)

        def drain_and_writeback(ch):
            bi = ch % 2
            pltpu.make_async_copy(
                ws_hbm.at[pl.ds(0, CH)], rows_s[bi], gsems[bi]).wait()
            pltpu.make_async_copy(
                wa_hbm.at[pl.ds(0, CH)], rows_a[bi], gsems[bi]).wait()
            pltpu.async_copy(
                rows_s[bi], out_s_hbm.at[pl.ds(base + ch * CH, CH)],
                osems_s[bi])
            pltpu.async_copy(
                rows_a[bi], out_a_hbm.at[pl.ds(base + ch * CH, CH)],
                osems_a[bi])

        def wait_out(ch):
            bi = ch % 2
            pltpu.make_async_copy(
                rows_s[bi], out_s_hbm.at[pl.ds(0, CH)], osems_s[bi]).wait()
            pltpu.make_async_copy(
                rows_a[bi], out_a_hbm.at[pl.ds(0, CH)], osems_a[bi]).wait()

        fire(0)
        fire(1)
        for ch in range(n_ch):
            drain_and_writeback(ch)
            if ch + 2 < n_ch:
                wait_out(ch)
                fire(ch + 2)
        wait_out(n_ch - 2)
        wait_out(n_ch - 1)

    return k


def kernel(instance_ids, W_shape, W_appearance):
    ids = instance_ids.astype(jnp.int32)
    return _build_kernel()(ids, W_shape, W_appearance)

# --- scband reference (transcript-rebuilt; emitter-appended) ---
"""Pipeline reference for scband-code-library-ref-ne-rf-11269994185180 (READ-ONLY COPY).

The authoritative reference and input builder live on the scoring server;
editing this copy changes nothing except your own understanding.
"""

import jax, jax.numpy as jnp
import numpy as np
import math

N_MAX_OBJS = 1000000
CODE_LEN = 64
BATCH = 16384


def _xavier_uniform(key, shape):
    fan_in, fan_out = shape[0], shape[1]
    bound = math.sqrt(6.0 / (fan_in + fan_out))
    return jax.random.uniform(key, shape, minval=-bound, maxval=bound, dtype=jnp.float32)


def setup_inputs(seed: int = 0) -> dict:
    key = jax.random.key(seed)
    k1, k2, k3 = jax.random.split(key, 3)
    instance_ids = jax.random.randint(k1, (BATCH,), 0, N_MAX_OBJS, dtype=jnp.int64 if jax.config.jax_enable_x64 else jnp.int32)
    W_shape = _xavier_uniform(k2, (N_MAX_OBJS, CODE_LEN))
    W_appearance = _xavier_uniform(k3, (N_MAX_OBJS, CODE_LEN))
    return {"instance_ids": instance_ids, "W_shape": W_shape, "W_appearance": W_appearance}


def reference(instance_ids, W_shape, W_appearance):
    # CodeLibraryRefNeRF.forward: two independent embedding lookups on the same ids
    embedding_instance_shape = jnp.take(W_shape, instance_ids, axis=0)
    embedding_instance_appearance = jnp.take(W_appearance, instance_ids, axis=0)
    return (embedding_instance_shape, embedding_instance_appearance)

if __name__ == "__main__":
    import jax
    _d = setup_inputs()
    print(jax.jit(kernel)(*tuple(_d.values())))

</pallas_src>

<mosaic_0001>
#map = affine_map<(d0, d1) -> (0)>
#map1 = affine_map<(d0, d1) -> (0, 0)>
module attributes {stable_mosaic.version = 14 : i64} {
  func.func @k(%arg0: i32, %arg1: i32, %arg2: memref<16384xi32, #tpu.memory_space<hbm>>, %arg3: memref<1000000x64xf32, #tpu.memory_space<hbm>>, %arg4: memref<1000000x64xf32, #tpu.memory_space<hbm>>, %arg5: memref<16384x64xf32, #tpu.memory_space<hbm>>, %arg6: memref<16384x64xf32, #tpu.memory_space<hbm>>, %arg7: memref<512xi32, #tpu.memory_space<vmem>>, %arg8: memref<128x64xf32, #tpu.memory_space<vmem>>, %arg9: memref<128x64xf32, #tpu.memory_space<vmem>>, %arg10: memref<128x64xf32, #tpu.memory_space<vmem>>, %arg11: memref<128x64xf32, #tpu.memory_space<vmem>>, %arg12: memref<!tpu.dma_semaphore, #tpu.memory_space<semaphore_mem>>, %arg13: memref<!tpu.dma_semaphore, #tpu.memory_space<semaphore_mem>>, %arg14: memref<!tpu.dma_semaphore, #tpu.memory_space<semaphore_mem>>, %arg15: memref<!tpu.dma_semaphore, #tpu.memory_space<semaphore_mem>>, %arg16: memref<!tpu.dma_semaphore, #tpu.memory_space<semaphore_mem>>, %arg17: memref<!tpu.dma_semaphore, #tpu.memory_space<semaphore_mem>>) attributes {dimension_semantics = [#tpu.dimension_semantics<core_parallel>, #tpu.dimension_semantics<subcore_parallel>], iteration_bounds = array<i64: 2, 16>, scalar_prefetch = 0 : i64, scratch_operands = 11 : i64, tpu.core_type = #tpu.core_type<sc_vector_subcore>, window_params = [{transform_indices = #map}, {transform_indices = #map1}, {transform_indices = #map1}, {transform_indices = #map1}, {transform_indices = #map1}]} {
    %mul3A = arith.constant 2 : i32
    %mul3A_0 = arith.muli %arg1, %mul3A : i32
    %add3A = arith.addi %mul3A_0, %arg0 : i32
    %mul3A_1 = arith.constant 512 : i32
    %mul3A_2 = arith.muli %add3A, %mul3A_1 : i32
    "tpu.region"() ({
      %run_scoped3A = tpu.sem_alloc : memref<!tpu.dma_semaphore, #tpu.memory_space<semaphore_mem>>
      %dma_start3A_156 = tpu.memref_slice %arg2[%mul3A_2] : memref<16384xi32, #tpu.memory_space<hbm>> -> memref<512xi32, #tpu.memory_space<hbm>>
      %dma_start3A_157 = tpu.memref_slice %arg2[%mul3A_2] : memref<16384xi32, #tpu.memory_space<hbm>> -> memref<512xi32, #tpu.memory_space<hbm>>
      tpu.enqueue_dma source(%dma_start3A_157 : memref<512xi32, #tpu.memory_space<hbm>>) target(%arg7 : memref<512xi32, #tpu.memory_space<vmem>>) target_semaphore(%run_scoped3A : memref<!tpu.dma_semaphore, #tpu.memory_space<semaphore_mem>>)
      %dma_wait3A_158 = tpu.memref_slice %arg2[%mul3A_2] : memref<16384xi32, #tpu.memory_space<hbm>> -> memref<512xi32, #tpu.memory_space<hbm>>
      %dma_wait3A_159 = tpu.memref_slice %arg2[%mul3A_2] : memref<16384xi32, #tpu.memory_space<hbm>> -> memref<512xi32, #tpu.memory_space<hbm>>
      tpu.wait_dma2 semaphore(%run_scoped3A : memref<!tpu.dma_semaphore, #tpu.memory_space<semaphore_mem>>) src(%dma_wait3A_159 : memref<512xi32, #tpu.memory_space<hbm>>) dst(%arg7 : memref<512xi32, #tpu.memory_space<vmem>>)
      tpu.yield
    }) : () -> ()
    %parallel_loop3A = arith.constant 0 : i32
    %parallel_loop3A_3 = arith.constant 8 : i32
    %parallel_loop3A_4 = arith.constant 1 : i32
    scf.for %parallel_loop3A_156 = %parallel_loop3A to %parallel_loop3A_3 step %parallel_loop3A_4  : i32 {
      %parallel_loop3A_157 = arith.constant 16 : i32
      %parallel_loop3A_158 = arith.muli %parallel_loop3A_156, %parallel_loop3A_157 : i32
      %parallel_loop3A_159 = arith.constant 0 : i32
      %parallel_loop3A_160 = arith.addi %parallel_loop3A_159, %parallel_loop3A_158 : i32
      %parallel_loop3A_161 = arith.index_cast %parallel_loop3A_160 : i32 to index
      %parallel_loop3A_162 = tpu.vector_load %arg7[%parallel_loop3A_161] {strides = array<i32>} : memref<512xi32, #tpu.memory_space<vmem>>, vector<16xi32>,
      %parallel_loop3A_163 = vector.extract_strided_slice %parallel_loop3A_162 {offsets = [0], sizes = [1], strides = [1]} : vector<16xi32> to vector<1xi32>
      %parallel_loop3A_164 = vector.extract %parallel_loop3A_163[0] : i32 from vector<1xi32>
      %parallel_loop3A_165 = arith.constant 16 : i32
      %parallel_loop3A_166 = arith.muli %parallel_loop3A_156, %parallel_loop3A_165 : i32
      %parallel_loop3A_167 = arith.constant 0 : i32
      %parallel_loop3A_168 = arith.addi %parallel_loop3A_166, %parallel_loop3A_167 : i32
      %parallel_loop3A_169 = arith.constant 0 : i32
      %parallel_loop3A_170 = tpu.memref_slice %arg8[%parallel_loop3A_168, %parallel_loop3A_169] : memref<128x64xf32, #tpu.memory_space<vmem>> -> memref<1x64xf32, #tpu.memory_space<vmem>>
      %parallel_loop3A_171 = arith.constant 0 : i32
      %parallel_loop3A_172 = tpu.memref_slice %arg3[%parallel_loop3A_164, %parallel_loop3A_171] : memref<1000000x64xf32, #tpu.memory_space<hbm>> -> memref<1x64xf32, #tpu.memory_space<hbm>>
      %parallel_loop3A_173 = arith.constant 0 : i32
      %parallel_loop3A_174 = tpu.memref_slice %arg8[%parallel_loop3A_168, %parallel_loop3A_173] : memref<128x64xf32, #tpu.memory_space<vmem>> -> memref<1x64xf32, #tpu.memory_space<vmem>>
      %parallel_loop3A_175 = arith.constant 0 : i32
      %parallel_loop3A_176 = tpu.memref_slice %arg3[%parallel_loop3A_164, %parallel_loop3A_175] : memref<1000000x64xf32, #tpu.memory_space<hbm>> -> memref<1x64xf32, #tpu.memory_space<hbm>>
      tpu.enqueue_dma source(%parallel_loop3A_176 : memref<1x64xf32, #tpu.memory_space<hbm>>) target(%parallel_loop3A_174 : memref<1x64xf32, #tpu.memory_space<vmem>>) target_semaphore(%arg12 : memref<!tpu.dma_semaphore, #tpu.memory_space<semaphore_mem>>)
      %parallel_loop3A_177 = arith.constant 0 : i32
      %parallel_loop3A_178 = tpu.memref_slice %arg10[%parallel_loop3A_168, %parallel_loop3A_177] : memref<128x64xf32, #tpu.memory_space<vmem>> -> memref<1x64xf32, #tpu.memory_space<vmem>>
      %parallel_loop3A_179 = arith.constant 0 : i32
      %parallel_loop3A_180 = tpu.memref_slice %arg4[%parallel_loop3A_164, %parallel_loop3A_179] : memref<1000000x64xf32, #tpu.memory_space<hbm>> -> memref<1x64xf32, #tpu.memory_space<hbm>>
      %parallel_loop3A_181 = arith.constant 0 : i32
      %parallel_loop3A_182 = tpu.memref_slice %arg10[%parallel_loop3A_168, %parallel_loop3A_181] : memref<128x64xf32, #tpu.memory_space<vmem>> -> memref<1x64xf32, #tpu.memory_space<vmem>>
      %parallel_loop3A_183 = arith.constant 0 : i32
      %parallel_loop3A_184 = tpu.memref_slice %arg4[%parallel_loop3A_164, %parallel_loop3A_183] : memref<1000000x64xf32, #tpu.memory_space<hbm>> -> memref<1x64xf32, #tpu.memory_space<hbm>>
      tpu.enqueue_dma source(%parallel_loop3A_184 : memref<1x64xf32, #tpu.memory_space<hbm>>) target(%parallel_loop3A_182 : memref<1x64xf32, #tpu.memory_space<vmem>>) target_semaphore(%arg12 : memref<!tpu.dma_semaphore, #tpu.memory_space<semaphore_mem>>)
      %parallel_loop3A_185 = vector.extract_strided_slice %parallel_loop3A_162 {offsets = [1], sizes = [1], strides = [1]} : vector<16xi32> to vector<1xi32>
      %parallel_loop3A_186 = vector.extract %parallel_loop3A_185[0] : i32 from vector<1xi32>
      %parallel_loop3A_187 = arith.constant 16 : i32
      %parallel_loop3A_188 = arith.muli %parallel_loop3A_156, %parallel_loop3A_187 : i32
      %parallel_loop3A_189 = arith.constant 1 : i32
      %parallel_loop3A_190 = arith.addi %parallel_loop3A_188, %parallel_loop3A_189 : i32
      %parallel_loop3A_191 = arith.constant 0 : i32
      %parallel_loop3A_192 = tpu.memref_slice %arg8[%parallel_loop3A_190, %parallel_loop3A_191] : memref<128x64xf32, #tpu.memory_space<vmem>> -> memref<1x64xf32, #tpu.memory_space<vmem>>
      %parallel_loop3A_193 = arith.constant 0 : i32
      %parallel_loop3A_194 = tpu.memref_slice %arg3[%parallel_loop3A_186, %parallel_loop3A_193] : memref<1000000x64xf32, #tpu.memory_space<hbm>> -> memref<1x64xf32, #tpu.memory_space<hbm>>
      %parallel_loop3A_195 = arith.constant 0 : i32
      %parallel_loop3A_196 = tpu.memref_slice %arg8[%parallel_loop3A_190, %parallel_loop3A_195] : memref<128x64xf32, #tpu.memory_space<vmem>> -> memref<1x64xf32, #tpu.memory_space<vmem>>
      %parallel_loop3A_197 = arith.constant 0 : i32
      %parallel_loop3A_198 = tpu.memref_slice %arg3[%parallel_loop3A_186, %parallel_loop3A_197] : memref<1000000x64xf32, #tpu.memory_space<hbm>> -> memref<1x64xf32, #tpu.memory_space<hbm>>
      tpu.enqueue_dma source(%parallel_loop3A_198 : memref<1x64xf32, #tpu.memory_space<hbm>>) target(%parallel_loop3A_196 : memref<1x64xf32, #tpu.memory_space<vmem>>) target_semaphore(%arg12 : memref<!tpu.dma_semaphore, #tpu.memory_space<semaphore_mem>>)
      %parallel_loop3A_199 = arith.constant 0 : i32
      %parallel_loop3A_200 = tpu.memref_slice %arg10[%parallel_loop3A_190, %parallel_loop3A_199] : memref<128x64xf32, #tpu.memory_space<vmem>> -> memref<1x64xf32, #tpu.memory_space<vmem>>
      %parallel_loop3A_201 = arith.constant 0 : i32
      %parallel_loop3A_202 = tpu.memref_slice %arg4[%parallel_loop3A_186, %parallel_loop3A_201] : memref<1000000x64xf32, #tpu.memory_space<hbm>> -> memref<1x64xf32, #tpu.memory_space<hbm>>
      %parallel_loop3A_203 = arith.constant 0 : i32
      %parallel_loop3A_204 = tpu.memref_slice %arg10[%parallel_loop3A_190, %parallel_loop3A_203] : memref<128x64xf32, #tpu.memory_space<vmem>> -> memref<1x64xf32, #tpu.memory_space<vmem>>
      %parallel_loop3A_205 = arith.constant 0 : i32
      %parallel_loop3A_206 = tpu.memref_slice %arg4[%parallel_loop3A_186, %parallel_loop3A_205] : memref<1000000x64xf32, #tpu.memory_space<hbm>> -> memref<1x64xf32, #tpu.memory_space<hbm>>
      tpu.enqueue_dma source(%parallel_loop3A_206 : memref<1x64xf32, #tpu.memory_space<hbm>>) target(%parallel_loop3A_204 : memref<1x64xf32, #tpu.memory_space<vmem>>) target_semaphore(%arg12 : memref<!tpu.dma_semaphore, #tpu.memory_space<semaphore_mem>>)
      %parallel_loop3A_207 = vector.extract_strided_slice %parallel_loop3A_162 {offsets = [2], sizes = [1], strides = [1]} : vector<16xi32> to vector<1xi32>
      %parallel_loop3A_208 = vector.extract %parallel_loop3A_207[0] : i32 from vector<1xi32>
      %parallel_loop3A_209 = arith.constant 16 : i32
      %parallel_loop3A_210 = arith.muli %parallel_loop3A_156, %parallel_loop3A_209 : i32
      %parallel_loop3A_211 = arith.constant 2 : i32
      %parallel_loop3A_212 = arith.addi %parallel_loop3A_210, %parallel_loop3A_211 : i32
      %parallel_loop3A_213 = arith.constant 0 : i32
      %parallel_loop3A_214 = tpu.memref_slice %arg8[%parallel_loop3A_212, %parallel_loop3A_213] : memref<128x64xf32, #tpu.memory_space<vmem>> -> memref<1x64xf32, #tpu.memory_space<vmem>>
      %parallel_loop3A_215 = arith.constant 0 : i32
      %parallel_loop3A_216 = tpu.memref_slice %arg3[%parallel_loop3A_208, %parallel_loop3A_215] : memref<1000000x64xf32, #tpu.memory_space<hbm>> -> memref<1x64xf32, #tpu.memory_space<hbm>>
      %parallel_loop3A_217 = arith.constant 0 : i32
      %parallel_loop3A_218 = tpu.memref_slice %arg8[%parallel_loop3A_212, %parallel_loop3A_217] : memref<128x64xf32, #tpu.memory_space<vmem>> -> memref<1x64xf32, #tpu.memory_space<vmem>>
      %parallel_loop3A_219 = arith.constant 0 : i32
      %parallel_loop3A_220 = tpu.memref_slice %arg3[%parallel_loop3A_208, %parallel_loop3A_219] : memref<1000000x64xf32, #tpu.memory_space<hbm>> -> memref<1x64xf32, #tpu.memory_space<hbm>>
      tpu.enqueue_dma source(%parallel_loop3A_220 : memref<1x64xf32, #tpu.memory_space<hbm>>) target(%parallel_loop3A_218 : memref<1x64xf32, #tpu.memory_space<vmem>>) target_semaphore(%arg12 : memref<!tpu.dma_semaphore, #tpu.memory_space<semaphore_mem>>)
      %parallel_loop3A_221 = arith.constant 0 : i32
      %parallel_loop3A_222 = tpu.memref_slice %arg10[%parallel_loop3A_212, %parallel_loop3A_221] : memref<128x64xf32, #tpu.memory_space<vmem>> -> memref<1x64xf32, #tpu.memory_space<vmem>>
      %parallel_loop3A_223 = arith.constant 0 : i32
      %parallel_loop3A_224 = tpu.memref_slice %arg4[%parallel_loop3A_208, %parallel_loop3A_223] : memref<1000000x64xf32, #tpu.memory_space<hbm>> -> memref<1x64xf32, #tpu.memory_space<hbm>>
      %parallel_loop3A_225 = arith.constant 0 : i32
      %parallel_loop3A_226 = tpu.memref_slice %arg10[%parallel_loop3A_212, %parallel_loop3A_225] : memref<128x64xf32, #tpu.memory_space<vmem>> -> memref<1x64xf32, #tpu.memory_space<vmem>>
      %parallel_loop3A_227 = arith.constant 0 : i32
      %parallel_loop3A_228 = tpu.memref_slice %arg4[%parallel_loop3A_208, %parallel_loop3A_227] : memref<1000000x64xf32, #tpu.memory_space<hbm>> -> memref<1x64xf32, #tpu.memory_space<hbm>>
      tpu.enqueue_dma source(%parallel_loop3A_228 : memref<1x64xf32, #tpu.memory_space<hbm>>) target(%parallel_loop3A_226 : memref<1x64xf32, #tpu.memory_space<vmem>>) target_semaphore(%arg12 : memref<!tpu.dma_semaphore, #tpu.memory_space<semaphore_mem>>)
      %parallel_loop3A_229 = vector.extract_strided_slice %parallel_loop3A_162 {offsets = [3], sizes = [1], strides = [1]} : vector<16xi32> to vector<1xi32>
      %parallel_loop3A_230 = vector.extract %parallel_loop3A_229[0] : i32 from vector<1xi32>
      %parallel_loop3A_231 = arith.constant 16 : i32
      %parallel_loop3A_232 = arith.muli %parallel_loop3A_156, %parallel_loop3A_231 : i32
      %parallel_loop3A_233 = arith.constant 3 : i32
      %parallel_loop3A_234 = arith.addi %parallel_loop3A_232, %parallel_loop3A_233 : i32
      %parallel_loop3A_235 = arith.constant 0 : i32
      %parallel_loop3A_236 = tpu.memref_slice %arg8[%parallel_loop3A_234, %parallel_loop3A_235] : memref<128x64xf32, #tpu.memory_space<vmem>> -> memref<1x64xf32, #tpu.memory_space<vmem>>
      %parallel_loop3A_237 = arith.constant 0 : i32
      %parallel_loop3A_238 = tpu.memref_slice %arg3[%parallel_loop3A_230, %parallel_loop3A_237] : memref<1000000x64xf32, #tpu.memory_space<hbm>> -> memref<1x64xf32, #tpu.memory_space<hbm>>
      %parallel_loop3A_239 = arith.constant 0 : i32
      %parallel_loop3A_240 = tpu.memref_slice %arg8[%parallel_loop3A_234, %parallel_loop3A_239] : memref<128x64xf32, #tpu.memory_space<vmem>> -> memref<1x64xf32, #tpu.memory_space<vmem>>
      %parallel_loop3A_241 = arith.constant 0 : i32
      %parallel_loop3A_242 = tpu.memref_slice %arg3[%parallel_loop3A_230, %parallel_loop3A_241] : memref<1000000x64xf32, #tpu.memory_space<hbm>> -> memref<1x64xf32, #tpu.memory_space<hbm>>
      tpu.enqueue_dma source(%parallel_loop3A_242 : memref<1x64xf32, #tpu.memory_space<hbm>>) target(%parallel_loop3A_240 : memref<1x64xf32, #tpu.memory_space<vmem>>) target_semaphore(%arg12 : memref<!tpu.dma_semaphore, #tpu.memory_space<semaphore_mem>>)
      %parallel_loop3A_243 = arith.constant 0 : i32
      %parallel_loop3A_244 = tpu.memref_slice %arg10[%parallel_loop3A_234, %parallel_loop3A_243] : memref<128x64xf32, #tpu.memory_space<vmem>> -> memref<1x64xf32, #tpu.memory_space<vmem>>
      %parallel_loop3A_245 = arith.constant 0 : i32
      %parallel_loop3A_246 = tpu.memref_slice %arg4[%parallel_loop3A_230, %parallel_loop3A_245] : memref<1000000x64xf32, #tpu.memory_space<hbm>> -> memref<1x64xf32, #tpu.memory_space<hbm>>
      %parallel_loop3A_247 = arith.constant 0 : i32
      %parallel_loop3A_248 = tpu.memref_slice %arg10[%parallel_loop3A_234, %parallel_loop3A_247] : memref<128x64xf32, #tpu.memory_space<vmem>> -> memref<1x64xf32, #tpu.memory_space<vmem>>
      %parallel_loop3A_249 = arith.constant 0 : i32
      %parallel_loop3A_250 = tpu.memref_slice %arg4[%parallel_loop3A_230, %parallel_loop3A_249] : memref<1000000x64xf32, #tpu.memory_space<hbm>> -> memref<1x64xf32, #tpu.memory_space<hbm>>
      tpu.enqueue_dma source(%parallel_loop3A_250 : memref<1x64xf32, #tpu.memory_space<hbm>>) target(%parallel_loop3A_248 : memref<1x64xf32, #tpu.memory_space<vmem>>) target_semaphore(%arg12 : memref<!tpu.dma_semaphore, #tpu.memory_space<semaphore_mem>>)
      %parallel_loop3A_251 = vector.extract_strided_slice %parallel_loop3A_162 {offsets = [4], sizes = [1], strides = [1]} : vector<16xi32> to vector<1xi32>
      %parallel_loop3A_252 = vector.extract %parallel_loop3A_251[0] : i32 from vector<1xi32>
      %parallel_loop3A_253 = arith.constant 16 : i32
      %parallel_loop3A_254 = arith.muli %parallel_loop3A_156, %parallel_loop3A_253 : i32
      %parallel_loop3A_255 = arith.constant 4 : i32
      %parallel_loop3A_256 = arith.addi %parallel_loop3A_254, %parallel_loop3A_255 : i32
      %parallel_loop3A_257 = arith.constant 0 : i32
      %parallel_loop3A_258 = tpu.memref_slice %arg8[%parallel_loop3A_256, %parallel_loop3A_257] : memref<128x64xf32, #tpu.memory_space<vmem>> -> memref<1x64xf32, #tpu.memory_space<vmem>>
      %parallel_loop3A_259 = arith.constant 0 : i32
      %parallel_loop3A_260 = tpu.memref_slice %arg3[%parallel_loop3A_252, %parallel_loop3A_259] : memref<1000000x64xf32, #tpu.memory_space<hbm>> -> memref<1x64xf32, #tpu.memory_space<hbm>>
      %parallel_loop3A_261 = arith.constant 0 : i32
      %parallel_loop3A_262 = tpu.memref_slice %arg8[%parallel_loop3A_256, %parallel_loop3A_261] : memref<128x64xf32, #tpu.memory_space<vmem>> -> memref<1x64xf32, #tpu.memory_space<vmem>>
      %parallel_loop3A_263 = arith.constant 0 : i32
      %parallel_loop3A_264 = tpu.memref_slice %arg3[%parallel_loop3A_252, %parallel_loop3A_263] : memref<1000000x64xf32, #tpu.memory_space<hbm>> -> memref<1x64xf32, #tpu.memory_space<hbm>>
      tpu.enqueue_dma source(%parallel_loop3A_264 : memref<1x64xf32, #tpu.memory_space<hbm>>) target(%parallel_loop3A_262 : memref<1x64xf32, #tpu.memory_space<vmem>>) target_semaphore(%arg12 : memref<!tpu.dma_semaphore, #tpu.memory_space<semaphore_mem>>)
      %parallel_loop3A_265 = arith.constant 0 : i32
      %parallel_loop3A_266 = tpu.memref_slice %arg10[%parallel_loop3A_256, %parallel_loop3A_265] : memref<128x64xf32, #tpu.memory_space<vmem>> -> memref<1x64xf32, #tpu.memory_space<vmem>>
      %parallel_loop3A_267 = arith.constant 0 : i32
      %parallel_loop3A_268 = tpu.memref_slice %arg4[%parallel_loop3A_252, %parallel_loop3A_267] : memref<1000000x64xf32, #tpu.memory_space<hbm>> -> memref<1x64xf32, #tpu.memory_space<hbm>>
      %parallel_loop3A_269 = arith.constant 0 : i32
      %parallel_loop3A_270 = tpu.memref_slice %arg10[%parallel_loop3A_256, %parallel_loop3A_269] : memref<128x64xf32, #tpu.memory_space<vmem>> -> memref<1x64xf32, #tpu.memory_space<vmem>>
      %parallel_loop3A_271 = arith.constant 0 : i32
      %parallel_loop3A_272 = tpu.memref_slice %arg4[%parallel_loop3A_252, %parallel_loop3A_271] : memref<1000000x64xf32, #tpu.memory_space<hbm>> -> memref<1x64xf32, #tpu.memory_space<hbm>>
      tpu.enqueue_dma source(%parallel_loop3A_272 : memref<1x64xf32, #tpu.memory_space<hbm>>) target(%parallel_loop3A_270 : memref<1x64xf32, #tpu.memory_space<vmem>>) target_semaphore(%arg12 : memref<!tpu.dma_semaphore, #tpu.memory_space<semaphore_mem>>)
      %parallel_loop3A_273 = vector.extract_strided_slice %parallel_loop3A_162 {offsets = [5], sizes = [1], strides = [1]} : vector<16xi32> to vector<1xi32>
      %parallel_loop3A_274 = vector.extract %parallel_loop3A_273[0] : i32 from vector<1xi32>
      %parallel_loop3A_275 = arith.constant 16 : i32
      %parallel_loop3A_276 = arith.muli %parallel_loop3A_156, %parallel_loop3A_275 : i32
      %parallel_loop3A_277 = arith.constant 5 : i32
      %parallel_loop3A_278 = arith.addi %parallel_loop3A_276, %parallel_loop3A_277 : i32
      %parallel_loop3A_279 = arith.constant 0 : i32
      %parallel_loop3A_280 = tpu.memref_slice %arg8[%parallel_loop3A_278, %parallel_loop3A_279] : memref<128x64xf32, #tpu.memory_space<vmem>> -> memref<1x64xf32, #tpu.memory_space<vmem>>
      %parallel_loop3A_281 = arith.constant 0 : i32
      %parallel_loop3A_282 = tpu.memref_slice %arg3[%parallel_loop3A_274, %parallel_loop3A_281] : memref<1000000x64xf32, #tpu.memory_space<hbm>> -> memref<1x64xf32, #tpu.memory_space<hbm>>
      %parallel_loop3A_283 = arith.constant 0 : i32
      %parallel_loop3A_284 = tpu.memref_slice %arg8[%parallel_loop3A_278, %parallel_loop3A_283] : memref<128x64xf32, #tpu.memory_space<vmem>> -> memref<1x64xf32, #tpu.memory_space<vmem>>
      %parallel_loop3A_285 = arith.constant 0 : i32
      %parallel_loop3A_286 = tpu.memref_slice %arg3[%parallel_loop3A_274, %parallel_loop3A_285] : memref<1000000x64xf32, #tpu.memory_space<hbm>> -> memref<1x64xf32, #tpu.memory_space<hbm>>
      tpu.enqueue_dma source(%parallel_loop3A_286 : memref<1x64xf32, #tpu.memory_space<hbm>>) target(%parallel_loop3A_284 : memref<1x64xf32, #tpu.memory_space<vmem>>) target_semaphore(%arg12 : memref<!tpu.dma_semaphore, #tpu.memory_space<semaphore_mem>>)
      %parallel_loop3A_287 = arith.constant 0 : i32
      %parallel_loop3A_288 = tpu.memref_slice %arg10[%parallel_loop3A_278, %parallel_loop3A_287] : memref<128x64xf32, #tpu.memory_space<vmem>> -> memref<1x64xf32, #tpu.memory_space<vmem>>
      %parallel_loop3A_289 = arith.constant 0 : i32
      %parallel_loop3A_290 = tpu.memref_slice %arg4[%parallel_loop3A_274, %parallel_loop3A_289] : memref<1000000x64xf32, #tpu.memory_space<hbm>> -> memref<1x64xf32, #tpu.memory_space<hbm>>
      %parallel_loop3A_291 = arith.constant 0 : i32
      %parallel_loop3A_292 = tpu.memref_slice %arg10[%parallel_loop3A_278, %parallel_loop3A_291] : memref<128x64xf32, #tpu.memory_space<vmem>> -> memref<1x64xf32, #tpu.memory_space<vmem>>
      %parallel_loop3A_293 = arith.constant 0 : i32
      %parallel_loop3A_294 = tpu.memref_slice %arg4[%parallel_loop3A_274, %parallel_loop3A_293] : memref<1000000x64xf32, #tpu.memory_space<hbm>> -> memref<1x64xf32, #tpu.memory_space<hbm>>
      tpu.enqueue_dma source(%parallel_loop3A_294 : memref<1x64xf32, #tpu.memory_space<hbm>>) target(%parallel_loop3A_292 : memref<1x64xf32, #tpu.memory_space<vmem>>) target_semaphore(%arg12 : memref<!tpu.dma_semaphore, #tpu.memory_space<semaphore_mem>>)
      %parallel_loop3A_295 = vector.extract_strided_slice %parallel_loop3A_162 {offsets = [6], sizes = [1], strides = [1]} : vector<16xi32> to vector<1xi32>
      %parallel_loop3A_296 = vector.extract %parallel_loop3A_295[0] : i32 from vector<1xi32>
      %parallel_loop3A_297 = arith.constant 16 : i32
      %parallel_loop3A_298 = arith.muli %parallel_loop3A_156, %parallel_loop3A_297 : i32
      %parallel_loop3A_299 = arith.constant 6 : i32
      %parallel_loop3A_300 = arith.addi %parallel_loop3A_298, %parallel_loop3A_299 : i32
      %parallel_loop3A_301 = arith.constant 0 : i32
      %parallel_loop3A_302 = tpu.memref_slice %arg8[%parallel_loop3A_300, %parallel_loop3A_301] : memref<128x64xf32, #tpu.memory_space<vmem>> -> memref<1x64xf32, #tpu.memory_space<vmem>>
      %parallel_loop3A_303 = arith.constant 0 : i32
      %parallel_loop3A_304 = tpu.memref_slice %arg3[%parallel_loop3A_296, %parallel_loop3A_303] : memref<1000000x64xf32, #tpu.memory_space<hbm>> -> memref<1x64xf32, #tpu.memory_space<hbm>>
      %parallel_loop3A_305 = arith.constant 0 : i32
      %parallel_loop3A_306 = tpu.memref_slice %arg8[%parallel_loop3A_300, %parallel_loop3A_305] : memref<128x64xf32, #tpu.memory_space<vmem>> -> memref<1x64xf32, #tpu.memory_space<vmem>>
      %parallel_loop3A_307 = arith.constant 0 : i32
      %parallel_loop3A_308 = tpu.memref_slice %arg3[%parallel_loop3A_296, %parallel_loop3A_307] : memref<1000000x64xf32, #tpu.memory_space<hbm>> -> memref<1x64xf32, #tpu.memory_space<hbm>>
      tpu.enqueue_dma source(%parallel_loop3A_308 : memref<1x64xf32, #tpu.memory_space<hbm>>) target(%parallel_loop3A_306 : memref<1x64xf32, #tpu.memory_space<vmem>>) target_semaphore(%arg12 : memref<!tpu.dma_semaphore, #tpu.memory_space<semaphore_mem>>)
      %parallel_loop3A_309 = arith.constant 0 : i32
      %parallel_loop3A_310 = tpu.memref_slice %arg10[%parallel_loop3A_300, %parallel_loop3A_309] : memref<128x64xf32, #tpu.memory_space<vmem>> -> memref<1x64xf32, #tpu.memory_space<vmem>>
      %parallel_loop3A_311 = arith.constant 0 : i32
      %parallel_loop3A_312 = tpu.memref_slice %arg4[%parallel_loop3A_296, %parallel_loop3A_311] : memref<1000000x64xf32, #tpu.memory_space<hbm>> -> memref<1x64xf32, #tpu.memory_space<hbm>>
      %parallel_loop3A_313 = arith.constant 0 : i32
      %parallel_loop3A_314 = tpu.memref_slice %arg10[%parallel_loop3A_300, %parallel_loop3A_313] : memref<128x64xf32, #tpu.memory_space<vmem>> -> memref<1x64xf32, #tpu.memory_space<vmem>>
      %parallel_loop3A_315 = arith.constant 0 : i32
      %parallel_loop3A_316 = tpu.memref_slice %arg4[%parallel_loop3A_296, %parallel_loop3A_315] : memref<1000000x64xf32, #tpu.memory_space<hbm>> -> memref<1x64xf32, #tpu.memory_space<hbm>>
      tpu.enqueue_dma source(%parallel_loop3A_316 : memref<1x64xf32, #tpu.memory_space<hbm>>) target(%parallel_loop3A_314 : memref<1x64xf32, #tpu.memory_space<vmem>>) target_semaphore(%arg12 : memref<!tpu.dma_semaphore, #tpu.memory_space<semaphore_mem>>)
      %parallel_loop3A_317 = vector.extract_strided_slice %parallel_loop3A_162 {offsets = [7], sizes = [1], strides = [1]} : vector<16xi32> to vector<1xi32>
      %parallel_loop3A_318 = vector.extract %parallel_loop3A_317[0] : i32 from vector<1xi32>
      %parallel_loop3A_319 = arith.constant 16 : i32
      %parallel_loop3A_320 = arith.muli %parallel_loop3A_156, %parallel_loop3A_319 : i32
      %parallel_loop3A_321 = arith.constant 7 : i32
      %parallel_loop3A_322 = arith.addi %parallel_loop3A_320, %parallel_loop3A_321 : i32
      %parallel_loop3A_323 = arith.constant 0 : i32
      %parallel_loop3A_324 = tpu.memref_slice %arg8[%parallel_loop3A_322, %parallel_loop3A_323] : memref<128x64xf32, #tpu.memory_space<vmem>> -> memref<1x64xf32, #tpu.memory_space<vmem>>
      %parallel_loop3A_325 = arith.constant 0 : i32
      %parallel_loop3A_326 = tpu.memref_slice %arg3[%parallel_loop3A_318, %parallel_loop3A_325] : memref<1000000x64xf32, #tpu.memory_space<hbm>> -> memref<1x64xf32, #tpu.memory_space<hbm>>
      %parallel_loop3A_327 = arith.constant 0 : i32
      %parallel_loop3A_328 = tpu.memref_slice %arg8[%parallel_loop3A_322, %parallel_loop3A_327] : memref<128x64xf32, #tpu.memory_space<vmem>> -> memref<1x64xf32, #tpu.memory_space<vmem>>
      %parallel_loop3A_329 = arith.constant 0 : i32
      %parallel_loop3A_330 = tpu.memref_slice %arg3[%parallel_loop3A_318, %parallel_loop3A_329] : memref<1000000x64xf32, #tpu.memory_space<hbm>> -> memref<1x64xf32, #tpu.memory_space<hbm>>
      tpu.enqueue_dma source(%parallel_loop3A_330 : memref<1x64xf32, #tpu.memory_space<hbm>>) target(%parallel_loop3A_328 : memref<1x64xf32, #tpu.memory_space<vmem>>) target_semaphore(%arg12 : memref<!tpu.dma_semaphore, #tpu.memory_space<semaphore_mem>>)
      %parallel_loop3A_331 = arith.constant 0 : i32
      %parallel_loop3A_332 = tpu.memref_slice %arg10[%parallel_loop3A_322, %parallel_loop3A_331] : memref<128x64xf32, #tpu.memory_space<vmem>> -> memref<1x64xf32, #tpu.memory_space<vmem>>
      %parallel_loop3A_333 = arith.constant 0 : i32
      %parallel_loop3A_334 = tpu.memref_slice %arg4[%parallel_loop3A_318, %parallel_loop3A_333] : memref<1000000x64xf32, #tpu.memory_space<hbm>> -> memref<1x64xf32, #tpu.memory_space<hbm>>
      %parallel_loop3A_335 = arith.constant 0 : i32
      %parallel_loop3A_336 = tpu.memref_slice %arg10[%parallel_loop3A_322, %parallel_loop3A_335] : memref<128x64xf32, #tpu.memory_space<vmem>> -> memref<1x64xf32, #tpu.memory_space<vmem>>
      %parallel_loop3A_337 = arith.constant 0 : i32
      %parallel_loop3A_338 = tpu.memref_slice %arg4[%parallel_loop3A_318, %parallel_loop3A_337] : memref<1000000x64xf32, #tpu.memory_space<hbm>> -> memref<1x64xf32, #tpu.memory_space<hbm>>
      tpu.enqueue_dma source(%parallel_loop3A_338 : memref<1x64xf32, #tpu.memory_space<hbm>>) target(%parallel_loop3A_336 : memref<1x64xf32, #tpu.memory_space<vmem>>) target_semaphore(%arg12 : memref<!tpu.dma_semaphore, #tpu.memory_space<semaphore_mem>>)
      %parallel_loop3A_339 = vector.extract_strided_slice %parallel_loop3A_162 {offsets = [8], sizes = [1], strides = [1]} : vector<16xi32> to vector<1xi32>
      %parallel_loop3A_340 = vector.extract %parallel_loop3A_339[0] : i32 from vector<1xi32>
      %parallel_loop3A_341 = arith.constant 16 : i32
      %parallel_loop3A_342 = arith.muli %parallel_loop3A_156, %parallel_loop3A_341 : i32
      %parallel_loop3A_343 = arith.constant 8 : i32
      %parallel_loop3A_344 = arith.addi %parallel_loop3A_342, %parallel_loop3A_343 : i32
      %parallel_loop3A_345 = arith.constant 0 : i32
      %parallel_loop3A_346 = tpu.memref_slice %arg8[%parallel_loop3A_344, %parallel_loop3A_345] : memref<128x64xf32, #tpu.memory_space<vmem>> -> memref<1x64xf32, #tpu.memory_space<vmem>>
      %parallel_loop3A_347 = arith.constant 0 : i32
      %parallel_loop3A_348 = tpu.memref_slice %arg3[%parallel_loop3A_340, %parallel_loop3A_347] : memref<1000000x64xf32, #tpu.memory_space<hbm>> -> memref<1x64xf32, #tpu.memory_space<hbm>>
      %parallel_loop3A_349 = arith.constant 0 : i32
      %parallel_loop3A_350 = tpu.memref_slice %arg8[%parallel_loop3A_344, %parallel_loop3A_349] : memref<128x64xf32, #tpu.memory_space<vmem>> -> memref<1x64xf32, #tpu.memory_space<vmem>>
      %parallel_loop3A_351 = arith.constant 0 : i32
      %parallel_loop3A_352 = tpu.memref_slice %arg3[%parallel_loop3A_340, %parallel_loop3A_351] : memref<1000000x64xf32, #tpu.memory_space<hbm>> -> memref<1x64xf32, #tpu.memory_space<hbm>>
      tpu.enqueue_dma source(%parallel_loop3A_352 : memref<1x64xf32, #tpu.memory_space<hbm>>) target(%parallel_loop3A_350 : memref<1x64xf32, #tpu.memory_space<vmem>>) target_semaphore(%arg12 : memref<!tpu.dma_semaphore, #tpu.memory_space<semaphore_mem>>)
      %parallel_loop3A_353 = arith.constant 0 : i32
      %parallel_loop3A_354 = tpu.memref_slice %arg10[%parallel_loop3A_344, %parallel_loop3A_353] : memref<128x64xf32, #tpu.memory_space<vmem>> -> memref<1x64xf32, #tpu.memory_space<vmem>>
      %parallel_loop3A_355 = arith.constant 0 : i32
      %parallel_loop3A_356 = tpu.memref_slice %arg4[%parallel_loop3A_340, %parallel_loop3A_355] : memref<1000000x64xf32, #tpu.memory_space<hbm>> -> memref<1x64xf32, #tpu.memory_space<hbm>>
      %parallel_loop3A_357 = arith.constant 0 : i32
      %parallel_loop3A_358 = tpu.memref_slice %arg10[%parallel_loop3A_344, %parallel_loop3A_357] : memref<128x64xf32, #tpu.memory_space<vmem>> -> memref<1x64xf32, #tpu.memory_space<vmem>>
      %parallel_loop3A_359 = arith.constant 0 : i32
      %parallel_loop3A_360 = tpu.memref_slice %arg4[%parallel_loop3A_340, %parallel_loop3A_359] : memref<1000000x64xf32, #tpu.memory_space<hbm>> -> memref<1x64xf32, #tpu.memory_space<hbm>>
      tpu.enqueue_dma source(%parallel_loop3A_360 : memref<1x64xf32, #tpu.memory_space<hbm>>) target(%parallel_loop3A_358 : memref<1x64xf32, #tpu.memory_space<vmem>>) target_semaphore(%arg12 : memref<!tpu.dma_semaphore, #tpu.memory_space<semaphore_mem>>)
      %parallel_loop3A_361 = vector.extract_strided_slice %parallel_loop3A_162 {offsets = [9], sizes = [1], strides = [1]} : vector<16xi32> to vector<1xi32>
      %parallel_loop3A_362 = vector.extract %parallel_loop3A_361[0] : i32 from vector<1xi32>
      %parallel_loop3A_363 = arith.constant 16 : i32
      %parallel_loop3A_364 = arith.muli %parallel_loop3A_156, %parallel_loop3A_363 : i32
      %parallel_loop3A_365 = arith.constant 9 : i32
      %parallel_loop3A_366 = arith.addi %parallel_loop3A_364, %parallel_loop3A_365 : i32
      %parallel_loop3A_367 = arith.constant 0 : i32
      %parallel_loop3A_368 = tpu.memref_slice %arg8[%parallel_loop3A_366, %parallel_loop3A_367] : memref<128x64xf32, #tpu.memory_space<vmem>> -> memref<1x64xf32, #tpu.memory_space<vmem>>
      %parallel_loop3A_369 = arith.constant 0 : i32
      %parallel_loop3A_370 = tpu.memref_slice %arg3[%parallel_loop3A_362, %parallel_loop3A_369] : memref<1000000x64xf32, #tpu.memory_space<hbm>> -> memref<1x64xf32, #tpu.memory_space<hbm>>
      %parallel_loop3A_371 = arith.constant 0 : i32
      %parallel_loop3A_372 = tpu.memref_slice %arg8[%parallel_loop3A_366, %parallel_loop3A_371] : memref<128x64xf32, #tpu.memory_space<vmem>> -> memref<1x64xf32, #tpu.memory_space<vmem>>
      %parallel_loop3A_373 = arith.constant 0 : i32
      %parallel_loop3A_374 = tpu.memref_slice %arg3[%parallel_loop3A_362, %parallel_loop3A_373] : memref<1000000x64xf32, #tpu.memory_space<hbm>> -> memref<1x64xf32, #tpu.memory_space<hbm>>
      tpu.enqueue_dma source(%parallel_loop3A_374 : memref<1x64xf32, #tpu.memory_space<hbm>>) target(%parallel_loop3A_372 : memref<1x64xf32, #tpu.memory_space<vmem>>) target_semaphore(%arg12 : memref<!tpu.dma_semaphore, #tpu.memory_space<semaphore_mem>>)
      %parallel_loop3A_375 = arith.constant 0 : i32
      %parallel_loop3A_376 = tpu.memref_slice %arg10[%parallel_loop3A_366, %parallel_loop3A_375] : memref<128x64xf32, #tpu.memory_space<vmem>> -> memref<1x64xf32, #tpu.memory_space<vmem>>
      %parallel_loop3A_377 = arith.constant 0 : i32
      %parallel_loop3A_378 = tpu.memref_slice %arg4[%parallel_loop3A_362, %parallel_loop3A_377] : memref<1000000x64xf32, #tpu.memory_space<hbm>> -> memref<1x64xf32, #tpu.memory_space<hbm>>
      %parallel_loop3A_379 = arith.constant 0 : i32
      %parallel_loop3A_380 = tpu.memref_slice %arg10[%parallel_loop3A_366, %parallel_loop3A_379] : memref<128x64xf32, #tpu.memory_space<vmem>> -> memref<1x64xf32, #tpu.memory_space<vmem>>
      %parallel_loop3A_381 = arith.constant 0 : i32
      %parallel_loop3A_382 = tpu.memref_slice %arg4[%parallel_loop3A_362, %parallel_loop3A_381] : memref<1000000x64xf32, #tpu.memory_space<hbm>> -> memref<1x64xf32, #tpu.memory_space<hbm>>
      tpu.enqueue_dma source(%parallel_loop3A_382 : memref<1x64xf32, #tpu.memory_space<hbm>>) target(%parallel_loop3A_380 : memref<1x64xf32, #tpu.memory_space<vmem>>) target_semaphore(%arg12 : memref<!tpu.dma_semaphore, #tpu.memory_space<semaphore_mem>>)
      %parallel_loop3A_383 = vector.extract_strided_slice %parallel_loop3A_162 {offsets = [10], sizes = [1], strides = [1]} : vector<16xi32> to vector<1xi32>
      %parallel_loop3A_384 = vector.extract %parallel_loop3A_383[0] : i32 from vector<1xi32>
      %parallel_loop3A_385 = arith.constant 16 : i32
      %parallel_loop3A_386 = arith.muli %parallel_loop3A_156, %parallel_loop3A_385 : i32
      %parallel_loop3A_387 = arith.constant 10 : i32
      %parallel_loop3A_388 = arith.addi %parallel_loop3A_386, %parallel_loop3A_387 : i32
      %parallel_loop3A_389 = arith.constant 0 : i32
      %parallel_loop3A_390 = tpu.memref_slice %arg8[%parallel_loop3A_388, %parallel_loop3A_389] : memref<128x64xf32, #tpu.memory_space<vmem>> -> memref<1x64xf32, #tpu.memory_space<vmem>>
      %parallel_loop3A_391 = arith.constant 0 : i32
      %parallel_loop3A_392 = tpu.memref_slice %arg3[%parallel_loop3A_384, %parallel_loop3A_391] : memref<1000000x64xf32, #tpu.memory_space<hbm>> -> memref<1x64xf32, #tpu.memory_space<hbm>>
      %parallel_loop3A_393 = arith.constant 0 : i32
      %parallel_loop3A_394 = tpu.memref_slice %arg8[%parallel_loop3A_388, %parallel_loop3A_393] : memref<128x64xf32, #tpu.memory_space<vmem>> -> memref<1x64xf32, #tpu.memory_space<vmem>>
      %parallel_loop3A_395 = arith.constant 0 : i32
      %parallel_loop3A_396 = tpu.memref_slice %arg3[%parallel_loop3A_384, %parallel_loop3A_395] : memref<1000000x64xf32, #tpu.memory_space<hbm>> -> memref<1x64xf32, #tpu.memory_space<hbm>>
      tpu.enqueue_dma source(%parallel_loop3A_396 : memref<1x64xf32, #tpu.memory_space<hbm>>) target(%parallel_loop3A_394 : memref<1x64xf32, #tpu.memory_space<vmem>>) target_semaphore(%arg12 : memref<!tpu.dma_semaphore, #tpu.memory_space<semaphore_mem>>)
      %parallel_loop3A_397 = arith.constant 0 : i32
      %parallel_loop3A_398 = tpu.memref_slice %arg10[%parallel_loop3A_388, %parallel_loop3A_397] : memref<128x64xf32, #tpu.memory_space<vmem>> -> memref<1x64xf32, #tpu.memory_space<vmem>>
      %parallel_loop3A_399 = arith.constant 0 : i32
      %parallel_loop3A_400 = tpu.memref_slice %arg4[%parallel_loop3A_384, %parallel_loop3A_399] : memref<1000000x64xf32, #tpu.memory_space<hbm>> -> memref<1x64xf32, #tpu.memory_space<hbm>>
      %parallel_loop3A_401 = arith.constant 0 : i32
      %parallel_loop3A_402 = tpu.memref_slice %arg10[%parallel_loop3A_388, %parallel_loop3A_401] : memref<128x64xf32, #tpu.memory_space<vmem>> -> memref<1x64xf32, #tpu.memory_space<vmem>>
      %parallel_loop3A_403 = arith.constant 0 : i32
      %parallel_loop3A_404 = tpu.memref_slice %arg4[%parallel_loop3A_384, %parallel_loop3A_403] : memref<1000000x64xf32, #tpu.memory_space<hbm>> -> memref<1x64xf32, #tpu.memory_space<hbm>>
      tpu.enqueue_dma source(%parallel_loop3A_404 : memref<1x64xf32, #tpu.memory_space<hbm>>) target(%parallel_loop3A_402 : memref<1x64xf32, #tpu.memory_space<vmem>>) target_semaphore(%arg12 : memref<!tpu.dma_semaphore, #tpu.memory_space<semaphore_mem>>)
      %parallel_loop3A_405 = vector.extract_strided_slice %parallel_loop3A_162 {offsets = [11], sizes = [1], strides = [1]} : vector<16xi32> to vector<1xi32>
      %parallel_loop3A_406 = vector.extract %parallel_loop3A_405[0] : i32 from vector<1xi32>
      %parallel_loop3A_407 = arith.constant 16 : i32
      %parallel_loop3A_408 = arith.muli %parallel_loop3A_156, %parallel_loop3A_407 : i32
      %parallel_loop3A_409 = arith.constant 11 : i32
      %parallel_loop3A_410 = arith.addi %parallel_loop3A_408, %parallel_loop3A_409 : i32
      %parallel_loop3A_411 = arith.constant 0 : i32
      %parallel_loop3A_412 = tpu.memref_slice %arg8[%parallel_loop3A_410, %parallel_loop3A_411] : memref<128x64xf32, #tpu.memory_space<vmem>> -> memref<1x64xf32, #tpu.memory_space<vmem>>
      %parallel_loop3A_413 = arith.constant 0 : i32
      %parallel_loop3A_414 = tpu.memref_slice %arg3[%parallel_loop3A_406, %parallel_loop3A_413] : memref<1000000x64xf32, #tpu.memory_space<hbm>> -> memref<1x64xf32, #tpu.memory_space<hbm>>
      %parallel_loop3A_415 = arith.constant 0 : i32
      %parallel_loop3A_416 = tpu.memref_slice %arg8[%parallel_loop3A_410, %parallel_loop3A_415] : memref<128x64xf32, #tpu.memory_space<vmem>> -> memref<1x64xf32, #tpu.memory_space<vmem>>
      %parallel_loop3A_417 = arith.constant 0 : i32
      %parallel_loop3A_418 = tpu.memref_slice %arg3[%parallel_loop3A_406, %parallel_loop3A_417] : memref<1000000x64xf32, #tpu.memory_space<hbm>> -> memref<1x64xf32, #tpu.memory_space<hbm>>
      tpu.enqueue_dma source(%parallel_loop3A_418 : memref<1x64xf32, #tpu.memory_space<hbm>>) target(%parallel_loop3A_416 : memref<1x64xf32, #tpu.memory_space<vmem>>) target_semaphore(%arg12 : memref<!tpu.dma_semaphore, #tpu.memory_space<semaphore_mem>>)
      %parallel_loop3A_419 = arith.constant 0 : i32
      %parallel_loop3A_420 = tpu.memref_slice %arg10[%parallel_loop3A_410, %parallel_loop3A_419] : memref<128x64xf32, #tpu.memory_space<vmem>> -> memref<1x64xf32, #tpu.memory_space<vmem>>
      %parallel_loop3A_421 = arith.constant 0 : i32
      %parallel_loop3A_422 = tpu.memref_slice %arg4[%parallel_loop3A_406, %parallel_loop3A_421] : memref<1000000x64xf32, #tpu.memory_space<hbm>> -> memref<1x64xf32, #tpu.memory_space<hbm>>
      %parallel_loop3A_423 = arith.constant 0 : i32
      %parallel_loop3A_424 = tpu.memref_slice %arg10[%parallel_loop3A_410, %parallel_loop3A_423] : memref<128x64xf32, #tpu.memory_space<vmem>> -> memref<1x64xf32, #tpu.memory_space<vmem>>
      %parallel_loop3A_425 = arith.constant 0 : i32
      %parallel_loop3A_426 = tpu.memref_slice %arg4[%parallel_loop3A_406, %parallel_loop3A_425] : memref<1000000x64xf32, #tpu.memory_space<hbm>> -> memref<1x64xf32, #tpu.memory_space<hbm>>
      tpu.enqueue_dma source(%parallel_loop3A_426 : memref<1x64xf32, #tpu.memory_space<hbm>>) target(%parallel_loop3A_424 : memref<1x64xf32, #tpu.memory_space<vmem>>) target_semaphore(%arg12 : memref<!tpu.dma_semaphore, #tpu.memory_space<semaphore_mem>>)
      %parallel_loop3A_427 = vector.extract_strided_slice %parallel_loop3A_162 {offsets = [12], sizes = [1], strides = [1]} : vector<16xi32> to vector<1xi32>
      %parallel_loop3A_428 = vector.extract %parallel_loop3A_427[0] : i32 from vector<1xi32>
      %parallel_loop3A_429 = arith.constant 16 : i32
      %parallel_loop3A_430 = arith.muli %parallel_loop3A_156, %parallel_loop3A_429 : i32
      %parallel_loop3A_431 = arith.constant 12 : i32
      %parallel_loop3A_432 = arith.addi %parallel_loop3A_430, %parallel_loop3A_431 : i32
      %parallel_loop3A_433 = arith.constant 0 : i32
      %parallel_loop3A_434 = tpu.memref_slice %arg8[%parallel_loop3A_432, %parallel_loop3A_433] : memref<128x64xf32, #tpu.memory_space<vmem>> -> memref<1x64xf32, #tpu.memory_space<vmem>>
      %parallel_loop3A_435 = arith.constant 0 : i32
      %parallel_loop3A_436 = tpu.memref_slice %arg3[%parallel_loop3A_428, %parallel_loop3A_435] : memref<1000000x64xf32, #tpu.memory_space<hbm>> -> memref<1x64xf32, #tpu.memory_space<hbm>>
      %parallel_loop3A_437 = arith.constant 0 : i32
      %parallel_loop3A_438 = tpu.memref_slice %arg8[%parallel_loop3A_432, %parallel_loop3A_437] : memref<128x64xf32, #tpu.memory_space<vmem>> -> memref<1x64xf32, #tpu.memory_space<vmem>>
      %parallel_loop3A_439 = arith.constant 0 : i32
      %parallel_loop3A_440 = tpu.memref_slice %arg3[%parallel_loop3A_428, %parallel_loop3A_439] : memref<1000000x64xf32, #tpu.memory_space<hbm>> -> memref<1x64xf32, #tpu.memory_space<hbm>>
      tpu.enqueue_dma source(%parallel_loop3A_440 : memref<1x64xf32, #tpu.memory_space<hbm>>) target(%parallel_loop3A_438 : memref<1x64xf32, #tpu.memory_space<vmem>>) target_semaphore(%arg12 : memref<!tpu.dma_semaphore, #tpu.memory_space<semaphore_mem>>)
      %parallel_loop3A_441 = arith.constant 0 : i32
      %parallel_loop3A_442 = tpu.memref_slice %arg10[%parallel_loop3A_432, %parallel_loop3A_441] : memref<128x64xf32, #tpu.memory_space<vmem>> -> memref<1x64xf32, #tpu.memory_space<vmem>>
      %parallel_loop3A_443 = arith.constant 0 : i32
      %parallel_loop3A_444 = tpu.memref_slice %arg4[%parallel_loop3A_428, %parallel_loop3A_443] : memref<1000000x64xf32, #tpu.memory_space<hbm>> -> memref<1x64xf32, #tpu.memory_space<hbm>>
      %parallel_loop3A_445 = arith.constant 0 : i32
      %parallel_loop3A_446 = tpu.memref_slice %arg10[%parallel_loop3A_432, %parallel_loop3A_445] : memref<128x64xf32, #tpu.memory_space<vmem>> -> memref<1x64xf32, #tpu.memory_space<vmem>>
      %parallel_loop3A_447 = arith.constant 0 : i32
      %parallel_loop3A_448 = tpu.memref_slice %arg4[%parallel_loop3A_428, %parallel_loop3A_447] : memref<1000000x64xf32, #tpu.memory_space<hbm>> -> memref<1x64xf32, #tpu.memory_space<hbm>>
      tpu.enqueue_dma source(%parallel_loop3A_448 : memref<1x64xf32, #tpu.memory_space<hbm>>) target(%parallel_loop3A_446 : memref<1x64xf32, #tpu.memory_space<vmem>>) target_semaphore(%arg12 : memref<!tpu.dma_semaphore, #tpu.memory_space<semaphore_mem>>)
      %parallel_loop3A_449 = vector.extract_strided_slice %parallel_loop3A_162 {offsets = [13], sizes = [1], strides = [1]} : vector<16xi32> to vector<1xi32>
      %parallel_loop3A_450 = vector.extract %parallel_loop3A_449[0] : i32 from vector<1xi32>
      %parallel_loop3A_451 = arith.constant 16 : i32
      %parallel_loop3A_452 = arith.muli %parallel_loop3A_156, %parallel_loop3A_451 : i32
      %parallel_loop3A_453 = arith.constant 13 : i32
      %parallel_loop3A_454 = arith.addi %parallel_loop3A_452, %parallel_loop3A_453 : i32
      %parallel_loop3A_455 = arith.constant 0 : i32
      %parallel_loop3A_456 = tpu.memref_slice %arg8[%parallel_loop3A_454, %parallel_loop3A_455] : memref<128x64xf32, #tpu.memory_space<vmem>> -> memref<1x64xf32, #tpu.memory_space<vmem>>
      %parallel_loop3A_457 = arith.constant 0 : i32
      %parallel_loop3A_458 = tpu.memref_slice %arg3[%parallel_loop3A_450, %parallel_loop3A_457] : memref<1000000x64xf32, #tpu.memory_space<hbm>> -> memref<1x64xf32, #tpu.memory_space<hbm>>
      %parallel_loop3A_459 = arith.constant 0 : i32
      %parallel_loop3A_460 = tpu.memref_slice %arg8[%parallel_loop3A_454, %parallel_loop3A_459] : memref<128x64xf32, #tpu.memory_space<vmem>> -> memref<1x64xf32, #tpu.memory_space<vmem>>
      %parallel_loop3A_461 = arith.constant 0 : i32
      %parallel_loop3A_462 = tpu.memref_slice %arg3[%parallel_loop3A_450, %parallel_loop3A_461] : memref<1000000x64xf32, #tpu.memory_space<hbm>> -> memref<1x64xf32, #tpu.memory_space<hbm>>
      tpu.enqueue_dma source(%parallel_loop3A_462 : memref<1x64xf32, #tpu.memory_space<hbm>>) target(%parallel_loop3A_460 : memref<1x64xf32, #tpu.memory_space<vmem>>) target_semaphore(%arg12 : memref<!tpu.dma_semaphore, #tpu.memory_space<semaphore_mem>>)
      %parallel_loop3A_463 = arith.constant 0 : i32
      %parallel_loop3A_464 = tpu.memref_slice %arg10[%parallel_loop3A_454, %parallel_loop3A_463] : memref<128x64xf32, #tpu.memory_space<vmem>> -> memref<1x64xf32, #tpu.memory_space<vmem>>
      %parallel_loop3A_465 = arith.constant 0 : i32
      %parallel_loop3A_466 = tpu.memref_slice %arg4[%parallel_loop3A_450, %parallel_loop3A_465] : memref<1000000x64xf32, #tpu.memory_space<hbm>> -> memref<1x64xf32, #tpu.memory_space<hbm>>
      %parallel_loop3A_467 = arith.constant 0 : i32
      %parallel_loop3A_468 = tpu.memref_slice %arg10[%parallel_loop3A_454, %parallel_loop3A_467] : memref<128x64xf32, #tpu.memory_space<vmem>> -> memref<1x64xf32, #tpu.memory_space<vmem>>
      %parallel_loop3A_469 = arith.constant 0 : i32
      %parallel_loop3A_470 = tpu.memref_slice %arg4[%parallel_loop3A_450, %parallel_loop3A_469] : memref<1000000x64xf32, #tpu.memory_space<hbm>> -> memref<1x64xf32, #tpu.memory_space<hbm>>
      tpu.enqueue_dma source(%parallel_loop3A_470 : memref<1x64xf32, #tpu.memory_space<hbm>>) target(%parallel_loop3A_468 : memref<1x64xf32, #tpu.memory_space<vmem>>) target_semaphore(%arg12 : memref<!tpu.dma_semaphore, #tpu.memory_space<semaphore_mem>>)
      %parallel_loop3A_471 = vector.extract_strided_slice %parallel_loop3A_162 {offsets = [14], sizes = [1], strides = [1]} : vector<16xi32> to vector<1xi32>
      %parallel_loop3A_472 = vector.extract %parallel_loop3A_471[0] : i32 from vector<1xi32>
      %parallel_loop3A_473 = arith.constant 16 : i32
      %parallel_loop3A_474 = arith.muli %parallel_loop3A_156, %parallel_loop3A_473 : i32
      %parallel_loop3A_475 = arith.constant 14 : i32
      %parallel_loop3A_476 = arith.addi %parallel_loop3A_474, %parallel_loop3A_475 : i32
      %parallel_loop3A_477 = arith.constant 0 : i32
      %parallel_loop3A_478 = tpu.memref_slice %arg8[%parallel_loop3A_476, %parallel_loop3A_477] : memref<128x64xf32, #tpu.memory_space<vmem>> -> memref<1x64xf32, #tpu.memory_space<vmem>>
      %parallel_loop3A_479 = arith.constant 0 : i32
      %parallel_loop3A_480 = tpu.memref_slice %arg3[%parallel_loop3A_472, %parallel_loop3A_479] : memref<1000000x64xf32, #tpu.memory_space<hbm>> -> memref<1x64xf32, #tpu.memory_space<hbm>>
      %parallel_loop3A_481 = arith.constant 0 : i32
      %parallel_loop3A_482 = tpu.memref_slice %arg8[%parallel_loop3A_476, %parallel_loop3A_481] : memref<128x64xf32, #tpu.memory_space<vmem>> -> memref<1x64xf32, #tpu.memory_space<vmem>>
      %parallel_loop3A_483 = arith.constant 0 : i32
      %parallel_loop3A_484 = tpu.memref_slice %arg3[%parallel_loop3A_472, %parallel_loop3A_483] : memref<1000000x64xf32, #tpu.memory_space<hbm>> -> memref<1x64xf32, #tpu.memory_space<hbm>>
      tpu.enqueue_dma source(%parallel_loop3A_484 : memref<1x64xf32, #tpu.memory_space<hbm>>) target(%parallel_loop3A_482 : memref<1x64xf32, #tpu.memory_space<vmem>>) target_semaphore(%arg12 : memref<!tpu.dma_semaphore, #tpu.memory_space<semaphore_mem>>)
      %parallel_loop3A_485 = arith.constant 0 : i32
      %parallel_loop3A_486 = tpu.memref_slice %arg10[%parallel_loop3A_476, %parallel_loop3A_485] : memref<128x64xf32, #tpu.memory_space<vmem>> -> memref<1x64xf32, #tpu.memory_space<vmem>>
      %parallel_loop3A_487 = arith.constant 0 : i32
      %parallel_loop3A_488 = tpu.memref_slice %arg4[%parallel_loop3A_472, %parallel_loop3A_487] : memref<1000000x64xf32, #tpu.memory_space<hbm>> -> memref<1x64xf32, #tpu.memory_space<hbm>>
      %parallel_loop3A_489 = arith.constant 0 : i32
      %parallel_loop3A_490 = tpu.memref_slice %arg10[%parallel_loop3A_476, %parallel_loop3A_489] : memref<128x64xf32, #tpu.memory_space<vmem>> -> memref<1x64xf32, #tpu.memory_space<vmem>>
      %parallel_loop3A_491 = arith.constant 0 : i32
      %parallel_loop3A_492 = tpu.memref_slice %arg4[%parallel_loop3A_472, %parallel_loop3A_491] : memref<1000000x64xf32, #tpu.memory_space<hbm>> -> memref<1x64xf32, #tpu.memory_space<hbm>>
      tpu.enqueue_dma source(%parallel_loop3A_492 : memref<1x64xf32, #tpu.memory_space<hbm>>) target(%parallel_loop3A_490 : memref<1x64xf32, #tpu.memory_space<vmem>>) target_semaphore(%arg12 : memref<!tpu.dma_semaphore, #tpu.memory_space<semaphore_mem>>)
      %parallel_loop3A_493 = vector.extract_strided_slice %parallel_loop3A_162 {offsets = [15], sizes = [1], strides = [1]} : vector<16xi32> to vector<1xi32>
      %parallel_loop3A_494 = vector.extract %parallel_loop3A_493[0] : i32 from vector<1xi32>
      %parallel_loop3A_495 = arith.constant 16 : i32
      %parallel_loop3A_496 = arith.muli %parallel_loop3A_156, %parallel_loop3A_495 : i32
      %parallel_loop3A_497 = arith.constant 15 : i32
      %parallel_loop3A_498 = arith.addi %parallel_loop3A_496, %parallel_loop3A_497 : i32
      %parallel_loop3A_499 = arith.constant 0 : i32
      %parallel_loop3A_500 = tpu.memref_slice %arg8[%parallel_loop3A_498, %parallel_loop3A_499] : memref<128x64xf32, #tpu.memory_space<vmem>> -> memref<1x64xf32, #tpu.memory_space<vmem>>
      %parallel_loop3A_501 = arith.constant 0 : i32
      %parallel_loop3A_502 = tpu.memref_slice %arg3[%parallel_loop3A_494, %parallel_loop3A_501] : memref<1000000x64xf32, #tpu.memory_space<hbm>> -> memref<1x64xf32, #tpu.memory_space<hbm>>
      %parallel_loop3A_503 = arith.constant 0 : i32
      %parallel_loop3A_504 = tpu.memref_slice %arg8[%parallel_loop3A_498, %parallel_loop3A_503] : memref<128x64xf32, #tpu.memory_space<vmem>> -> memref<1x64xf32, #tpu.memory_space<vmem>>
      %parallel_loop3A_505 = arith.constant 0 : i32
      %parallel_loop3A_506 = tpu.memref_slice %arg3[%parallel_loop3A_494, %parallel_loop3A_505] : memref<1000000x64xf32, #tpu.memory_space<hbm>> -> memref<1x64xf32, #tpu.memory_space<hbm>>
      tpu.enqueue_dma source(%parallel_loop3A_506 : memref<1x64xf32, #tpu.memory_space<hbm>>) target(%parallel_loop3A_504 : memref<1x64xf32, #tpu.memory_space<vmem>>) target_semaphore(%arg12 : memref<!tpu.dma_semaphore, #tpu.memory_space<semaphore_mem>>)
      %parallel_loop3A_507 = arith.constant 0 : i32
      %parallel_loop3A_508 = tpu.memref_slice %arg10[%parallel_loop3A_498, %parallel_loop3A_507] : memref<128x64xf32, #tpu.memory_space<vmem>> -> memref<1x64xf32, #tpu.memory_space<vmem>>
      %parallel_loop3A_509 = arith.constant 0 : i32
      %parallel_loop3A_510 = tpu.memref_slice %arg4[%parallel_loop3A_494, %parallel_loop3A_509] : memref<1000000x64xf32, #tpu.memory_space<hbm>> -> memref<1x64xf32, #tpu.memory_space<hbm>>
      %parallel_loop3A_511 = arith.constant 0 : i32
      %parallel_loop3A_512 = tpu.memref_slice %arg10[%parallel_loop3A_498, %parallel_loop3A_511] : memref<128x64xf32, #tpu.memory_space<vmem>> -> memref<1x64xf32, #tpu.memory_space<vmem>>
      %parallel_loop3A_513 = arith.constant 0 : i32
      %parallel_loop3A_514 = tpu.memref_slice %arg4[%parallel_loop3A_494, %parallel_loop3A_513] : memref<1000000x64xf32, #tpu.memory_space<hbm>> -> memref<1x64xf32, #tpu.memory_space<hbm>>
      tpu.enqueue_dma source(%parallel_loop3A_514 : memref<1x64xf32, #tpu.memory_space<hbm>>) target(%parallel_loop3A_512 : memref<1x64xf32, #tpu.memory_space<vmem>>) target_semaphore(%arg12 : memref<!tpu.dma_semaphore, #tpu.memory_space<semaphore_mem>>)
    } {sc.loop_unroll_factor = 4 : i64, sc.parallel_access}
    %parallel_loop3A_5 = arith.constant 0 : i32
    %parallel_loop3A_6 = arith.constant 8 : i32
    %parallel_loop3A_7 = arith.constant 1 : i32
    scf.for %parallel_loop3A_156 = %parallel_loop3A_5 to %parallel_loop3A_6 step %parallel_loop3A_7  : i32 {
      %parallel_loop3A_157 = arith.constant 16 : i32
      %parallel_loop3A_158 = arith.muli %parallel_loop3A_156, %parallel_loop3A_157 : i32
      %parallel_loop3A_159 = arith.constant 128 : i32
      %parallel_loop3A_160 = arith.addi %parallel_loop3A_159, %parallel_loop3A_158 : i32
      %parallel_loop3A_161 = arith.index_cast %parallel_loop3A_160 : i32 to index
      %parallel_loop3A_162 = tpu.vector_load %arg7[%parallel_loop3A_161] {strides = array<i32>} : memref<512xi32, #tpu.memory_space<vmem>>, vector<16xi32>,
      %parallel_loop3A_163 = vector.extract_strided_slice %parallel_loop3A_162 {offsets = [0], sizes = [1], strides = [1]} : vector<16xi32> to vector<1xi32>
      %parallel_loop3A_164 = vector.extract %parallel_loop3A_163[0] : i32 from vector<1xi32>
      %parallel_loop3A_165 = arith.constant 16 : i32
      %parallel_loop3A_166 = arith.muli %parallel_loop3A_156, %parallel_loop3A_165 : i32
      %parallel_loop3A_167 = arith.constant 0 : i32
      %parallel_loop3A_168 = arith.addi %parallel_loop3A_166, %parallel_loop3A_167 : i32
      %parallel_loop3A_169 = arith.constant 0 : i32
      %parallel_loop3A_170 = tpu.memref_slice %arg9[%parallel_loop3A_168, %parallel_loop3A_169] : memref<128x64xf32, #tpu.memory_space<vmem>> -> memref<1x64xf32, #tpu.memory_space<vmem>>
      %parallel_loop3A_171 = arith.constant 0 : i32
      %parallel_loop3A_172 = tpu.memref_slice %arg3[%parallel_loop3A_164, %parallel_loop3A_171] : memref<1000000x64xf32, #tpu.memory_space<hbm>> -> memref<1x64xf32, #tpu.memory_space<hbm>>
      %parallel_loop3A_173 = arith.constant 0 : i32
      %parallel_loop3A_174 = tpu.memref_slice %arg9[%parallel_loop3A_168, %parallel_loop3A_173] : memref<128x64xf32, #tpu.memory_space<vmem>> -> memref<1x64xf32, #tpu.memory_space<vmem>>
      %parallel_loop3A_175 = arith.constant 0 : i32
      %parallel_loop3A_176 = tpu.memref_slice %arg3[%parallel_loop3A_164, %parallel_loop3A_175] : memref<1000000x64xf32, #tpu.memory_space<hbm>> -> memref<1x64xf32, #tpu.memory_space<hbm>>
      tpu.enqueue_dma source(%parallel_loop3A_176 : memref<1x64xf32, #tpu.memory_space<hbm>>) target(%parallel_loop3A_174 : memref<1x64xf32, #tpu.memory_space<vmem>>) target_semaphore(%arg13 : memref<!tpu.dma_semaphore, #tpu.memory_space<semaphore_mem>>)
      %parallel_loop3A_177 = arith.constant 0 : i32
      %parallel_loop3A_178 = tpu.memref_slice %arg11[%parallel_loop3A_168, %parallel_loop3A_177] : memref<128x64xf32, #tpu.memory_space<vmem>> -> memref<1x64xf32, #tpu.memory_space<vmem>>
      %parallel_loop3A_179 = arith.constant 0 : i32
      %parallel_loop3A_180 = tpu.memref_slice %arg4[%parallel_loop3A_164, %parallel_loop3A_179] : memref<1000000x64xf32, #tpu.memory_space<hbm>> -> memref<1x64xf32, #tpu.memory_space<hbm>>
      %parallel_loop3A_181 = arith.constant 0 : i32
      %parallel_loop3A_182 = tpu.memref_slice %arg11[%parallel_loop3A_168, %parallel_loop3A_181] : memref<128x64xf32, #tpu.memory_space<vmem>> -> memref<1x64xf32, #tpu.memory_space<vmem>>
      %parallel_loop3A_183 = arith.constant 0 : i32
      %parallel_loop3A_184 = tpu.memref_slice %arg4[%parallel_loop3A_164, %parallel_loop3A_183] : memref<1000000x64xf32, #tpu.memory_space<hbm>> -> memref<1x64xf32, #tpu.memory_space<hbm>>
      tpu.enqueue_dma source(%parallel_loop3A_184 : memref<1x64xf32, #tpu.memory_space<hbm>>) target(%parallel_loop3A_182 : memref<1x64xf32, #tpu.memory_space<vmem>>) target_semaphore(%arg13 : memref<!tpu.dma_semaphore, #tpu.memory_space<semaphore_mem>>)
      %parallel_loop3A_185 = vector.extract_strided_slice %parallel_loop3A_162 {offsets = [1], sizes = [1], strides = [1]} : vector<16xi32> to vector<1xi32>
      %parallel_loop3A_186 = vector.extract %parallel_loop3A_185[0] : i32 from vector<1xi32>
      %parallel_loop3A_187 = arith.constant 16 : i32
      %parallel_loop3A_188 = arith.muli %parallel_loop3A_156, %parallel_loop3A_187 : i32
      %parallel_loop3A_189 = arith.constant 1 : i32
      %parallel_loop3A_190 = arith.addi %parallel_loop3A_188, %parallel_loop3A_189 : i32
      %parallel_loop3A_191 = arith.constant 0 : i32
      %parallel_loop3A_192 = tpu.memref_slice %arg9[%parallel_loop3A_190, %parallel_loop3A_191] : memref<128x64xf32, #tpu.memory_space<vmem>> -> memref<1x64xf32, #tpu.memory_space<vmem>>
      %parallel_loop3A_193 = arith.constant 0 : i32
      %parallel_loop3A_194 = tpu.memref_slice %arg3[%parallel_loop3A_186, %parallel_loop3A_193] : memref<1000000x64xf32, #tpu.memory_space<hbm>> -> memref<1x64xf32, #tpu.memory_space<hbm>>
      %parallel_loop3A_195 = arith.constant 0 : i32
      %parallel_loop3A_196 = tpu.memref_slice %arg9[%parallel_loop3A_190, %parallel_loop3A_195] : memref<128x64xf32, #tpu.memory_space<vmem>> -> memref<1x64xf32, #tpu.memory_space<vmem>>
      %parallel_loop3A_197 = arith.constant 0 : i32
      %parallel_loop3A_198 = tpu.memref_slice %arg3[%parallel_loop3A_186, %parallel_loop3A_197] : memref<1000000x64xf32, #tpu.memory_space<hbm>> -> memref<1x64xf32, #tpu.memory_space<hbm>>
      tpu.enqueue_dma source(%parallel_loop3A_198 : memref<1x64xf32, #tpu.memory_space<hbm>>) target(%parallel_loop3A_196 : memref<1x64xf32, #tpu.memory_space<vmem>>) target_semaphore(%arg13 : memref<!tpu.dma_semaphore, #tpu.memory_space<semaphore_mem>>)
      %parallel_loop3A_199 = arith.constant 0 : i32
      %parallel_loop3A_200 = tpu.memref_slice %arg11[%parallel_loop3A_190, %parallel_loop3A_199] : memref<128x64xf32, #tpu.memory_space<vmem>> -> memref<1x64xf32, #tpu.memory_space<vmem>>
      %parallel_loop3A_201 = arith.constant 0 : i32
      %parallel_loop3A_202 = tpu.memref_slice %arg4[%parallel_loop3A_186, %parallel_loop3A_201] : memref<1000000x64xf32, #tpu.memory_space<hbm>> -> memref<1x64xf32, #tpu.memory_space<hbm>>
      %parallel_loop3A_203 = arith.constant 0 : i32
      %parallel_loop3A_204 = tpu.memref_slice %arg11[%parallel_loop3A_190, %parallel_loop3A_203] : memref<128x64xf32, #tpu.memory_space<vmem>> -> memref<1x64xf32, #tpu.memory_space<vmem>>
      %parallel_loop3A_205 = arith.constant 0 : i32
      %parallel_loop3A_206 = tpu.memref_slice %arg4[%parallel_loop3A_186, %parallel_loop3A_205] : memref<1000000x64xf32, #tpu.memory_space<hbm>> -> memref<1x64xf32, #tpu.memory_space<hbm>>
      tpu.enqueue_dma source(%parallel_loop3A_206 : memref<1x64xf32, #tpu.memory_space<hbm>>) target(%parallel_loop3A_204 : memref<1x64xf32, #tpu.memory_space<vmem>>) target_semaphore(%arg13 : memref<!tpu.dma_semaphore, #tpu.memory_space<semaphore_mem>>)
      %parallel_loop3A_207 = vector.extract_strided_slice %parallel_loop3A_162 {offsets = [2], sizes = [1], strides = [1]} : vector<16xi32> to vector<1xi32>
      %parallel_loop3A_208 = vector.extract %parallel_loop3A_207[0] : i32 from vector<1xi32>
      %parallel_loop3A_209 = arith.constant 16 : i32
      %parallel_loop3A_210 = arith.muli %parallel_loop3A_156, %parallel_loop3A_209 : i32
      %parallel_loop3A_211 = arith.constant 2 : i32
      %parallel_loop3A_212 = arith.addi %parallel_loop3A_210, %parallel_loop3A_211 : i32
      %parallel_loop3A_213 = arith.constant 0 : i32
      %parallel_loop3A_214 = tpu.memref_slice %arg9[%parallel_loop3A_212, %parallel_loop3A_213] : memref<128x64xf32, #tpu.memory_space<vmem>> -> memref<1x64xf32, #tpu.memory_space<vmem>>
      %parallel_loop3A_215 = arith.constant 0 : i32
      %parallel_loop3A_216 = tpu.memref_slice %arg3[%parallel_loop3A_208, %parallel_loop3A_215] : memref<1000000x64xf32, #tpu.memory_space<hbm>> -> memref<1x64xf32, #tpu.memory_space<hbm>>
      %parallel_loop3A_217 = arith.constant 0 : i32
      %parallel_loop3A_218 = tpu.memref_slice %arg9[%parallel_loop3A_212, %parallel_loop3A_217] : memref<128x64xf32, #tpu.memory_space<vmem>> -> memref<1x64xf32, #tpu.memory_space<vmem>>
      %parallel_loop3A_219 = arith.constant 0 : i32
      %parallel_loop3A_220 = tpu.memref_slice %arg3[%parallel_loop3A_208, %parallel_loop3A_219] : memref<1000000x64xf32, #tpu.memory_space<hbm>> -> memref<1x64xf32, #tpu.memory_space<hbm>>
      tpu.enqueue_dma source(%parallel_loop3A_220 : memref<1x64xf32, #tpu.memory_space<hbm>>) target(%parallel_loop3A_218 : memref<1x64xf32, #tpu.memory_space<vmem>>) target_semaphore(%arg13 : memref<!tpu.dma_semaphore, #tpu.memory_space<semaphore_mem>>)
      %parallel_loop3A_221 = arith.constant 0 : i32
      %parallel_loop3A_222 = tpu.memref_slice %arg11[%parallel_loop3A_212, %parallel_loop3A_221] : memref<128x64xf32, #tpu.memory_space<vmem>> -> memref<1x64xf32, #tpu.memory_space<vmem>>
      %parallel_loop3A_223 = arith.constant 0 : i32
      %parallel_loop3A_224 = tpu.memref_slice %arg4[%parallel_loop3A_208, %parallel_loop3A_223] : memref<1000000x64xf32, #tpu.memory_space<hbm>> -> memref<1x64xf32, #tpu.memory_space<hbm>>
      %parallel_loop3A_225 = arith.constant 0 : i32
      %parallel_loop3A_226 = tpu.memref_slice %arg11[%parallel_loop3A_212, %parallel_loop3A_225] : memref<128x64xf32, #tpu.memory_space<vmem>> -> memref<1x64xf32, #tpu.memory_space<vmem>>
      %parallel_loop3A_227 = arith.constant 0 : i32
      %parallel_loop3A_228 = tpu.memref_slice %arg4[%parallel_loop3A_208, %parallel_loop3A_227] : memref<1000000x64xf32, #tpu.memory_space<hbm>> -> memref<1x64xf32, #tpu.memory_space<hbm>>
      tpu.enqueue_dma source(%parallel_loop3A_228 : memref<1x64xf32, #tpu.memory_space<hbm>>) target(%parallel_loop3A_226 : memref<1x64xf32, #tpu.memory_space<vmem>>) target_semaphore(%arg13 : memref<!tpu.dma_semaphore, #tpu.memory_space<semaphore_mem>>)
      %parallel_loop3A_229 = vector.extract_strided_slice %parallel_loop3A_162 {offsets = [3], sizes = [1], strides = [1]} : vector<16xi32> to vector<1xi32>
      %parallel_loop3A_230 = vector.extract %parallel_loop3A_229[0] : i32 from vector<1xi32>
      %parallel_loop3A_231 = arith.constant 16 : i32
      %parallel_loop3A_232 = arith.muli %parallel_loop3A_156, %parallel_loop3A_231 : i32
      %parallel_loop3A_233 = arith.constant 3 : i32
      %parallel_loop3A_234 = arith.addi %parallel_loop3A_232, %parallel_loop3A_233 : i32
      %parallel_loop3A_235 = arith.constant 0 : i32
      %parallel_loop3A_236 = tpu.memref_slice %arg9[%parallel_loop3A_234, %parallel_loop3A_235] : memref<128x64xf32, #tpu.memory_space<vmem>> -> memref<1x64xf32, #tpu.memory_space<vmem>>
      %parallel_loop3A_237 = arith.constant 0 : i32
      %parallel_loop3A_238 = tpu.memref_slice %arg3[%parallel_loop3A_230, %parallel_loop3A_237] : memref<1000000x64xf32, #tpu.memory_space<hbm>> -> memref<1x64xf32, #tpu.memory_space<hbm>>
      %parallel_loop3A_239 = arith.constant 0 : i32
      %parallel_loop3A_240 = tpu.memref_slice %arg9[%parallel_loop3A_234, %parallel_loop3A_239] : memref<128x64xf32, #tpu.memory_space<vmem>> -> memref<1x64xf32, #tpu.memory_space<vmem>>
      %parallel_loop3A_241 = arith.constant 0 : i32
      %parallel_loop3A_242 = tpu.memref_slice %arg3[%parallel_loop3A_230, %parallel_loop3A_241] : memref<1000000x64xf32, #tpu.memory_space<hbm>> -> memref<1x64xf32, #tpu.memory_space<hbm>>
      tpu.enqueue_dma source(%parallel_loop3A_242 : memref<1x64xf32, #tpu.memory_space<hbm>>) target(%parallel_loop3A_240 : memref<1x64xf32, #tpu.memory_space<vmem>>) target_semaphore(%arg13 : memref<!tpu.dma_semaphore, #tpu.memory_space<semaphore_mem>>)
      %parallel_loop3A_243 = arith.constant 0 : i32
      %parallel_loop3A_244 = tpu.memref_slice %arg11[%parallel_loop3A_234, %parallel_loop3A_243] : memref<128x64xf32, #tpu.memory_space<vmem>> -> memref<1x64xf32, #tpu.memory_space<vmem>>
      %parallel_loop3A_245 = arith.constant 0 : i32
      %parallel_loop3A_246 = tpu.memref_slice %arg4[%parallel_loop3A_230, %parallel_loop3A_245] : memref<1000000x64xf32, #tpu.memory_space<hbm>> -> memref<1x64xf32, #tpu.memory_space<hbm>>
      %parallel_loop3A_247 = arith.constant 0 : i32
      %parallel_loop3A_248 = tpu.memref_slice %arg11[%parallel_loop3A_234, %parallel_loop3A_247] : memref<128x64xf32, #tpu.memory_space<vmem>> -> memref<1x64xf32, #tpu.memory_space<vmem>>
      %parallel_loop3A_249 = arith.constant 0 : i32
      %parallel_loop3A_250 = tpu.memref_slice %arg4[%parallel_loop3A_230, %parallel_loop3A_249] : memref<1000000x64xf32, #tpu.memory_space<hbm>> -> memref<1x64xf32, #tpu.memory_space<hbm>>
      tpu.enqueue_dma source(%parallel_loop3A_250 : memref<1x64xf32, #tpu.memory_space<hbm>>) target(%parallel_loop3A_248 : memref<1x64xf32, #tpu.memory_space<vmem>>) target_semaphore(%arg13 : memref<!tpu.dma_semaphore, #tpu.memory_space<semaphore_mem>>)
      %parallel_loop3A_251 = vector.extract_strided_slice %parallel_loop3A_162 {offsets = [4], sizes = [1], strides = [1]} : vector<16xi32> to vector<1xi32>
      %parallel_loop3A_252 = vector.extract %parallel_loop3A_251[0] : i32 from vector<1xi32>
      %parallel_loop3A_253 = arith.constant 16 : i32
      %parallel_loop3A_254 = arith.muli %parallel_loop3A_156, %parallel_loop3A_253 : i32
      %parallel_loop3A_255 = arith.constant 4 : i32
      %parallel_loop3A_256 = arith.addi %parallel_loop3A_254, %parallel_loop3A_255 : i32
      %parallel_loop3A_257 = arith.constant 0 : i32
      %parallel_loop3A_258 = tpu.memref_slice %arg9[%parallel_loop3A_256, %parallel_loop3A_257] : memref<128x64xf32, #tpu.memory_space<vmem>> -> memref<1x64xf32, #tpu.memory_space<vmem>>
      %parallel_loop3A_259 = arith.constant 0 : i32
      %parallel_loop3A_260 = tpu.memref_slice %arg3[%parallel_loop3A_252, %parallel_loop3A_259] : memref<1000000x64xf32, #tpu.memory_space<hbm>> -> memref<1x64xf32, #tpu.memory_space<hbm>>
      %parallel_loop3A_261 = arith.constant 0 : i32
      %parallel_loop3A_262 = tpu.memref_slice %arg9[%parallel_loop3A_256, %parallel_loop3A_261] : memref<128x64xf32, #tpu.memory_space<vmem>> -> memref<1x64xf32, #tpu.memory_space<vmem>>
      %parallel_loop3A_263 = arith.constant 0 : i32
      %parallel_loop3A_264 = tpu.memref_slice %arg3[%parallel_loop3A_252, %parallel_loop3A_263] : memref<1000000x64xf32, #tpu.memory_space<hbm>> -> memref<1x64xf32, #tpu.memory_space<hbm>>
      tpu.enqueue_dma source(%parallel_loop3A_264 : memref<1x64xf32, #tpu.memory_space<hbm>>) target(%parallel_loop3A_262 : memref<1x64xf32, #tpu.memory_space<vmem>>) target_semaphore(%arg13 : memref<!tpu.dma_semaphore, #tpu.memory_space<semaphore_mem>>)
      %parallel_loop3A_265 = arith.constant 0 : i32
      %parallel_loop3A_266 = tpu.memref_slice %arg11[%parallel_loop3A_256, %parallel_loop3A_265] : memref<128x64xf32, #tpu.memory_space<vmem>> -> memref<1x64xf32, #tpu.memory_space<vmem>>
      %parallel_loop3A_267 = arith.constant 0 : i32
      %parallel_loop3A_268 = tpu.memref_slice %arg4[%parallel_loop3A_252, %parallel_loop3A_267] : memref<1000000x64xf32, #tpu.memory_space<hbm>> -> memref<1x64xf32, #tpu.memory_space<hbm>>
      %parallel_loop3A_269 = arith.constant 0 : i32
      %parallel_loop3A_270 = tpu.memref_slice %arg11[%parallel_loop3A_256, %parallel_loop3A_269] : memref<128x64xf32, #tpu.memory_space<vmem>> -> memref<1x64xf32, #tpu.memory_space<vmem>>
      %parallel_loop3A_271 = arith.constant 0 : i32
      %parallel_loop3A_272 = tpu.memref_slice %arg4[%parallel_loop3A_252, %parallel_loop3A_271] : memref<1000000x64xf32, #tpu.memory_space<hbm>> -> memref<1x64xf32, #tpu.memory_space<hbm>>
      tpu.enqueue_dma source(%parallel_loop3A_272 : memref<1x64xf32, #tpu.memory_space<hbm>>) target(%parallel_loop3A_270 : memref<1x64xf32, #tpu.memory_space<vmem>>) target_semaphore(%arg13 : memref<!tpu.dma_semaphore, #tpu.memory_space<semaphore_mem>>)
      %parallel_loop3A_273 = vector.extract_strided_slice %parallel_loop3A_162 {offsets = [5], sizes = [1], strides = [1]} : vector<16xi32> to vector<1xi32>
      %parallel_loop3A_274 = vector.extract %parallel_loop3A_273[0] : i32 from vector<1xi32>
      %parallel_loop3A_275 = arith.constant 16 : i32
      %parallel_loop3A_276 = arith.muli %parallel_loop3A_156, %parallel_loop3A_275 : i32
      %parallel_loop3A_277 = arith.constant 5 : i32
      %parallel_loop3A_278 = arith.addi %parallel_loop3A_276, %parallel_loop3A_277 : i32
      %parallel_loop3A_279 = arith.constant 0 : i32
      %parallel_loop3A_280 = tpu.memref_slice %arg9[%parallel_loop3A_278, %parallel_loop3A_279] : memref<128x64xf32, #tpu.memory_space<vmem>> -> memref<1x64xf32, #tpu.memory_space<vmem>>
      %parallel_loop3A_281 = arith.constant 0 : i32
      %parallel_loop3A_282 = tpu.memref_slice %arg3[%parallel_loop3A_274, %parallel_loop3A_281] : memref<1000000x64xf32, #tpu.memory_space<hbm>> -> memref<1x64xf32, #tpu.memory_space<hbm>>
      %parallel_loop3A_283 = arith.constant 0 : i32
      %parallel_loop3A_284 = tpu.memref_slice %arg9[%parallel_loop3A_278, %parallel_loop3A_283] : memref<128x64xf32, #tpu.memory_space<vmem>> -> memref<1x64xf32, #tpu.memory_space<vmem>>
      %parallel_loop3A_285 = arith.constant 0 : i32
      %parallel_loop3A_286 = tpu.memref_slice %arg3[%parallel_loop3A_274, %parallel_loop3A_285] : memref<1000000x64xf32, #tpu.memory_space<hbm>> -> memref<1x64xf32, #tpu.memory_space<hbm>>
      tpu.enqueue_dma source(%parallel_loop3A_286 : memref<1x64xf32, #tpu.memory_space<hbm>>) target(%parallel_loop3A_284 : memref<1x64xf32, #tpu.memory_space<vmem>>) target_semaphore(%arg13 : memref<!tpu.dma_semaphore, #tpu.memory_space<semaphore_mem>>)
      %parallel_loop3A_287 = arith.constant 0 : i32
      %parallel_loop3A_288 = tpu.memref_slice %arg11[%parallel_loop3A_278, %parallel_loop3A_287] : memref<128x64xf32, #tpu.memory_space<vmem>> -> memref<1x64xf32, #tpu.memory_space<vmem>>
      %parallel_loop3A_289 = arith.constant 0 : i32
      %parallel_loop3A_290 = tpu.memref_slice %arg4[%parallel_loop3A_274, %parallel_loop3A_289] : memref<1000000x64xf32, #tpu.memory_space<hbm>> -> memref<1x64xf32, #tpu.memory_space<hbm>>
      %parallel_loop3A_291 = arith.constant 0 : i32
      %parallel_loop3A_292 = tpu.memref_slice %arg11[%parallel_loop3A_278, %parallel_loop3A_291] : memref<128x64xf32, #tpu.memory_space<vmem>> -> memref<1x64xf32, #tpu.memory_space<vmem>>
      %parallel_loop3A_293 = arith.constant 0 : i32
      %parallel_loop3A_294 = tpu.memref_slice %arg4[%parallel_loop3A_274, %parallel_loop3A_293] : memref<1000000x64xf32, #tpu.memory_space<hbm>> -> memref<1x64xf32, #tpu.memory_space<hbm>>
      tpu.enqueue_dma source(%parallel_loop3A_294 : memref<1x64xf32, #tpu.memory_space<hbm>>) target(%parallel_loop3A_292 : memref<1x64xf32, #tpu.memory_space<vmem>>) target_semaphore(%arg13 : memref<!tpu.dma_semaphore, #tpu.memory_space<semaphore_mem>>)
      %parallel_loop3A_295 = vector.extract_strided_slice %parallel_loop3A_162 {offsets = [6], sizes = [1], strides = [1]} : vector<16xi32> to vector<1xi32>
      %parallel_loop3A_296 = vector.extract %parallel_loop3A_295[0] : i32 from vector<1xi32>
      %parallel_loop3A_297 = arith.constant 16 : i32
      %parallel_loop3A_298 = arith.muli %parallel_loop3A_156, %parallel_loop3A_297 : i32
      %parallel_loop3A_299 = arith.constant 6 : i32
      %parallel_loop3A_300 = arith.addi %parallel_loop3A_298, %parallel_loop3A_299 : i32
      %parallel_loop3A_301 = arith.constant 0 : i32
      %parallel_loop3A_302 = tpu.memref_slice %arg9[%parallel_loop3A_300, %parallel_loop3A_301] : memref<128x64xf32, #tpu.memory_space<vmem>> -> memref<1x64xf32, #tpu.memory_space<vmem>>
      %parallel_loop3A_303 = arith.constant 0 : i32
      %parallel_loop3A_304 = tpu.memref_slice %arg3[%parallel_loop3A_296, %parallel_loop3A_303] : memref<1000000x64xf32, #tpu.memory_space<hbm>> -> memref<1x64xf32, #tpu.memory_space<hbm>>
      %parallel_loop3A_305 = arith.constant 0 : i32
      %parallel_loop3A_306 = tpu.memref_slice %arg9[%parallel_loop3A_300, %parallel_loop3A_305] : memref<128x64xf32, #tpu.memory_space<vmem>> -> memref<1x64xf32, #tpu.memory_space<vmem>>
      %parallel_loop3A_307 = arith.constant 0 : i32
      %parallel_loop3A_308 = tpu.memref_slice %arg3[%parallel_loop3A_296, %parallel_loop3A_307] : memref<1000000x64xf32, #tpu.memory_space<hbm>> -> memref<1x64xf32, #tpu.memory_space<hbm>>
      tpu.enqueue_dma source(%parallel_loop3A_308 : memref<1x64xf32, #tpu.memory_space<hbm>>) target(%parallel_loop3A_306 : memref<1x64xf32, #tpu.memory_space<vmem>>) target_semaphore(%arg13 : memref<!tpu.dma_semaphore, #tpu.memory_space<semaphore_mem>>)
      %parallel_loop3A_309 = arith.constant 0 : i32
      %parallel_loop3A_310 = tpu.memref_slice %arg11[%parallel_loop3A_300, %parallel_loop3A_309] : memref<128x64xf32, #tpu.memory_space<vmem>> -> memref<1x64xf32, #tpu.memory_space<vmem>>
      %parallel_loop3A_311 = arith.constant 0 : i32
      %parallel_loop3A_312 = tpu.memref_slice %arg4[%parallel_loop3A_296, %parallel_loop3A_311] : memref<1000000x64xf32, #tpu.memory_space<hbm>> -> memref<1x64xf32, #tpu.memory_space<hbm>>
      %parallel_loop3A_313 = arith.constant 0 : i32
      %parallel_loop3A_314 = tpu.memref_slice %arg11[%parallel_loop3A_300, %parallel_loop3A_313] : memref<128x64xf32, #tpu.memory_space<vmem>> -> memref<1x64xf32, #tpu.memory_space<vmem>>
      %parallel_loop3A_315 = arith.constant 0 : i32
      %parallel_loop3A_316 = tpu.memref_slice %arg4[%parallel_loop3A_296, %parallel_loop3A_315] : memref<1000000x64xf32, #tpu.memory_space<hbm>> -> memref<1x64xf32, #tpu.memory_space<hbm>>
      tpu.enqueue_dma source(%parallel_loop3A_316 : memref<1x64xf32, #tpu.memory_space<hbm>>) target(%parallel_loop3A_314 : memref<1x64xf32, #tpu.memory_space<vmem>>) target_semaphore(%arg13 : memref<!tpu.dma_semaphore, #tpu.memory_space<semaphore_mem>>)
      %parallel_loop3A_317 = vector.extract_strided_slice %parallel_loop3A_162 {offsets = [7], sizes = [1], strides = [1]} : vector<16xi32> to vector<1xi32>
      %parallel_loop3A_318 = vector.extract %parallel_loop3A_317[0] : i32 from vector<1xi32>
      %parallel_loop3A_319 = arith.constant 16 : i32
      %parallel_loop3A_320 = arith.muli %parallel_loop3A_156, %parallel_loop3A_319 : i32
      %parallel_loop3A_321 = arith.constant 7 : i32
      %parallel_loop3A_322 = arith.addi %parallel_loop3A_320, %parallel_loop3A_321 : i32
      %parallel_loop3A_323 = arith.constant 0 : i32
      %parallel_loop3A_324 = tpu.memref_slice %arg9[%parallel_loop3A_322, %parallel_loop3A_323] : memref<128x64xf32, #tpu.memory_space<vmem>> -> memref<1x64xf32, #tpu.memory_space<vmem>>
      %parallel_loop3A_325 = arith.constant 0 : i32
      %parallel_loop3A_326 = tpu.memref_slice %arg3[%parallel_loop3A_318, %parallel_loop3A_325] : memref<1000000x64xf32, #tpu.memory_space<hbm>> -> memref<1x64xf32, #tpu.memory_space<hbm>>
      %parallel_loop3A_327 = arith.constant 0 : i32
      %parallel_loop3A_328 = tpu.memref_slice %arg9[%parallel_loop3A_322, %parallel_loop3A_327] : memref<128x64xf32, #tpu.memory_space<vmem>> -> memref<1x64xf32, #tpu.memory_space<vmem>>
      %parallel_loop3A_329 = arith.constant 0 : i32
      %parallel_loop3A_330 = tpu.memref_slice %arg3[%parallel_loop3A_318, %parallel_loop3A_329] : memref<1000000x64xf32, #tpu.memory_space<hbm>> -> memref<1x64xf32, #tpu.memory_space<hbm>>
      tpu.enqueue_dma source(%parallel_loop3A_330 : memref<1x64xf32, #tpu.memory_space<hbm>>) target(%parallel_loop3A_328 : memref<1x64xf32, #tpu.memory_space<vmem>>) target_semaphore(%arg13 : memref<!tpu.dma_semaphore, #tpu.memory_space<semaphore_mem>>)
      %parallel_loop3A_331 = arith.constant 0 : i32
      %parallel_loop3A_332 = tpu.memref_slice %arg11[%parallel_loop3A_322, %parallel_loop3A_331] : memref<128x64xf32, #tpu.memory_space<vmem>> -> memref<1x64xf32, #tpu.memory_space<vmem>>
      %parallel_loop3A_333 = arith.constant 0 : i32
      %parallel_loop3A_334 = tpu.memref_slice %arg4[%parallel_loop3A_318, %parallel_loop3A_333] : memref<1000000x64xf32, #tpu.memory_space<hbm>> -> memref<1x64xf32, #tpu.memory_space<hbm>>
      %parallel_loop3A_335 = arith.constant 0 : i32
      %parallel_loop3A_336 = tpu.memref_slice %arg11[%parallel_loop3A_322, %parallel_loop3A_335] : memref<128x64xf32, #tpu.memory_space<vmem>> -> memref<1x64xf32, #tpu.memory_space<vmem>>
      %parallel_loop3A_337 = arith.constant 0 : i32
      %parallel_loop3A_338 = tpu.memref_slice %arg4[%parallel_loop3A_318, %parallel_loop3A_337] : memref<1000000x64xf32, #tpu.memory_space<hbm>> -> memref<1x64xf32, #tpu.memory_space<hbm>>
      tpu.enqueue_dma source(%parallel_loop3A_338 : memref<1x64xf32, #tpu.memory_space<hbm>>) target(%parallel_loop3A_336 : memref<1x64xf32, #tpu.memory_space<vmem>>) target_semaphore(%arg13 : memref<!tpu.dma_semaphore, #tpu.memory_space<semaphore_mem>>)
      %parallel_loop3A_339 = vector.extract_strided_slice %parallel_loop3A_162 {offsets = [8], sizes = [1], strides = [1]} : vector<16xi32> to vector<1xi32>
      %parallel_loop3A_340 = vector.extract %parallel_loop3A_339[0] : i32 from vector<1xi32>
      %parallel_loop3A_341 = arith.constant 16 : i32
      %parallel_loop3A_342 = arith.muli %parallel_loop3A_156, %parallel_loop3A_341 : i32
      %parallel_loop3A_343 = arith.constant 8 : i32
      %parallel_loop3A_344 = arith.addi %parallel_loop3A_342, %parallel_loop3A_343 : i32
      %parallel_loop3A_345 = arith.constant 0 : i32
      %parallel_loop3A_346 = tpu.memref_slice %arg9[%parallel_loop3A_344, %parallel_loop3A_345] : memref<128x64xf32, #tpu.memory_space<vmem>> -> memref<1x64xf32, #tpu.memory_space<vmem>>
      %parallel_loop3A_347 = arith.constant 0 : i32
      %parallel_loop3A_348 = tpu.memref_slice %arg3[%parallel_loop3A_340, %parallel_loop3A_347] : memref<1000000x64xf32, #tpu.memory_space<hbm>> -> memref<1x64xf32, #tpu.memory_space<hbm>>
      %parallel_loop3A_349 = arith.constant 0 : i32
      %parallel_loop3A_350 = tpu.memref_slice %arg9[%parallel_loop3A_344, %parallel_loop3A_349] : memref<128x64xf32, #tpu.memory_space<vmem>> -> memref<1x64xf32, #tpu.memory_space<vmem>>
      %parallel_loop3A_351 = arith.constant 0 : i32
      %parallel_loop3A_352 = tpu.memref_slice %arg3[%parallel_loop3A_340, %parallel_loop3A_351] : memref<1000000x64xf32, #tpu.memory_space<hbm>> -> memref<1x64xf32, #tpu.memory_space<hbm>>
      tpu.enqueue_dma source(%parallel_loop3A_352 : memref<1x64xf32, #tpu.memory_space<hbm>>) target(%parallel_loop3A_350 : memref<1x64xf32, #tpu.memory_space<vmem>>) target_semaphore(%arg13 : memref<!tpu.dma_semaphore, #tpu.memory_space<semaphore_mem>>)
      %parallel_loop3A_353 = arith.constant 0 : i32
      %parallel_loop3A_354 = tpu.memref_slice %arg11[%parallel_loop3A_344, %parallel_loop3A_353] : memref<128x64xf32, #tpu.memory_space<vmem>> -> memref<1x64xf32, #tpu.memory_space<vmem>>
      %parallel_loop3A_355 = arith.constant 0 : i32
      %parallel_loop3A_356 = tpu.memref_slice %arg4[%parallel_loop3A_340, %parallel_loop3A_355] : memref<1000000x64xf32, #tpu.memory_space<hbm>> -> memref<1x64xf32, #tpu.memory_space<hbm>>
      %parallel_loop3A_357 = arith.constant 0 : i32
      %parallel_loop3A_358 = tpu.memref_slice %arg11[%parallel_loop3A_344, %parallel_loop3A_357] : memref<128x64xf32, #tpu.memory_space<vmem>> -> memref<1x64xf32, #tpu.memory_space<vmem>>
      %parallel_loop3A_359 = arith.constant 0 : i32
      %parallel_loop3A_360 = tpu.memref_slice %arg4[%parallel_loop3A_340, %parallel_loop3A_359] : memref<1000000x64xf32, #tpu.memory_space<hbm>> -> memref<1x64xf32, #tpu.memory_space<hbm>>
      tpu.enqueue_dma source(%parallel_loop3A_360 : memref<1x64xf32, #tpu.memory_space<hbm>>) target(%parallel_loop3A_358 : memref<1x64xf32, #tpu.memory_space<vmem>>) target_semaphore(%arg13 : memref<!tpu.dma_semaphore, #tpu.memory_space<semaphore_mem>>)
      %parallel_loop3A_361 = vector.extract_strided_slice %parallel_loop3A_162 {offsets = [9], sizes = [1], strides = [1]} : vector<16xi32> to vector<1xi32>
      %parallel_loop3A_362 = vector.extract %parallel_loop3A_361[0] : i32 from vector<1xi32>
      %parallel_loop3A_363 = arith.constant 16 : i32
      %parallel_loop3A_364 = arith.muli %parallel_loop3A_156, %parallel_loop3A_363 : i32
      %parallel_loop3A_365 = arith.constant 9 : i32
      %parallel_loop3A_366 = arith.addi %parallel_loop3A_364, %parallel_loop3A_365 : i32
      %parallel_loop3A_367 = arith.constant 0 : i32
      %parallel_loop3A_368 = tpu.memref_slice %arg9[%parallel_loop3A_366, %parallel_loop3A_367] : memref<128x64xf32, #tpu.memory_space<vmem>> -> memref<1x64xf32, #tpu.memory_space<vmem>>
      %parallel_loop3A_369 = arith.constant 0 : i32
      %parallel_loop3A_370 = tpu.memref_slice %arg3[%parallel_loop3A_362, %parallel_loop3A_369] : memref<1000000x64xf32, #tpu.memory_space<hbm>> -> memref<1x64xf32, #tpu.memory_space<hbm>>
      %parallel_loop3A_371 = arith.constant 0 : i32
      %parallel_loop3A_372 = tpu.memref_slice %arg9[%parallel_loop3A_366, %parallel_loop3A_371] : memref<128x64xf32, #tpu.memory_space<vmem>> -> memref<1x64xf32, #tpu.memory_space<vmem>>
      %parallel_loop3A_373 = arith.constant 0 : i32
      %parallel_loop3A_374 = tpu.memref_slice %arg3[%parallel_loop3A_362, %parallel_loop3A_373] : memref<1000000x64xf32, #tpu.memory_space<hbm>> -> memref<1x64xf32, #tpu.memory_space<hbm>>
      tpu.enqueue_dma source(%parallel_loop3A_374 : memref<1x64xf32, #tpu.memory_space<hbm>>) target(%parallel_loop3A_372 : memref<1x64xf32, #tpu.memory_space<vmem>>) target_semaphore(%arg13 : memref<!tpu.dma_semaphore, #tpu.memory_space<semaphore_mem>>)
      %parallel_loop3A_375 = arith.constant 0 : i32
      %parallel_loop3A_376 = tpu.memref_slice %arg11[%parallel_loop3A_366, %parallel_loop3A_375] : memref<128x64xf32, #tpu.memory_space<vmem>> -> memref<1x64xf32, #tpu.memory_space<vmem>>
      %parallel_loop3A_377 = arith.constant 0 : i32
      %parallel_loop3A_378 = tpu.memref_slice %arg4[%parallel_loop3A_362, %parallel_loop3A_377] : memref<1000000x64xf32, #tpu.memory_space<hbm>> -> memref<1x64xf32, #tpu.memory_space<hbm>>
      %parallel_loop3A_379 = arith.constant 0 : i32
      %parallel_loop3A_380 = tpu.memref_slice %arg11[%parallel_loop3A_366, %parallel_loop3A_379] : memref<128x64xf32, #tpu.memory_space<vmem>> -> memref<1x64xf32, #tpu.memory_space<vmem>>
      %parallel_loop3A_381 = arith.constant 0 : i32
      %parallel_loop3A_382 = tpu.memref_slice %arg4[%parallel_loop3A_362, %parallel_loop3A_381] : memref<1000000x64xf32, #tpu.memory_space<hbm>> -> memref<1x64xf32, #tpu.memory_space<hbm>>
      tpu.enqueue_dma source(%parallel_loop3A_382 : memref<1x64xf32, #tpu.memory_space<hbm>>) target(%parallel_loop3A_380 : memref<1x64xf32, #tpu.memory_space<vmem>>) target_semaphore(%arg13 : memref<!tpu.dma_semaphore, #tpu.memory_space<semaphore_mem>>)
      %parallel_loop3A_383 = vector.extract_strided_slice %parallel_loop3A_162 {offsets = [10], sizes = [1], strides = [1]} : vector<16xi32> to vector<1xi32>
      %parallel_loop3A_384 = vector.extract %parallel_loop3A_383[0] : i32 from vector<1xi32>
      %parallel_loop3A_385 = arith.constant 16 : i32
      %parallel_loop3A_386 = arith.muli %parallel_loop3A_156, %parallel_loop3A_385 : i32
      %parallel_loop3A_387 = arith.constant 10 : i32
      %parallel_loop3A_388 = arith.addi %parallel_loop3A_386, %parallel_loop3A_387 : i32
      %parallel_loop3A_389 = arith.constant 0 : i32
      %parallel_loop3A_390 = tpu.memref_slice %arg9[%parallel_loop3A_388, %parallel_loop3A_389] : memref<128x64xf32, #tpu.memory_space<vmem>> -> memref<1x64xf32, #tpu.memory_space<vmem>>
      %parallel_loop3A_391 = arith.constant 0 : i32
      %parallel_loop3A_392 = tpu.memref_slice %arg3[%parallel_loop3A_384, %parallel_loop3A_391] : memref<1000000x64xf32, #tpu.memory_space<hbm>> -> memref<1x64xf32, #tpu.memory_space<hbm>>
      %parallel_loop3A_393 = arith.constant 0 : i32
      %parallel_loop3A_394 = tpu.memref_slice %arg9[%parallel_loop3A_388, %parallel_loop3A_393] : memref<128x64xf32, #tpu.memory_space<vmem>> -> memref<1x64xf32, #tpu.memory_space<vmem>>
      %parallel_loop3A_395 = arith.constant 0 : i32
      %parallel_loop3A_396 = tpu.memref_slice %arg3[%parallel_loop3A_384, %parallel_loop3A_395] : memref<1000000x64xf32, #tpu.memory_space<hbm>> -> memref<1x64xf32, #tpu.memory_space<hbm>>
      tpu.enqueue_dma source(%parallel_loop3A_396 : memref<1x64xf32, #tpu.memory_space<hbm>>) target(%parallel_loop3A_394 : memref<1x64xf32, #tpu.memory_space<vmem>>) target_semaphore(%arg13 : memref<!tpu.dma_semaphore, #tpu.memory_space<semaphore_mem>>)
      %parallel_loop3A_397 = arith.constant 0 : i32
      %parallel_loop3A_398 = tpu.memref_slice %arg11[%parallel_loop3A_388, %parallel_loop3A_397] : memref<128x64xf32, #tpu.memory_space<vmem>> -> memref<1x64xf32, #tpu.memory_space<vmem>>
      %parallel_loop3A_399 = arith.constant 0 : i32
      %parallel_loop3A_400 = tpu.memref_slice %arg4[%parallel_loop3A_384, %parallel_loop3A_399] : memref<1000000x64xf32, #tpu.memory_space<hbm>> -> memref<1x64xf32, #tpu.memory_space<hbm>>
      %parallel_loop3A_401 = arith.constant 0 : i32
      %parallel_loop3A_402 = tpu.memref_slice %arg11[%parallel_loop3A_388, %parallel_loop3A_401] : memref<128x64xf32, #tpu.memory_space<vmem>> -> memref<1x64xf32, #tpu.memory_space<vmem>>
      %parallel_loop3A_403 = arith.constant 0 : i32
      %parallel_loop3A_404 = tpu.memref_slice %arg4[%parallel_loop3A_384, %parallel_loop3A_403] : memref<1000000x64xf32, #tpu.memory_space<hbm>> -> memref<1x64xf32, #tpu.memory_space<hbm>>
      tpu.enqueue_dma source(%parallel_loop3A_404 : memref<1x64xf32, #tpu.memory_space<hbm>>) target(%parallel_loop3A_402 : memref<1x64xf32, #tpu.memory_space<vmem>>) target_semaphore(%arg13 : memref<!tpu.dma_semaphore, #tpu.memory_space<semaphore_mem>>)
      %parallel_loop3A_405 = vector.extract_strided_slice %parallel_loop3A_162 {offsets = [11], sizes = [1], strides = [1]} : vector<16xi32> to vector<1xi32>
      %parallel_loop3A_406 = vector.extract %parallel_loop3A_405[0] : i32 from vector<1xi32>
      %parallel_loop3A_407 = arith.constant 16 : i32
      %parallel_loop3A_408 = arith.muli %parallel_loop3A_156, %parallel_loop3A_407 : i32
      %parallel_loop3A_409 = arith.constant 11 : i32
      %parallel_loop3A_410 = arith.addi %parallel_loop3A_408, %parallel_loop3A_409 : i32
      %parallel_loop3A_411 = arith.constant 0 : i32
      %parallel_loop3A_412 = tpu.memref_slice %arg9[%parallel_loop3A_410, %parallel_loop3A_411] : memref<128x64xf32, #tpu.memory_space<vmem>> -> memref<1x64xf32, #tpu.memory_space<vmem>>
      %parallel_loop3A_413 = arith.constant 0 : i32
      %parallel_loop3A_414 = tpu.memref_slice %arg3[%parallel_loop3A_406, %parallel_loop3A_413] : memref<1000000x64xf32, #tpu.memory_space<hbm>> -> memref<1x64xf32, #tpu.memory_space<hbm>>
      %parallel_loop3A_415 = arith.constant 0 : i32
      %parallel_loop3A_416 = tpu.memref_slice %arg9[%parallel_loop3A_410, %parallel_loop3A_415] : memref<128x64xf32, #tpu.memory_space<vmem>> -> memref<1x64xf32, #tpu.memory_space<vmem>>
      %parallel_loop3A_417 = arith.constant 0 : i32
      %parallel_loop3A_418 = tpu.memref_slice %arg3[%parallel_loop3A_406, %parallel_loop3A_417] : memref<1000000x64xf32, #tpu.memory_space<hbm>> -> memref<1x64xf32, #tpu.memory_space<hbm>>
      tpu.enqueue_dma source(%parallel_loop3A_418 : memref<1x64xf32, #tpu.memory_space<hbm>>) target(%parallel_loop3A_416 : memref<1x64xf32, #tpu.memory_space<vmem>>) target_semaphore(%arg13 : memref<!tpu.dma_semaphore, #tpu.memory_space<semaphore_mem>>)
      %parallel_loop3A_419 = arith.constant 0 : i32
      %parallel_loop3A_420 = tpu.memref_slice %arg11[%parallel_loop3A_410, %parallel_loop3A_419] : memref<128x64xf32, #tpu.memory_space<vmem>> -> memref<1x64xf32, #tpu.memory_space<vmem>>
      %parallel_loop3A_421 = arith.constant 0 : i32
      %parallel_loop3A_422 = tpu.memref_slice %arg4[%parallel_loop3A_406, %parallel_loop3A_421] : memref<1000000x64xf32, #tpu.memory_space<hbm>> -> memref<1x64xf32, #tpu.memory_space<hbm>>
      %parallel_loop3A_423 = arith.constant 0 : i32
      %parallel_loop3A_424 = tpu.memref_slice %arg11[%parallel_loop3A_410, %parallel_loop3A_423] : memref<128x64xf32, #tpu.memory_space<vmem>> -> memref<1x64xf32, #tpu.memory_space<vmem>>
      %parallel_loop3A_425 = arith.constant 0 : i32
      %parallel_loop3A_426 = tpu.memref_slice %arg4[%parallel_loop3A_406, %parallel_loop3A_425] : memref<1000000x64xf32, #tpu.memory_space<hbm>> -> memref<1x64xf32, #tpu.memory_space<hbm>>
      tpu.enqueue_dma source(%parallel_loop3A_426 : memref<1x64xf32, #tpu.memory_space<hbm>>) target(%parallel_loop3A_424 : memref<1x64xf32, #tpu.memory_space<vmem>>) target_semaphore(%arg13 : memref<!tpu.dma_semaphore, #tpu.memory_space<semaphore_mem>>)
      %parallel_loop3A_427 = vector.extract_strided_slice %parallel_loop3A_162 {offsets = [12], sizes = [1], strides = [1]} : vector<16xi32> to vector<1xi32>
      %parallel_loop3A_428 = vector.extract %parallel_loop3A_427[0] : i32 from vector<1xi32>
      %parallel_loop3A_429 = arith.constant 16 : i32
      %parallel_loop3A_430 = arith.muli %parallel_loop3A_156, %parallel_loop3A_429 : i32
      %parallel_loop3A_431 = arith.constant 12 : i32
      %parallel_loop3A_432 = arith.addi %parallel_loop3A_430, %parallel_loop3A_431 : i32
      %parallel_loop3A_433 = arith.constant 0 : i32
      %parallel_loop3A_434 = tpu.memref_slice %arg9[%parallel_loop3A_432, %parallel_loop3A_433] : memref<128x64xf32, #tpu.memory_space<vmem>> -> memref<1x64xf32, #tpu.memory_space<vmem>>
      %parallel_loop3A_435 = arith.constant 0 : i32
      %parallel_loop3A_436 = tpu.memref_slice %arg3[%parallel_loop3A_428, %parallel_loop3A_435] : memref<1000000x64xf32, #tpu.memory_space<hbm>> -> memref<1x64xf32, #tpu.memory_space<hbm>>
      %parallel_loop3A_437 = arith.constant 0 : i32
      %parallel_loop3A_438 = tpu.memref_slice %arg9[%parallel_loop3A_432, %parallel_loop3A_437] : memref<128x64xf32, #tpu.memory_space<vmem>> -> memref<1x64xf32, #tpu.memory_space<vmem>>
      %parallel_loop3A_439 = arith.constant 0 : i32
      %parallel_loop3A_440 = tpu.memref_slice %arg3[%parallel_loop3A_428, %parallel_loop3A_439] : memref<1000000x64xf32, #tpu.memory_space<hbm>> -> memref<1x64xf32, #tpu.memory_space<hbm>>
      tpu.enqueue_dma source(%parallel_loop3A_440 : memref<1x64xf32, #tpu.memory_space<hbm>>) target(%parallel_loop3A_438 : memref<1x64xf32, #tpu.memory_space<vmem>>) target_semaphore(%arg13 : memref<!tpu.dma_semaphore, #tpu.memory_space<semaphore_mem>>)
      %parallel_loop3A_441 = arith.constant 0 : i32
      %parallel_loop3A_442 = tpu.memref_slice %arg11[%parallel_loop3A_432, %parallel_loop3A_441] : memref<128x64xf32, #tpu.memory_space<vmem>> -> memref<1x64xf32, #tpu.memory_space<vmem>>
      %parallel_loop3A_443 = arith.constant 0 : i32
      %parallel_loop3A_444 = tpu.memref_slice %arg4[%parallel_loop3A_428, %parallel_loop3A_443] : memref<1000000x64xf32, #tpu.memory_space<hbm>> -> memref<1x64xf32, #tpu.memory_space<hbm>>
      %parallel_loop3A_445 = arith.constant 0 : i32
      %parallel_loop3A_446 = tpu.memref_slice %arg11[%parallel_loop3A_432, %parallel_loop3A_445] : memref<128x64xf32, #tpu.memory_space<vmem>> -> memref<1x64xf32, #tpu.memory_space<vmem>>
      %parallel_loop3A_447 = arith.constant 0 : i32
      %parallel_loop3A_448 = tpu.memref_slice %arg4[%parallel_loop3A_428, %parallel_loop3A_447] : memref<1000000x64xf32, #tpu.memory_space<hbm>> -> memref<1x64xf32, #tpu.memory_space<hbm>>
      tpu.enqueue_dma source(%parallel_loop3A_448 : memref<1x64xf32, #tpu.memory_space<hbm>>) target(%parallel_loop3A_446 : memref<1x64xf32, #tpu.memory_space<vmem>>) target_semaphore(%arg13 : memref<!tpu.dma_semaphore, #tpu.memory_space<semaphore_mem>>)
      %parallel_loop3A_449 = vector.extract_strided_slice %parallel_loop3A_162 {offsets = [13], sizes = [1], strides = [1]} : vector<16xi32> to vector<1xi32>
      %parallel_loop3A_450 = vector.extract %parallel_loop3A_449[0] : i32 from vector<1xi32>
      %parallel_loop3A_451 = arith.constant 16 : i32
      %parallel_loop3A_452 = arith.muli %parallel_loop3A_156, %parallel_loop3A_451 : i32
      %parallel_loop3A_453 = arith.constant 13 : i32
      %parallel_loop3A_454 = arith.addi %parallel_loop3A_452, %parallel_loop3A_453 : i32
      %parallel_loop3A_455 = arith.constant 0 : i32
      %parallel_loop3A_456 = tpu.memref_slice %arg9[%parallel_loop3A_454, %parallel_loop3A_455] : memref<128x64xf32, #tpu.memory_space<vmem>> -> memref<1x64xf32, #tpu.memory_space<vmem>>
      %parallel_loop3A_457 = arith.constant 0 : i32
      %parallel_loop3A_458 = tpu.memref_slice %arg3[%parallel_loop3A_450, %parallel_loop3A_457] : memref<1000000x64xf32, #tpu.memory_space<hbm>> -> memref<1x64xf32, #tpu.memory_space<hbm>>
      %parallel_loop3A_459 = arith.constant 0 : i32
      %parallel_loop3A_460 = tpu.memref_slice %arg9[%parallel_loop3A_454, %parallel_loop3A_459] : memref<128x64xf32, #tpu.memory_space<vmem>> -> memref<1x64xf32, #tpu.memory_space<vmem>>
      %parallel_loop3A_461 = arith.constant 0 : i32
      %parallel_loop3A_462 = tpu.memref_slice %arg3[%parallel_loop3A_450, %parallel_loop3A_461] : memref<1000000x64xf32, #tpu.memory_space<hbm>> -> memref<1x64xf32, #tpu.memory_space<hbm>>
      tpu.enqueue_dma source(%parallel_loop3A_462 : memref<1x64xf32, #tpu.memory_space<hbm>>) target(%parallel_loop3A_460 : memref<1x64xf32, #tpu.memory_space<vmem>>) target_semaphore(%arg13 : memref<!tpu.dma_semaphore, #tpu.memory_space<semaphore_mem>>)
      %parallel_loop3A_463 = arith.constant 0 : i32
      %parallel_loop3A_464 = tpu.memref_slice %arg11[%parallel_loop3A_454, %parallel_loop3A_463] : memref<128x64xf32, #tpu.memory_space<vmem>> -> memref<1x64xf32, #tpu.memory_space<vmem>>
      %parallel_loop3A_465 = arith.constant 0 : i32
      %parallel_loop3A_466 = tpu.memref_slice %arg4[%parallel_loop3A_450, %parallel_loop3A_465] : memref<1000000x64xf32, #tpu.memory_space<hbm>> -> memref<1x64xf32, #tpu.memory_space<hbm>>
      %parallel_loop3A_467 = arith.constant 0 : i32
      %parallel_loop3A_468 = tpu.memref_slice %arg11[%parallel_loop3A_454, %parallel_loop3A_467] : memref<128x64xf32, #tpu.memory_space<vmem>> -> memref<1x64xf32, #tpu.memory_space<vmem>>
      %parallel_loop3A_469 = arith.constant 0 : i32
      %parallel_loop3A_470 = tpu.memref_slice %arg4[%parallel_loop3A_450, %parallel_loop3A_469] : memref<1000000x64xf32, #tpu.memory_space<hbm>> -> memref<1x64xf32, #tpu.memory_space<hbm>>
      tpu.enqueue_dma source(%parallel_loop3A_470 : memref<1x64xf32, #tpu.memory_space<hbm>>) target(%parallel_loop3A_468 : memref<1x64xf32, #tpu.memory_space<vmem>>) target_semaphore(%arg13 : memref<!tpu.dma_semaphore, #tpu.memory_space<semaphore_mem>>)
      %parallel_loop3A_471 = vector.extract_strided_slice %parallel_loop3A_162 {offsets = [14], sizes = [1], strides = [1]} : vector<16xi32> to vector<1xi32>
      %parallel_loop3A_472 = vector.extract %parallel_loop3A_471[0] : i32 from vector<1xi32>
      %parallel_loop3A_473 = arith.constant 16 : i32
      %parallel_loop3A_474 = arith.muli %parallel_loop3A_156, %parallel_loop3A_473 : i32
      %parallel_loop3A_475 = arith.constant 14 : i32
      %parallel_loop3A_476 = arith.addi %parallel_loop3A_474, %parallel_loop3A_475 : i32
      %parallel_loop3A_477 = arith.constant 0 : i32
      %parallel_loop3A_478 = tpu.memref_slice %arg9[%parallel_loop3A_476, %parallel_loop3A_477] : memref<128x64xf32, #tpu.memory_space<vmem>> -> memref<1x64xf32, #tpu.memory_space<vmem>>
      %parallel_loop3A_479 = arith.constant 0 : i32
      %parallel_loop3A_480 = tpu.memref_slice %arg3[%parallel_loop3A_472, %parallel_loop3A_479] : memref<1000000x64xf32, #tpu.memory_space<hbm>> -> memref<1x64xf32, #tpu.memory_space<hbm>>
      %parallel_loop3A_481 = arith.constant 0 : i32
      %parallel_loop3A_482 = tpu.memref_slice %arg9[%parallel_loop3A_476, %parallel_loop3A_481] : memref<128x64xf32, #tpu.memory_space<vmem>> -> memref<1x64xf32, #tpu.memory_space<vmem>>
      %parallel_loop3A_483 = arith.constant 0 : i32
      %parallel_loop3A_484 = tpu.memref_slice %arg3[%parallel_loop3A_472, %parallel_loop3A_483] : memref<1000000x64xf32, #tpu.memory_space<hbm>> -> memref<1x64xf32, #tpu.memory_space<hbm>>
      tpu.enqueue_dma source(%parallel_loop3A_484 : memref<1x64xf32, #tpu.memory_space<hbm>>) target(%parallel_loop3A_482 : memref<1x64xf32, #tpu.memory_space<vmem>>) target_semaphore(%arg13 : memref<!tpu.dma_semaphore, #tpu.memory_space<semaphore_mem>>)
      %parallel_loop3A_485 = arith.constant 0 : i32
      %parallel_loop3A_486 = tpu.memref_slice %arg11[%parallel_loop3A_476, %parallel_loop3A_485] : memref<128x64xf32, #tpu.memory_space<vmem>> -> memref<1x64xf32, #tpu.memory_space<vmem>>
      %parallel_loop3A_487 = arith.constant 0 : i32
      %parallel_loop3A_488 = tpu.memref_slice %arg4[%parallel_loop3A_472, %parallel_loop3A_487] : memref<1000000x64xf32, #tpu.memory_space<hbm>> -> memref<1x64xf32, #tpu.memory_space<hbm>>
      %parallel_loop3A_489 = arith.constant 0 : i32
      %parallel_loop3A_490 = tpu.memref_slice %arg11[%parallel_loop3A_476, %parallel_loop3A_489] : memref<128x64xf32, #tpu.memory_space<vmem>> -> memref<1x64xf32, #tpu.memory_space<vmem>>
      %parallel_loop3A_491 = arith.constant 0 : i32
      %parallel_loop3A_492 = tpu.memref_slice %arg4[%parallel_loop3A_472, %parallel_loop3A_491] : memref<1000000x64xf32, #tpu.memory_space<hbm>> -> memref<1x64xf32, #tpu.memory_space<hbm>>
      tpu.enqueue_dma source(%parallel_loop3A_492 : memref<1x64xf32, #tpu.memory_space<hbm>>) target(%parallel_loop3A_490 : memref<1x64xf32, #tpu.memory_space<vmem>>) target_semaphore(%arg13 : memref<!tpu.dma_semaphore, #tpu.memory_space<semaphore_mem>>)
      %parallel_loop3A_493 = vector.extract_strided_slice %parallel_loop3A_162 {offsets = [15], sizes = [1], strides = [1]} : vector<16xi32> to vector<1xi32>
      %parallel_loop3A_494 = vector.extract %parallel_loop3A_493[0] : i32 from vector<1xi32>
      %parallel_loop3A_495 = arith.constant 16 : i32
      %parallel_loop3A_496 = arith.muli %parallel_loop3A_156, %parallel_loop3A_495 : i32
      %parallel_loop3A_497 = arith.constant 15 : i32
      %parallel_loop3A_498 = arith.addi %parallel_loop3A_496, %parallel_loop3A_497 : i32
      %parallel_loop3A_499 = arith.constant 0 : i32
      %parallel_loop3A_500 = tpu.memref_slice %arg9[%parallel_loop3A_498, %parallel_loop3A_499] : memref<128x64xf32, #tpu.memory_space<vmem>> -> memref<1x64xf32, #tpu.memory_space<vmem>>
      %parallel_loop3A_501 = arith.constant 0 : i32
      %parallel_loop3A_502 = tpu.memref_slice %arg3[%parallel_loop3A_494, %parallel_loop3A_501] : memref<1000000x64xf32, #tpu.memory_space<hbm>> -> memref<1x64xf32, #tpu.memory_space<hbm>>
      %parallel_loop3A_503 = arith.constant 0 : i32
      %parallel_loop3A_504 = tpu.memref_slice %arg9[%parallel_loop3A_498, %parallel_loop3A_503] : memref<128x64xf32, #tpu.memory_space<vmem>> -> memref<1x64xf32, #tpu.memory_space<vmem>>
      %parallel_loop3A_505 = arith.constant 0 : i32
      %parallel_loop3A_506 = tpu.memref_slice %arg3[%parallel_loop3A_494, %parallel_loop3A_505] : memref<1000000x64xf32, #tpu.memory_space<hbm>> -> memref<1x64xf32, #tpu.memory_space<hbm>>
      tpu.enqueue_dma source(%parallel_loop3A_506 : memref<1x64xf32, #tpu.memory_space<hbm>>) target(%parallel_loop3A_504 : memref<1x64xf32, #tpu.memory_space<vmem>>) target_semaphore(%arg13 : memref<!tpu.dma_semaphore, #tpu.memory_space<semaphore_mem>>)
      %parallel_loop3A_507 = arith.constant 0 : i32
      %parallel_loop3A_508 = tpu.memref_slice %arg11[%parallel_loop3A_498, %parallel_loop3A_507] : memref<128x64xf32, #tpu.memory_space<vmem>> -> memref<1x64xf32, #tpu.memory_space<vmem>>
      %parallel_loop3A_509 = arith.constant 0 : i32
      %parallel_loop3A_510 = tpu.memref_slice %arg4[%parallel_loop3A_494, %parallel_loop3A_509] : memref<1000000x64xf32, #tpu.memory_space<hbm>> -> memref<1x64xf32, #tpu.memory_space<hbm>>
      %parallel_loop3A_511 = arith.constant 0 : i32
      %parallel_loop3A_512 = tpu.memref_slice %arg11[%parallel_loop3A_498, %parallel_loop3A_511] : memref<128x64xf32, #tpu.memory_space<vmem>> -> memref<1x64xf32, #tpu.memory_space<vmem>>
      %parallel_loop3A_513 = arith.constant 0 : i32
      %parallel_loop3A_514 = tpu.memref_slice %arg4[%parallel_loop3A_494, %parallel_loop3A_513] : memref<1000000x64xf32, #tpu.memory_space<hbm>> -> memref<1x64xf32, #tpu.memory_space<hbm>>
      tpu.enqueue_dma source(%parallel_loop3A_514 : memref<1x64xf32, #tpu.memory_space<hbm>>) target(%parallel_loop3A_512 : memref<1x64xf32, #tpu.memory_space<vmem>>) target_semaphore(%arg13 : memref<!tpu.dma_semaphore, #tpu.memory_space<semaphore_mem>>)
    } {sc.loop_unroll_factor = 4 : i64, sc.parallel_access}
    %dma_wait3A = arith.constant 0 : i32
    %dma_wait3A_8 = arith.constant 0 : i32
    %dma_wait3A_9 = tpu.memref_slice %arg3[%dma_wait3A, %dma_wait3A_8] : memref<1000000x64xf32, #tpu.memory_space<hbm>> -> memref<128x64xf32, #tpu.memory_space<hbm>>
    %dma_wait3A_10 = arith.constant 0 : i32
    %dma_wait3A_11 = arith.constant 0 : i32
    %dma_wait3A_12 = tpu.memref_slice %arg3[%dma_wait3A_10, %dma_wait3A_11] : memref<1000000x64xf32, #tpu.memory_space<hbm>> -> memref<128x64xf32, #tpu.memory_space<hbm>>
    tpu.wait_dma2 semaphore(%arg12 : memref<!tpu.dma_semaphore, #tpu.memory_space<semaphore_mem>>) src(%dma_wait3A_12 : memref<128x64xf32, #tpu.memory_space<hbm>>) dst(%arg8 : memref<128x64xf32, #tpu.memory_space<vmem>>)
    %dma_wait3A_13 = arith.constant 0 : i32
    %dma_wait3A_14 = arith.constant 0 : i32
    %dma_wait3A_15 = tpu.memref_slice %arg4[%dma_wait3A_13, %dma_wait3A_14] : memref<1000000x64xf32, #tpu.memory_space<hbm>> -> memref<128x64xf32, #tpu.memory_space<hbm>>
    %dma_wait3A_16 = arith.constant 0 : i32
    %dma_wait3A_17 = arith.constant 0 : i32
    %dma_wait3A_18 = tpu.memref_slice %arg4[%dma_wait3A_16, %dma_wait3A_17] : memref<1000000x64xf32, #tpu.memory_space<hbm>> -> memref<128x64xf32, #tpu.memory_space<hbm>>
    tpu.wait_dma2 semaphore(%arg12 : memref<!tpu.dma_semaphore, #tpu.memory_space<semaphore_mem>>) src(%dma_wait3A_18 : memref<128x64xf32, #tpu.memory_space<hbm>>) dst(%arg10 : memref<128x64xf32, #tpu.memory_space<vmem>>)
    %add3A_19 = arith.constant 0 : i32
    %add3A_20 = arith.addi %mul3A_2, %add3A_19 : i32
    %dma_start3A = arith.constant 0 : i32
    %dma_start3A_21 = tpu.memref_slice %arg5[%add3A_20, %dma_start3A] : memref<16384x64xf32, #tpu.memory_space<hbm>> -> memref<128x64xf32, #tpu.memory_space<hbm>>
    %dma_start3A_22 = arith.constant 0 : i32
    %dma_start3A_23 = tpu.memref_slice %arg5[%add3A_20, %dma_start3A_22] : memref<16384x64xf32, #tpu.memory_space<hbm>> -> memref<128x64xf32, #tpu.memory_space<hbm>>
    tpu.enqueue_dma source(%arg8 : memref<128x64xf32, #tpu.memory_space<vmem>>) target(%dma_start3A_23 : memref<128x64xf32, #tpu.memory_space<hbm>>) target_semaphore(%arg14 : memref<!tpu.dma_semaphore, #tpu.memory_space<semaphore_mem>>)
    %add3A_24 = arith.constant 0 : i32
    %add3A_25 = arith.addi %mul3A_2, %add3A_24 : i32
    %dma_start3A_26 = arith.constant 0 : i32
    %dma_start3A_27 = tpu.memref_slice %arg6[%add3A_25, %dma_start3A_26] : memref<16384x64xf32, #tpu.memory_space<hbm>> -> memref<128x64xf32, #tpu.memory_space<hbm>>
    %dma_start3A_28 = arith.constant 0 : i32
    %dma_start3A_29 = tpu.memref_slice %arg6[%add3A_25, %dma_start3A_28] : memref<16384x64xf32, #tpu.memory_space<hbm>> -> memref<128x64xf32, #tpu.memory_space<hbm>>
    tpu.enqueue_dma source(%arg10 : memref<128x64xf32, #tpu.memory_space<vmem>>) target(%dma_start3A_29 : memref<128x64xf32, #tpu.memory_space<hbm>>) target_semaphore(%arg16 : memref<!tpu.dma_semaphore, #tpu.memory_space<semaphore_mem>>)
    %dma_wait3A_30 = arith.constant 0 : i32
    %dma_wait3A_31 = arith.constant 0 : i32
    %dma_wait3A_32 = tpu.memref_slice %arg5[%dma_wait3A_30, %dma_wait3A_31] : memref<16384x64xf32, #tpu.memory_space<hbm>> -> memref<128x64xf32, #tpu.memory_space<hbm>>
    %dma_wait3A_33 = arith.constant 0 : i32
    %dma_wait3A_34 = arith.constant 0 : i32
    %dma_wait3A_35 = tpu.memref_slice %arg5[%dma_wait3A_33, %dma_wait3A_34] : memref<16384x64xf32, #tpu.memory_space<hbm>> -> memref<128x64xf32, #tpu.memory_space<hbm>>
    tpu.wait_dma2 semaphore(%arg14 : memref<!tpu.dma_semaphore, #tpu.memory_space<semaphore_mem>>) src(%arg8 : memref<128x64xf32, #tpu.memory_space<vmem>>) dst(%dma_wait3A_35 : memref<128x64xf32, #tpu.memory_space<hbm>>)
    %dma_wait3A_36 = arith.constant 0 : i32
    %dma_wait3A_37 = arith.constant 0 : i32
    %dma_wait3A_38 = tpu.memref_slice %arg6[%dma_wait3A_36, %dma_wait3A_37] : memref<16384x64xf32, #tpu.memory_space<hbm>> -> memref<128x64xf32, #tpu.memory_space<hbm>>
    %dma_wait3A_39 = arith.constant 0 : i32
    %dma_wait3A_40 = arith.constant 0 : i32
    %dma_wait3A_41 = tpu.memref_slice %arg6[%dma_wait3A_39, %dma_wait3A_40] : memref<16384x64xf32, #tpu.memory_space<hbm>> -> memref<128x64xf32, #tpu.memory_space<hbm>>
    tpu.wait_dma2 semaphore(%arg16 : memref<!tpu.dma_semaphore, #tpu.memory_space<semaphore_mem>>) src(%arg10 : memref<128x64xf32, #tpu.memory_space<vmem>>) dst(%dma_wait3A_41 : memref<128x64xf32, #tpu.memory_space<hbm>>)
    %parallel_loop3A_42 = arith.constant 0 : i32
    %parallel_loop3A_43 = arith.constant 8 : i32
    %parallel_loop3A_44 = arith.constant 1 : i32
    scf.for %parallel_loop3A_156 = %parallel_loop3A_42 to %parallel_loop3A_43 step %parallel_loop3A_44  : i32 {
      %parallel_loop3A_157 = arith.constant 16 : i32
      %parallel_loop3A_158 = arith.muli %parallel_loop3A_156, %parallel_loop3A_157 : i32
      %parallel_loop3A_159 = arith.constant 256 : i32
      %parallel_loop3A_160 = arith.addi %parallel_loop3A_159, %parallel_loop3A_158 : i32
      %parallel_loop3A_161 = arith.index_cast %parallel_loop3A_160 : i32 to index
      %parallel_loop3A_162 = tpu.vector_load %arg7[%parallel_loop3A_161] {strides = array<i32>} : memref<512xi32, #tpu.memory_space<vmem>>, vector<16xi32>,
      %parallel_loop3A_163 = vector.extract_strided_slice %parallel_loop3A_162 {offsets = [0], sizes = [1], strides = [1]} : vector<16xi32> to vector<1xi32>
      %parallel_loop3A_164 = vector.extract %parallel_loop3A_163[0] : i32 from vector<1xi32>
      %parallel_loop3A_165 = arith.constant 16 : i32
      %parallel_loop3A_166 = arith.muli %parallel_loop3A_156, %parallel_loop3A_165 : i32
      %parallel_loop3A_167 = arith.constant 0 : i32
      %parallel_loop3A_168 = arith.addi %parallel_loop3A_166, %parallel_loop3A_167 : i32
      %parallel_loop3A_169 = arith.constant 0 : i32
      %parallel_loop3A_170 = tpu.memref_slice %arg8[%parallel_loop3A_168, %parallel_loop3A_169] : memref<128x64xf32, #tpu.memory_space<vmem>> -> memref<1x64xf32, #tpu.memory_space<vmem>>
      %parallel_loop3A_171 = arith.constant 0 : i32
      %parallel_loop3A_172 = tpu.memref_slice %arg3[%parallel_loop3A_164, %parallel_loop3A_171] : memref<1000000x64xf32, #tpu.memory_space<hbm>> -> memref<1x64xf32, #tpu.memory_space<hbm>>
      %parallel_loop3A_173 = arith.constant 0 : i32
      %parallel_loop3A_174 = tpu.memref_slice %arg8[%parallel_loop3A_168, %parallel_loop3A_173] : memref<128x64xf32, #tpu.memory_space<vmem>> -> memref<1x64xf32, #tpu.memory_space<vmem>>
      %parallel_loop3A_175 = arith.constant 0 : i32
      %parallel_loop3A_176 = tpu.memref_slice %arg3[%parallel_loop3A_164, %parallel_loop3A_175] : memref<1000000x64xf32, #tpu.memory_space<hbm>> -> memref<1x64xf32, #tpu.memory_space<hbm>>
      tpu.enqueue_dma source(%parallel_loop3A_176 : memref<1x64xf32, #tpu.memory_space<hbm>>) target(%parallel_loop3A_174 : memref<1x64xf32, #tpu.memory_space<vmem>>) target_semaphore(%arg12 : memref<!tpu.dma_semaphore, #tpu.memory_space<semaphore_mem>>)
      %parallel_loop3A_177 = arith.constant 0 : i32
      %parallel_loop3A_178 = tpu.memref_slice %arg10[%parallel_loop3A_168, %parallel_loop3A_177] : memref<128x64xf32, #tpu.memory_space<vmem>> -> memref<1x64xf32, #tpu.memory_space<vmem>>
      %parallel_loop3A_179 = arith.constant 0 : i32
      %parallel_loop3A_180 = tpu.memref_slice %arg4[%parallel_loop3A_164, %parallel_loop3A_179] : memref<1000000x64xf32, #tpu.memory_space<hbm>> -> memref<1x64xf32, #tpu.memory_space<hbm>>
      %parallel_loop3A_181 = arith.constant 0 : i32
      %parallel_loop3A_182 = tpu.memref_slice %arg10[%parallel_loop3A_168, %parallel_loop3A_181] : memref<128x64xf32, #tpu.memory_space<vmem>> -> memref<1x64xf32, #tpu.memory_space<vmem>>
      %parallel_loop3A_183 = arith.constant 0 : i32
      %parallel_loop3A_184 = tpu.memref_slice %arg4[%parallel_loop3A_164, %parallel_loop3A_183] : memref<1000000x64xf32, #tpu.memory_space<hbm>> -> memref<1x64xf32, #tpu.memory_space<hbm>>
      tpu.enqueue_dma source(%parallel_loop3A_184 : memref<1x64xf32, #tpu.memory_space<hbm>>) target(%parallel_loop3A_182 : memref<1x64xf32, #tpu.memory_space<vmem>>) target_semaphore(%arg12 : memref<!tpu.dma_semaphore, #tpu.memory_space<semaphore_mem>>)
      %parallel_loop3A_185 = vector.extract_strided_slice %parallel_loop3A_162 {offsets = [1], sizes = [1], strides = [1]} : vector<16xi32> to vector<1xi32>
      %parallel_loop3A_186 = vector.extract %parallel_loop3A_185[0] : i32 from vector<1xi32>
      %parallel_loop3A_187 = arith.constant 16 : i32
      %parallel_loop3A_188 = arith.muli %parallel_loop3A_156, %parallel_loop3A_187 : i32
      %parallel_loop3A_189 = arith.constant 1 : i32
      %parallel_loop3A_190 = arith.addi %parallel_loop3A_188, %parallel_loop3A_189 : i32
      %parallel_loop3A_191 = arith.constant 0 : i32
      %parallel_loop3A_192 = tpu.memref_slice %arg8[%parallel_loop3A_190, %parallel_loop3A_191] : memref<128x64xf32, #tpu.memory_space<vmem>> -> memref<1x64xf32, #tpu.memory_space<vmem>>
      %parallel_loop3A_193 = arith.constant 0 : i32
      %parallel_loop3A_194 = tpu.memref_slice %arg3[%parallel_loop3A_186, %parallel_loop3A_193] : memref<1000000x64xf32, #tpu.memory_space<hbm>> -> memref<1x64xf32, #tpu.memory_space<hbm>>
      %parallel_loop3A_195 = arith.constant 0 : i32
      %parallel_loop3A_196 = tpu.memref_slice %arg8[%parallel_loop3A_190, %parallel_loop3A_195] : memref<128x64xf32, #tpu.memory_space<vmem>> -> memref<1x64xf32, #tpu.memory_space<vmem>>
      %parallel_loop3A_197 = arith.constant 0 : i32
      %parallel_loop3A_198 = tpu.memref_slice %arg3[%parallel_loop3A_186, %parallel_loop3A_197] : memref<1000000x64xf32, #tpu.memory_space<hbm>> -> memref<1x64xf32, #tpu.memory_space<hbm>>
      tpu.enqueue_dma source(%parallel_loop3A_198 : memref<1x64xf32, #tpu.memory_space<hbm>>) target(%parallel_loop3A_196 : memref<1x64xf32, #tpu.memory_space<vmem>>) target_semaphore(%arg12 : memref<!tpu.dma_semaphore, #tpu.memory_space<semaphore_mem>>)
      %parallel_loop3A_199 = arith.constant 0 : i32
      %parallel_loop3A_200 = tpu.memref_slice %arg10[%parallel_loop3A_190, %parallel_loop3A_199] : memref<128x64xf32, #tpu.memory_space<vmem>> -> memref<1x64xf32, #tpu.memory_space<vmem>>
      %parallel_loop3A_201 = arith.constant 0 : i32
      %parallel_loop3A_202 = tpu.memref_slice %arg4[%parallel_loop3A_186, %parallel_loop3A_201] : memref<1000000x64xf32, #tpu.memory_space<hbm>> -> memref<1x64xf32, #tpu.memory_space<hbm>>
      %parallel_loop3A_203 = arith.constant 0 : i32
      %parallel_loop3A_204 = tpu.memref_slice %arg10[%parallel_loop3A_190, %parallel_loop3A_203] : memref<128x64xf32, #tpu.memory_space<vmem>> -> memref<1x64xf32, #tpu.memory_space<vmem>>
      %parallel_loop3A_205 = arith.constant 0 : i32
      %parallel_loop3A_206 = tpu.memref_slice %arg4[%parallel_loop3A_186, %parallel_loop3A_205] : memref<1000000x64xf32, #tpu.memory_space<hbm>> -> memref<1x64xf32, #tpu.memory_space<hbm>>
      tpu.enqueue_dma source(%parallel_loop3A_206 : memref<1x64xf32, #tpu.memory_space<hbm>>) target(%parallel_loop3A_204 : memref<1x64xf32, #tpu.memory_space<vmem>>) target_semaphore(%arg12 : memref<!tpu.dma_semaphore, #tpu.memory_space<semaphore_mem>>)
      %parallel_loop3A_207 = vector.extract_strided_slice %parallel_loop3A_162 {offsets = [2], sizes = [1], strides = [1]} : vector<16xi32> to vector<1xi32>
      %parallel_loop3A_208 = vector.extract %parallel_loop3A_207[0] : i32 from vector<1xi32>
      %parallel_loop3A_209 = arith.constant 16 : i32
      %parallel_loop3A_210 = arith.muli %parallel_loop3A_156, %parallel_loop3A_209 : i32
      %parallel_loop3A_211 = arith.constant 2 : i32
      %parallel_loop3A_212 = arith.addi %parallel_loop3A_210, %parallel_loop3A_211 : i32
      %parallel_loop3A_213 = arith.constant 0 : i32
      %parallel_loop3A_214 = tpu.memref_slice %arg8[%parallel_loop3A_212, %parallel_loop3A_213] : memref<128x64xf32, #tpu.memory_space<vmem>> -> memref<1x64xf32, #tpu.memory_space<vmem>>
      %parallel_loop3A_215 = arith.constant 0 : i32
      %parallel_loop3A_216 = tpu.memref_slice %arg3[%parallel_loop3A_208, %parallel_loop3A_215] : memref<1000000x64xf32, #tpu.memory_space<hbm>> -> memref<1x64xf32, #tpu.memory_space<hbm>>
      %parallel_loop3A_217 = arith.constant 0 : i32
      %parallel_loop3A_218 = tpu.memref_slice %arg8[%parallel_loop3A_212, %parallel_loop3A_217] : memref<128x64xf32, #tpu.memory_space<vmem>> -> memref<1x64xf32, #tpu.memory_space<vmem>>
      %parallel_loop3A_219 = arith.constant 0 : i32
      %parallel_loop3A_220 = tpu.memref_slice %arg3[%parallel_loop3A_208, %parallel_loop3A_219] : memref<1000000x64xf32, #tpu.memory_space<hbm>> -> memref<1x64xf32, #tpu.memory_space<hbm>>
      tpu.enqueue_dma source(%parallel_loop3A_220 : memref<1x64xf32, #tpu.memory_space<hbm>>) target(%parallel_loop3A_218 : memref<1x64xf32, #tpu.memory_space<vmem>>) target_semaphore(%arg12 : memref<!tpu.dma_semaphore, #tpu.memory_space<semaphore_mem>>)
      %parallel_loop3A_221 = arith.constant 0 : i32
      %parallel_loop3A_222 = tpu.memref_slice %arg10[%parallel_loop3A_212, %parallel_loop3A_221] : memref<128x64xf32, #tpu.memory_space<vmem>> -> memref<1x64xf32, #tpu.memory_space<vmem>>
      %parallel_loop3A_223 = arith.constant 0 : i32
      %parallel_loop3A_224 = tpu.memref_slice %arg4[%parallel_loop3A_208, %parallel_loop3A_223] : memref<1000000x64xf32, #tpu.memory_space<hbm>> -> memref<1x64xf32, #tpu.memory_space<hbm>>
      %parallel_loop3A_225 = arith.constant 0 : i32
      %parallel_loop3A_226 = tpu.memref_slice %arg10[%parallel_loop3A_212, %parallel_loop3A_225] : memref<128x64xf32, #tpu.memory_space<vmem>> -> memref<1x64xf32, #tpu.memory_space<vmem>>
      %parallel_loop3A_227 = arith.constant 0 : i32
      %parallel_loop3A_228 = tpu.memref_slice %arg4[%parallel_loop3A_208, %parallel_loop3A_227] : memref<1000000x64xf32, #tpu.memory_space<hbm>> -> memref<1x64xf32, #tpu.memory_space<hbm>>
      tpu.enqueue_dma source(%parallel_loop3A_228 : memref<1x64xf32, #tpu.memory_space<hbm>>) target(%parallel_loop3A_226 : memref<1x64xf32, #tpu.memory_space<vmem>>) target_semaphore(%arg12 : memref<!tpu.dma_semaphore, #tpu.memory_space<semaphore_mem>>)
      %parallel_loop3A_229 = vector.extract_strided_slice %parallel_loop3A_162 {offsets = [3], sizes = [1], strides = [1]} : vector<16xi32> to vector<1xi32>
      %parallel_loop3A_230 = vector.extract %parallel_loop3A_229[0] : i32 from vector<1xi32>
      %parallel_loop3A_231 = arith.constant 16 : i32
      %parallel_loop3A_232 = arith.muli %parallel_loop3A_156, %parallel_loop3A_231 : i32
      %parallel_loop3A_233 = arith.constant 3 : i32
      %parallel_loop3A_234 = arith.addi %parallel_loop3A_232, %parallel_loop3A_233 : i32
      %parallel_loop3A_235 = arith.constant 0 : i32
      %parallel_loop3A_236 = tpu.memref_slice %arg8[%parallel_loop3A_234, %parallel_loop3A_235] : memref<128x64xf32, #tpu.memory_space<vmem>> -> memref<1x64xf32, #tpu.memory_space<vmem>>
      %parallel_loop3A_237 = arith.constant 0 : i32
      %parallel_loop3A_238 = tpu.memref_slice %arg3[%parallel_loop3A_230, %parallel_loop3A_237] : memref<1000000x64xf32, #tpu.memory_space<hbm>> -> memref<1x64xf32, #tpu.memory_space<hbm>>
      %parallel_loop3A_239 = arith.constant 0 : i32
      %parallel_loop3A_240 = tpu.memref_slice %arg8[%parallel_loop3A_234, %parallel_loop3A_239] : memref<128x64xf32, #tpu.memory_space<vmem>> -> memref<1x64xf32, #tpu.memory_space<vmem>>
      %parallel_loop3A_241 = arith.constant 0 : i32
      %parallel_loop3A_242 = tpu.memref_slice %arg3[%parallel_loop3A_230, %parallel_loop3A_241] : memref<1000000x64xf32, #tpu.memory_space<hbm>> -> memref<1x64xf32, #tpu.memory_space<hbm>>
      tpu.enqueue_dma source(%parallel_loop3A_242 : memref<1x64xf32, #tpu.memory_space<hbm>>) target(%parallel_loop3A_240 : memref<1x64xf32, #tpu.memory_space<vmem>>) target_semaphore(%arg12 : memref<!tpu.dma_semaphore, #tpu.memory_space<semaphore_mem>>)
      %parallel_loop3A_243 = arith.constant 0 : i32
      %parallel_loop3A_244 = tpu.memref_slice %arg10[%parallel_loop3A_234, %parallel_loop3A_243] : memref<128x64xf32, #tpu.memory_space<vmem>> -> memref<1x64xf32, #tpu.memory_space<vmem>>
      %parallel_loop3A_245 = arith.constant 0 : i32
      %parallel_loop3A_246 = tpu.memref_slice %arg4[%parallel_loop3A_230, %parallel_loop3A_245] : memref<1000000x64xf32, #tpu.memory_space<hbm>> -> memref<1x64xf32, #tpu.memory_space<hbm>>
      %parallel_loop3A_247 = arith.constant 0 : i32
      %parallel_loop3A_248 = tpu.memref_slice %arg10[%parallel_loop3A_234, %parallel_loop3A_247] : memref<128x64xf32, #tpu.memory_space<vmem>> -> memref<1x64xf32, #tpu.memory_space<vmem>>
      %parallel_loop3A_249 = arith.constant 0 : i32
      %parallel_loop3A_250 = tpu.memref_slice %arg4[%parallel_loop3A_230, %parallel_loop3A_249] : memref<1000000x64xf32, #tpu.memory_space<hbm>> -> memref<1x64xf32, #tpu.memory_space<hbm>>
      tpu.enqueue_dma source(%parallel_loop3A_250 : memref<1x64xf32, #tpu.memory_space<hbm>>) target(%parallel_loop3A_248 : memref<1x64xf32, #tpu.memory_space<vmem>>) target_semaphore(%arg12 : memref<!tpu.dma_semaphore, #tpu.memory_space<semaphore_mem>>)
      %parallel_loop3A_251 = vector.extract_strided_slice %parallel_loop3A_162 {offsets = [4], sizes = [1], strides = [1]} : vector<16xi32> to vector<1xi32>
      %parallel_loop3A_252 = vector.extract %parallel_loop3A_251[0] : i32 from vector<1xi32>
      %parallel_loop3A_253 = arith.constant 16 : i32
      %parallel_loop3A_254 = arith.muli %parallel_loop3A_156, %parallel_loop3A_253 : i32
      %parallel_loop3A_255 = arith.constant 4 : i32
      %parallel_loop3A_256 = arith.addi %parallel_loop3A_254, %parallel_loop3A_255 : i32
      %parallel_loop3A_257 = arith.constant 0 : i32
      %parallel_loop3A_258 = tpu.memref_slice %arg8[%parallel_loop3A_256, %parallel_loop3A_257] : memref<128x64xf32, #tpu.memory_space<vmem>> -> memref<1x64xf32, #tpu.memory_space<vmem>>
      %parallel_loop3A_259 = arith.constant 0 : i32
      %parallel_loop3A_260 = tpu.memref_slice %arg3[%parallel_loop3A_252, %parallel_loop3A_259] : memref<1000000x64xf32, #tpu.memory_space<hbm>> -> memref<1x64xf32, #tpu.memory_space<hbm>>
      %parallel_loop3A_261 = arith.constant 0 : i32
      %parallel_loop3A_262 = tpu.memref_slice %arg8[%parallel_loop3A_256, %parallel_loop3A_261] : memref<128x64xf32, #tpu.memory_space<vmem>> -> memref<1x64xf32, #tpu.memory_space<vmem>>
      %parallel_loop3A_263 = arith.constant 0 : i32
      %parallel_loop3A_264 = tpu.memref_slice %arg3[%parallel_loop3A_252, %parallel_loop3A_263] : memref<1000000x64xf32, #tpu.memory_space<hbm>> -> memref<1x64xf32, #tpu.memory_space<hbm>>
      tpu.enqueue_dma source(%parallel_loop3A_264 : memref<1x64xf32, #tpu.memory_space<hbm>>) target(%parallel_loop3A_262 : memref<1x64xf32, #tpu.memory_space<vmem>>) target_semaphore(%arg12 : memref<!tpu.dma_semaphore, #tpu.memory_space<semaphore_mem>>)
      %parallel_loop3A_265 = arith.constant 0 : i32
      %parallel_loop3A_266 = tpu.memref_slice %arg10[%parallel_loop3A_256, %parallel_loop3A_265] : memref<128x64xf32, #tpu.memory_space<vmem>> -> memref<1x64xf32, #tpu.memory_space<vmem>>
      %parallel_loop3A_267 = arith.constant 0 : i32
      %parallel_loop3A_268 = tpu.memref_slice %arg4[%parallel_loop3A_252, %parallel_loop3A_267] : memref<1000000x64xf32, #tpu.memory_space<hbm>> -> memref<1x64xf32, #tpu.memory_space<hbm>>
      %parallel_loop3A_269 = arith.constant 0 : i32
      %parallel_loop3A_270 = tpu.memref_slice %arg10[%parallel_loop3A_256, %parallel_loop3A_269] : memref<128x64xf32, #tpu.memory_space<vmem>> -> memref<1x64xf32, #tpu.memory_space<vmem>>
      %parallel_loop3A_271 = arith.constant 0 : i32
      %parallel_loop3A_272 = tpu.memref_slice %arg4[%parallel_loop3A_252, %parallel_loop3A_271] : memref<1000000x64xf32, #tpu.memory_space<hbm>> -> memref<1x64xf32, #tpu.memory_space<hbm>>
      tpu.enqueue_dma source(%parallel_loop3A_272 : memref<1x64xf32, #tpu.memory_space<hbm>>) target(%parallel_loop3A_270 : memref<1x64xf32, #tpu.memory_space<vmem>>) target_semaphore(%arg12 : memref<!tpu.dma_semaphore, #tpu.memory_space<semaphore_mem>>)
      %parallel_loop3A_273 = vector.extract_strided_slice %parallel_loop3A_162 {offsets = [5], sizes = [1], strides = [1]} : vector<16xi32> to vector<1xi32>
      %parallel_loop3A_274 = vector.extract %parallel_loop3A_273[0] : i32 from vector<1xi32>
      %parallel_loop3A_275 = arith.constant 16 : i32
      %parallel_loop3A_276 = arith.muli %parallel_loop3A_156, %parallel_loop3A_275 : i32
      %parallel_loop3A_277 = arith.constant 5 : i32
      %parallel_loop3A_278 = arith.addi %parallel_loop3A_276, %parallel_loop3A_277 : i32
      %parallel_loop3A_279 = arith.constant 0 : i32
      %parallel_loop3A_280 = tpu.memref_slice %arg8[%parallel_loop3A_278, %parallel_loop3A_279] : memref<128x64xf32, #tpu.memory_space<vmem>> -> memref<1x64xf32, #tpu.memory_space<vmem>>
      %parallel_loop3A_281 = arith.constant 0 : i32
      %parallel_loop3A_282 = tpu.memref_slice %arg3[%parallel_loop3A_274, %parallel_loop3A_281] : memref<1000000x64xf32, #tpu.memory_space<hbm>> -> memref<1x64xf32, #tpu.memory_space<hbm>>
      %parallel_loop3A_283 = arith.constant 0 : i32
      %parallel_loop3A_284 = tpu.memref_slice %arg8[%parallel_loop3A_278, %parallel_loop3A_283] : memref<128x64xf32, #tpu.memory_space<vmem>> -> memref<1x64xf32, #tpu.memory_space<vmem>>
      %parallel_loop3A_285 = arith.constant 0 : i32
      %parallel_loop3A_286 = tpu.memref_slice %arg3[%parallel_loop3A_274, %parallel_loop3A_285] : memref<1000000x64xf32, #tpu.memory_space<hbm>> -> memref<1x64xf32, #tpu.memory_space<hbm>>
      tpu.enqueue_dma source(%parallel_loop3A_286 : memref<1x64xf32, #tpu.memory_space<hbm>>) target(%parallel_loop3A_284 : memref<1x64xf32, #tpu.memory_space<vmem>>) target_semaphore(%arg12 : memref<!tpu.dma_semaphore, #tpu.memory_space<semaphore_mem>>)
      %parallel_loop3A_287 = arith.constant 0 : i32
      %parallel_loop3A_288 = tpu.memref_slice %arg10[%parallel_loop3A_278, %parallel_loop3A_287] : memref<128x64xf32, #tpu.memory_space<vmem>> -> memref<1x64xf32, #tpu.memory_space<vmem>>
      %parallel_loop3A_289 = arith.constant 0 : i32
      %parallel_loop3A_290 = tpu.memref_slice %arg4[%parallel_loop3A_274, %parallel_loop3A_289] : memref<1000000x64xf32, #tpu.memory_space<hbm>> -> memref<1x64xf32, #tpu.memory_space<hbm>>
      %parallel_loop3A_291 = arith.constant 0 : i32
      %parallel_loop3A_292 = tpu.memref_slice %arg10[%parallel_loop3A_278, %parallel_loop3A_291] : memref<128x64xf32, #tpu.memory_space<vmem>> -> memref<1x64xf32, #tpu.memory_space<vmem>>
      %parallel_loop3A_293 = arith.constant 0 : i32
      %parallel_loop3A_294 = tpu.memref_slice %arg4[%parallel_loop3A_274, %parallel_loop3A_293] : memref<1000000x64xf32, #tpu.memory_space<hbm>> -> memref<1x64xf32, #tpu.memory_space<hbm>>
      tpu.enqueue_dma source(%parallel_loop3A_294 : memref<1x64xf32, #tpu.memory_space<hbm>>) target(%parallel_loop3A_292 : memref<1x64xf32, #tpu.memory_space<vmem>>) target_semaphore(%arg12 : memref<!tpu.dma_semaphore, #tpu.memory_space<semaphore_mem>>)
      %parallel_loop3A_295 = vector.extract_strided_slice %parallel_loop3A_162 {offsets = [6], sizes = [1], strides = [1]} : vector<16xi32> to vector<1xi32>
      %parallel_loop3A_296 = vector.extract %parallel_loop3A_295[0] : i32 from vector<1xi32>
      %parallel_loop3A_297 = arith.constant 16 : i32
      %parallel_loop3A_298 = arith.muli %parallel_loop3A_156, %parallel_loop3A_297 : i32
      %parallel_loop3A_299 = arith.constant 6 : i32
      %parallel_loop3A_300 = arith.addi %parallel_loop3A_298, %parallel_loop3A_299 : i32
      %parallel_loop3A_301 = arith.constant 0 : i32
      %parallel_loop3A_302 = tpu.memref_slice %arg8[%parallel_loop3A_300, %parallel_loop3A_301] : memref<128x64xf32, #tpu.memory_space<vmem>> -> memref<1x64xf32, #tpu.memory_space<vmem>>
      %parallel_loop3A_303 = arith.constant 0 : i32
      %parallel_loop3A_304 = tpu.memref_slice %arg3[%parallel_loop3A_296, %parallel_loop3A_303] : memref<1000000x64xf32, #tpu.memory_space<hbm>> -> memref<1x64xf32, #tpu.memory_space<hbm>>
      %parallel_loop3A_305 = arith.constant 0 : i32
      %parallel_loop3A_306 = tpu.memref_slice %arg8[%parallel_loop3A_300, %parallel_loop3A_305] : memref<128x64xf32, #tpu.memory_space<vmem>> -> memref<1x64xf32, #tpu.memory_space<vmem>>
      %parallel_loop3A_307 = arith.constant 0 : i32
      %parallel_loop3A_308 = tpu.memref_slice %arg3[%parallel_loop3A_296, %parallel_loop3A_307] : memref<1000000x64xf32, #tpu.memory_space<hbm>> -> memref<1x64xf32, #tpu.memory_space<hbm>>
      tpu.enqueue_dma source(%parallel_loop3A_308 : memref<1x64xf32, #tpu.memory_space<hbm>>) target(%parallel_loop3A_306 : memref<1x64xf32, #tpu.memory_space<vmem>>) target_semaphore(%arg12 : memref<!tpu.dma_semaphore, #tpu.memory_space<semaphore_mem>>)
      %parallel_loop3A_309 = arith.constant 0 : i32
      %parallel_loop3A_310 = tpu.memref_slice %arg10[%parallel_loop3A_300, %parallel_loop3A_309] : memref<128x64xf32, #tpu.memory_space<vmem>> -> memref<1x64xf32, #tpu.memory_space<vmem>>
      %parallel_loop3A_311 = arith.constant 0 : i32
      %parallel_loop3A_312 = tpu.memref_slice %arg4[%parallel_loop3A_296, %parallel_loop3A_311] : memref<1000000x64xf32, #tpu.memory_space<hbm>> -> memref<1x64xf32, #tpu.memory_space<hbm>>
      %parallel_loop3A_313 = arith.constant 0 : i32
      %parallel_loop3A_314 = tpu.memref_slice %arg10[%parallel_loop3A_300, %parallel_loop3A_313] : memref<128x64xf32, #tpu.memory_space<vmem>> -> memref<1x64xf32, #tpu.memory_space<vmem>>
      %parallel_loop3A_315 = arith.constant 0 : i32
      %parallel_loop3A_316 = tpu.memref_slice %arg4[%parallel_loop3A_296, %parallel_loop3A_315] : memref<1000000x64xf32, #tpu.memory_space<hbm>> -> memref<1x64xf32, #tpu.memory_space<hbm>>
      tpu.enqueue_dma source(%parallel_loop3A_316 : memref<1x64xf32, #tpu.memory_space<hbm>>) target(%parallel_loop3A_314 : memref<1x64xf32, #tpu.memory_space<vmem>>) target_semaphore(%arg12 : memref<!tpu.dma_semaphore, #tpu.memory_space<semaphore_mem>>)
      %parallel_loop3A_317 = vector.extract_strided_slice %parallel_loop3A_162 {offsets = [7], sizes = [1], strides = [1]} : vector<16xi32> to vector<1xi32>
      %parallel_loop3A_318 = vector.extract %parallel_loop3A_317[0] : i32 from vector<1xi32>
      %parallel_loop3A_319 = arith.constant 16 : i32
      %parallel_loop3A_320 = arith.muli %parallel_loop3A_156, %parallel_loop3A_319 : i32
      %parallel_loop3A_321 = arith.constant 7 : i32
      %parallel_loop3A_322 = arith.addi %parallel_loop3A_320, %parallel_loop3A_321 : i32
      %parallel_loop3A_323 = arith.constant 0 : i32
      %parallel_loop3A_324 = tpu.memref_slice %arg8[%parallel_loop3A_322, %parallel_loop3A_323] : memref<128x64xf32, #tpu.memory_space<vmem>> -> memref<1x64xf32, #tpu.memory_space<vmem>>
      %parallel_loop3A_325 = arith.constant 0 : i32
      %parallel_loop3A_326 = tpu.memref_slice %arg3[%parallel_loop3A_318, %parallel_loop3A_325] : memref<1000000x64xf32, #tpu.memory_space<hbm>> -> memref<1x64xf32, #tpu.memory_space<hbm>>
      %parallel_loop3A_327 = arith.constant 0 : i32
      %parallel_loop3A_328 = tpu.memref_slice %arg8[%parallel_loop3A_322, %parallel_loop3A_327] : memref<128x64xf32, #tpu.memory_space<vmem>> -> memref<1x64xf32, #tpu.memory_space<vmem>>
      %parallel_loop3A_329 = arith.constant 0 : i32
      %parallel_loop3A_330 = tpu.memref_slice %arg3[%parallel_loop3A_318, %parallel_loop3A_329] : memref<1000000x64xf32, #tpu.memory_space<hbm>> -> memref<1x64xf32, #tpu.memory_space<hbm>>
      tpu.enqueue_dma source(%parallel_loop3A_330 : memref<1x64xf32, #tpu.memory_space<hbm>>) target(%parallel_loop3A_328 : memref<1x64xf32, #tpu.memory_space<vmem>>) target_semaphore(%arg12 : memref<!tpu.dma_semaphore, #tpu.memory_space<semaphore_mem>>)
      %parallel_loop3A_331 = arith.constant 0 : i32
      %parallel_loop3A_332 = tpu.memref_slice %arg10[%parallel_loop3A_322, %parallel_loop3A_331] : memref<128x64xf32, #tpu.memory_space<vmem>> -> memref<1x64xf32, #tpu.memory_space<vmem>>
      %parallel_loop3A_333 = arith.constant 0 : i32
      %parallel_loop3A_334 = tpu.memref_slice %arg4[%parallel_loop3A_318, %parallel_loop3A_333] : memref<1000000x64xf32, #tpu.memory_space<hbm>> -> memref<1x64xf32, #tpu.memory_space<hbm>>
      %parallel_loop3A_335 = arith.constant 0 : i32
      %parallel_loop3A_336 = tpu.memref_slice %arg10[%parallel_loop3A_322, %parallel_loop3A_335] : memref<128x64xf32, #tpu.memory_space<vmem>> -> memref<1x64xf32, #tpu.memory_space<vmem>>
      %parallel_loop3A_337 = arith.constant 0 : i32
      %parallel_loop3A_338 = tpu.memref_slice %arg4[%parallel_loop3A_318, %parallel_loop3A_337] : memref<1000000x64xf32, #tpu.memory_space<hbm>> -> memref<1x64xf32, #tpu.memory_space<hbm>>
      tpu.enqueue_dma source(%parallel_loop3A_338 : memref<1x64xf32, #tpu.memory_space<hbm>>) target(%parallel_loop3A_336 : memref<1x64xf32, #tpu.memory_space<vmem>>) target_semaphore(%arg12 : memref<!tpu.dma_semaphore, #tpu.memory_space<semaphore_mem>>)
      %parallel_loop3A_339 = vector.extract_strided_slice %parallel_loop3A_162 {offsets = [8], sizes = [1], strides = [1]} : vector<16xi32> to vector<1xi32>
      %parallel_loop3A_340 = vector.extract %parallel_loop3A_339[0] : i32 from vector<1xi32>
      %parallel_loop3A_341 = arith.constant 16 : i32
      %parallel_loop3A_342 = arith.muli %parallel_loop3A_156, %parallel_loop3A_341 : i32
      %parallel_loop3A_343 = arith.constant 8 : i32
      %parallel_loop3A_344 = arith.addi %parallel_loop3A_342, %parallel_loop3A_343 : i32
      %parallel_loop3A_345 = arith.constant 0 : i32
      %parallel_loop3A_346 = tpu.memref_slice %arg8[%parallel_loop3A_344, %parallel_loop3A_345] : memref<128x64xf32, #tpu.memory_space<vmem>> -> memref<1x64xf32, #tpu.memory_space<vmem>>
      %parallel_loop3A_347 = arith.constant 0 : i32
      %parallel_loop3A_348 = tpu.memref_slice %arg3[%parallel_loop3A_340, %parallel_loop3A_347] : memref<1000000x64xf32, #tpu.memory_space<hbm>> -> memref<1x64xf32, #tpu.memory_space<hbm>>
      %parallel_loop3A_349 = arith.constant 0 : i32
      %parallel_loop3A_350 = tpu.memref_slice %arg8[%parallel_loop3A_344, %parallel_loop3A_349] : memref<128x64xf32, #tpu.memory_space<vmem>> -> memref<1x64xf32, #tpu.memory_space<vmem>>
      %parallel_loop3A_351 = arith.constant 0 : i32
      %parallel_loop3A_352 = tpu.memref_slice %arg3[%parallel_loop3A_340, %parallel_loop3A_351] : memref<1000000x64xf32, #tpu.memory_space<hbm>> -> memref<1x64xf32, #tpu.memory_space<hbm>>
      tpu.enqueue_dma source(%parallel_loop3A_352 : memref<1x64xf32, #tpu.memory_space<hbm>>) target(%parallel_loop3A_350 : memref<1x64xf32, #tpu.memory_space<vmem>>) target_semaphore(%arg12 : memref<!tpu.dma_semaphore, #tpu.memory_space<semaphore_mem>>)
      %parallel_loop3A_353 = arith.constant 0 : i32
      %parallel_loop3A_354 = tpu.memref_slice %arg10[%parallel_loop3A_344, %parallel_loop3A_353] : memref<128x64xf32, #tpu.memory_space<vmem>> -> memref<1x64xf32, #tpu.memory_space<vmem>>
      %parallel_loop3A_355 = arith.constant 0 : i32
      %parallel_loop3A_356 = tpu.memref_slice %arg4[%parallel_loop3A_340, %parallel_loop3A_355] : memref<1000000x64xf32, #tpu.memory_space<hbm>> -> memref<1x64xf32, #tpu.memory_space<hbm>>
      %parallel_loop3A_357 = arith.constant 0 : i32
      %parallel_loop3A_358 = tpu.memref_slice %arg10[%parallel_loop3A_344, %parallel_loop3A_357] : memref<128x64xf32, #tpu.memory_space<vmem>> -> memref<1x64xf32, #tpu.memory_space<vmem>>
      %parallel_loop3A_359 = arith.constant 0 : i32
      %parallel_loop3A_360 = tpu.memref_slice %arg4[%parallel_loop3A_340, %parallel_loop3A_359] : memref<1000000x64xf32, #tpu.memory_space<hbm>> -> memref<1x64xf32, #tpu.memory_space<hbm>>
      tpu.enqueue_dma source(%parallel_loop3A_360 : memref<1x64xf32, #tpu.memory_space<hbm>>) target(%parallel_loop3A_358 : memref<1x64xf32, #tpu.memory_space<vmem>>) target_semaphore(%arg12 : memref<!tpu.dma_semaphore, #tpu.memory_space<semaphore_mem>>)
      %parallel_loop3A_361 = vector.extract_strided_slice %parallel_loop3A_162 {offsets = [9], sizes = [1], strides = [1]} : vector<16xi32> to vector<1xi32>
      %parallel_loop3A_362 = vector.extract %parallel_loop3A_361[0] : i32 from vector<1xi32>
      %parallel_loop3A_363 = arith.constant 16 : i32
      %parallel_loop3A_364 = arith.muli %parallel_loop3A_156, %parallel_loop3A_363 : i32
      %parallel_loop3A_365 = arith.constant 9 : i32
      %parallel_loop3A_366 = arith.addi %parallel_loop3A_364, %parallel_loop3A_365 : i32
      %parallel_loop3A_367 = arith.constant 0 : i32
      %parallel_loop3A_368 = tpu.memref_slice %arg8[%parallel_loop3A_366, %parallel_loop3A_367] : memref<128x64xf32, #tpu.memory_space<vmem>> -> memref<1x64xf32, #tpu.memory_space<vmem>>
      %parallel_loop3A_369 = arith.constant 0 : i32
      %parallel_loop3A_370 = tpu.memref_slice %arg3[%parallel_loop3A_362, %parallel_loop3A_369] : memref<1000000x64xf32, #tpu.memory_space<hbm>> -> memref<1x64xf32, #tpu.memory_space<hbm>>
      %parallel_loop3A_371 = arith.constant 0 : i32
      %parallel_loop3A_372 = tpu.memref_slice %arg8[%parallel_loop3A_366, %parallel_loop3A_371] : memref<128x64xf32, #tpu.memory_space<vmem>> -> memref<1x64xf32, #tpu.memory_space<vmem>>
      %parallel_loop3A_373 = arith.constant 0 : i32
      %parallel_loop3A_374 = tpu.memref_slice %arg3[%parallel_loop3A_362, %parallel_loop3A_373] : memref<1000000x64xf32, #tpu.memory_space<hbm>> -> memref<1x64xf32, #tpu.memory_space<hbm>>
      tpu.enqueue_dma source(%parallel_loop3A_374 : memref<1x64xf32, #tpu.memory_space<hbm>>) target(%parallel_loop3A_372 : memref<1x64xf32, #tpu.memory_space<vmem>>) target_semaphore(%arg12 : memref<!tpu.dma_semaphore, #tpu.memory_space<semaphore_mem>>)
      %parallel_loop3A_375 = arith.constant 0 : i32
      %parallel_loop3A_376 = tpu.memref_slice %arg10[%parallel_loop3A_366, %parallel_loop3A_375] : memref<128x64xf32, #tpu.memory_space<vmem>> -> memref<1x64xf32, #tpu.memory_space<vmem>>
      %parallel_loop3A_377 = arith.constant 0 : i32
      %parallel_loop3A_378 = tpu.memref_slice %arg4[%parallel_loop3A_362, %parallel_loop3A_377] : memref<1000000x64xf32, #tpu.memory_space<hbm>> -> memref<1x64xf32, #tpu.memory_space<hbm>>
      %parallel_loop3A_379 = arith.constant 0 : i32
      %parallel_loop3A_380 = tpu.memref_slice %arg10[%parallel_loop3A_366, %parallel_loop3A_379] : memref<128x64xf32, #tpu.memory_space<vmem>> -> memref<1x64xf32, #tpu.memory_space<vmem>>
      %parallel_loop3A_381 = arith.constant 0 : i32
      %parallel_loop3A_382 = tpu.memref_slice %arg4[%parallel_loop3A_362, %parallel_loop3A_381] : memref<1000000x64xf32, #tpu.memory_space<hbm>> -> memref<1x64xf32, #tpu.memory_space<hbm>>
      tpu.enqueue_dma source(%parallel_loop3A_382 : memref<1x64xf32, #tpu.memory_space<hbm>>) target(%parallel_loop3A_380 : memref<1x64xf32, #tpu.memory_space<vmem>>) target_semaphore(%arg12 : memref<!tpu.dma_semaphore, #tpu.memory_space<semaphore_mem>>)
      %parallel_loop3A_383 = vector.extract_strided_slice %parallel_loop3A_162 {offsets = [10], sizes = [1], strides = [1]} : vector<16xi32> to vector<1xi32>
      %parallel_loop3A_384 = vector.extract %parallel_loop3A_383[0] : i32 from vector<1xi32>
      %parallel_loop3A_385 = arith.constant 16 : i32
      %parallel_loop3A_386 = arith.muli %parallel_loop3A_156, %parallel_loop3A_385 : i32
      %parallel_loop3A_387 = arith.constant 10 : i32
      %parallel_loop3A_388 = arith.addi %parallel_loop3A_386, %parallel_loop3A_387 : i32
      %parallel_loop3A_389 = arith.constant 0 : i32
      %parallel_loop3A_390 = tpu.memref_slice %arg8[%parallel_loop3A_388, %parallel_loop3A_389] : memref<128x64xf32, #tpu.memory_space<vmem>> -> memref<1x64xf32, #tpu.memory_space<vmem>>
      %parallel_loop3A_391 = arith.constant 0 : i32
      %parallel_loop3A_392 = tpu.memref_slice %arg3[%parallel_loop3A_384, %parallel_loop3A_391] : memref<1000000x64xf32, #tpu.memory_space<hbm>> -> memref<1x64xf32, #tpu.memory_space<hbm>>
      %parallel_loop3A_393 = arith.constant 0 : i32
      %parallel_loop3A_394 = tpu.memref_slice %arg8[%parallel_loop3A_388, %parallel_loop3A_393] : memref<128x64xf32, #tpu.memory_space<vmem>> -> memref<1x64xf32, #tpu.memory_space<vmem>>
      %parallel_loop3A_395 = arith.constant 0 : i32
      %parallel_loop3A_396 = tpu.memref_slice %arg3[%parallel_loop3A_384, %parallel_loop3A_395] : memref<1000000x64xf32, #tpu.memory_space<hbm>> -> memref<1x64xf32, #tpu.memory_space<hbm>>
      tpu.enqueue_dma source(%parallel_loop3A_396 : memref<1x64xf32, #tpu.memory_space<hbm>>) target(%parallel_loop3A_394 : memref<1x64xf32, #tpu.memory_space<vmem>>) target_semaphore(%arg12 : memref<!tpu.dma_semaphore, #tpu.memory_space<semaphore_mem>>)
      %parallel_loop3A_397 = arith.constant 0 : i32
      %parallel_loop3A_398 = tpu.memref_slice %arg10[%parallel_loop3A_388, %parallel_loop3A_397] : memref<128x64xf32, #tpu.memory_space<vmem>> -> memref<1x64xf32, #tpu.memory_space<vmem>>
      %parallel_loop3A_399 = arith.constant 0 : i32
      %parallel_loop3A_400 = tpu.memref_slice %arg4[%parallel_loop3A_384, %parallel_loop3A_399] : memref<1000000x64xf32, #tpu.memory_space<hbm>> -> memref<1x64xf32, #tpu.memory_space<hbm>>
      %parallel_loop3A_401 = arith.constant 0 : i32
      %parallel_loop3A_402 = tpu.memref_slice %arg10[%parallel_loop3A_388, %parallel_loop3A_401] : memref<128x64xf32, #tpu.memory_space<vmem>> -> memref<1x64xf32, #tpu.memory_space<vmem>>
      %parallel_loop3A_403 = arith.constant 0 : i32
      %parallel_loop3A_404 = tpu.memref_slice %arg4[%parallel_loop3A_384, %parallel_loop3A_403] : memref<1000000x64xf32, #tpu.memory_space<hbm>> -> memref<1x64xf32, #tpu.memory_space<hbm>>
      tpu.enqueue_dma source(%parallel_loop3A_404 : memref<1x64xf32, #tpu.memory_space<hbm>>) target(%parallel_loop3A_402 : memref<1x64xf32, #tpu.memory_space<vmem>>) target_semaphore(%arg12 : memref<!tpu.dma_semaphore, #tpu.memory_space<semaphore_mem>>)
      %parallel_loop3A_405 = vector.extract_strided_slice %parallel_loop3A_162 {offsets = [11], sizes = [1], strides = [1]} : vector<16xi32> to vector<1xi32>
      %parallel_loop3A_406 = vector.extract %parallel_loop3A_405[0] : i32 from vector<1xi32>
      %parallel_loop3A_407 = arith.constant 16 : i32
      %parallel_loop3A_408 = arith.muli %parallel_loop3A_156, %parallel_loop3A_407 : i32
      %parallel_loop3A_409 = arith.constant 11 : i32
      %parallel_loop3A_410 = arith.addi %parallel_loop3A_408, %parallel_loop3A_409 : i32
      %parallel_loop3A_411 = arith.constant 0 : i32
      %parallel_loop3A_412 = tpu.memref_slice %arg8[%parallel_loop3A_410, %parallel_loop3A_411] : memref<128x64xf32, #tpu.memory_space<vmem>> -> memref<1x64xf32, #tpu.memory_space<vmem>>
      %parallel_loop3A_413 = arith.constant 0 : i32
      %parallel_loop3A_414 = tpu.memref_slice %arg3[%parallel_loop3A_406, %parallel_loop3A_413] : memref<1000000x64xf32, #tpu.memory_space<hbm>> -> memref<1x64xf32, #tpu.memory_space<hbm>>
      %parallel_loop3A_415 = arith.constant 0 : i32
      %parallel_loop3A_416 = tpu.memref_slice %arg8[%parallel_loop3A_410, %parallel_loop3A_415] : memref<128x64xf32, #tpu.memory_space<vmem>> -> memref<1x64xf32, #tpu.memory_space<vmem>>
      %parallel_loop3A_417 = arith.constant 0 : i32
      %parallel_loop3A_418 = tpu.memref_slice %arg3[%parallel_loop3A_406, %parallel_loop3A_417] : memref<1000000x64xf32, #tpu.memory_space<hbm>> -> memref<1x64xf32, #tpu.memory_space<hbm>>
      tpu.enqueue_dma source(%parallel_loop3A_418 : memref<1x64xf32, #tpu.memory_space<hbm>>) target(%parallel_loop3A_416 : memref<1x64xf32, #tpu.memory_space<vmem>>) target_semaphore(%arg12 : memref<!tpu.dma_semaphore, #tpu.memory_space<semaphore_mem>>)
      %parallel_loop3A_419 = arith.constant 0 : i32
      %parallel_loop3A_420 = tpu.memref_slice %arg10[%parallel_loop3A_410, %parallel_loop3A_419] : memref<128x64xf32, #tpu.memory_space<vmem>> -> memref<1x64xf32, #tpu.memory_space<vmem>>
      %parallel_loop3A_421 = arith.constant 0 : i32
      %parallel_loop3A_422 = tpu.memref_slice %arg4[%parallel_loop3A_406, %parallel_loop3A_421] : memref<1000000x64xf32, #tpu.memory_space<hbm>> -> memref<1x64xf32, #tpu.memory_space<hbm>>
      %parallel_loop3A_423 = arith.constant 0 : i32
      %parallel_loop3A_424 = tpu.memref_slice %arg10[%parallel_loop3A_410, %parallel_loop3A_423] : memref<128x64xf32, #tpu.memory_space<vmem>> -> memref<1x64xf32, #tpu.memory_space<vmem>>
      %parallel_loop3A_425 = arith.constant 0 : i32
      %parallel_loop3A_426 = tpu.memref_slice %arg4[%parallel_loop3A_406, %parallel_loop3A_425] : memref<1000000x64xf32, #tpu.memory_space<hbm>> -> memref<1x64xf32, #tpu.memory_space<hbm>>
      tpu.enqueue_dma source(%parallel_loop3A_426 : memref<1x64xf32, #tpu.memory_space<hbm>>) target(%parallel_loop3A_424 : memref<1x64xf32, #tpu.memory_space<vmem>>) target_semaphore(%arg12 : memref<!tpu.dma_semaphore, #tpu.memory_space<semaphore_mem>>)
      %parallel_loop3A_427 = vector.extract_strided_slice %parallel_loop3A_162 {offsets = [12], sizes = [1], strides = [1]} : vector<16xi32> to vector<1xi32>
      %parallel_loop3A_428 = vector.extract %parallel_loop3A_427[0] : i32 from vector<1xi32>
      %parallel_loop3A_429 = arith.constant 16 : i32
      %parallel_loop3A_430 = arith.muli %parallel_loop3A_156, %parallel_loop3A_429 : i32
      %parallel_loop3A_431 = arith.constant 12 : i32
      %parallel_loop3A_432 = arith.addi %parallel_loop3A_430, %parallel_loop3A_431 : i32
      %parallel_loop3A_433 = arith.constant 0 : i32
      %parallel_loop3A_434 = tpu.memref_slice %arg8[%parallel_loop3A_432, %parallel_loop3A_433] : memref<128x64xf32, #tpu.memory_space<vmem>> -> memref<1x64xf32, #tpu.memory_space<vmem>>
      %parallel_loop3A_435 = arith.constant 0 : i32
      %parallel_loop3A_436 = tpu.memref_slice %arg3[%parallel_loop3A_428, %parallel_loop3A_435] : memref<1000000x64xf32, #tpu.memory_space<hbm>> -> memref<1x64xf32, #tpu.memory_space<hbm>>
      %parallel_loop3A_437 = arith.constant 0 : i32
      %parallel_loop3A_438 = tpu.memref_slice %arg8[%parallel_loop3A_432, %parallel_loop3A_437] : memref<128x64xf32, #tpu.memory_space<vmem>> -> memref<1x64xf32, #tpu.memory_space<vmem>>
      %parallel_loop3A_439 = arith.constant 0 : i32
      %parallel_loop3A_440 = tpu.memref_slice %arg3[%parallel_loop3A_428, %parallel_loop3A_439] : memref<1000000x64xf32, #tpu.memory_space<hbm>> -> memref<1x64xf32, #tpu.memory_space<hbm>>
      tpu.enqueue_dma source(%parallel_loop3A_440 : memref<1x64xf32, #tpu.memory_space<hbm>>) target(%parallel_loop3A_438 : memref<1x64xf32, #tpu.memory_space<vmem>>) target_semaphore(%arg12 : memref<!tpu.dma_semaphore, #tpu.memory_space<semaphore_mem>>)
      %parallel_loop3A_441 = arith.constant 0 : i32
      %parallel_loop3A_442 = tpu.memref_slice %arg10[%parallel_loop3A_432, %parallel_loop3A_441] : memref<128x64xf32, #tpu.memory_space<vmem>> -> memref<1x64xf32, #tpu.memory_space<vmem>>
      %parallel_loop3A_443 = arith.constant 0 : i32
      %parallel_loop3A_444 = tpu.memref_slice %arg4[%parallel_loop3A_428, %parallel_loop3A_443] : memref<1000000x64xf32, #tpu.memory_space<hbm>> -> memref<1x64xf32, #tpu.memory_space<hbm>>
      %parallel_loop3A_445 = arith.constant 0 : i32
      %parallel_loop3A_446 = tpu.memref_slice %arg10[%parallel_loop3A_432, %parallel_loop3A_445] : memref<128x64xf32, #tpu.memory_space<vmem>> -> memref<1x64xf32, #tpu.memory_space<vmem>>
      %parallel_loop3A_447 = arith.constant 0 : i32
      %parallel_loop3A_448 = tpu.memref_slice %arg4[%parallel_loop3A_428, %parallel_loop3A_447] : memref<1000000x64xf32, #tpu.memory_space<hbm>> -> memref<1x64xf32, #tpu.memory_space<hbm>>
      tpu.enqueue_dma source(%parallel_loop3A_448 : memref<1x64xf32, #tpu.memory_space<hbm>>) target(%parallel_loop3A_446 : memref<1x64xf32, #tpu.memory_space<vmem>>) target_semaphore(%arg12 : memref<!tpu.dma_semaphore, #tpu.memory_space<semaphore_mem>>)
      %parallel_loop3A_449 = vector.extract_strided_slice %parallel_loop3A_162 {offsets = [13], sizes = [1], strides = [1]} : vector<16xi32> to vector<1xi32>
      %parallel_loop3A_450 = vector.extract %parallel_loop3A_449[0] : i32 from vector<1xi32>
      %parallel_loop3A_451 = arith.constant 16 : i32
      %parallel_loop3A_452 = arith.muli %parallel_loop3A_156, %parallel_loop3A_451 : i32
      %parallel_loop3A_453 = arith.constant 13 : i32
      %parallel_loop3A_454 = arith.addi %parallel_loop3A_452, %parallel_loop3A_453 : i32
      %parallel_loop3A_455 = arith.constant 0 : i32
      %parallel_loop3A_456 = tpu.memref_slice %arg8[%parallel_loop3A_454, %parallel_loop3A_455] : memref<128x64xf32, #tpu.memory_space<vmem>> -> memref<1x64xf32, #tpu.memory_space<vmem>>
      %parallel_loop3A_457 = arith.constant 0 : i32
      %parallel_loop3A_458 = tpu.memref_slice %arg3[%parallel_loop3A_450, %parallel_loop3A_457] : memref<1000000x64xf32, #tpu.memory_space<hbm>> -> memref<1x64xf32, #tpu.memory_space<hbm>>
      %parallel_loop3A_459 = arith.constant 0 : i32
      %parallel_loop3A_460 = tpu.memref_slice %arg8[%parallel_loop3A_454, %parallel_loop3A_459] : memref<128x64xf32, #tpu.memory_space<vmem>> -> memref<1x64xf32, #tpu.memory_space<vmem>>
      %parallel_loop3A_461 = arith.constant 0 : i32
      %parallel_loop3A_462 = tpu.memref_slice %arg3[%parallel_loop3A_450, %parallel_loop3A_461] : memref<1000000x64xf32, #tpu.memory_space<hbm>> -> memref<1x64xf32, #tpu.memory_space<hbm>>
      tpu.enqueue_dma source(%parallel_loop3A_462 : memref<1x64xf32, #tpu.memory_space<hbm>>) target(%parallel_loop3A_460 : memref<1x64xf32, #tpu.memory_space<vmem>>) target_semaphore(%arg12 : memref<!tpu.dma_semaphore, #tpu.memory_space<semaphore_mem>>)
      %parallel_loop3A_463 = arith.constant 0 : i32
      %parallel_loop3A_464 = tpu.memref_slice %arg10[%parallel_loop3A_454, %parallel_loop3A_463] : memref<128x64xf32, #tpu.memory_space<vmem>> -> memref<1x64xf32, #tpu.memory_space<vmem>>
      %parallel_loop3A_465 = arith.constant 0 : i32
      %parallel_loop3A_466 = tpu.memref_slice %arg4[%parallel_loop3A_450, %parallel_loop3A_465] : memref<1000000x64xf32, #tpu.memory_space<hbm>> -> memref<1x64xf32, #tpu.memory_space<hbm>>
      %parallel_loop3A_467 = arith.constant 0 : i32
      %parallel_loop3A_468 = tpu.memref_slice %arg10[%parallel_loop3A_454, %parallel_loop3A_467] : memref<128x64xf32, #tpu.memory_space<vmem>> -> memref<1x64xf32, #tpu.memory_space<vmem>>
      %parallel_loop3A_469 = arith.constant 0 : i32
      %parallel_loop3A_470 = tpu.memref_slice %arg4[%parallel_loop3A_450, %parallel_loop3A_469] : memref<1000000x64xf32, #tpu.memory_space<hbm>> -> memref<1x64xf32, #tpu.memory_space<hbm>>
      tpu.enqueue_dma source(%parallel_loop3A_470 : memref<1x64xf32, #tpu.memory_space<hbm>>) target(%parallel_loop3A_468 : memref<1x64xf32, #tpu.memory_space<vmem>>) target_semaphore(%arg12 : memref<!tpu.dma_semaphore, #tpu.memory_space<semaphore_mem>>)
      %parallel_loop3A_471 = vector.extract_strided_slice %parallel_loop3A_162 {offsets = [14], sizes = [1], strides = [1]} : vector<16xi32> to vector<1xi32>
      %parallel_loop3A_472 = vector.extract %parallel_loop3A_471[0] : i32 from vector<1xi32>
      %parallel_loop3A_473 = arith.constant 16 : i32
      %parallel_loop3A_474 = arith.muli %parallel_loop3A_156, %parallel_loop3A_473 : i32
      %parallel_loop3A_475 = arith.constant 14 : i32
      %parallel_loop3A_476 = arith.addi %parallel_loop3A_474, %parallel_loop3A_475 : i32
      %parallel_loop3A_477 = arith.constant 0 : i32
      %parallel_loop3A_478 = tpu.memref_slice %arg8[%parallel_loop3A_476, %parallel_loop3A_477] : memref<128x64xf32, #tpu.memory_space<vmem>> -> memref<1x64xf32, #tpu.memory_space<vmem>>
      %parallel_loop3A_479 = arith.constant 0 : i32
      %parallel_loop3A_480 = tpu.memref_slice %arg3[%parallel_loop3A_472, %parallel_loop3A_479] : memref<1000000x64xf32, #tpu.memory_space<hbm>> -> memref<1x64xf32, #tpu.memory_space<hbm>>
      %parallel_loop3A_481 = arith.constant 0 : i32
      %parallel_loop3A_482 = tpu.memref_slice %arg8[%parallel_loop3A_476, %parallel_loop3A_481] : memref<128x64xf32, #tpu.memory_space<vmem>> -> memref<1x64xf32, #tpu.memory_space<vmem>>
      %parallel_loop3A_483 = arith.constant 0 : i32
      %parallel_loop3A_484 = tpu.memref_slice %arg3[%parallel_loop3A_472, %parallel_loop3A_483] : memref<1000000x64xf32, #tpu.memory_space<hbm>> -> memref<1x64xf32, #tpu.memory_space<hbm>>
      tpu.enqueue_dma source(%parallel_loop3A_484 : memref<1x64xf32, #tpu.memory_space<hbm>>) target(%parallel_loop3A_482 : memref<1x64xf32, #tpu.memory_space<vmem>>) target_semaphore(%arg12 : memref<!tpu.dma_semaphore, #tpu.memory_space<semaphore_mem>>)
      %parallel_loop3A_485 = arith.constant 0 : i32
      %parallel_loop3A_486 = tpu.memref_slice %arg10[%parallel_loop3A_476, %parallel_loop3A_485] : memref<128x64xf32, #tpu.memory_space<vmem>> -> memref<1x64xf32, #tpu.memory_space<vmem>>
      %parallel_loop3A_487 = arith.constant 0 : i32
      %parallel_loop3A_488 = tpu.memref_slice %arg4[%parallel_loop3A_472, %parallel_loop3A_487] : memref<1000000x64xf32, #tpu.memory_space<hbm>> -> memref<1x64xf32, #tpu.memory_space<hbm>>
      %parallel_loop3A_489 = arith.constant 0 : i32
      %parallel_loop3A_490 = tpu.memref_slice %arg10[%parallel_loop3A_476, %parallel_loop3A_489] : memref<128x64xf32, #tpu.memory_space<vmem>> -> memref<1x64xf32, #tpu.memory_space<vmem>>
      %parallel_loop3A_491 = arith.constant 0 : i32
      %parallel_loop3A_492 = tpu.memref_slice %arg4[%parallel_loop3A_472, %parallel_loop3A_491] : memref<1000000x64xf32, #tpu.memory_space<hbm>> -> memref<1x64xf32, #tpu.memory_space<hbm>>
      tpu.enqueue_dma source(%parallel_loop3A_492 : memref<1x64xf32, #tpu.memory_space<hbm>>) target(%parallel_loop3A_490 : memref<1x64xf32, #tpu.memory_space<vmem>>) target_semaphore(%arg12 : memref<!tpu.dma_semaphore, #tpu.memory_space<semaphore_mem>>)
      %parallel_loop3A_493 = vector.extract_strided_slice %parallel_loop3A_162 {offsets = [15], sizes = [1], strides = [1]} : vector<16xi32> to vector<1xi32>
      %parallel_loop3A_494 = vector.extract %parallel_loop3A_493[0] : i32 from vector<1xi32>
      %parallel_loop3A_495 = arith.constant 16 : i32
      %parallel_loop3A_496 = arith.muli %parallel_loop3A_156, %parallel_loop3A_495 : i32
      %parallel_loop3A_497 = arith.constant 15 : i32
      %parallel_loop3A_498 = arith.addi %parallel_loop3A_496, %parallel_loop3A_497 : i32
      %parallel_loop3A_499 = arith.constant 0 : i32
      %parallel_loop3A_500 = tpu.memref_slice %arg8[%parallel_loop3A_498, %parallel_loop3A_499] : memref<128x64xf32, #tpu.memory_space<vmem>> -> memref<1x64xf32, #tpu.memory_space<vmem>>
      %parallel_loop3A_501 = arith.constant 0 : i32
      %parallel_loop3A_502 = tpu.memref_slice %arg3[%parallel_loop3A_494, %parallel_loop3A_501] : memref<1000000x64xf32, #tpu.memory_space<hbm>> -> memref<1x64xf32, #tpu.memory_space<hbm>>
      %parallel_loop3A_503 = arith.constant 0 : i32
      %parallel_loop3A_504 = tpu.memref_slice %arg8[%parallel_loop3A_498, %parallel_loop3A_503] : memref<128x64xf32, #tpu.memory_space<vmem>> -> memref<1x64xf32, #tpu.memory_space<vmem>>
      %parallel_loop3A_505 = arith.constant 0 : i32
      %parallel_loop3A_506 = tpu.memref_slice %arg3[%parallel_loop3A_494, %parallel_loop3A_505] : memref<1000000x64xf32, #tpu.memory_space<hbm>> -> memref<1x64xf32, #tpu.memory_space<hbm>>
      tpu.enqueue_dma source(%parallel_loop3A_506 : memref<1x64xf32, #tpu.memory_space<hbm>>) target(%parallel_loop3A_504 : memref<1x64xf32, #tpu.memory_space<vmem>>) target_semaphore(%arg12 : memref<!tpu.dma_semaphore, #tpu.memory_space<semaphore_mem>>)
      %parallel_loop3A_507 = arith.constant 0 : i32
      %parallel_loop3A_508 = tpu.memref_slice %arg10[%parallel_loop3A_498, %parallel_loop3A_507] : memref<128x64xf32, #tpu.memory_space<vmem>> -> memref<1x64xf32, #tpu.memory_space<vmem>>
      %parallel_loop3A_509 = arith.constant 0 : i32
      %parallel_loop3A_510 = tpu.memref_slice %arg4[%parallel_loop3A_494, %parallel_loop3A_509] : memref<1000000x64xf32, #tpu.memory_space<hbm>> -> memref<1x64xf32, #tpu.memory_space<hbm>>
      %parallel_loop3A_511 = arith.constant 0 : i32
      %parallel_loop3A_512 = tpu.memref_slice %arg10[%parallel_loop3A_498, %parallel_loop3A_511] : memref<128x64xf32, #tpu.memory_space<vmem>> -> memref<1x64xf32, #tpu.memory_space<vmem>>
      %parallel_loop3A_513 = arith.constant 0 : i32
      %parallel_loop3A_514 = tpu.memref_slice %arg4[%parallel_loop3A_494, %parallel_loop3A_513] : memref<1000000x64xf32, #tpu.memory_space<hbm>> -> memref<1x64xf32, #tpu.memory_space<hbm>>
      tpu.enqueue_dma source(%parallel_loop3A_514 : memref<1x64xf32, #tpu.memory_space<hbm>>) target(%parallel_loop3A_512 : memref<1x64xf32, #tpu.memory_space<vmem>>) target_semaphore(%arg12 : memref<!tpu.dma_semaphore, #tpu.memory_space<semaphore_mem>>)
    } {sc.loop_unroll_factor = 4 : i64, sc.parallel_access}
    %dma_wait3A_45 = arith.constant 0 : i32
    %dma_wait3A_46 = arith.constant 0 : i32
    %dma_wait3A_47 = tpu.memref_slice %arg3[%dma_wait3A_45, %dma_wait3A_46] : memref<1000000x64xf32, #tpu.memory_space<hbm>> -> memref<128x64xf32, #tpu.memory_space<hbm>>
    %dma_wait3A_48 = arith.constant 0 : i32
    %dma_wait3A_49 = arith.constant 0 : i32
    %dma_wait3A_50 = tpu.memref_slice %arg3[%dma_wait3A_48, %dma_wait3A_49] : memref<1000000x64xf32, #tpu.memory_space<hbm>> -> memref<128x64xf32, #tpu.memory_space<hbm>>
    tpu.wait_dma2 semaphore(%arg13 : memref<!tpu.dma_semaphore, #tpu.memory_space<semaphore_mem>>) src(%dma_wait3A_50 : memref<128x64xf32, #tpu.memory_space<hbm>>) dst(%arg9 : memref<128x64xf32, #tpu.memory_space<vmem>>)
    %dma_wait3A_51 = arith.constant 0 : i32
    %dma_wait3A_52 = arith.constant 0 : i32
    %dma_wait3A_53 = tpu.memref_slice %arg4[%dma_wait3A_51, %dma_wait3A_52] : memref<1000000x64xf32, #tpu.memory_space<hbm>> -> memref<128x64xf32, #tpu.memory_space<hbm>>
    %dma_wait3A_54 = arith.constant 0 : i32
    %dma_wait3A_55 = arith.constant 0 : i32
    %dma_wait3A_56 = tpu.memref_slice %arg4[%dma_wait3A_54, %dma_wait3A_55] : memref<1000000x64xf32, #tpu.memory_space<hbm>> -> memref<128x64xf32, #tpu.memory_space<hbm>>
    tpu.wait_dma2 semaphore(%arg13 : memref<!tpu.dma_semaphore, #tpu.memory_space<semaphore_mem>>) src(%dma_wait3A_56 : memref<128x64xf32, #tpu.memory_space<hbm>>) dst(%arg11 : memref<128x64xf32, #tpu.memory_space<vmem>>)
    %add3A_57 = arith.constant 128 : i32
    %add3A_58 = arith.addi %mul3A_2, %add3A_57 : i32
    %dma_start3A_59 = arith.constant 0 : i32
    %dma_start3A_60 = tpu.memref_slice %arg5[%add3A_58, %dma_start3A_59] : memref<16384x64xf32, #tpu.memory_space<hbm>> -> memref<128x64xf32, #tpu.memory_space<hbm>>
    %dma_start3A_61 = arith.constant 0 : i32
    %dma_start3A_62 = tpu.memref_slice %arg5[%add3A_58, %dma_start3A_61] : memref<16384x64xf32, #tpu.memory_space<hbm>> -> memref<128x64xf32, #tpu.memory_space<hbm>>
    tpu.enqueue_dma source(%arg9 : memref<128x64xf32, #tpu.memory_space<vmem>>) target(%dma_start3A_62 : memref<128x64xf32, #tpu.memory_space<hbm>>) target_semaphore(%arg15 : memref<!tpu.dma_semaphore, #tpu.memory_space<semaphore_mem>>)
    %add3A_63 = arith.constant 128 : i32
    %add3A_64 = arith.addi %mul3A_2, %add3A_63 : i32
    %dma_start3A_65 = arith.constant 0 : i32
    %dma_start3A_66 = tpu.memref_slice %arg6[%add3A_64, %dma_start3A_65] : memref<16384x64xf32, #tpu.memory_space<hbm>> -> memref<128x64xf32, #tpu.memory_space<hbm>>
    %dma_start3A_67 = arith.constant 0 : i32
    %dma_start3A_68 = tpu.memref_slice %arg6[%add3A_64, %dma_start3A_67] : memref<16384x64xf32, #tpu.memory_space<hbm>> -> memref<128x64xf32, #tpu.memory_space<hbm>>
    tpu.enqueue_dma source(%arg11 : memref<128x64xf32, #tpu.memory_space<vmem>>) target(%dma_start3A_68 : memref<128x64xf32, #tpu.memory_space<hbm>>) target_semaphore(%arg17 : memref<!tpu.dma_semaphore, #tpu.memory_space<semaphore_mem>>)
    %dma_wait3A_69 = arith.constant 0 : i32
    %dma_wait3A_70 = arith.constant 0 : i32
    %dma_wait3A_71 = tpu.memref_slice %arg5[%dma_wait3A_69, %dma_wait3A_70] : memref<16384x64xf32, #tpu.memory_space<hbm>> -> memref<128x64xf32, #tpu.memory_space<hbm>>
    %dma_wait3A_72 = arith.constant 0 : i32
    %dma_wait3A_73 = arith.constant 0 : i32
    %dma_wait3A_74 = tpu.memref_slice %arg5[%dma_wait3A_72, %dma_wait3A_73] : memref<16384x64xf32, #tpu.memory_space<hbm>> -> memref<128x64xf32, #tpu.memory_space<hbm>>
    tpu.wait_dma2 semaphore(%arg15 : memref<!tpu.dma_semaphore, #tpu.memory_space<semaphore_mem>>) src(%arg9 : memref<128x64xf32, #tpu.memory_space<vmem>>) dst(%dma_wait3A_74 : memref<128x64xf32, #tpu.memory_space<hbm>>)
    %dma_wait3A_75 = arith.constant 0 : i32
    %dma_wait3A_76 = arith.constant 0 : i32
    %dma_wait3A_77 = tpu.memref_slice %arg6[%dma_wait3A_75, %dma_wait3A_76] : memref<16384x64xf32, #tpu.memory_space<hbm>> -> memref<128x64xf32, #tpu.memory_space<hbm>>
    %dma_wait3A_78 = arith.constant 0 : i32
    %dma_wait3A_79 = arith.constant 0 : i32
    %dma_wait3A_80 = tpu.memref_slice %arg6[%dma_wait3A_78, %dma_wait3A_79] : memref<16384x64xf32, #tpu.memory_space<hbm>> -> memref<128x64xf32, #tpu.memory_space<hbm>>
    tpu.wait_dma2 semaphore(%arg17 : memref<!tpu.dma_semaphore, #tpu.memory_space<semaphore_mem>>) src(%arg11 : memref<128x64xf32, #tpu.memory_space<vmem>>) dst(%dma_wait3A_80 : memref<128x64xf32, #tpu.memory_space<hbm>>)
    %parallel_loop3A_81 = arith.constant 0 : i32
    %parallel_loop3A_82 = arith.constant 8 : i32
    %parallel_loop3A_83 = arith.constant 1 : i32
    scf.for %parallel_loop3A_156 = %parallel_loop3A_81 to %parallel_loop3A_82 step %parallel_loop3A_83  : i32 {
      %parallel_loop3A_157 = arith.constant 16 : i32
      %parallel_loop3A_158 = arith.muli %parallel_loop3A_156, %parallel_loop3A_157 : i32
      %parallel_loop3A_159 = arith.constant 384 : i32
      %parallel_loop3A_160 = arith.addi %parallel_loop3A_159, %parallel_loop3A_158 : i32
      %parallel_loop3A_161 = arith.index_cast %parallel_loop3A_160 : i32 to index
      %parallel_loop3A_162 = tpu.vector_load %arg7[%parallel_loop3A_161] {strides = array<i32>} : memref<512xi32, #tpu.memory_space<vmem>>, vector<16xi32>,
      %parallel_loop3A_163 = vector.extract_strided_slice %parallel_loop3A_162 {offsets = [0], sizes = [1], strides = [1]} : vector<16xi32> to vector<1xi32>
      %parallel_loop3A_164 = vector.extract %parallel_loop3A_163[0] : i32 from vector<1xi32>
      %parallel_loop3A_165 = arith.constant 16 : i32
      %parallel_loop3A_166 = arith.muli %parallel_loop3A_156, %parallel_loop3A_165 : i32
      %parallel_loop3A_167 = arith.constant 0 : i32
      %parallel_loop3A_168 = arith.addi %parallel_loop3A_166, %parallel_loop3A_167 : i32
      %parallel_loop3A_169 = arith.constant 0 : i32
      %parallel_loop3A_170 = tpu.memref_slice %arg9[%parallel_loop3A_168, %parallel_loop3A_169] : memref<128x64xf32, #tpu.memory_space<vmem>> -> memref<1x64xf32, #tpu.memory_space<vmem>>
      %parallel_loop3A_171 = arith.constant 0 : i32
      %parallel_loop3A_172 = tpu.memref_slice %arg3[%parallel_loop3A_164, %parallel_loop3A_171] : memref<1000000x64xf32, #tpu.memory_space<hbm>> -> memref<1x64xf32, #tpu.memory_space<hbm>>
      %parallel_loop3A_173 = arith.constant 0 : i32
      %parallel_loop3A_174 = tpu.memref_slice %arg9[%parallel_loop3A_168, %parallel_loop3A_173] : memref<128x64xf32, #tpu.memory_space<vmem>> -> memref<1x64xf32, #tpu.memory_space<vmem>>
      %parallel_loop3A_175 = arith.constant 0 : i32
      %parallel_loop3A_176 = tpu.memref_slice %arg3[%parallel_loop3A_164, %parallel_loop3A_175] : memref<1000000x64xf32, #tpu.memory_space<hbm>> -> memref<1x64xf32, #tpu.memory_space<hbm>>
      tpu.enqueue_dma source(%parallel_loop3A_176 : memref<1x64xf32, #tpu.memory_space<hbm>>) target(%parallel_loop3A_174 : memref<1x64xf32, #tpu.memory_space<vmem>>) target_semaphore(%arg13 : memref<!tpu.dma_semaphore, #tpu.memory_space<semaphore_mem>>)
      %parallel_loop3A_177 = arith.constant 0 : i32
      %parallel_loop3A_178 = tpu.memref_slice %arg11[%parallel_loop3A_168, %parallel_loop3A_177] : memref<128x64xf32, #tpu.memory_space<vmem>> -> memref<1x64xf32, #tpu.memory_space<vmem>>
      %parallel_loop3A_179 = arith.constant 0 : i32
      %parallel_loop3A_180 = tpu.memref_slice %arg4[%parallel_loop3A_164, %parallel_loop3A_179] : memref<1000000x64xf32, #tpu.memory_space<hbm>> -> memref<1x64xf32, #tpu.memory_space<hbm>>
      %parallel_loop3A_181 = arith.constant 0 : i32
      %parallel_loop3A_182 = tpu.memref_slice %arg11[%parallel_loop3A_168, %parallel_loop3A_181] : memref<128x64xf32, #tpu.memory_space<vmem>> -> memref<1x64xf32, #tpu.memory_space<vmem>>
      %parallel_loop3A_183 = arith.constant 0 : i32
      %parallel_loop3A_184 = tpu.memref_slice %arg4[%parallel_loop3A_164, %parallel_loop3A_183] : memref<1000000x64xf32, #tpu.memory_space<hbm>> -> memref<1x64xf32, #tpu.memory_space<hbm>>
      tpu.enqueue_dma source(%parallel_loop3A_184 : memref<1x64xf32, #tpu.memory_space<hbm>>) target(%parallel_loop3A_182 : memref<1x64xf32, #tpu.memory_space<vmem>>) target_semaphore(%arg13 : memref<!tpu.dma_semaphore, #tpu.memory_space<semaphore_mem>>)
      %parallel_loop3A_185 = vector.extract_strided_slice %parallel_loop3A_162 {offsets = [1], sizes = [1], strides = [1]} : vector<16xi32> to vector<1xi32>
      %parallel_loop3A_186 = vector.extract %parallel_loop3A_185[0] : i32 from vector<1xi32>
      %parallel_loop3A_187 = arith.constant 16 : i32
      %parallel_loop3A_188 = arith.muli %parallel_loop3A_156, %parallel_loop3A_187 : i32
      %parallel_loop3A_189 = arith.constant 1 : i32
      %parallel_loop3A_190 = arith.addi %parallel_loop3A_188, %parallel_loop3A_189 : i32
      %parallel_loop3A_191 = arith.constant 0 : i32
      %parallel_loop3A_192 = tpu.memref_slice %arg9[%parallel_loop3A_190, %parallel_loop3A_191] : memref<128x64xf32, #tpu.memory_space<vmem>> -> memref<1x64xf32, #tpu.memory_space<vmem>>
      %parallel_loop3A_193 = arith.constant 0 : i32
      %parallel_loop3A_194 = tpu.memref_slice %arg3[%parallel_loop3A_186, %parallel_loop3A_193] : memref<1000000x64xf32, #tpu.memory_space<hbm>> -> memref<1x64xf32, #tpu.memory_space<hbm>>
      %parallel_loop3A_195 = arith.constant 0 : i32
      %parallel_loop3A_196 = tpu.memref_slice %arg9[%parallel_loop3A_190, %parallel_loop3A_195] : memref<128x64xf32, #tpu.memory_space<vmem>> -> memref<1x64xf32, #tpu.memory_space<vmem>>
      %parallel_loop3A_197 = arith.constant 0 : i32
      %parallel_loop3A_198 = tpu.memref_slice %arg3[%parallel_loop3A_186, %parallel_loop3A_197] : memref<1000000x64xf32, #tpu.memory_space<hbm>> -> memref<1x64xf32, #tpu.memory_space<hbm>>
      tpu.enqueue_dma source(%parallel_loop3A_198 : memref<1x64xf32, #tpu.memory_space<hbm>>) target(%parallel_loop3A_196 : memref<1x64xf32, #tpu.memory_space<vmem>>) target_semaphore(%arg13 : memref<!tpu.dma_semaphore, #tpu.memory_space<semaphore_mem>>)
      %parallel_loop3A_199 = arith.constant 0 : i32
      %parallel_loop3A_200 = tpu.memref_slice %arg11[%parallel_loop3A_190, %parallel_loop3A_199] : memref<128x64xf32, #tpu.memory_space<vmem>> -> memref<1x64xf32, #tpu.memory_space<vmem>>
      %parallel_loop3A_201 = arith.constant 0 : i32
      %parallel_loop3A_202 = tpu.memref_slice %arg4[%parallel_loop3A_186, %parallel_loop3A_201] : memref<1000000x64xf32, #tpu.memory_space<hbm>> -> memref<1x64xf32, #tpu.memory_space<hbm>>
      %parallel_loop3A_203 = arith.constant 0 : i32
      %parallel_loop3A_204 = tpu.memref_slice %arg11[%parallel_loop3A_190, %parallel_loop3A_203] : memref<128x64xf32, #tpu.memory_space<vmem>> -> memref<1x64xf32, #tpu.memory_space<vmem>>
      %parallel_loop3A_205 = arith.constant 0 : i32
      %parallel_loop3A_206 = tpu.memref_slice %arg4[%parallel_loop3A_186, %parallel_loop3A_205] : memref<1000000x64xf32, #tpu.memory_space<hbm>> -> memref<1x64xf32, #tpu.memory_space<hbm>>
      tpu.enqueue_dma source(%parallel_loop3A_206 : memref<1x64xf32, #tpu.memory_space<hbm>>) target(%parallel_loop3A_204 : memref<1x64xf32, #tpu.memory_space<vmem>>) target_semaphore(%arg13 : memref<!tpu.dma_semaphore, #tpu.memory_space<semaphore_mem>>)
      %parallel_loop3A_207 = vector.extract_strided_slice %parallel_loop3A_162 {offsets = [2], sizes = [1], strides = [1]} : vector<16xi32> to vector<1xi32>
      %parallel_loop3A_208 = vector.extract %parallel_loop3A_207[0] : i32 from vector<1xi32>
      %parallel_loop3A_209 = arith.constant 16 : i32
      %parallel_loop3A_210 = arith.muli %parallel_loop3A_156, %parallel_loop3A_209 : i32
      %parallel_loop3A_211 = arith.constant 2 : i32
      %parallel_loop3A_212 = arith.addi %parallel_loop3A_210, %parallel_loop3A_211 : i32
      %parallel_loop3A_213 = arith.constant 0 : i32
      %parallel_loop3A_214 = tpu.memref_slice %arg9[%parallel_loop3A_212, %parallel_loop3A_213] : memref<128x64xf32, #tpu.memory_space<vmem>> -> memref<1x64xf32, #tpu.memory_space<vmem>>
      %parallel_loop3A_215 = arith.constant 0 : i32
      %parallel_loop3A_216 = tpu.memref_slice %arg3[%parallel_loop3A_208, %parallel_loop3A_215] : memref<1000000x64xf32, #tpu.memory_space<hbm>> -> memref<1x64xf32, #tpu.memory_space<hbm>>
      %parallel_loop3A_217 = arith.constant 0 : i32
      %parallel_loop3A_218 = tpu.memref_slice %arg9[%parallel_loop3A_212, %parallel_loop3A_217] : memref<128x64xf32, #tpu.memory_space<vmem>> -> memref<1x64xf32, #tpu.memory_space<vmem>>
      %parallel_loop3A_219 = arith.constant 0 : i32
      %parallel_loop3A_220 = tpu.memref_slice %arg3[%parallel_loop3A_208, %parallel_loop3A_219] : memref<1000000x64xf32, #tpu.memory_space<hbm>> -> memref<1x64xf32, #tpu.memory_space<hbm>>
      tpu.enqueue_dma source(%parallel_loop3A_220 : memref<1x64xf32, #tpu.memory_space<hbm>>) target(%parallel_loop3A_218 : memref<1x64xf32, #tpu.memory_space<vmem>>) target_semaphore(%arg13 : memref<!tpu.dma_semaphore, #tpu.memory_space<semaphore_mem>>)
      %parallel_loop3A_221 = arith.constant 0 : i32
      %parallel_loop3A_222 = tpu.memref_slice %arg11[%parallel_loop3A_212, %parallel_loop3A_221] : memref<128x64xf32, #tpu.memory_space<vmem>> -> memref<1x64xf32, #tpu.memory_space<vmem>>
      %parallel_loop3A_223 = arith.constant 0 : i32
      %parallel_loop3A_224 = tpu.memref_slice %arg4[%parallel_loop3A_208, %parallel_loop3A_223] : memref<1000000x64xf32, #tpu.memory_space<hbm>> -> memref<1x64xf32, #tpu.memory_space<hbm>>
      %parallel_loop3A_225 = arith.constant 0 : i32
      %parallel_loop3A_226 = tpu.memref_slice %arg11[%parallel_loop3A_212, %parallel_loop3A_225] : memref<128x64xf32, #tpu.memory_space<vmem>> -> memref<1x64xf32, #tpu.memory_space<vmem>>
      %parallel_loop3A_227 = arith.constant 0 : i32
      %parallel_loop3A_228 = tpu.memref_slice %arg4[%parallel_loop3A_208, %parallel_loop3A_227] : memref<1000000x64xf32, #tpu.memory_space<hbm>> -> memref<1x64xf32, #tpu.memory_space<hbm>>
      tpu.enqueue_dma source(%parallel_loop3A_228 : memref<1x64xf32, #tpu.memory_space<hbm>>) target(%parallel_loop3A_226 : memref<1x64xf32, #tpu.memory_space<vmem>>) target_semaphore(%arg13 : memref<!tpu.dma_semaphore, #tpu.memory_space<semaphore_mem>>)
      %parallel_loop3A_229 = vector.extract_strided_slice %parallel_loop3A_162 {offsets = [3], sizes = [1], strides = [1]} : vector<16xi32> to vector<1xi32>
      %parallel_loop3A_230 = vector.extract %parallel_loop3A_229[0] : i32 from vector<1xi32>
      %parallel_loop3A_231 = arith.constant 16 : i32
      %parallel_loop3A_232 = arith.muli %parallel_loop3A_156, %parallel_loop3A_231 : i32
      %parallel_loop3A_233 = arith.constant 3 : i32
      %parallel_loop3A_234 = arith.addi %parallel_loop3A_232, %parallel_loop3A_233 : i32
      %parallel_loop3A_235 = arith.constant 0 : i32
      %parallel_loop3A_236 = tpu.memref_slice %arg9[%parallel_loop3A_234, %parallel_loop3A_235] : memref<128x64xf32, #tpu.memory_space<vmem>> -> memref<1x64xf32, #tpu.memory_space<vmem>>
      %parallel_loop3A_237 = arith.constant 0 : i32
      %parallel_loop3A_238 = tpu.memref_slice %arg3[%parallel_loop3A_230, %parallel_loop3A_237] : memref<1000000x64xf32, #tpu.memory_space<hbm>> -> memref<1x64xf32, #tpu.memory_space<hbm>>
      %parallel_loop3A_239 = arith.constant 0 : i32
      %parallel_loop3A_240 = tpu.memref_slice %arg9[%parallel_loop3A_234, %parallel_loop3A_239] : memref<128x64xf32, #tpu.memory_space<vmem>> -> memref<1x64xf32, #tpu.memory_space<vmem>>
      %parallel_loop3A_241 = arith.constant 0 : i32
      %parallel_loop3A_242 = tpu.memref_slice %arg3[%parallel_loop3A_230, %parallel_loop3A_241] : memref<1000000x64xf32, #tpu.memory_space<hbm>> -> memref<1x64xf32, #tpu.memory_space<hbm>>
      tpu.enqueue_dma source(%parallel_loop3A_242 : memref<1x64xf32, #tpu.memory_space<hbm>>) target(%parallel_loop3A_240 : memref<1x64xf32, #tpu.memory_space<vmem>>) target_semaphore(%arg13 : memref<!tpu.dma_semaphore, #tpu.memory_space<semaphore_mem>>)
      %parallel_loop3A_243 = arith.constant 0 : i32
      %parallel_loop3A_244 = tpu.memref_slice %arg11[%parallel_loop3A_234, %parallel_loop3A_243] : memref<128x64xf32, #tpu.memory_space<vmem>> -> memref<1x64xf32, #tpu.memory_space<vmem>>
      %parallel_loop3A_245 = arith.constant 0 : i32
      %parallel_loop3A_246 = tpu.memref_slice %arg4[%parallel_loop3A_230, %parallel_loop3A_245] : memref<1000000x64xf32, #tpu.memory_space<hbm>> -> memref<1x64xf32, #tpu.memory_space<hbm>>
      %parallel_loop3A_247 = arith.constant 0 : i32
      %parallel_loop3A_248 = tpu.memref_slice %arg11[%parallel_loop3A_234, %parallel_loop3A_247] : memref<128x64xf32, #tpu.memory_space<vmem>> -> memref<1x64xf32, #tpu.memory_space<vmem>>
      %parallel_loop3A_249 = arith.constant 0 : i32
      %parallel_loop3A_250 = tpu.memref_slice %arg4[%parallel_loop3A_230, %parallel_loop3A_249] : memref<1000000x64xf32, #tpu.memory_space<hbm>> -> memref<1x64xf32, #tpu.memory_space<hbm>>
      tpu.enqueue_dma source(%parallel_loop3A_250 : memref<1x64xf32, #tpu.memory_space<hbm>>) target(%parallel_loop3A_248 : memref<1x64xf32, #tpu.memory_space<vmem>>) target_semaphore(%arg13 : memref<!tpu.dma_semaphore, #tpu.memory_space<semaphore_mem>>)
      %parallel_loop3A_251 = vector.extract_strided_slice %parallel_loop3A_162 {offsets = [4], sizes = [1], strides = [1]} : vector<16xi32> to vector<1xi32>
      %parallel_loop3A_252 = vector.extract %parallel_loop3A_251[0] : i32 from vector<1xi32>
      %parallel_loop3A_253 = arith.constant 16 : i32
      %parallel_loop3A_254 = arith.muli %parallel_loop3A_156, %parallel_loop3A_253 : i32
      %parallel_loop3A_255 = arith.constant 4 : i32
      %parallel_loop3A_256 = arith.addi %parallel_loop3A_254, %parallel_loop3A_255 : i32
      %parallel_loop3A_257 = arith.constant 0 : i32
      %parallel_loop3A_258 = tpu.memref_slice %arg9[%parallel_loop3A_256, %parallel_loop3A_257] : memref<128x64xf32, #tpu.memory_space<vmem>> -> memref<1x64xf32, #tpu.memory_space<vmem>>
      %parallel_loop3A_259 = arith.constant 0 : i32
      %parallel_loop3A_260 = tpu.memref_slice %arg3[%parallel_loop3A_252, %parallel_loop3A_259] : memref<1000000x64xf32, #tpu.memory_space<hbm>> -> memref<1x64xf32, #tpu.memory_space<hbm>>
      %parallel_loop3A_261 = arith.constant 0 : i32
      %parallel_loop3A_262 = tpu.memref_slice %arg9[%parallel_loop3A_256, %parallel_loop3A_261] : memref<128x64xf32, #tpu.memory_space<vmem>> -> memref<1x64xf32, #tpu.memory_space<vmem>>
      %parallel_loop3A_263 = arith.constant 0 : i32
      %parallel_loop3A_264 = tpu.memref_slice %arg3[%parallel_loop3A_252, %parallel_loop3A_263] : memref<1000000x64xf32, #tpu.memory_space<hbm>> -> memref<1x64xf32, #tpu.memory_space<hbm>>
      tpu.enqueue_dma source(%parallel_loop3A_264 : memref<1x64xf32, #tpu.memory_space<hbm>>) target(%parallel_loop3A_262 : memref<1x64xf32, #tpu.memory_space<vmem>>) target_semaphore(%arg13 : memref<!tpu.dma_semaphore, #tpu.memory_space<semaphore_mem>>)
      %parallel_loop3A_265 = arith.constant 0 : i32
      %parallel_loop3A_266 = tpu.memref_slice %arg11[%parallel_loop3A_256, %parallel_loop3A_265] : memref<128x64xf32, #tpu.memory_space<vmem>> -> memref<1x64xf32, #tpu.memory_space<vmem>>
      %parallel_loop3A_267 = arith.constant 0 : i32
      %parallel_loop3A_268 = tpu.memref_slice %arg4[%parallel_loop3A_252, %parallel_loop3A_267] : memref<1000000x64xf32, #tpu.memory_space<hbm>> -> memref<1x64xf32, #tpu.memory_space<hbm>>
      %parallel_loop3A_269 = arith.constant 0 : i32
      %parallel_loop3A_270 = tpu.memref_slice %arg11[%parallel_loop3A_256, %parallel_loop3A_269] : memref<128x64xf32, #tpu.memory_space<vmem>> -> memref<1x64xf32, #tpu.memory_space<vmem>>
      %parallel_loop3A_271 = arith.constant 0 : i32
      %parallel_loop3A_272 = tpu.memref_slice %arg4[%parallel_loop3A_252, %parallel_loop3A_271] : memref<1000000x64xf32, #tpu.memory_space<hbm>> -> memref<1x64xf32, #tpu.memory_space<hbm>>
      tpu.enqueue_dma source(%parallel_loop3A_272 : memref<1x64xf32, #tpu.memory_space<hbm>>) target(%parallel_loop3A_270 : memref<1x64xf32, #tpu.memory_space<vmem>>) target_semaphore(%arg13 : memref<!tpu.dma_semaphore, #tpu.memory_space<semaphore_mem>>)
      %parallel_loop3A_273 = vector.extract_strided_slice %parallel_loop3A_162 {offsets = [5], sizes = [1], strides = [1]} : vector<16xi32> to vector<1xi32>
      %parallel_loop3A_274 = vector.extract %parallel_loop3A_273[0] : i32 from vector<1xi32>
      %parallel_loop3A_275 = arith.constant 16 : i32
      %parallel_loop3A_276 = arith.muli %parallel_loop3A_156, %parallel_loop3A_275 : i32
      %parallel_loop3A_277 = arith.constant 5 : i32
      %parallel_loop3A_278 = arith.addi %parallel_loop3A_276, %parallel_loop3A_277 : i32
      %parallel_loop3A_279 = arith.constant 0 : i32
      %parallel_loop3A_280 = tpu.memref_slice %arg9[%parallel_loop3A_278, %parallel_loop3A_279] : memref<128x64xf32, #tpu.memory_space<vmem>> -> memref<1x64xf32, #tpu.memory_space<vmem>>
      %parallel_loop3A_281 = arith.constant 0 : i32
      %parallel_loop3A_282 = tpu.memref_slice %arg3[%parallel_loop3A_274, %parallel_loop3A_281] : memref<1000000x64xf32, #tpu.memory_space<hbm>> -> memref<1x64xf32, #tpu.memory_space<hbm>>
      %parallel_loop3A_283 = arith.constant 0 : i32
      %parallel_loop3A_284 = tpu.memref_slice %arg9[%parallel_loop3A_278, %parallel_loop3A_283] : memref<128x64xf32, #tpu.memory_space<vmem>> -> memref<1x64xf32, #tpu.memory_space<vmem>>
      %parallel_loop3A_285 = arith.constant 0 : i32
      %parallel_loop3A_286 = tpu.memref_slice %arg3[%parallel_loop3A_274, %parallel_loop3A_285] : memref<1000000x64xf32, #tpu.memory_space<hbm>> -> memref<1x64xf32, #tpu.memory_space<hbm>>
      tpu.enqueue_dma source(%parallel_loop3A_286 : memref<1x64xf32, #tpu.memory_space<hbm>>) target(%parallel_loop3A_284 : memref<1x64xf32, #tpu.memory_space<vmem>>) target_semaphore(%arg13 : memref<!tpu.dma_semaphore, #tpu.memory_space<semaphore_mem>>)
      %parallel_loop3A_287 = arith.constant 0 : i32
      %parallel_loop3A_288 = tpu.memref_slice %arg11[%parallel_loop3A_278, %parallel_loop3A_287] : memref<128x64xf32, #tpu.memory_space<vmem>> -> memref<1x64xf32, #tpu.memory_space<vmem>>
      %parallel_loop3A_289 = arith.constant 0 : i32
      %parallel_loop3A_290 = tpu.memref_slice %arg4[%parallel_loop3A_274, %parallel_loop3A_289] : memref<1000000x64xf32, #tpu.memory_space<hbm>> -> memref<1x64xf32, #tpu.memory_space<hbm>>
      %parallel_loop3A_291 = arith.constant 0 : i32
      %parallel_loop3A_292 = tpu.memref_slice %arg11[%parallel_loop3A_278, %parallel_loop3A_291] : memref<128x64xf32, #tpu.memory_space<vmem>> -> memref<1x64xf32, #tpu.memory_space<vmem>>
      %parallel_loop3A_293 = arith.constant 0 : i32
      %parallel_loop3A_294 = tpu.memref_slice %arg4[%parallel_loop3A_274, %parallel_loop3A_293] : memref<1000000x64xf32, #tpu.memory_space<hbm>> -> memref<1x64xf32, #tpu.memory_space<hbm>>
      tpu.enqueue_dma source(%parallel_loop3A_294 : memref<1x64xf32, #tpu.memory_space<hbm>>) target(%parallel_loop3A_292 : memref<1x64xf32, #tpu.memory_space<vmem>>) target_semaphore(%arg13 : memref<!tpu.dma_semaphore, #tpu.memory_space<semaphore_mem>>)
      %parallel_loop3A_295 = vector.extract_strided_slice %parallel_loop3A_162 {offsets = [6], sizes = [1], strides = [1]} : vector<16xi32> to vector<1xi32>
      %parallel_loop3A_296 = vector.extract %parallel_loop3A_295[0] : i32 from vector<1xi32>
      %parallel_loop3A_297 = arith.constant 16 : i32
      %parallel_loop3A_298 = arith.muli %parallel_loop3A_156, %parallel_loop3A_297 : i32
      %parallel_loop3A_299 = arith.constant 6 : i32
      %parallel_loop3A_300 = arith.addi %parallel_loop3A_298, %parallel_loop3A_299 : i32
      %parallel_loop3A_301 = arith.constant 0 : i32
      %parallel_loop3A_302 = tpu.memref_slice %arg9[%parallel_loop3A_300, %parallel_loop3A_301] : memref<128x64xf32, #tpu.memory_space<vmem>> -> memref<1x64xf32, #tpu.memory_space<vmem>>
      %parallel_loop3A_303 = arith.constant 0 : i32
      %parallel_loop3A_304 = tpu.memref_slice %arg3[%parallel_loop3A_296, %parallel_loop3A_303] : memref<1000000x64xf32, #tpu.memory_space<hbm>> -> memref<1x64xf32, #tpu.memory_space<hbm>>
      %parallel_loop3A_305 = arith.constant 0 : i32
      %parallel_loop3A_306 = tpu.memref_slice %arg9[%parallel_loop3A_300, %parallel_loop3A_305] : memref<128x64xf32, #tpu.memory_space<vmem>> -> memref<1x64xf32, #tpu.memory_space<vmem>>
      %parallel_loop3A_307 = arith.constant 0 : i32
      %parallel_loop3A_308 = tpu.memref_slice %arg3[%parallel_loop3A_296, %parallel_loop3A_307] : memref<1000000x64xf32, #tpu.memory_space<hbm>> -> memref<1x64xf32, #tpu.memory_space<hbm>>
      tpu.enqueue_dma source(%parallel_loop3A_308 : memref<1x64xf32, #tpu.memory_space<hbm>>) target(%parallel_loop3A_306 : memref<1x64xf32, #tpu.memory_space<vmem>>) target_semaphore(%arg13 : memref<!tpu.dma_semaphore, #tpu.memory_space<semaphore_mem>>)
      %parallel_loop3A_309 = arith.constant 0 : i32
      %parallel_loop3A_310 = tpu.memref_slice %arg11[%parallel_loop3A_300, %parallel_loop3A_309] : memref<128x64xf32, #tpu.memory_space<vmem>> -> memref<1x64xf32, #tpu.memory_space<vmem>>
      %parallel_loop3A_311 = arith.constant 0 : i32
      %parallel_loop3A_312 = tpu.memref_slice %arg4[%parallel_loop3A_296, %parallel_loop3A_311] : memref<1000000x64xf32, #tpu.memory_space<hbm>> -> memref<1x64xf32, #tpu.memory_space<hbm>>
      %parallel_loop3A_313 = arith.constant 0 : i32
      %parallel_loop3A_314 = tpu.memref_slice %arg11[%parallel_loop3A_300, %parallel_loop3A_313] : memref<128x64xf32, #tpu.memory_space<vmem>> -> memref<1x64xf32, #tpu.memory_space<vmem>>
      %parallel_loop3A_315 = arith.constant 0 : i32
      %parallel_loop3A_316 = tpu.memref_slice %arg4[%parallel_loop3A_296, %parallel_loop3A_315] : memref<1000000x64xf32, #tpu.memory_space<hbm>> -> memref<1x64xf32, #tpu.memory_space<hbm>>
      tpu.enqueue_dma source(%parallel_loop3A_316 : memref<1x64xf32, #tpu.memory_space<hbm>>) target(%parallel_loop3A_314 : memref<1x64xf32, #tpu.memory_space<vmem>>) target_semaphore(%arg13 : memref<!tpu.dma_semaphore, #tpu.memory_space<semaphore_mem>>)
      %parallel_loop3A_317 = vector.extract_strided_slice %parallel_loop3A_162 {offsets = [7], sizes = [1], strides = [1]} : vector<16xi32> to vector<1xi32>
      %parallel_loop3A_318 = vector.extract %parallel_loop3A_317[0] : i32 from vector<1xi32>
      %parallel_loop3A_319 = arith.constant 16 : i32
      %parallel_loop3A_320 = arith.muli %parallel_loop3A_156, %parallel_loop3A_319 : i32
      %parallel_loop3A_321 = arith.constant 7 : i32
      %parallel_loop3A_322 = arith.addi %parallel_loop3A_320, %parallel_loop3A_321 : i32
      %parallel_loop3A_323 = arith.constant 0 : i32
      %parallel_loop3A_324 = tpu.memref_slice %arg9[%parallel_loop3A_322, %parallel_loop3A_323] : memref<128x64xf32, #tpu.memory_space<vmem>> -> memref<1x64xf32, #tpu.memory_space<vmem>>
      %parallel_loop3A_325 = arith.constant 0 : i32
      %parallel_loop3A_326 = tpu.memref_slice %arg3[%parallel_loop3A_318, %parallel_loop3A_325] : memref<1000000x64xf32, #tpu.memory_space<hbm>> -> memref<1x64xf32, #tpu.memory_space<hbm>>
      %parallel_loop3A_327 = arith.constant 0 : i32
      %parallel_loop3A_328 = tpu.memref_slice %arg9[%parallel_loop3A_322, %parallel_loop3A_327] : memref<128x64xf32, #tpu.memory_space<vmem>> -> memref<1x64xf32, #tpu.memory_space<vmem>>
      %parallel_loop3A_329 = arith.constant 0 : i32
      %parallel_loop3A_330 = tpu.memref_slice %arg3[%parallel_loop3A_318, %parallel_loop3A_329] : memref<1000000x64xf32, #tpu.memory_space<hbm>> -> memref<1x64xf32, #tpu.memory_space<hbm>>
      tpu.enqueue_dma source(%parallel_loop3A_330 : memref<1x64xf32, #tpu.memory_space<hbm>>) target(%parallel_loop3A_328 : memref<1x64xf32, #tpu.memory_space<vmem>>) target_semaphore(%arg13 : memref<!tpu.dma_semaphore, #tpu.memory_space<semaphore_mem>>)
      %parallel_loop3A_331 = arith.constant 0 : i32
      %parallel_loop3A_332 = tpu.memref_slice %arg11[%parallel_loop3A_322, %parallel_loop3A_331] : memref<128x64xf32, #tpu.memory_space<vmem>> -> memref<1x64xf32, #tpu.memory_space<vmem>>
      %parallel_loop3A_333 = arith.constant 0 : i32
      %parallel_loop3A_334 = tpu.memref_slice %arg4[%parallel_loop3A_318, %parallel_loop3A_333] : memref<1000000x64xf32, #tpu.memory_space<hbm>> -> memref<1x64xf32, #tpu.memory_space<hbm>>
      %parallel_loop3A_335 = arith.constant 0 : i32
      %parallel_loop3A_336 = tpu.memref_slice %arg11[%parallel_loop3A_322, %parallel_loop3A_335] : memref<128x64xf32, #tpu.memory_space<vmem>> -> memref<1x64xf32, #tpu.memory_space<vmem>>
      %parallel_loop3A_337 = arith.constant 0 : i32
      %parallel_loop3A_338 = tpu.memref_slice %arg4[%parallel_loop3A_318, %parallel_loop3A_337] : memref<1000000x64xf32, #tpu.memory_space<hbm>> -> memref<1x64xf32, #tpu.memory_space<hbm>>
      tpu.enqueue_dma source(%parallel_loop3A_338 : memref<1x64xf32, #tpu.memory_space<hbm>>) target(%parallel_loop3A_336 : memref<1x64xf32, #tpu.memory_space<vmem>>) target_semaphore(%arg13 : memref<!tpu.dma_semaphore, #tpu.memory_space<semaphore_mem>>)
      %parallel_loop3A_339 = vector.extract_strided_slice %parallel_loop3A_162 {offsets = [8], sizes = [1], strides = [1]} : vector<16xi32> to vector<1xi32>
      %parallel_loop3A_340 = vector.extract %parallel_loop3A_339[0] : i32 from vector<1xi32>
      %parallel_loop3A_341 = arith.constant 16 : i32
      %parallel_loop3A_342 = arith.muli %parallel_loop3A_156, %parallel_loop3A_341 : i32
      %parallel_loop3A_343 = arith.constant 8 : i32
      %parallel_loop3A_344 = arith.addi %parallel_loop3A_342, %parallel_loop3A_343 : i32
      %parallel_loop3A_345 = arith.constant 0 : i32
      %parallel_loop3A_346 = tpu.memref_slice %arg9[%parallel_loop3A_344, %parallel_loop3A_345] : memref<128x64xf32, #tpu.memory_space<vmem>> -> memref<1x64xf32, #tpu.memory_space<vmem>>
      %parallel_loop3A_347 = arith.constant 0 : i32
      %parallel_loop3A_348 = tpu.memref_slice %arg3[%parallel_loop3A_340, %parallel_loop3A_347] : memref<1000000x64xf32, #tpu.memory_space<hbm>> -> memref<1x64xf32, #tpu.memory_space<hbm>>
      %parallel_loop3A_349 = arith.constant 0 : i32
      %parallel_loop3A_350 = tpu.memref_slice %arg9[%parallel_loop3A_344, %parallel_loop3A_349] : memref<128x64xf32, #tpu.memory_space<vmem>> -> memref<1x64xf32, #tpu.memory_space<vmem>>
      %parallel_loop3A_351 = arith.constant 0 : i32
      %parallel_loop3A_352 = tpu.memref_slice %arg3[%parallel_loop3A_340, %parallel_loop3A_351] : memref<1000000x64xf32, #tpu.memory_space<hbm>> -> memref<1x64xf32, #tpu.memory_space<hbm>>
      tpu.enqueue_dma source(%parallel_loop3A_352 : memref<1x64xf32, #tpu.memory_space<hbm>>) target(%parallel_loop3A_350 : memref<1x64xf32, #tpu.memory_space<vmem>>) target_semaphore(%arg13 : memref<!tpu.dma_semaphore, #tpu.memory_space<semaphore_mem>>)
      %parallel_loop3A_353 = arith.constant 0 : i32
      %parallel_loop3A_354 = tpu.memref_slice %arg11[%parallel_loop3A_344, %parallel_loop3A_353] : memref<128x64xf32, #tpu.memory_space<vmem>> -> memref<1x64xf32, #tpu.memory_space<vmem>>
      %parallel_loop3A_355 = arith.constant 0 : i32
      %parallel_loop3A_356 = tpu.memref_slice %arg4[%parallel_loop3A_340, %parallel_loop3A_355] : memref<1000000x64xf32, #tpu.memory_space<hbm>> -> memref<1x64xf32, #tpu.memory_space<hbm>>
      %parallel_loop3A_357 = arith.constant 0 : i32
      %parallel_loop3A_358 = tpu.memref_slice %arg11[%parallel_loop3A_344, %parallel_loop3A_357] : memref<128x64xf32, #tpu.memory_space<vmem>> -> memref<1x64xf32, #tpu.memory_space<vmem>>
      %parallel_loop3A_359 = arith.constant 0 : i32
      %parallel_loop3A_360 = tpu.memref_slice %arg4[%parallel_loop3A_340, %parallel_loop3A_359] : memref<1000000x64xf32, #tpu.memory_space<hbm>> -> memref<1x64xf32, #tpu.memory_space<hbm>>
      tpu.enqueue_dma source(%parallel_loop3A_360 : memref<1x64xf32, #tpu.memory_space<hbm>>) target(%parallel_loop3A_358 : memref<1x64xf32, #tpu.memory_space<vmem>>) target_semaphore(%arg13 : memref<!tpu.dma_semaphore, #tpu.memory_space<semaphore_mem>>)
      %parallel_loop3A_361 = vector.extract_strided_slice %parallel_loop3A_162 {offsets = [9], sizes = [1], strides = [1]} : vector<16xi32> to vector<1xi32>
      %parallel_loop3A_362 = vector.extract %parallel_loop3A_361[0] : i32 from vector<1xi32>
      %parallel_loop3A_363 = arith.constant 16 : i32
      %parallel_loop3A_364 = arith.muli %parallel_loop3A_156, %parallel_loop3A_363 : i32
      %parallel_loop3A_365 = arith.constant 9 : i32
      %parallel_loop3A_366 = arith.addi %parallel_loop3A_364, %parallel_loop3A_365 : i32
      %parallel_loop3A_367 = arith.constant 0 : i32
      %parallel_loop3A_368 = tpu.memref_slice %arg9[%parallel_loop3A_366, %parallel_loop3A_367] : memref<128x64xf32, #tpu.memory_space<vmem>> -> memref<1x64xf32, #tpu.memory_space<vmem>>
      %parallel_loop3A_369 = arith.constant 0 : i32
      %parallel_loop3A_370 = tpu.memref_slice %arg3[%parallel_loop3A_362, %parallel_loop3A_369] : memref<1000000x64xf32, #tpu.memory_space<hbm>> -> memref<1x64xf32, #tpu.memory_space<hbm>>
      %parallel_loop3A_371 = arith.constant 0 : i32
      %parallel_loop3A_372 = tpu.memref_slice %arg9[%parallel_loop3A_366, %parallel_loop3A_371] : memref<128x64xf32, #tpu.memory_space<vmem>> -> memref<1x64xf32, #tpu.memory_space<vmem>>
      %parallel_loop3A_373 = arith.constant 0 : i32
      %parallel_loop3A_374 = tpu.memref_slice %arg3[%parallel_loop3A_362, %parallel_loop3A_373] : memref<1000000x64xf32, #tpu.memory_space<hbm>> -> memref<1x64xf32, #tpu.memory_space<hbm>>
      tpu.enqueue_dma source(%parallel_loop3A_374 : memref<1x64xf32, #tpu.memory_space<hbm>>) target(%parallel_loop3A_372 : memref<1x64xf32, #tpu.memory_space<vmem>>) target_semaphore(%arg13 : memref<!tpu.dma_semaphore, #tpu.memory_space<semaphore_mem>>)
      %parallel_loop3A_375 = arith.constant 0 : i32
      %parallel_loop3A_376 = tpu.memref_slice %arg11[%parallel_loop3A_366, %parallel_loop3A_375] : memref<128x64xf32, #tpu.memory_space<vmem>> -> memref<1x64xf32, #tpu.memory_space<vmem>>
      %parallel_loop3A_377 = arith.constant 0 : i32
      %parallel_loop3A_378 = tpu.memref_slice %arg4[%parallel_loop3A_362, %parallel_loop3A_377] : memref<1000000x64xf32, #tpu.memory_space<hbm>> -> memref<1x64xf32, #tpu.memory_space<hbm>>
      %parallel_loop3A_379 = arith.constant 0 : i32
      %parallel_loop3A_380 = tpu.memref_slice %arg11[%parallel_loop3A_366, %parallel_loop3A_379] : memref<128x64xf32, #tpu.memory_space<vmem>> -> memref<1x64xf32, #tpu.memory_space<vmem>>
      %parallel_loop3A_381 = arith.constant 0 : i32
      %parallel_loop3A_382 = tpu.memref_slice %arg4[%parallel_loop3A_362, %parallel_loop3A_381] : memref<1000000x64xf32, #tpu.memory_space<hbm>> -> memref<1x64xf32, #tpu.memory_space<hbm>>
      tpu.enqueue_dma source(%parallel_loop3A_382 : memref<1x64xf32, #tpu.memory_space<hbm>>) target(%parallel_loop3A_380 : memref<1x64xf32, #tpu.memory_space<vmem>>) target_semaphore(%arg13 : memref<!tpu.dma_semaphore, #tpu.memory_space<semaphore_mem>>)
      %parallel_loop3A_383 = vector.extract_strided_slice %parallel_loop3A_162 {offsets = [10], sizes = [1], strides = [1]} : vector<16xi32> to vector<1xi32>
      %parallel_loop3A_384 = vector.extract %parallel_loop3A_383[0] : i32 from vector<1xi32>
      %parallel_loop3A_385 = arith.constant 16 : i32
      %parallel_loop3A_386 = arith.muli %parallel_loop3A_156, %parallel_loop3A_385 : i32
      %parallel_loop3A_387 = arith.constant 10 : i32
      %parallel_loop3A_388 = arith.addi %parallel_loop3A_386, %parallel_loop3A_387 : i32
      %parallel_loop3A_389 = arith.constant 0 : i32
      %parallel_loop3A_390 = tpu.memref_slice %arg9[%parallel_loop3A_388, %parallel_loop3A_389] : memref<128x64xf32, #tpu.memory_space<vmem>> -> memref<1x64xf32, #tpu.memory_space<vmem>>
      %parallel_loop3A_391 = arith.constant 0 : i32
      %parallel_loop3A_392 = tpu.memref_slice %arg3[%parallel_loop3A_384, %parallel_loop3A_391] : memref<1000000x64xf32, #tpu.memory_space<hbm>> -> memref<1x64xf32, #tpu.memory_space<hbm>>
      %parallel_loop3A_393 = arith.constant 0 : i32
      %parallel_loop3A_394 = tpu.memref_slice %arg9[%parallel_loop3A_388, %parallel_loop3A_393] : memref<128x64xf32, #tpu.memory_space<vmem>> -> memref<1x64xf32, #tpu.memory_space<vmem>>
      %parallel_loop3A_395 = arith.constant 0 : i32
      %parallel_loop3A_396 = tpu.memref_slice %arg3[%parallel_loop3A_384, %parallel_loop3A_395] : memref<1000000x64xf32, #tpu.memory_space<hbm>> -> memref<1x64xf32, #tpu.memory_space<hbm>>
      tpu.enqueue_dma source(%parallel_loop3A_396 : memref<1x64xf32, #tpu.memory_space<hbm>>) target(%parallel_loop3A_394 : memref<1x64xf32, #tpu.memory_space<vmem>>) target_semaphore(%arg13 : memref<!tpu.dma_semaphore, #tpu.memory_space<semaphore_mem>>)
      %parallel_loop3A_397 = arith.constant 0 : i32
      %parallel_loop3A_398 = tpu.memref_slice %arg11[%parallel_loop3A_388, %parallel_loop3A_397] : memref<128x64xf32, #tpu.memory_space<vmem>> -> memref<1x64xf32, #tpu.memory_space<vmem>>
      %parallel_loop3A_399 = arith.constant 0 : i32
      %parallel_loop3A_400 = tpu.memref_slice %arg4[%parallel_loop3A_384, %parallel_loop3A_399] : memref<1000000x64xf32, #tpu.memory_space<hbm>> -> memref<1x64xf32, #tpu.memory_space<hbm>>
      %parallel_loop3A_401 = arith.constant 0 : i32
      %parallel_loop3A_402 = tpu.memref_slice %arg11[%parallel_loop3A_388, %parallel_loop3A_401] : memref<128x64xf32, #tpu.memory_space<vmem>> -> memref<1x64xf32, #tpu.memory_space<vmem>>
      %parallel_loop3A_403 = arith.constant 0 : i32
      %parallel_loop3A_404 = tpu.memref_slice %arg4[%parallel_loop3A_384, %parallel_loop3A_403] : memref<1000000x64xf32, #tpu.memory_space<hbm>> -> memref<1x64xf32, #tpu.memory_space<hbm>>
      tpu.enqueue_dma source(%parallel_loop3A_404 : memref<1x64xf32, #tpu.memory_space<hbm>>) target(%parallel_loop3A_402 : memref<1x64xf32, #tpu.memory_space<vmem>>) target_semaphore(%arg13 : memref<!tpu.dma_semaphore, #tpu.memory_space<semaphore_mem>>)
      %parallel_loop3A_405 = vector.extract_strided_slice %parallel_loop3A_162 {offsets = [11], sizes = [1], strides = [1]} : vector<16xi32> to vector<1xi32>
      %parallel_loop3A_406 = vector.extract %parallel_loop3A_405[0] : i32 from vector<1xi32>
      %parallel_loop3A_407 = arith.constant 16 : i32
      %parallel_loop3A_408 = arith.muli %parallel_loop3A_156, %parallel_loop3A_407 : i32
      %parallel_loop3A_409 = arith.constant 11 : i32
      %parallel_loop3A_410 = arith.addi %parallel_loop3A_408, %parallel_loop3A_409 : i32
      %parallel_loop3A_411 = arith.constant 0 : i32
      %parallel_loop3A_412 = tpu.memref_slice %arg9[%parallel_loop3A_410, %parallel_loop3A_411] : memref<128x64xf32, #tpu.memory_space<vmem>> -> memref<1x64xf32, #tpu.memory_space<vmem>>
      %parallel_loop3A_413 = arith.constant 0 : i32
      %parallel_loop3A_414 = tpu.memref_slice %arg3[%parallel_loop3A_406, %parallel_loop3A_413] : memref<1000000x64xf32, #tpu.memory_space<hbm>> -> memref<1x64xf32, #tpu.memory_space<hbm>>
      %parallel_loop3A_415 = arith.constant 0 : i32
      %parallel_loop3A_416 = tpu.memref_slice %arg9[%parallel_loop3A_410, %parallel_loop3A_415] : memref<128x64xf32, #tpu.memory_space<vmem>> -> memref<1x64xf32, #tpu.memory_space<vmem>>
      %parallel_loop3A_417 = arith.constant 0 : i32
      %parallel_loop3A_418 = tpu.memref_slice %arg3[%parallel_loop3A_406, %parallel_loop3A_417] : memref<1000000x64xf32, #tpu.memory_space<hbm>> -> memref<1x64xf32, #tpu.memory_space<hbm>>
      tpu.enqueue_dma source(%parallel_loop3A_418 : memref<1x64xf32, #tpu.memory_space<hbm>>) target(%parallel_loop3A_416 : memref<1x64xf32, #tpu.memory_space<vmem>>) target_semaphore(%arg13 : memref<!tpu.dma_semaphore, #tpu.memory_space<semaphore_mem>>)
      %parallel_loop3A_419 = arith.constant 0 : i32
      %parallel_loop3A_420 = tpu.memref_slice %arg11[%parallel_loop3A_410, %parallel_loop3A_419] : memref<128x64xf32, #tpu.memory_space<vmem>> -> memref<1x64xf32, #tpu.memory_space<vmem>>
      %parallel_loop3A_421 = arith.constant 0 : i32
      %parallel_loop3A_422 = tpu.memref_slice %arg4[%parallel_loop3A_406, %parallel_loop3A_421] : memref<1000000x64xf32, #tpu.memory_space<hbm>> -> memref<1x64xf32, #tpu.memory_space<hbm>>
      %parallel_loop3A_423 = arith.constant 0 : i32
      %parallel_loop3A_424 = tpu.memref_slice %arg11[%parallel_loop3A_410, %parallel_loop3A_423] : memref<128x64xf32, #tpu.memory_space<vmem>> -> memref<1x64xf32, #tpu.memory_space<vmem>>
      %parallel_loop3A_425 = arith.constant 0 : i32
      %parallel_loop3A_426 = tpu.memref_slice %arg4[%parallel_loop3A_406, %parallel_loop3A_425] : memref<1000000x64xf32, #tpu.memory_space<hbm>> -> memref<1x64xf32, #tpu.memory_space<hbm>>
      tpu.enqueue_dma source(%parallel_loop3A_426 : memref<1x64xf32, #tpu.memory_space<hbm>>) target(%parallel_loop3A_424 : memref<1x64xf32, #tpu.memory_space<vmem>>) target_semaphore(%arg13 : memref<!tpu.dma_semaphore, #tpu.memory_space<semaphore_mem>>)
      %parallel_loop3A_427 = vector.extract_strided_slice %parallel_loop3A_162 {offsets = [12], sizes = [1], strides = [1]} : vector<16xi32> to vector<1xi32>
      %parallel_loop3A_428 = vector.extract %parallel_loop3A_427[0] : i32 from vector<1xi32>
      %parallel_loop3A_429 = arith.constant 16 : i32
      %parallel_loop3A_430 = arith.muli %parallel_loop3A_156, %parallel_loop3A_429 : i32
      %parallel_loop3A_431 = arith.constant 12 : i32
      %parallel_loop3A_432 = arith.addi %parallel_loop3A_430, %parallel_loop3A_431 : i32
      %parallel_loop3A_433 = arith.constant 0 : i32
      %parallel_loop3A_434 = tpu.memref_slice %arg9[%parallel_loop3A_432, %parallel_loop3A_433] : memref<128x64xf32, #tpu.memory_space<vmem>> -> memref<1x64xf32, #tpu.memory_space<vmem>>
      %parallel_loop3A_435 = arith.constant 0 : i32
      %parallel_loop3A_436 = tpu.memref_slice %arg3[%parallel_loop3A_428, %parallel_loop3A_435] : memref<1000000x64xf32, #tpu.memory_space<hbm>> -> memref<1x64xf32, #tpu.memory_space<hbm>>
      %parallel_loop3A_437 = arith.constant 0 : i32
      %parallel_loop3A_438 = tpu.memref_slice %arg9[%parallel_loop3A_432, %parallel_loop3A_437] : memref<128x64xf32, #tpu.memory_space<vmem>> -> memref<1x64xf32, #tpu.memory_space<vmem>>
      %parallel_loop3A_439 = arith.constant 0 : i32
      %parallel_loop3A_440 = tpu.memref_slice %arg3[%parallel_loop3A_428, %parallel_loop3A_439] : memref<1000000x64xf32, #tpu.memory_space<hbm>> -> memref<1x64xf32, #tpu.memory_space<hbm>>
      tpu.enqueue_dma source(%parallel_loop3A_440 : memref<1x64xf32, #tpu.memory_space<hbm>>) target(%parallel_loop3A_438 : memref<1x64xf32, #tpu.memory_space<vmem>>) target_semaphore(%arg13 : memref<!tpu.dma_semaphore, #tpu.memory_space<semaphore_mem>>)
      %parallel_loop3A_441 = arith.constant 0 : i32
      %parallel_loop3A_442 = tpu.memref_slice %arg11[%parallel_loop3A_432, %parallel_loop3A_441] : memref<128x64xf32, #tpu.memory_space<vmem>> -> memref<1x64xf32, #tpu.memory_space<vmem>>
      %parallel_loop3A_443 = arith.constant 0 : i32
      %parallel_loop3A_444 = tpu.memref_slice %arg4[%parallel_loop3A_428, %parallel_loop3A_443] : memref<1000000x64xf32, #tpu.memory_space<hbm>> -> memref<1x64xf32, #tpu.memory_space<hbm>>
      %parallel_loop3A_445 = arith.constant 0 : i32
      %parallel_loop3A_446 = tpu.memref_slice %arg11[%parallel_loop3A_432, %parallel_loop3A_445] : memref<128x64xf32, #tpu.memory_space<vmem>> -> memref<1x64xf32, #tpu.memory_space<vmem>>
      %parallel_loop3A_447 = arith.constant 0 : i32
      %parallel_loop3A_448 = tpu.memref_slice %arg4[%parallel_loop3A_428, %parallel_loop3A_447] : memref<1000000x64xf32, #tpu.memory_space<hbm>> -> memref<1x64xf32, #tpu.memory_space<hbm>>
      tpu.enqueue_dma source(%parallel_loop3A_448 : memref<1x64xf32, #tpu.memory_space<hbm>>) target(%parallel_loop3A_446 : memref<1x64xf32, #tpu.memory_space<vmem>>) target_semaphore(%arg13 : memref<!tpu.dma_semaphore, #tpu.memory_space<semaphore_mem>>)
      %parallel_loop3A_449 = vector.extract_strided_slice %parallel_loop3A_162 {offsets = [13], sizes = [1], strides = [1]} : vector<16xi32> to vector<1xi32>
      %parallel_loop3A_450 = vector.extract %parallel_loop3A_449[0] : i32 from vector<1xi32>
      %parallel_loop3A_451 = arith.constant 16 : i32
      %parallel_loop3A_452 = arith.muli %parallel_loop3A_156, %parallel_loop3A_451 : i32
      %parallel_loop3A_453 = arith.constant 13 : i32
      %parallel_loop3A_454 = arith.addi %parallel_loop3A_452, %parallel_loop3A_453 : i32
      %parallel_loop3A_455 = arith.constant 0 : i32
      %parallel_loop3A_456 = tpu.memref_slice %arg9[%parallel_loop3A_454, %parallel_loop3A_455] : memref<128x64xf32, #tpu.memory_space<vmem>> -> memref<1x64xf32, #tpu.memory_space<vmem>>
      %parallel_loop3A_457 = arith.constant 0 : i32
      %parallel_loop3A_458 = tpu.memref_slice %arg3[%parallel_loop3A_450, %parallel_loop3A_457] : memref<1000000x64xf32, #tpu.memory_space<hbm>> -> memref<1x64xf32, #tpu.memory_space<hbm>>
      %parallel_loop3A_459 = arith.constant 0 : i32
      %parallel_loop3A_460 = tpu.memref_slice %arg9[%parallel_loop3A_454, %parallel_loop3A_459] : memref<128x64xf32, #tpu.memory_space<vmem>> -> memref<1x64xf32, #tpu.memory_space<vmem>>
      %parallel_loop3A_461 = arith.constant 0 : i32
      %parallel_loop3A_462 = tpu.memref_slice %arg3[%parallel_loop3A_450, %parallel_loop3A_461] : memref<1000000x64xf32, #tpu.memory_space<hbm>> -> memref<1x64xf32, #tpu.memory_space<hbm>>
      tpu.enqueue_dma source(%parallel_loop3A_462 : memref<1x64xf32, #tpu.memory_space<hbm>>) target(%parallel_loop3A_460 : memref<1x64xf32, #tpu.memory_space<vmem>>) target_semaphore(%arg13 : memref<!tpu.dma_semaphore, #tpu.memory_space<semaphore_mem>>)
      %parallel_loop3A_463 = arith.constant 0 : i32
      %parallel_loop3A_464 = tpu.memref_slice %arg11[%parallel_loop3A_454, %parallel_loop3A_463] : memref<128x64xf32, #tpu.memory_space<vmem>> -> memref<1x64xf32, #tpu.memory_space<vmem>>
      %parallel_loop3A_465 = arith.constant 0 : i32
      %parallel_loop3A_466 = tpu.memref_slice %arg4[%parallel_loop3A_450, %parallel_loop3A_465] : memref<1000000x64xf32, #tpu.memory_space<hbm>> -> memref<1x64xf32, #tpu.memory_space<hbm>>
      %parallel_loop3A_467 = arith.constant 0 : i32
      %parallel_loop3A_468 = tpu.memref_slice %arg11[%parallel_loop3A_454, %parallel_loop3A_467] : memref<128x64xf32, #tpu.memory_space<vmem>> -> memref<1x64xf32, #tpu.memory_space<vmem>>
      %parallel_loop3A_469 = arith.constant 0 : i32
      %parallel_loop3A_470 = tpu.memref_slice %arg4[%parallel_loop3A_450, %parallel_loop3A_469] : memref<1000000x64xf32, #tpu.memory_space<hbm>> -> memref<1x64xf32, #tpu.memory_space<hbm>>
      tpu.enqueue_dma source(%parallel_loop3A_470 : memref<1x64xf32, #tpu.memory_space<hbm>>) target(%parallel_loop3A_468 : memref<1x64xf32, #tpu.memory_space<vmem>>) target_semaphore(%arg13 : memref<!tpu.dma_semaphore, #tpu.memory_space<semaphore_mem>>)
      %parallel_loop3A_471 = vector.extract_strided_slice %parallel_loop3A_162 {offsets = [14], sizes = [1], strides = [1]} : vector<16xi32> to vector<1xi32>
      %parallel_loop3A_472 = vector.extract %parallel_loop3A_471[0] : i32 from vector<1xi32>
      %parallel_loop3A_473 = arith.constant 16 : i32
      %parallel_loop3A_474 = arith.muli %parallel_loop3A_156, %parallel_loop3A_473 : i32
      %parallel_loop3A_475 = arith.constant 14 : i32
      %parallel_loop3A_476 = arith.addi %parallel_loop3A_474, %parallel_loop3A_475 : i32
      %parallel_loop3A_477 = arith.constant 0 : i32
      %parallel_loop3A_478 = tpu.memref_slice %arg9[%parallel_loop3A_476, %parallel_loop3A_477] : memref<128x64xf32, #tpu.memory_space<vmem>> -> memref<1x64xf32, #tpu.memory_space<vmem>>
      %parallel_loop3A_479 = arith.constant 0 : i32
      %parallel_loop3A_480 = tpu.memref_slice %arg3[%parallel_loop3A_472, %parallel_loop3A_479] : memref<1000000x64xf32, #tpu.memory_space<hbm>> -> memref<1x64xf32, #tpu.memory_space<hbm>>
      %parallel_loop3A_481 = arith.constant 0 : i32
      %parallel_loop3A_482 = tpu.memref_slice %arg9[%parallel_loop3A_476, %parallel_loop3A_481] : memref<128x64xf32, #tpu.memory_space<vmem>> -> memref<1x64xf32, #tpu.memory_space<vmem>>
      %parallel_loop3A_483 = arith.constant 0 : i32
      %parallel_loop3A_484 = tpu.memref_slice %arg3[%parallel_loop3A_472, %parallel_loop3A_483] : memref<1000000x64xf32, #tpu.memory_space<hbm>> -> memref<1x64xf32, #tpu.memory_space<hbm>>
      tpu.enqueue_dma source(%parallel_loop3A_484 : memref<1x64xf32, #tpu.memory_space<hbm>>) target(%parallel_loop3A_482 : memref<1x64xf32, #tpu.memory_space<vmem>>) target_semaphore(%arg13 : memref<!tpu.dma_semaphore, #tpu.memory_space<semaphore_mem>>)
      %parallel_loop3A_485 = arith.constant 0 : i32
      %parallel_loop3A_486 = tpu.memref_slice %arg11[%parallel_loop3A_476, %parallel_loop3A_485] : memref<128x64xf32, #tpu.memory_space<vmem>> -> memref<1x64xf32, #tpu.memory_space<vmem>>
      %parallel_loop3A_487 = arith.constant 0 : i32
      %parallel_loop3A_488 = tpu.memref_slice %arg4[%parallel_loop3A_472, %parallel_loop3A_487] : memref<1000000x64xf32, #tpu.memory_space<hbm>> -> memref<1x64xf32, #tpu.memory_space<hbm>>
      %parallel_loop3A_489 = arith.constant 0 : i32
      %parallel_loop3A_490 = tpu.memref_slice %arg11[%parallel_loop3A_476, %parallel_loop3A_489] : memref<128x64xf32, #tpu.memory_space<vmem>> -> memref<1x64xf32, #tpu.memory_space<vmem>>
      %parallel_loop3A_491 = arith.constant 0 : i32
      %parallel_loop3A_492 = tpu.memref_slice %arg4[%parallel_loop3A_472, %parallel_loop3A_491] : memref<1000000x64xf32, #tpu.memory_space<hbm>> -> memref<1x64xf32, #tpu.memory_space<hbm>>
      tpu.enqueue_dma source(%parallel_loop3A_492 : memref<1x64xf32, #tpu.memory_space<hbm>>) target(%parallel_loop3A_490 : memref<1x64xf32, #tpu.memory_space<vmem>>) target_semaphore(%arg13 : memref<!tpu.dma_semaphore, #tpu.memory_space<semaphore_mem>>)
      %parallel_loop3A_493 = vector.extract_strided_slice %parallel_loop3A_162 {offsets = [15], sizes = [1], strides = [1]} : vector<16xi32> to vector<1xi32>
      %parallel_loop3A_494 = vector.extract %parallel_loop3A_493[0] : i32 from vector<1xi32>
      %parallel_loop3A_495 = arith.constant 16 : i32
      %parallel_loop3A_496 = arith.muli %parallel_loop3A_156, %parallel_loop3A_495 : i32
      %parallel_loop3A_497 = arith.constant 15 : i32
      %parallel_loop3A_498 = arith.addi %parallel_loop3A_496, %parallel_loop3A_497 : i32
      %parallel_loop3A_499 = arith.constant 0 : i32
      %parallel_loop3A_500 = tpu.memref_slice %arg9[%parallel_loop3A_498, %parallel_loop3A_499] : memref<128x64xf32, #tpu.memory_space<vmem>> -> memref<1x64xf32, #tpu.memory_space<vmem>>
      %parallel_loop3A_501 = arith.constant 0 : i32
      %parallel_loop3A_502 = tpu.memref_slice %arg3[%parallel_loop3A_494, %parallel_loop3A_501] : memref<1000000x64xf32, #tpu.memory_space<hbm>> -> memref<1x64xf32, #tpu.memory_space<hbm>>
      %parallel_loop3A_503 = arith.constant 0 : i32
      %parallel_loop3A_504 = tpu.memref_slice %arg9[%parallel_loop3A_498, %parallel_loop3A_503] : memref<128x64xf32, #tpu.memory_space<vmem>> -> memref<1x64xf32, #tpu.memory_space<vmem>>
      %parallel_loop3A_505 = arith.constant 0 : i32
      %parallel_loop3A_506 = tpu.memref_slice %arg3[%parallel_loop3A_494, %parallel_loop3A_505] : memref<1000000x64xf32, #tpu.memory_space<hbm>> -> memref<1x64xf32, #tpu.memory_space<hbm>>
      tpu.enqueue_dma source(%parallel_loop3A_506 : memref<1x64xf32, #tpu.memory_space<hbm>>) target(%parallel_loop3A_504 : memref<1x64xf32, #tpu.memory_space<vmem>>) target_semaphore(%arg13 : memref<!tpu.dma_semaphore, #tpu.memory_space<semaphore_mem>>)
      %parallel_loop3A_507 = arith.constant 0 : i32
      %parallel_loop3A_508 = tpu.memref_slice %arg11[%parallel_loop3A_498, %parallel_loop3A_507] : memref<128x64xf32, #tpu.memory_space<vmem>> -> memref<1x64xf32, #tpu.memory_space<vmem>>
      %parallel_loop3A_509 = arith.constant 0 : i32
      %parallel_loop3A_510 = tpu.memref_slice %arg4[%parallel_loop3A_494, %parallel_loop3A_509] : memref<1000000x64xf32, #tpu.memory_space<hbm>> -> memref<1x64xf32, #tpu.memory_space<hbm>>
      %parallel_loop3A_511 = arith.constant 0 : i32
      %parallel_loop3A_512 = tpu.memref_slice %arg11[%parallel_loop3A_498, %parallel_loop3A_511] : memref<128x64xf32, #tpu.memory_space<vmem>> -> memref<1x64xf32, #tpu.memory_space<vmem>>
      %parallel_loop3A_513 = arith.constant 0 : i32
      %parallel_loop3A_514 = tpu.memref_slice %arg4[%parallel_loop3A_494, %parallel_loop3A_513] : memref<1000000x64xf32, #tpu.memory_space<hbm>> -> memref<1x64xf32, #tpu.memory_space<hbm>>
      tpu.enqueue_dma source(%parallel_loop3A_514 : memref<1x64xf32, #tpu.memory_space<hbm>>) target(%parallel_loop3A_512 : memref<1x64xf32, #tpu.memory_space<vmem>>) target_semaphore(%arg13 : memref<!tpu.dma_semaphore, #tpu.memory_space<semaphore_mem>>)
    } {sc.loop_unroll_factor = 4 : i64, sc.parallel_access}
    %dma_wait3A_84 = arith.constant 0 : i32
    %dma_wait3A_85 = arith.constant 0 : i32
    %dma_wait3A_86 = tpu.memref_slice %arg3[%dma_wait3A_84, %dma_wait3A_85] : memref<1000000x64xf32, #tpu.memory_space<hbm>> -> memref<128x64xf32, #tpu.memory_space<hbm>>
    %dma_wait3A_87 = arith.constant 0 : i32
    %dma_wait3A_88 = arith.constant 0 : i32
    %dma_wait3A_89 = tpu.memref_slice %arg3[%dma_wait3A_87, %dma_wait3A_88] : memref<1000000x64xf32, #tpu.memory_space<hbm>> -> memref<128x64xf32, #tpu.memory_space<hbm>>
    tpu.wait_dma2 semaphore(%arg12 : memref<!tpu.dma_semaphore, #tpu.memory_space<semaphore_mem>>) src(%dma_wait3A_89 : memref<128x64xf32, #tpu.memory_space<hbm>>) dst(%arg8 : memref<128x64xf32, #tpu.memory_space<vmem>>)
    %dma_wait3A_90 = arith.constant 0 : i32
    %dma_wait3A_91 = arith.constant 0 : i32
    %dma_wait3A_92 = tpu.memref_slice %arg4[%dma_wait3A_90, %dma_wait3A_91] : memref<1000000x64xf32, #tpu.memory_space<hbm>> -> memref<128x64xf32, #tpu.memory_space<hbm>>
    %dma_wait3A_93 = arith.constant 0 : i32
    %dma_wait3A_94 = arith.constant 0 : i32
    %dma_wait3A_95 = tpu.memref_slice %arg4[%dma_wait3A_93, %dma_wait3A_94] : memref<1000000x64xf32, #tpu.memory_space<hbm>> -> memref<128x64xf32, #tpu.memory_space<hbm>>
    tpu.wait_dma2 semaphore(%arg12 : memref<!tpu.dma_semaphore, #tpu.memory_space<semaphore_mem>>) src(%dma_wait3A_95 : memref<128x64xf32, #tpu.memory_space<hbm>>) dst(%arg10 : memref<128x64xf32, #tpu.memory_space<vmem>>)
    %add3A_96 = arith.constant 256 : i32
    %add3A_97 = arith.addi %mul3A_2, %add3A_96 : i32
    %dma_start3A_98 = arith.constant 0 : i32
    %dma_start3A_99 = tpu.memref_slice %arg5[%add3A_97, %dma_start3A_98] : memref<16384x64xf32, #tpu.memory_space<hbm>> -> memref<128x64xf32, #tpu.memory_space<hbm>>
    %dma_start3A_100 = arith.constant 0 : i32
    %dma_start3A_101 = tpu.memref_slice %arg5[%add3A_97, %dma_start3A_100] : memref<16384x64xf32, #tpu.memory_space<hbm>> -> memref<128x64xf32, #tpu.memory_space<hbm>>
    tpu.enqueue_dma source(%arg8 : memref<128x64xf32, #tpu.memory_space<vmem>>) target(%dma_start3A_101 : memref<128x64xf32, #tpu.memory_space<hbm>>) target_semaphore(%arg14 : memref<!tpu.dma_semaphore, #tpu.memory_space<semaphore_mem>>)
    %add3A_102 = arith.constant 256 : i32
    %add3A_103 = arith.addi %mul3A_2, %add3A_102 : i32
    %dma_start3A_104 = arith.constant 0 : i32
    %dma_start3A_105 = tpu.memref_slice %arg6[%add3A_103, %dma_start3A_104] : memref<16384x64xf32, #tpu.memory_space<hbm>> -> memref<128x64xf32, #tpu.memory_space<hbm>>
    %dma_start3A_106 = arith.constant 0 : i32
    %dma_start3A_107 = tpu.memref_slice %arg6[%add3A_103, %dma_start3A_106] : memref<16384x64xf32, #tpu.memory_space<hbm>> -> memref<128x64xf32, #tpu.memory_space<hbm>>
    tpu.enqueue_dma source(%arg10 : memref<128x64xf32, #tpu.memory_space<vmem>>) target(%dma_start3A_107 : memref<128x64xf32, #tpu.memory_space<hbm>>) target_semaphore(%arg16 : memref<!tpu.dma_semaphore, #tpu.memory_space<semaphore_mem>>)
    %dma_wait3A_108 = arith.constant 0 : i32
    %dma_wait3A_109 = arith.constant 0 : i32
    %dma_wait3A_110 = tpu.memref_slice %arg3[%dma_wait3A_108, %dma_wait3A_109] : memref<1000000x64xf32, #tpu.memory_space<hbm>> -> memref<128x64xf32, #tpu.memory_space<hbm>>
    %dma_wait3A_111 = arith.constant 0 : i32
    %dma_wait3A_112 = arith.constant 0 : i32
    %dma_wait3A_113 = tpu.memref_slice %arg3[%dma_wait3A_111, %dma_wait3A_112] : memref<1000000x64xf32, #tpu.memory_space<hbm>> -> memref<128x64xf32, #tpu.memory_space<hbm>>
    tpu.wait_dma2 semaphore(%arg13 : memref<!tpu.dma_semaphore, #tpu.memory_space<semaphore_mem>>) src(%dma_wait3A_113 : memref<128x64xf32, #tpu.memory_space<hbm>>) dst(%arg9 : memref<128x64xf32, #tpu.memory_space<vmem>>)
    %dma_wait3A_114 = arith.constant 0 : i32
    %dma_wait3A_115 = arith.constant 0 : i32
    %dma_wait3A_116 = tpu.memref_slice %arg4[%dma_wait3A_114, %dma_wait3A_115] : memref<1000000x64xf32, #tpu.memory_space<hbm>> -> memref<128x64xf32, #tpu.memory_space<hbm>>
    %dma_wait3A_117 = arith.constant 0 : i32
    %dma_wait3A_118 = arith.constant 0 : i32
    %dma_wait3A_119 = tpu.memref_slice %arg4[%dma_wait3A_117, %dma_wait3A_118] : memref<1000000x64xf32, #tpu.memory_space<hbm>> -> memref<128x64xf32, #tpu.memory_space<hbm>>
    tpu.wait_dma2 semaphore(%arg13 : memref<!tpu.dma_semaphore, #tpu.memory_space<semaphore_mem>>) src(%dma_wait3A_119 : memref<128x64xf32, #tpu.memory_space<hbm>>) dst(%arg11 : memref<128x64xf32, #tpu.memory_space<vmem>>)
    %add3A_120 = arith.constant 384 : i32
    %add3A_121 = arith.addi %mul3A_2, %add3A_120 : i32
    %dma_start3A_122 = arith.constant 0 : i32
    %dma_start3A_123 = tpu.memref_slice %arg5[%add3A_121, %dma_start3A_122] : memref<16384x64xf32, #tpu.memory_space<hbm>> -> memref<128x64xf32, #tpu.memory_space<hbm>>
    %dma_start3A_124 = arith.constant 0 : i32
    %dma_start3A_125 = tpu.memref_slice %arg5[%add3A_121, %dma_start3A_124] : memref<16384x64xf32, #tpu.memory_space<hbm>> -> memref<128x64xf32, #tpu.memory_space<hbm>>
    tpu.enqueue_dma source(%arg9 : memref<128x64xf32, #tpu.memory_space<vmem>>) target(%dma_start3A_125 : memref<128x64xf32, #tpu.memory_space<hbm>>) target_semaphore(%arg15 : memref<!tpu.dma_semaphore, #tpu.memory_space<semaphore_mem>>)
    %add3A_126 = arith.constant 384 : i32
    %add3A_127 = arith.addi %mul3A_2, %add3A_126 : i32
    %dma_start3A_128 = arith.constant 0 : i32
    %dma_start3A_129 = tpu.memref_slice %arg6[%add3A_127, %dma_start3A_128] : memref<16384x64xf32, #tpu.memory_space<hbm>> -> memref<128x64xf32, #tpu.memory_space<hbm>>
    %dma_start3A_130 = arith.constant 0 : i32
    %dma_start3A_131 = tpu.memref_slice %arg6[%add3A_127, %dma_start3A_130] : memref<16384x64xf32, #tpu.memory_space<hbm>> -> memref<128x64xf32, #tpu.memory_space<hbm>>
    tpu.enqueue_dma source(%arg11 : memref<128x64xf32, #tpu.memory_space<vmem>>) target(%dma_start3A_131 : memref<128x64xf32, #tpu.memory_space<hbm>>) target_semaphore(%arg17 : memref<!tpu.dma_semaphore, #tpu.memory_space<semaphore_mem>>)
    %dma_wait3A_132 = arith.constant 0 : i32
    %dma_wait3A_133 = arith.constant 0 : i32
    %dma_wait3A_134 = tpu.memref_slice %arg5[%dma_wait3A_132, %dma_wait3A_133] : memref<16384x64xf32, #tpu.memory_space<hbm>> -> memref<128x64xf32, #tpu.memory_space<hbm>>
    %dma_wait3A_135 = arith.constant 0 : i32
    %dma_wait3A_136 = arith.constant 0 : i32
    %dma_wait3A_137 = tpu.memref_slice %arg5[%dma_wait3A_135, %dma_wait3A_136] : memref<16384x64xf32, #tpu.memory_space<hbm>> -> memref<128x64xf32, #tpu.memory_space<hbm>>
    tpu.wait_dma2 semaphore(%arg14 : memref<!tpu.dma_semaphore, #tpu.memory_space<semaphore_mem>>) src(%arg8 : memref<128x64xf32, #tpu.memory_space<vmem>>) dst(%dma_wait3A_137 : memref<128x64xf32, #tpu.memory_space<hbm>>)
    %dma_wait3A_138 = arith.constant 0 : i32
    %dma_wait3A_139 = arith.constant 0 : i32
    %dma_wait3A_140 = tpu.memref_slice %arg6[%dma_wait3A_138, %dma_wait3A_139] : memref<16384x64xf32, #tpu.memory_space<hbm>> -> memref<128x64xf32, #tpu.memory_space<hbm>>
    %dma_wait3A_141 = arith.constant 0 : i32
    %dma_wait3A_142 = arith.constant 0 : i32
    %dma_wait3A_143 = tpu.memref_slice %arg6[%dma_wait3A_141, %dma_wait3A_142] : memref<16384x64xf32, #tpu.memory_space<hbm>> -> memref<128x64xf32, #tpu.memory_space<hbm>>
    tpu.wait_dma2 semaphore(%arg16 : memref<!tpu.dma_semaphore, #tpu.memory_space<semaphore_mem>>) src(%arg10 : memref<128x64xf32, #tpu.memory_space<vmem>>) dst(%dma_wait3A_143 : memref<128x64xf32, #tpu.memory_space<hbm>>)
    %dma_wait3A_144 = arith.constant 0 : i32
    %dma_wait3A_145 = arith.constant 0 : i32
    %dma_wait3A_146 = tpu.memref_slice %arg5[%dma_wait3A_144, %dma_wait3A_145] : memref<16384x64xf32, #tpu.memory_space<hbm>> -> memref<128x64xf32, #tpu.memory_space<hbm>>
    %dma_wait3A_147 = arith.constant 0 : i32
    %dma_wait3A_148 = arith.constant 0 : i32
    %dma_wait3A_149 = tpu.memref_slice %arg5[%dma_wait3A_147, %dma_wait3A_148] : memref<16384x64xf32, #tpu.memory_space<hbm>> -> memref<128x64xf32, #tpu.memory_space<hbm>>
    tpu.wait_dma2 semaphore(%arg15 : memref<!tpu.dma_semaphore, #tpu.memory_space<semaphore_mem>>) src(%arg9 : memref<128x64xf32, #tpu.memory_space<vmem>>) dst(%dma_wait3A_149 : memref<128x64xf32, #tpu.memory_space<hbm>>)
    %dma_wait3A_150 = arith.constant 0 : i32
    %dma_wait3A_151 = arith.constant 0 : i32
    %dma_wait3A_152 = tpu.memref_slice %arg6[%dma_wait3A_150, %dma_wait3A_151] : memref<16384x64xf32, #tpu.memory_space<hbm>> -> memref<128x64xf32, #tpu.memory_space<hbm>>
    %dma_wait3A_153 = arith.constant 0 : i32
    %dma_wait3A_154 = arith.constant 0 : i32
    %dma_wait3A_155 = tpu.memref_slice %arg6[%dma_wait3A_153, %dma_wait3A_154] : memref<16384x64xf32, #tpu.memory_space<hbm>> -> memref<128x64xf32, #tpu.memory_space<hbm>>
    tpu.wait_dma2 semaphore(%arg17 : memref<!tpu.dma_semaphore, #tpu.memory_space<semaphore_mem>>) src(%arg11 : memref<128x64xf32, #tpu.memory_space<vmem>>) dst(%dma_wait3A_155 : memref<128x64xf32, #tpu.memory_space<hbm>>)
    return
  }
}

</mosaic_0001>

<sc_bundles>
// kernel: kernel.3.cloned.1.call-start
scs
__scs_entry_jumppad:
0x0: {  	(pc) =	sbr.rel $0x88, $3  }
0x1: {  	(tag) =	ssettag $0x0;
	lr =	simm.s32 $0x1  }
0x2: {  	[smem:$0x3F9E] =	sst lr;
	_ =	strace $0xD0000000  }
0x3: {  	_ = 	snop  }
0x4: {  	_ = 	snop  }
0x5: {  	_ = 	snop  }
0x6: {  	_ = 	snop  }
0x7: {  	_ = 	snop  }
__scs_overlays_trampoline_lowered:
0x8: {  	[smem:$0x3FAD] =	sst s0  }
0x9: {  	[smem:$0x3FAE] =	sst s1  }
0xa: {  	[smem:$0x3FAF] =	sst s2  }
0xb: {  	[smem:$0x3FB0] =	sst s3  }
0xc: {  	[smem:$0x3FB1] =	sst s4  }
0xd: {  	[smem:$0x3FB2] =	sst s5  }
0xe: {  	[smem:$0x3FB3] =	sst s6  }
0xf: {  	[smem:$0x3FB4] =	sst s7  }
0x10: {  	[smem:$0x3FB5] =	sst s8  }
0x11: {  	[smem:$0x3FB6] =	sst s9;
	s0 =	simm.s32 @!p0 $0x0  }
0x12: {  	s1 =	sld [smem:$0x3F9C];
	s0 =	simm.s32 @p0 $0x1  }
0x13: {  	[smem:$0x3FB7] =	sst s0;
	s0 =	simm.s32 @!p1 $0x0  }
0x14: {  	s2 =	sld [smem:$0x3F9B];
	s0 =	simm.s32 @p1 $0x1  }
0x15: {  	[smem:$0x3FB8] =	sst s0;
	s0 =	simm.s32 @!p2 $0x0  }
0x16: {  	s3 =	sld [smem:$0x3FDB];
	s0 =	simm.s32 @p2 $0x1  }
0x17: {  	s4 =	simm.s32 $0x1BF5;
	[smem:$0x3FBA] =	sst s0  }
0x18: {  	s0 =	sld [smem:$0x3F9D];
	_ =	swait.ge [sflag:s4], $0x0  }
0x19: {  	s7 =	sld [smem:$0x3F9E]  }
0x1a: {  	s8 =	sadd.s32 $0xFFFFE003, lr  }
0x1b: {  	s9 =	sadd.s32 $0xFFFFFEF7, lr;
	s5 =	simm.s32 $0xFFFFFFFF;
	p2 =	slt.u32 s8, $0xFFFFF086  }
0x1c: {  	p1 =	slt.u32 s9, $0xF7A;
	s5 =	simm.s32 @!p2 $0x0  }
0x1d: {  	s5 =	simm.s32 @p1 $0x1;
	p0 =	seq.s32 s7, s2  }
0x1e: {  	s7 =	smul.u32 @!p0 $0xF7A, s2;
	p2 =	seq.s32 @!p0 s5, $0x0  }
0x1f: {  	s9 =	smul.u32 $0xF7A, s1;
	s8 =	simm.s32 @!p0 $0x1BF5;
	p2 =	por !p2, p0  }
0x20: {  	[sflag:s8] =	ssyncset.s32 @!p0 $0xFFFFF086;
	s6 =	sadd.s32 @!p0 s3, s7;
	s7 =	simm.s32 @!p0 $0x108  }
0x21: {  	s3 =	sadd.s32 s3, s9;
	s6 =	sadd.s32 @!p0 $0x88, s6;
	s7 =	simm.s32 @p2 $0x1082  }
0x22: {  	[simem:s7], [sflag:s8] =	dma.local @!p0 [hbm:s6], $0xF7A  }
0x23: {  	s9 =	sor.u32 $0xD0000000, s2;
	s6 =	simm.s32 $0x108;
	_ =	swait.ge @!p0 [sflag:s8], $0x0  }
0x24: {  	s3 =	sadd.s32 $0x88, s3;
	s6 =	simm.s32 @!p1 $0x1082;
	[sflag:s4] =	ssyncset.s32 $0xFFFFF086  }
0x25: {  	[simem:s6], [sflag:s4] =	dma.local [hbm:s3], $0xF7A  }
0x26: {  	[smem:$0x3F9E] =	sst s1;
	(tag) =	ssettag s2;
	_ =	strace s9  }
0x27: {  	s1 =	sld [smem:$0x3FAE]  }
0x28: {  	s2 =	sld [smem:$0x3FAF]  }
0x29: {  	s4 =	sld [smem:$0x3FB1]  }
0x2a: {  	p0 =	seq.s32 s5, $0x0;
	s5 =	sld [smem:$0x3FB2]  }
0x2b: {  	s6 =	sld [smem:$0x3FB3]  }
0x2c: {  	s7 =	sld [smem:$0x3FB4]  }
0x2d: {  	s3 =	simm.s32 $0x108;
	s8 =	sld [smem:$0x3FB5]  }
0x2e: {  	s3 =	simm.s32 @!p0 $0x1082;
	s9 =	sld [smem:$0x3FB6]  }
0x2f: {  	lr =	sadd.s32 s0, s3;
	s0 =	sld [smem:$0x3FAD]  }
0x30: {  	s3 =	sld [smem:$0x3FB0]  }
0x31: {  	[smem:$0x3FB9] =	sst s10  }
0x32: {  	s10 =	sld [smem:$0x3FB7];
	_ =	sdelay $0x3  }
0x33: {  	p0 =	seq.s32 s10, $0x1;
	s10 =	sld [smem:$0x3FB9];
	_ =	sdelay $0x3  }
0x34: {  	[smem:$0x3FB9] =	sst s10  }
0x35: {  	s10 =	sld [smem:$0x3FB8];
	_ =	sdelay $0x3  }
0x36: {  	p1 =	seq.s32 s10, $0x1;
	s10 =	sld [smem:$0x3FB9];
	_ =	sdelay $0x3  }
0x37: {  	[smem:$0x3FB9] =	sst s10  }
0x38: {  	s10 =	sld [smem:$0x3FBA]  }
0x39: {  	_ = 	snop;
	(pc) =	sbr.ind lr, $3  }
0x3a: {  	_ = 	snop  }
0x3b: {  	_ = 	snop  }
0x3c: {  	p2 =	seq.s32 s10, $0x1;
	s10 =	sld [smem:$0x3FB9]  }
0x3d: {  	_ =	shalt  }
0x3e: {  	_ =	shalt  }
0x3f: {  	_ =	shalt  }
0x40: {  	_ =	shalt  }
0x41: {  	_ =	shalt  }
0x42: {  	_ =	shalt  }
0x43: {  	_ =	shalt  }
0x44: {  	_ =	shalt  }
0x45: {  	_ =	shalt  }
0x46: {  	_ =	shalt  }
0x47: {  	_ =	shalt  }
0x48: {  	_ =	shalt  }
0x49: {  	_ =	shalt  }
0x4a: {  	_ =	shalt  }
0x4b: {  	_ =	shalt  }
0x4c: {  	_ =	shalt  }
0x4d: {  	_ =	shalt  }
0x4e: {  	_ =	shalt  }
0x4f: {  	_ =	shalt  }
0x50: {  	_ =	shalt  }
0x51: {  	_ =	shalt  }
0x52: {  	_ =	shalt  }
0x53: {  	_ =	shalt  }
0x54: {  	_ =	shalt  }
0x55: {  	_ =	shalt  }
0x56: {  	_ =	shalt  }
0x57: {  	_ =	shalt  }
0x58: {  	_ =	shalt  }
0x59: {  	_ =	shalt  }
0x5a: {  	_ =	shalt  }
0x5b: {  	_ =	shalt  }
0x5c: {  	_ =	shalt  }
0x5d: {  	_ =	shalt  }
0x5e: {  	_ =	shalt  }
0x5f: {  	_ =	shalt  }
0x60: {  	_ =	shalt  }
0x61: {  	_ =	shalt  }
0x62: {  	_ =	shalt  }
0x63: {  	_ =	shalt  }
0x64: {  	_ =	shalt  }
0x65: {  	_ =	shalt  }
0x66: {  	_ =	shalt  }
0x67: {  	_ =	shalt  }
0x68: {  	_ =	shalt  }
0x69: {  	_ =	shalt  }
0x6a: {  	_ =	shalt  }
0x6b: {  	_ =	shalt  }
0x6c: {  	_ =	shalt  }
0x6d: {  	_ =	shalt  }
0x6e: {  	_ =	shalt  }
0x6f: {  	_ =	shalt  }
0x70: {  	_ =	shalt  }
0x71: {  	_ =	shalt  }
0x72: {  	_ =	shalt  }
0x73: {  	_ =	shalt  }
0x74: {  	_ =	shalt  }
0x75: {  	_ =	shalt  }
0x76: {  	_ =	shalt  }
0x77: {  	_ =	shalt  }
0x78: {  	_ =	shalt  }
0x79: {  	_ =	shalt  }
0x7a: {  	_ =	shalt  }
0x7b: {  	_ =	shalt  }
0x7c: {  	_ =	shalt  }
0x7d: {  	_ =	shalt  }
0x7e: {  	_ =	shalt  }
0x7f: {  	_ =	shalt  }
0x80: {  	_ =	shalt  }
0x81: {  	_ =	shalt  }
0x82: {  	_ =	shalt  }
0x83: {  	_ =	shalt  }
0x84: {  	_ =	shalt  }
0x85: {  	_ =	shalt  }
0x86: {  	_ =	shalt  }
0x87: {  	_ =	shalt  }
.Lfunc_end0:
.L_simem_size_0:
called_computation_lowered:
.L_overlay_start_0:
0x88: {  	s2 =	sld [smem:$0x3FD9]  }
0x89: {  	s3 =	sld [smem:$0x3FFE];
	_ =	sdelay $0x1  }
0x8a: {  	s1 =	srdreg.scid  }
0x8b: {  	s0 =	sand.u32 $0x1, s1  }
0x8c: {  	s17 =	sshll.u32 s0, $0xA;
	s2 =	sadd.s32 s3, s2  }
0x8d: {  	s2 =	sadd.s32 s2, s17  }
0x8e: {  	[smem:$0x3FC5] =	sst s2  }
0x8f: {  	_ = 	snop  }
0x90: {  	s2 =	sld [smem:$0x3FC9];
	(tm) =	ssettm $0x1  }
0x91: {  	s18 =	sld [smem:$0x3FFB];
	_ =	sdelay $0x3  }
0x92: {  	_ =	strace s18  }
0x93: {  	s3 =	sld [smem:$0x3FFC];
	_ =	sdelay $0x3  }
0x94: {  	_ =	strace s3  }
0x95: {  	s3 =	sld [smem:$0x3FFD];
	_ =	sdelay $0x3  }
0x96: {  	_ =	strace s3  }
0x97: {  	_ =	strace $0x8FFFFFFF  }
0x98: {  	s19 =	sld [smem:$0x3FDB];
	_ =	sdelay $0x1  }
0x99: {  	s4 =	simm.s32 $_scs_section_size  }
0x9a: {  	s5 =	simm.s32 $_size__tile_overlayer_lowered;
	s6 =	simm.s32 $_tile_overlayer_lowered  }
0x9b: {  	s22 =	simm.s32 $0x1BFF;
	s21 =	sshll.u32 s6, $0x1;
	s3 =	sadd.s32 s4, s19  }
0x9c: {  	s7 =	simm.s32 $0x0;
	s20 =	sshll.u32 s5, $0x1;
	s5 =	sadd.s32 s21, s3  }
0x9d: {  	[timem:s7], [sflag:s22] =	dma.local [hbm:s5], s20  }
0x9e: {  	_ =	swait.ge [sflag:s22], s20  }
0x9f: {  	s4 =	ssub.s32 $0x0, s20;
	[sflag:s22] =	ssyncset.done $0x0  }
0xa0: {  	[sflag:s22] =	ssyncadd.s32 s4;
	_ =	sdelay $0x1  }
0xa1: {  	s23 =	simm.s32 $0x1B8B  }
0xa2: {  	_ =	swait.ge [sflag:s23], $0x1  }
0xa3: {  	[sflag:s23] =	ssyncset.done $0x0  }
0xa4: {  	s25 =	simm.s32 $0x1B8E;
	s24 =	sld [smem:$0x3FFE];
	[sflag:s23] =	ssyncadd.s32 $0xFFFFFFFF  }
0xa5: {  	s26 =	simm.s32 $execute0_lowered;
	[smem:$0x3FD2] =	sst s25  }
0xa6: {  	s5 =	sshll.u32 s26, $0x1;
	_ =	strace $0x80000046;
	[dreg:$0x1] =	wrdreg $0xFFFFFFFF  }
0xa7: {  	s28 =	simm.s32 $_size_execute0_lowered;
	s3 =	sadd.s32 s3, s5;
	[dreg:$0x0] =	wrdreg $0x0  }
0xa8: {  	s5 =	sshll.u32 s28, $0x1;
	[dreg:$0x2] =	wrdreg s3  }
0xa9: {  	[dreg:$0x3] =	wrdreg s5  }
0xaa: {  	[dreg:$0x4] =	wrdreg $0xC0  }
0xab: {  	_ =	task [dreg:s7], $0x5FFFF  }
0xac: {  	[dreg:$0x1] =	wrdreg $0xFFFFFFFF  }
0xad: {  	[dreg:$0x0] =	wrdreg $0x60  }
0xae: {  	[dreg:$0x2] =	wrdreg s2  }
0xaf: {  	[dreg:$0x3] =	wrdreg s24  }
0xb0: {  	[dreg:$0x4] =	wrdreg $0x9  }
0xb1: {  	_ =	task.clear_ibuf [dreg:s7], $0x5FFFF;
	_ =	strace $0x90000046  }
0xb2: {  	s29 =	simm.s32 $0x9;
	_ =	strace $0x80000048  }
0xb3: {  	_ =	swait.ge [sflag:s29], $0x1  }
0xb4: {  	[sflag:s29] =	ssyncadd.s32 $0xFFFFFFFF  }
0xb5: {  	_ =	strace $0x90000048  }
0xb6: {  	_ =	sfence  }
0xb7: {  	s30 =	sld [smem:$0x0];
	_ =	sdelay $0x2  }
0xb8: {  	s31 =	sshll.u32 s1, $0xD;
	s1 =	sshrl.u32 s1, $0x2  }
0xb9: {  	s3 =	sand.u32 $0x4000, s31;
	s1 =	sadd.s32 s1, s30  }
0xba: {  	s0 =	sor.u32 s3, s0;
	s1 =	sshll.u32 s1, $0x11  }
0xbb: {  	s0 =	sor.u32 s1, s0  }
0xbc: {  	s0 =	sadd.s32 $0x8F2B, s0  }
0xbd: {  	[sflag:s0] =	ssyncadd.remote.s32 $0x1  }
0xbe: {  	_ =	sfence.sel $0xFFFF  }
0xbf: {  	[dreg:$0x0] =	wrdreg $0xFFFFFFFF;
	(pc) =	sbr.abs _section_cstart, $3  }
0xc0: {  	[dreg:$0x1] =	wrdreg $0xFFFFFFFF  }
0xc1: {  	_ =	task.clear_ibuf [dreg:s7], $0x2FFFF;
	_ =	strace $0x9FFFFFFF  }
0xc2: {  	(tm) =	ssettm $0x7FFFFFFF  }
0xc3: {  	_ =	shalt  }
tec
execute0_lowered:
.L_overlay_start_1:
0x0: {  	(tag) =	ssettag $0x1  }
0x1: {  	s5 =	rddreg [dreg:$0x0]  }
0x2: {  	s6 =	rddreg [dreg:$0x1]  }
0x3: {  	s1 =	simm.s32 $0x0;
	s4 =	srdreg.scid;
	s0 =	stileid.u32  }
0x4: {  	s16 =	simm.s32 $0x1;
	s18 =	simm.s32 $0x8200;
	s19 =	simm.s32 $0x3  }
0x5: {  	s20 =	simm.s32 $0x5;
	s21 =	simm.s32 $0x2;
	s22 =	simm.s32 $0x4200  }
0x6: {  	s23 =	simm.s32 $0xC200;
	s24 =	simm.s32 $0x4;
	s25 =	simm.s32 $0x6  }
0x7: {  	s26 =	simm.s32 $0x0;
	[smem:$0x7FF] =	sst s1;
	s3 =	sadd.s32 $0x800, s6  }
0x8: {  	s7 =	sand.u32 $0x1, s4;
	s4 =	sadd.s32 $0xF42C00, s6;
	s8 =	sshll.u32 s0, $0xA  }
0x9: {  	s12 =	sadd.s32 $0x1E85000, s6;
	s13 =	sadd.s32 $0x1EC5000, s6;
	s9 =	sshll.u32 s7, $0x9  }
0xa: {  	_ =	strace $0x80000047;
	s7 =	ssub.s32 $0x2, s7;
	s8 =	sor.u32 s9, s8  }
0xb: {  	s30 =	sshrl.u32 s7, $0x1;
	s9 =	sshrl.u32 s8, $0x3;
	s15 =	sshll.u32 s8, $0x4  }
0xc: {  	s14 =	ssub.s32 s7, s30;
	s5 =	sadd.s32 s5, s9;
	s6 =	sadd.s32 s12, s15  }
0xd: {  	s7 =	sadd.s32 s13, s15;
	s31 =	sor.u32 $0x800, s15;
	s11 =	sor.u32 $0x1000, s15  }
0xe: {  	s15 =	sor.u32 $0x1800, s15;
	s14 =	smax.u32 s14, $0x1;
	s8 =	sadd.s32 s12, s31  }
0xf: {  	s9 =	sadd.s32 s13, s31;
	s10 =	sadd.s32 s12, s11;
	s11 =	sadd.s32 s13, s11  }
0x10: {  	s12 =	sadd.s32 s12, s15;
	s13 =	sadd.s32 s13, s15;
	s15 =	simm.s32 $0x7  }
.LBB2_1:
0x11: {  	[tilespmem:s1], [sflag:$0x7] =	stream.linear.gather [hbm4b:s5+s1], $0x200, $0x38;
	[tilespmem:$0x10200] =	vst v63  }
0x12: {  	_ =	swait.ge [sflag:s15], $0x200  }
0x13: {  	p0 =	por $0x1, $0x1;
	[sflag:s15] =	ssyncset.done $0x0  }
0x14: {  	p1 =	por $0x1, $0x1;
	s29 =	simm.s32 $0x0;
	[sflag:s15] =	ssyncadd.s32 $0xFFFFFE00  }
.LBB2_2:
0x15: {  	s30 =	sshll.u32 s29, $0x4  }
0x16: {  	s28 =	sand.u32 $0x3FFFFFF0, s30  }
0x17: {  	v0 =	vld [tilespmem:s28+$0x0];
	_ =	sdelay $0x4  }
0x18: {  	v0 =	vshll.u32 v0, $0x4  }
0x19: {  	(v2sf) =	vpush v0, $0x0;
	_ =	sdelay $0x3  }
0x1a: {  	(v2sf) =	vpush v0, $0x1;
	_ =	sdelay $0x4  }
0x1b: {  	(v2sf) =	vpush v0, $0x2;
	_ =	sdelay $0x5  }
0x1c: {  	s28 =	spop (v2sf)  }
0x1d: {  	s29 =	sshll.u32 s29, $0xB;
	(v2sf) =	vpush v0, $0x3;
	s31 =	sand.u32 $0x1FFFFFF0, s28  }
0x1e: {  	s0 =	sor.u32 $0x200, s29;
	s28 =	simm.s32 $0x0;
	s2 =	sadd.s32 s3, s31  }
0x1f: {  	[tilespmem:s0], [sflag:$0x1] =	stream.linear.gather [hbm4b:s2+s28], $0x80, $0x38;
	[tilespmem:$0x10200] =	vst v63  }
0x20: {  	s2 =	spop (v2sf)  }
0x21: {  	s17 =	sadd.s32 $0x8200, s29;
	s31 =	sadd.s32 s4, s31;
	(v2sf) =	vpush v0, $0x4;
	s0 =	sand.u32 $0x1FFFFFF0, s2  }
0x22: {  	[tilespmem:s17], [sflag:$0x1] =	stream.linear.gather [hbm4b:s31+s28], $0x80, $0x38;
	[tilespmem:$0x10200] =	vst v63  }
0x23: {  	s2 =	sor.u32 $0x280, s29;
	s17 =	sadd.s32 s3, s0  }
0x24: {  	[tilespmem:s2], [sflag:$0x1] =	stream.linear.gather [hbm4b:s17+s28], $0x80, $0x38;
	[tilespmem:$0x10200] =	vst v63  }
0x25: {  	s31 =	sadd.s32 $0x8280, s29;
	s0 =	sadd.s32 s4, s0;
	s2 =	spop (v2sf)  }
0x26: {  	(v2sf) =	vpush v0, $0x5;
	[tilespmem:s31], [sflag:$0x1] =	stream.linear.gather [hbm4b:s0+s28], $0x80, $0x38;
	[tilespmem:$0x10200] =	vst v63  }
0x27: {  	s0 =	sand.u32 $0x1FFFFFF0, s2  }
0x28: {  	s2 =	sor.u32 $0x300, s29;
	s17 =	sadd.s32 s3, s0  }
0x29: {  	[tilespmem:s2], [sflag:$0x1] =	stream.linear.gather [hbm4b:s17+s28], $0x80, $0x38;
	[tilespmem:$0x10200] =	vst v63  }
0x2a: {  	s31 =	sadd.s32 $0x8300, s29;
	s0 =	sadd.s32 s4, s0  }
0x2b: {  	[tilespmem:s31], [sflag:$0x1] =	stream.linear.gather [hbm4b:s0+s28], $0x80, $0x38;
	[tilespmem:$0x10200] =	vst v63  }
0x2c: {  	s2 =	spop (v2sf)  }
0x2d: {  	(v2sf) =	vpush v0, $0x6;
	s0 =	sand.u32 $0x1FFFFFF0, s2  }
0x2e: {  	s2 =	sor.u32 $0x380, s29;
	s17 =	sadd.s32 s3, s0  }
0x2f: {  	[tilespmem:s2], [sflag:$0x1] =	stream.linear.gather [hbm4b:s17+s28], $0x80, $0x38;
	[tilespmem:$0x10200] =	vst v63  }
0x30: {  	s31 =	sadd.s32 $0x8380, s29;
	s0 =	sadd.s32 s4, s0;
	s2 =	spop (v2sf)  }
0x31: {  	(v2sf) =	vpush v0, $0x7;
	[tilespmem:s31], [sflag:$0x1] =	stream.linear.gather [hbm4b:s0+s28], $0x80, $0x38;
	[tilespmem:$0x10200] =	vst v63  }
0x32: {  	s0 =	sand.u32 $0x1FFFFFF0, s2  }
0x33: {  	s2 =	sor.u32 $0x400, s29;
	s17 =	sadd.s32 s3, s0  }
0x34: {  	[tilespmem:s2], [sflag:$0x1] =	stream.linear.gather [hbm4b:s17+s28], $0x80, $0x38;
	[tilespmem:$0x10200] =	vst v63  }
0x35: {  	s31 =	sadd.s32 $0x8400, s29;
	s0 =	sadd.s32 s4, s0;
	s2 =	spop (v2sf)  }
0x36: {  	(v2sf) =	vpush v0, $0x8;
	[tilespmem:s31], [sflag:$0x1] =	stream.linear.gather [hbm4b:s0+s28], $0x80, $0x38;
	[tilespmem:$0x10200] =	vst v63  }
0x37: {  	s0 =	sand.u32 $0x1FFFFFF0, s2  }
0x38: {  	s2 =	sor.u32 $0x480, s29;
	s17 =	sadd.s32 s3, s0  }
0x39: {  	[tilespmem:s2], [sflag:$0x1] =	stream.linear.gather [hbm4b:s17+s28], $0x80, $0x38;
	[tilespmem:$0x10200] =	vst v63  }
0x3a: {  	s31 =	sadd.s32 $0x8480, s29;
	s0 =	sadd.s32 s4, s0  }
0x3b: {  	[tilespmem:s31], [sflag:$0x1] =	stream.linear.gather [hbm4b:s0+s28], $0x80, $0x38;
	[tilespmem:$0x10200] =	vst v63  }
0x3c: {  	s2 =	spop (v2sf)  }
0x3d: {  	(v2sf) =	vpush v0, $0x9;
	s0 =	sand.u32 $0x1FFFFFF0, s2  }
0x3e: {  	s2 =	sor.u32 $0x500, s29;
	s17 =	sadd.s32 s3, s0  }
0x3f: {  	[tilespmem:s2], [sflag:$0x1] =	stream.linear.gather [hbm4b:s17+s28], $0x80, $0x38;
	[tilespmem:$0x10200] =	vst v63  }
0x40: {  	s31 =	sadd.s32 $0x8500, s29;
	s0 =	sadd.s32 s4, s0;
	s2 =	spop (v2sf)  }
0x41: {  	(v2sf) =	vpush v0, $0xA;
	[tilespmem:s31], [sflag:$0x1] =	stream.linear.gather [hbm4b:s0+s28], $0x80, $0x38;
	[tilespmem:$0x10200] =	vst v63  }
0x42: {  	s0 =	sand.u32 $0x1FFFFFF0, s2  }
0x43: {  	s2 =	sor.u32 $0x580, s29;
	s17 =	sadd.s32 s3, s0  }
0x44: {  	[tilespmem:s2], [sflag:$0x1] =	stream.linear.gather [hbm4b:s17+s28], $0x80, $0x38;
	[tilespmem:$0x10200] =	vst v63  }
0x45: {  	s31 =	sadd.s32 $0x8580, s29;
	s0 =	sadd.s32 s4, s0;
	s2 =	spop (v2sf)  }
0x46: {  	(v2sf) =	vpush v0, $0xB;
	[tilespmem:s31], [sflag:$0x1] =	stream.linear.gather [hbm4b:s0+s28], $0x80, $0x38;
	[tilespmem:$0x10200] =	vst v63  }
0x47: {  	s0 =	sand.u32 $0x1FFFFFF0, s2  }
0x48: {  	s2 =	sor.u32 $0x600, s29;
	s17 =	sadd.s32 s3, s0  }
0x49: {  	[tilespmem:s2], [sflag:$0x1] =	stream.linear.gather [hbm4b:s17+s28], $0x80, $0x38;
	[tilespmem:$0x10200] =	vst v63  }
0x4a: {  	s31 =	sadd.s32 $0x8600, s29;
	s0 =	sadd.s32 s4, s0  }
0x4b: {  	[tilespmem:s31], [sflag:$0x1] =	stream.linear.gather [hbm4b:s0+s28], $0x80, $0x38;
	[tilespmem:$0x10200] =	vst v63  }
0x4c: {  	s2 =	spop (v2sf)  }
0x4d: {  	(v2sf) =	vpush v0, $0xC;
	s0 =	sand.u32 $0x1FFFFFF0, s2  }
0x4e: {  	s2 =	sor.u32 $0x680, s29;
	s17 =	sadd.s32 s3, s0  }
0x4f: {  	[tilespmem:s2], [sflag:$0x1] =	stream.linear.gather [hbm4b:s17+s28], $0x80, $0x38;
	[tilespmem:$0x10200] =	vst v63  }
0x50: {  	s31 =	sadd.s32 $0x8680, s29;
	s0 =	sadd.s32 s4, s0;
	s2 =	spop (v2sf)  }
0x51: {  	(v2sf) =	vpush v0, $0xD;
	[tilespmem:s31], [sflag:$0x1] =	stream.linear.gather [hbm4b:s0+s28], $0x80, $0x38;
	[tilespmem:$0x10200] =	vst v63  }
0x52: {  	s0 =	sand.u32 $0x1FFFFFF0, s2  }
0x53: {  	s2 =	sor.u32 $0x700, s29;
	s17 =	sadd.s32 s3, s0  }
0x54: {  	[tilespmem:s2], [sflag:$0x1] =	stream.linear.gather [hbm4b:s17+s28], $0x80, $0x38;
	[tilespmem:$0x10200] =	vst v63  }
0x55: {  	s31 =	sadd.s32 $0x8700, s29;
	s0 =	sadd.s32 s4, s0;
	s2 =	spop (v2sf)  }
0x56: {  	(v2sf) =	vpush v0, $0xE;
	[tilespmem:s31], [sflag:$0x1] =	stream.linear.gather [hbm4b:s0+s28], $0x80, $0x38;
	[tilespmem:$0x10200] =	vst v63  }
0x57: {  	s0 =	sand.u32 $0x1FFFFFF0, s2  }
0x58: {  	s2 =	sor.u32 $0x780, s29;
	s17 =	sadd.s32 s3, s0  }
0x59: {  	[tilespmem:s2], [sflag:$0x1] =	stream.linear.gather [hbm4b:s17+s28], $0x80, $0x38;
	[tilespmem:$0x10200] =	vst v63  }
0x5a: {  	s31 =	sadd.s32 $0x8780, s29;
	s0 =	sadd.s32 s4, s0  }
0x5b: {  	[tilespmem:s31], [sflag:$0x1] =	stream.linear.gather [hbm4b:s0+s28], $0x80, $0x38;
	[tilespmem:$0x10200] =	vst v63  }
0x5c: {  	s2 =	spop (v2sf)  }
0x5d: {  	(v2sf) =	vpush v0, $0xF;
	s0 =	sand.u32 $0x1FFFFFF0, s2  }
0x5e: {  	s2 =	sadd.s32 $0x800, s29;
	s17 =	sadd.s32 s3, s0  }
0x5f: {  	[tilespmem:s2], [sflag:$0x1] =	stream.linear.gather [hbm4b:s17+s28], $0x80, $0x38;
	[tilespmem:$0x10200] =	vst v63  }
0x60: {  	s31 =	sadd.s32 $0x8800, s29;
	s0 =	sadd.s32 s4, s0;
	s2 =	spop (v2sf)  }
0x61: {  	[tilespmem:s31], [sflag:$0x1] =	stream.linear.gather [hbm4b:s0+s28], $0x80, $0x38;
	[tilespmem:$0x10200] =	vst v63  }
0x62: {  	s0 =	sand.u32 $0x1FFFFFF0, s2  }
0x63: {  	s2 =	sadd.s32 $0x880, s29;
	s17 =	sadd.s32 s3, s0  }
0x64: {  	[tilespmem:s2], [sflag:$0x1] =	stream.linear.gather [hbm4b:s17+s28], $0x80, $0x38;
	[tilespmem:$0x10200] =	vst v63  }
0x65: {  	s31 =	sadd.s32 $0x8880, s29;
	s0 =	sadd.s32 s4, s0;
	s2 =	spop (v2sf)  }
0x66: {  	[tilespmem:s31], [sflag:$0x1] =	stream.linear.gather [hbm4b:s0+s28], $0x80, $0x38;
	[tilespmem:$0x10200] =	vst v63  }
0x67: {  	s0 =	sand.u32 $0x1FFFFFF0, s2  }
0x68: {  	s2 =	sadd.s32 $0x900, s29;
	s17 =	sadd.s32 s3, s0  }
0x69: {  	[tilespmem:s2], [sflag:$0x1] =	stream.linear.gather [hbm4b:s17+s28], $0x80, $0x38;
	[tilespmem:$0x10200] =	vst v63  }
0x6a: {  	s31 =	sadd.s32 $0x8900, s29;
	s0 =	sadd.s32 s4, s0  }
0x6b: {  	[tilespmem:s31], [sflag:$0x1] =	stream.linear.gather [hbm4b:s0+s28], $0x80, $0x38;
	[tilespmem:$0x10200] =	vst v63  }
0x6c: {  	s2 =	spop (v2sf)  }
0x6d: {  	s0 =	sand.u32 $0x1FFFFFF0, s2  }
0x6e: {  	s2 =	sadd.s32 $0x980, s29;
	s17 =	sadd.s32 s3, s0  }
0x6f: {  	[tilespmem:s2], [sflag:$0x1] =	stream.linear.gather [hbm4b:s17+s28], $0x80, $0x38;
	[tilespmem:$0x10200] =	vst v63  }
0x70: {  	s31 =	sadd.s32 $0x8980, s29;
	s0 =	sadd.s32 s4, s0;
	s17 =	sor.u32 $0x10, s30  }
0x71: {  	[tilespmem:s31], [sflag:$0x1] =	stream.linear.gather [hbm4b:s0+s28], $0x80, $0x38;
	[tilespmem:$0x10200] =	vst v63  }
0x72: {  	v61 =	vld [tilespmem:s17+$0x0];
	_ =	sdelay $0x4  }
0x73: {  	v0 =	vshll.u32 v61, $0x4  }
0x74: {  	(v2sf) =	vpush v0, $0x0;
	_ =	sdelay $0x5  }
0x75: {  	(v2sf) =	vpush v0, $0x1;
	_ =	sdelay $0x3  }
0x76: {  	(v2sf) =	vpush v0, $0x2;
	_ =	sdelay $0x4  }
0x77: {  	s31 =	spop (v2sf)  }
0x78: {  	s0 =	sshll.u32 s17, $0x7;
	s2 =	sand.u32 $0x1FFFFFF0, s31  }
0x79: {  	(v2sf) =	vpush v0, $0x3;
	s31 =	sor.u32 $0x200, s0;
	s17 =	sadd.s32 s3, s2  }
0x7a: {  	[tilespmem:s31], [sflag:$0x1] =	stream.linear.gather [hbm4b:s17+s28], $0x80, $0x38;
	[tilespmem:$0x10200] =	vst v63  }
0x7b: {  	s0 =	sadd.s32 $0x8200, s0;
	s2 =	sadd.s32 s4, s2  }
0x7c: {  	[tilespmem:s0], [sflag:$0x1] =	stream.linear.gather [hbm4b:s2+s28], $0x80, $0x38;
	[tilespmem:$0x10200] =	vst v63  }
0x7d: {  	s2 =	spop (v2sf)  }
0x7e: {  	s0 =	sand.u32 $0x1FFFFFF0, s2  }
0x7f: {  	s17 =	sor.u32 $0xA80, s29;
	(v2sf) =	vpush v0, $0x4;
	s31 =	sadd.s32 s3, s0  }
0x80: {  	[tilespmem:s17], [sflag:$0x1] =	stream.linear.gather [hbm4b:s31+s28], $0x80, $0x38;
	[tilespmem:$0x10200] =	vst v63  }
0x81: {  	s2 =	spop (v2sf);
	s0 =	sadd.s32 s4, s0;
	s31 =	sadd.s32 $0x8A80, s29  }
0x82: {  	[tilespmem:s31], [sflag:$0x1] =	stream.linear.gather [hbm4b:s0+s28], $0x80, $0x38;
	[tilespmem:$0x10200] =	vst v63  }
0x83: {  	(v2sf) =	vpush v0, $0x5;
	s0 =	sand.u32 $0x1FFFFFF0, s2  }
0x84: {  	s17 =	sor.u32 $0xB00, s29;
	s31 =	sadd.s32 s3, s0  }
0x85: {  	[tilespmem:s17], [sflag:$0x1] =	stream.linear.gather [hbm4b:s31+s28], $0x80, $0x38;
	[tilespmem:$0x10200] =	vst v63  }
0x86: {  	s0 =	sadd.s32 s4, s0;
	s31 =	sadd.s32 $0x8B00, s29  }
0x87: {  	[tilespmem:s31], [sflag:$0x1] =	stream.linear.gather [hbm4b:s0+s28], $0x80, $0x38;
	[tilespmem:$0x10200] =	vst v63  }
0x88: {  	s2 =	spop (v2sf)  }
0x89: {  	s0 =	sand.u32 $0x1FFFFFF0, s2  }
0x8a: {  	s17 =	sor.u32 $0xB80, s29;
	(v2sf) =	vpush v0, $0x6;
	s31 =	sadd.s32 s3, s0  }
0x8b: {  	[tilespmem:s17], [sflag:$0x1] =	stream.linear.gather [hbm4b:s31+s28], $0x80, $0x38;
	[tilespmem:$0x10200] =	vst v63  }
0x8c: {  	s0 =	sadd.s32 s4, s0;
	s31 =	sadd.s32 $0x8B80, s29  }
0x8d: {  	[tilespmem:s31], [sflag:$0x1] =	stream.linear.gather [hbm4b:s0+s28], $0x80, $0x38;
	[tilespmem:$0x10200] =	vst v63  }
0x8e: {  	s2 =	spop (v2sf)  }
0x8f: {  	s0 =	sand.u32 $0x1FFFFFF0, s2  }
0x90: {  	s17 =	sadd.s32 $0xC00, s29;
	(v2sf) =	vpush v0, $0x7;
	s31 =	sadd.s32 s3, s0  }
0x91: {  	[tilespmem:s17], [sflag:$0x1] =	stream.linear.gather [hbm4b:s31+s28], $0x80, $0x38;
	[tilespmem:$0x10200] =	vst v63  }
0x92: {  	s2 =	spop (v2sf);
	s0 =	sadd.s32 s4, s0;
	s31 =	sadd.s32 $0x8C00, s29  }
0x93: {  	[tilespmem:s31], [sflag:$0x1] =	stream.linear.gather [hbm4b:s0+s28], $0x80, $0x38;
	[tilespmem:$0x10200] =	vst v63  }
0x94: {  	(v2sf) =	vpush v0, $0x8;
	s0 =	sand.u32 $0x1FFFFFF0, s2  }
0x95: {  	s17 =	sadd.s32 $0xC80, s29;
	s31 =	sadd.s32 s3, s0  }
0x96: {  	[tilespmem:s17], [sflag:$0x1] =	stream.linear.gather [hbm4b:s31+s28], $0x80, $0x38;
	[tilespmem:$0x10200] =	vst v63  }
0x97: {  	s0 =	sadd.s32 s4, s0;
	s31 =	sadd.s32 $0x8C80, s29  }
0x98: {  	[tilespmem:s31], [sflag:$0x1] =	stream.linear.gather [hbm4b:s0+s28], $0x80, $0x38;
	[tilespmem:$0x10200] =	vst v63  }
0x99: {  	s2 =	spop (v2sf)  }
0x9a: {  	s0 =	sand.u32 $0x1FFFFFF0, s2  }
0x9b: {  	s17 =	sadd.s32 $0xD00, s29;
	(v2sf) =	vpush v0, $0x9;
	s31 =	sadd.s32 s3, s0  }
0x9c: {  	[tilespmem:s17], [sflag:$0x1] =	stream.linear.gather [hbm4b:s31+s28], $0x80, $0x38;
	[tilespmem:$0x10200] =	vst v63  }
0x9d: {  	s0 =	sadd.s32 s4, s0;
	s31 =	sadd.s32 $0x8D00, s29  }
0x9e: {  	[tilespmem:s31], [sflag:$0x1] =	stream.linear.gather [hbm4b:s0+s28], $0x80, $0x38;
	[tilespmem:$0x10200] =	vst v63  }
0x9f: {  	s2 =	spop (v2sf)  }
0xa0: {  	s0 =	sand.u32 $0x1FFFFFF0, s2  }
0xa1: {  	s17 =	sadd.s32 $0xD80, s29;
	(v2sf) =	vpush v0, $0xA;
	s31 =	sadd.s32 s3, s0  }
0xa2: {  	[tilespmem:s17], [sflag:$0x1] =	stream.linear.gather [hbm4b:s31+s28], $0x80, $0x38;
	[tilespmem:$0x10200] =	vst v63  }
0xa3: {  	s2 =	spop (v2sf);
	s0 =	sadd.s32 s4, s0;
	s31 =	sadd.s32 $0x8D80, s29  }
0xa4: {  	[tilespmem:s31], [sflag:$0x1] =	stream.linear.gather [hbm4b:s0+s28], $0x80, $0x38;
	[tilespmem:$0x10200] =	vst v63  }
0xa5: {  	(v2sf) =	vpush v0, $0xB;
	s0 =	sand.u32 $0x1FFFFFF0, s2  }
0xa6: {  	s17 =	sor.u32 $0xE00, s29;
	s31 =	sadd.s32 s3, s0  }
0xa7: {  	[tilespmem:s17], [sflag:$0x1] =	stream.linear.gather [hbm4b:s31+s28], $0x80, $0x38;
	[tilespmem:$0x10200] =	vst v63  }
0xa8: {  	s0 =	sadd.s32 s4, s0;
	s31 =	sadd.s32 $0x8E00, s29  }
0xa9: {  	[tilespmem:s31], [sflag:$0x1] =	stream.linear.gather [hbm4b:s0+s28], $0x80, $0x38;
	[tilespmem:$0x10200] =	vst v63  }
0xaa: {  	s2 =	spop (v2sf)  }
0xab: {  	s0 =	sand.u32 $0x1FFFFFF0, s2  }
0xac: {  	s17 =	sor.u32 $0xE80, s29;
	(v2sf) =	vpush v0, $0xC;
	s31 =	sadd.s32 s3, s0  }
0xad: {  	[tilespmem:s17], [sflag:$0x1] =	stream.linear.gather [hbm4b:s31+s28], $0x80, $0x38;
	[tilespmem:$0x10200] =	vst v63  }
0xae: {  	s0 =	sadd.s32 s4, s0;
	s31 =	sadd.s32 $0x8E80, s29  }
0xaf: {  	[tilespmem:s31], [sflag:$0x1] =	stream.linear.gather [hbm4b:s0+s28], $0x80, $0x38;
	[tilespmem:$0x10200] =	vst v63  }
0xb0: {  	s2 =	spop (v2sf)  }
0xb1: {  	s0 =	sand.u32 $0x1FFFFFF0, s2  }
0xb2: {  	s17 =	sor.u32 $0xF00, s29;
	(v2sf) =	vpush v0, $0xD;
	s31 =	sadd.s32 s3, s0  }
0xb3: {  	[tilespmem:s17], [sflag:$0x1] =	stream.linear.gather [hbm4b:s31+s28], $0x80, $0x38;
	[tilespmem:$0x10200] =	vst v63  }
0xb4: {  	s2 =	spop (v2sf);
	s0 =	sadd.s32 s4, s0;
	s31 =	sadd.s32 $0x8F00, s29  }
0xb5: {  	[tilespmem:s31], [sflag:$0x1] =	stream.linear.gather [hbm4b:s0+s28], $0x80, $0x38;
	[tilespmem:$0x10200] =	vst v63  }
0xb6: {  	(v2sf) =	vpush v0, $0xE;
	s0 =	sand.u32 $0x1FFFFFF0, s2  }
0xb7: {  	s17 =	sor.u32 $0xF80, s29;
	s31 =	sadd.s32 s3, s0  }
0xb8: {  	[tilespmem:s17], [sflag:$0x1] =	stream.linear.gather [hbm4b:s31+s28], $0x80, $0x38;
	[tilespmem:$0x10200] =	vst v63  }
0xb9: {  	s0 =	sadd.s32 s4, s0;
	s31 =	sadd.s32 $0x8F80, s29  }
0xba: {  	[tilespmem:s31], [sflag:$0x1] =	stream.linear.gather [hbm4b:s0+s28], $0x80, $0x38;
	[tilespmem:$0x10200] =	vst v63  }
0xbb: {  	s2 =	spop (v2sf)  }
0xbc: {  	s0 =	sand.u32 $0x1FFFFFF0, s2  }
0xbd: {  	s17 =	sadd.s32 $0x1000, s29;
	(v2sf) =	vpush v0, $0xF;
	s31 =	sadd.s32 s3, s0  }
0xbe: {  	[tilespmem:s17], [sflag:$0x1] =	stream.linear.gather [hbm4b:s31+s28], $0x80, $0x38;
	[tilespmem:$0x10200] =	vst v63  }
0xbf: {  	s0 =	sadd.s32 s4, s0;
	s31 =	sadd.s32 $0x9000, s29  }
0xc0: {  	[tilespmem:s31], [sflag:$0x1] =	stream.linear.gather [hbm4b:s0+s28], $0x80, $0x38;
	[tilespmem:$0x10200] =	vst v63  }
0xc1: {  	s2 =	spop (v2sf)  }
0xc2: {  	s0 =	sand.u32 $0x1FFFFFF0, s2  }
0xc3: {  	s17 =	sadd.s32 $0x1080, s29;
	s31 =	sadd.s32 s3, s0  }
0xc4: {  	[tilespmem:s17], [sflag:$0x1] =	stream.linear.gather [hbm4b:s31+s28], $0x80, $0x38;
	[tilespmem:$0x10200] =	vst v63  }
0xc5: {  	s2 =	spop (v2sf);
	s0 =	sadd.s32 s4, s0;
	s31 =	sadd.s32 $0x9080, s29  }
0xc6: {  	[tilespmem:s31], [sflag:$0x1] =	stream.linear.gather [hbm4b:s0+s28], $0x80, $0x38;
	[tilespmem:$0x10200] =	vst v63  }
0xc7: {  	s0 =	sand.u32 $0x1FFFFFF0, s2  }
0xc8: {  	s17 =	sadd.s32 $0x1100, s29;
	s31 =	sadd.s32 s3, s0  }
0xc9: {  	[tilespmem:s17], [sflag:$0x1] =	stream.linear.gather [hbm4b:s31+s28], $0x80, $0x38;
	[tilespmem:$0x10200] =	vst v63  }
0xca: {  	s0 =	sadd.s32 s4, s0;
	s31 =	sadd.s32 $0x9100, s29  }
0xcb: {  	[tilespmem:s31], [sflag:$0x1] =	stream.linear.gather [hbm4b:s0+s28], $0x80, $0x38;
	[tilespmem:$0x10200] =	vst v63  }
0xcc: {  	s2 =	spop (v2sf)  }
0xcd: {  	s0 =	sand.u32 $0x1FFFFFF0, s2  }
0xce: {  	s17 =	sadd.s32 $0x1180, s29;
	s31 =	sadd.s32 s3, s0  }
0xcf: {  	[tilespmem:s17], [sflag:$0x1] =	stream.linear.gather [hbm4b:s31+s28], $0x80, $0x38;
	[tilespmem:$0x10200] =	vst v63  }
0xd0: {  	s0 =	sadd.s32 s4, s0;
	s31 =	sadd.s32 $0x9180, s29;
	s17 =	sor.u32 $0x20, s30  }
0xd1: {  	[tilespmem:s31], [sflag:$0x1] =	stream.linear.gather [hbm4b:s0+s28], $0x80, $0x38;
	[tilespmem:$0x10200] =	vst v63  }
0xd2: {  	v62 =	vld [tilespmem:s17+$0x0];
	_ =	sdelay $0x4  }
0xd3: {  	v0 =	vshll.u32 v62, $0x4  }
0xd4: {  	(v2sf) =	vpush v0, $0x0;
	_ =	sdelay $0x5  }
0xd5: {  	(v2sf) =	vpush v0, $0x1;
	_ =	sdelay $0x3  }
0xd6: {  	(v2sf) =	vpush v0, $0x2;
	_ =	sdelay $0x4  }
0xd7: {  	s31 =	spop (v2sf)  }
0xd8: {  	s0 =	sshll.u32 s17, $0x7;
	s2 =	sand.u32 $0x1FFFFFF0, s31  }
0xd9: {  	s17 =	sor.u32 $0x200, s0;
	(v2sf) =	vpush v0, $0x3;
	s31 =	sadd.s32 s3, s2  }
0xda: {  	[tilespmem:s17], [sflag:$0x1] =	stream.linear.gather [hbm4b:s31+s28], $0x80, $0x38;
	[tilespmem:$0x10200] =	vst v63  }
0xdb: {  	s0 =	sadd.s32 $0x8200, s0;
	s2 =	sadd.s32 s4, s2  }
0xdc: {  	[tilespmem:s0], [sflag:$0x1] =	stream.linear.gather [hbm4b:s2+s28], $0x80, $0x38;
	[tilespmem:$0x10200] =	vst v63  }
0xdd: {  	s2 =	spop (v2sf)  }
0xde: {  	s0 =	sand.u32 $0x1FFFFFF0, s2  }
0xdf: {  	s17 =	sor.u32 $0x1280, s29;
	(v2sf) =	vpush v0, $0x4;
	s31 =	sadd.s32 s3, s0  }
0xe0: {  	[tilespmem:s17], [sflag:$0x1] =	stream.linear.gather [hbm4b:s31+s28], $0x80, $0x38;
	[tilespmem:$0x10200] =	vst v63  }
0xe1: {  	s2 =	spop (v2sf);
	s0 =	sadd.s32 s4, s0;
	s31 =	sadd.s32 $0x9280, s29  }
0xe2: {  	[tilespmem:s31], [sflag:$0x1] =	stream.linear.gather [hbm4b:s0+s28], $0x80, $0x38;
	[tilespmem:$0x10200] =	vst v63  }
0xe3: {  	(v2sf) =	vpush v0, $0x5;
	s0 =	sand.u32 $0x1FFFFFF0, s2  }
0xe4: {  	s17 =	sor.u32 $0x1300, s29;
	s31 =	sadd.s32 s3, s0  }
0xe5: {  	[tilespmem:s17], [sflag:$0x1] =	stream.linear.gather [hbm4b:s31+s28], $0x80, $0x38;
	[tilespmem:$0x10200] =	vst v63  }
0xe6: {  	s0 =	sadd.s32 s4, s0;
	s31 =	sadd.s32 $0x9300, s29  }
0xe7: {  	[tilespmem:s31], [sflag:$0x1] =	stream.linear.gather [hbm4b:s0+s28], $0x80, $0x38;
	[tilespmem:$0x10200] =	vst v63  }
0xe8: {  	s2 =	spop (v2sf)  }
0xe9: {  	s0 =	sand.u32 $0x1FFFFFF0, s2  }
0xea: {  	s17 =	sor.u32 $0x1380, s29;
	(v2sf) =	vpush v0, $0x6;
	s31 =	sadd.s32 s3, s0  }
0xeb: {  	[tilespmem:s17], [sflag:$0x1] =	stream.linear.gather [hbm4b:s31+s28], $0x80, $0x38;
	[tilespmem:$0x10200] =	vst v63  }
0xec: {  	s0 =	sadd.s32 s4, s0;
	s31 =	sadd.s32 $0x9380, s29  }
0xed: {  	[tilespmem:s31], [sflag:$0x1] =	stream.linear.gather [hbm4b:s0+s28], $0x80, $0x38;
	[tilespmem:$0x10200] =	vst v63  }
0xee: {  	s2 =	spop (v2sf)  }
0xef: {  	s0 =	sand.u32 $0x1FFFFFF0, s2  }
0xf0: {  	s17 =	sadd.s32 $0x1400, s29;
	(v2sf) =	vpush v0, $0x7;
	s31 =	sadd.s32 s3, s0  }
0xf1: {  	[tilespmem:s17], [sflag:$0x1] =	stream.linear.gather [hbm4b:s31+s28], $0x80, $0x38;
	[tilespmem:$0x10200] =	vst v63  }
0xf2: {  	s2 =	spop (v2sf);
	s0 =	sadd.s32 s4, s0;
	s31 =	sadd.s32 $0x9400, s29  }
0xf3: {  	[tilespmem:s31], [sflag:$0x1] =	stream.linear.gather [hbm4b:s0+s28], $0x80, $0x38;
	[tilespmem:$0x10200] =	vst v63  }
0xf4: {  	(v2sf) =	vpush v0, $0x8;
	s0 =	sand.u32 $0x1FFFFFF0, s2  }
0xf5: {  	s17 =	sadd.s32 $0x1480, s29;
	s31 =	sadd.s32 s3, s0  }
0xf6: {  	[tilespmem:s17], [sflag:$0x1] =	stream.linear.gather [hbm4b:s31+s28], $0x80, $0x38;
	[tilespmem:$0x10200] =	vst v63  }
0xf7: {  	s0 =	sadd.s32 s4, s0;
	s31 =	sadd.s32 $0x9480, s29  }
0xf8: {  	[tilespmem:s31], [sflag:$0x1] =	stream.linear.gather [hbm4b:s0+s28], $0x80, $0x38;
	[tilespmem:$0x10200] =	vst v63  }
0xf9: {  	s2 =	spop (v2sf)  }
0xfa: {  	s0 =	sand.u32 $0x1FFFFFF0, s2  }
0xfb: {  	s17 =	sadd.s32 $0x1500, s29;
	(v2sf) =	vpush v0, $0x9;
	s31 =	sadd.s32 s3, s0  }
0xfc: {  	[tilespmem:s17], [sflag:$0x1] =	stream.linear.gather [hbm4b:s31+s28], $0x80, $0x38;
	[tilespmem:$0x10200] =	vst v63  }
0xfd: {  	s0 =	sadd.s32 s4, s0;
	s31 =	sadd.s32 $0x9500, s29  }
0xfe: {  	[tilespmem:s31], [sflag:$0x1] =	stream.linear.gather [hbm4b:s0+s28], $0x80, $0x38;
	[tilespmem:$0x10200] =	vst v63  }
0xff: {  	s2 =	spop (v2sf)  }
0x100: {  	s0 =	sand.u32 $0x1FFFFFF0, s2  }
0x101: {  	s17 =	sadd.s32 $0x1580, s29;
	(v2sf) =	vpush v0, $0xA;
	s31 =	sadd.s32 s3, s0  }
0x102: {  	[tilespmem:s17], [sflag:$0x1] =	stream.linear.gather [hbm4b:s31+s28], $0x80, $0x38;
	[tilespmem:$0x10200] =	vst v63  }
0x103: {  	s2 =	spop (v2sf);
	s0 =	sadd.s32 s4, s0;
	s31 =	sadd.s32 $0x9580, s29  }
0x104: {  	[tilespmem:s31], [sflag:$0x1] =	stream.linear.gather [hbm4b:s0+s28], $0x80, $0x38;
	[tilespmem:$0x10200] =	vst v63  }
0x105: {  	(v2sf) =	vpush v0, $0xB;
	s0 =	sand.u32 $0x1FFFFFF0, s2  }
0x106: {  	s17 =	sor.u32 $0x1600, s29;
	s31 =	sadd.s32 s3, s0  }
0x107: {  	[tilespmem:s17], [sflag:$0x1] =	stream.linear.gather [hbm4b:s31+s28], $0x80, $0x38;
	[tilespmem:$0x10200] =	vst v63  }
0x108: {  	s0 =	sadd.s32 s4, s0;
	s31 =	sadd.s32 $0x9600, s29  }
0x109: {  	[tilespmem:s31], [sflag:$0x1] =	stream.linear.gather [hbm4b:s0+s28], $0x80, $0x38;
	[tilespmem:$0x10200] =	vst v63  }
0x10a: {  	s2 =	spop (v2sf)  }
0x10b: {  	s0 =	sand.u32 $0x1FFFFFF0, s2  }
0x10c: {  	s17 =	sor.u32 $0x1680, s29;
	(v2sf) =	vpush v0, $0xC;
	s31 =	sadd.s32 s3, s0  }
0x10d: {  	[tilespmem:s17], [sflag:$0x1] =	stream.linear.gather [hbm4b:s31+s28], $0x80, $0x38;
	[tilespmem:$0x10200] =	vst v63  }
0x10e: {  	s0 =	sadd.s32 s4, s0;
	s31 =	sadd.s32 $0x9680, s29  }
0x10f: {  	[tilespmem:s31], [sflag:$0x1] =	stream.linear.gather [hbm4b:s0+s28], $0x80, $0x38;
	[tilespmem:$0x10200] =	vst v63  }
0x110: {  	s2 =	spop (v2sf)  }
0x111: {  	s0 =	sand.u32 $0x1FFFFFF0, s2  }
0x112: {  	s17 =	sor.u32 $0x1700, s29;
	(v2sf) =	vpush v0, $0xD;
	s31 =	sadd.s32 s3, s0  }
0x113: {  	[tilespmem:s17], [sflag:$0x1] =	stream.linear.gather [hbm4b:s31+s28], $0x80, $0x38;
	[tilespmem:$0x10200] =	vst v63  }
0x114: {  	s2 =	spop (v2sf);
	s0 =	sadd.s32 s4, s0;
	s31 =	sadd.s32 $0x9700, s29  }
0x115: {  	[tilespmem:s31], [sflag:$0x1] =	stream.linear.gather [hbm4b:s0+s28], $0x80, $0x38;
	[tilespmem:$0x10200] =	vst v63  }
0x116: {  	(v2sf) =	vpush v0, $0xE;
	s0 =	sand.u32 $0x1FFFFFF0, s2  }
0x117: {  	s17 =	sor.u32 $0x1780, s29;
	s31 =	sadd.s32 s3, s0  }
0x118: {  	[tilespmem:s17], [sflag:$0x1] =	stream.linear.gather [hbm4b:s31+s28], $0x80, $0x38;
	[tilespmem:$0x10200] =	vst v63  }
0x119: {  	s0 =	sadd.s32 s4, s0;
	s31 =	sadd.s32 $0x9780, s29  }
0x11a: {  	[tilespmem:s31], [sflag:$0x1] =	stream.linear.gather [hbm4b:s0+s28], $0x80, $0x38;
	[tilespmem:$0x10200] =	vst v63  }
0x11b: {  	s2 =	spop (v2sf)  }
0x11c: {  	s0 =	sand.u32 $0x1FFFFFF0, s2  }
0x11d: {  	s17 =	sadd.s32 $0x1800, s29;
	(v2sf) =	vpush v0, $0xF;
	s31 =	sadd.s32 s3, s0  }
0x11e: {  	[tilespmem:s17], [sflag:$0x1] =	stream.linear.gather [hbm4b:s31+s28], $0x80, $0x38;
	[tilespmem:$0x10200] =	vst v63  }
0x11f: {  	s0 =	sadd.s32 s4, s0;
	s31 =	sadd.s32 $0x9800, s29  }
0x120: {  	[tilespmem:s31], [sflag:$0x1] =	stream.linear.gather [hbm4b:s0+s28], $0x80, $0x38;
	[tilespmem:$0x10200] =	vst v63  }
0x121: {  	s2 =	spop (v2sf)  }
0x122: {  	s0 =	sand.u32 $0x1FFFFFF0, s2  }
0x123: {  	s17 =	sadd.s32 $0x1880, s29;
	s31 =	sadd.s32 s3, s0  }
0x124: {  	[tilespmem:s17], [sflag:$0x1] =	stream.linear.gather [hbm4b:s31+s28], $0x80, $0x38;
	[tilespmem:$0x10200] =	vst v63  }
0x125: {  	s2 =	spop (v2sf);
	s0 =	sadd.s32 s4, s0;
	s31 =	sadd.s32 $0x9880, s29  }
0x126: {  	[tilespmem:s31], [sflag:$0x1] =	stream.linear.gather [hbm4b:s0+s28], $0x80, $0x38;
	[tilespmem:$0x10200] =	vst v63  }
0x127: {  	s0 =	sand.u32 $0x1FFFFFF0, s2  }
0x128: {  	s17 =	sadd.s32 $0x1900, s29;
	s31 =	sadd.s32 s3, s0  }
0x129: {  	[tilespmem:s17], [sflag:$0x1] =	stream.linear.gather [hbm4b:s31+s28], $0x80, $0x38;
	[tilespmem:$0x10200] =	vst v63  }
0x12a: {  	s0 =	sadd.s32 s4, s0;
	s31 =	sadd.s32 $0x9900, s29  }
0x12b: {  	[tilespmem:s31], [sflag:$0x1] =	stream.linear.gather [hbm4b:s0+s28], $0x80, $0x38;
	[tilespmem:$0x10200] =	vst v63  }
0x12c: {  	s2 =	spop (v2sf)  }
0x12d: {  	s0 =	sand.u32 $0x1FFFFFF0, s2  }
0x12e: {  	s17 =	sadd.s32 $0x1980, s29;
	s31 =	sadd.s32 s3, s0  }
0x12f: {  	[tilespmem:s17], [sflag:$0x1] =	stream.linear.gather [hbm4b:s31+s28], $0x80, $0x38;
	[tilespmem:$0x10200] =	vst v63  }
0x130: {  	s0 =	sadd.s32 s4, s0;
	s31 =	sadd.s32 $0x9980, s29;
	s17 =	sor.u32 $0x30, s30  }
0x131: {  	[tilespmem:s31], [sflag:$0x1] =	stream.linear.gather [hbm4b:s0+s28], $0x80, $0x38;
	[tilespmem:$0x10200] =	vst v63  }
0x132: {  	v63 =	vld [tilespmem:s17+$0x0];
	_ =	sdelay $0x4  }
0x133: {  	v0 =	vshll.u32 v63, $0x4  }
0x134: {  	(v2sf) =	vpush v0, $0x0;
	_ =	sdelay $0x5  }
0x135: {  	(v2sf) =	vpush v0, $0x1;
	_ =	sdelay $0x3  }
0x136: {  	(v2sf) =	vpush v0, $0x2;
	_ =	sdelay $0x4  }
0x137: {  	s30 =	spop (v2sf)  }
0x138: {  	s0 =	sshll.u32 s17, $0x7;
	s2 =	sand.u32 $0x1FFFFFF0, s30  }
0x139: {  	s17 =	sor.u32 $0x200, s0;
	(v2sf) =	vpush v0, $0x3;
	s31 =	sadd.s32 s3, s2  }
0x13a: {  	[tilespmem:s17], [sflag:$0x1] =	stream.linear.gather [hbm4b:s31+s28], $0x80, $0x38;
	[tilespmem:$0x10200] =	vst v63  }
0x13b: {  	s0 =	sadd.s32 $0x8200, s0;
	s2 =	sadd.s32 s4, s2  }
0x13c: {  	[tilespmem:s0], [sflag:$0x1] =	stream.linear.gather [hbm4b:s2+s28], $0x80, $0x38;
	[tilespmem:$0x10200] =	vst v63  }
0x13d: {  	s2 =	spop (v2sf)  }
0x13e: {  	s0 =	sand.u32 $0x1FFFFFF0, s2  }
0x13f: {  	s17 =	sor.u32 $0x1A80, s29;
	(v2sf) =	vpush v0, $0x4;
	s30 =	sadd.s32 s3, s0  }
0x140: {  	[tilespmem:s17], [sflag:$0x1] =	stream.linear.gather [hbm4b:s30+s28], $0x80, $0x38;
	[tilespmem:$0x10200] =	vst v63  }
0x141: {  	s31 =	sadd.s32 $0x9A80, s29;
	s2 =	spop (v2sf);
	s0 =	sadd.s32 s4, s0  }
0x142: {  	[tilespmem:s31], [sflag:$0x1] =	stream.linear.gather [hbm4b:s0+s28], $0x80, $0x38;
	[tilespmem:$0x10200] =	vst v63  }
0x143: {  	(v2sf) =	vpush v0, $0x5;
	s0 =	sand.u32 $0x1FFFFFF0, s2  }
0x144: {  	s17 =	sor.u32 $0x1B00, s29;
	s30 =	sadd.s32 s3, s0  }
0x145: {  	[tilespmem:s17], [sflag:$0x1] =	stream.linear.gather [hbm4b:s30+s28], $0x80, $0x38;
	[tilespmem:$0x10200] =	vst v63  }
0x146: {  	s31 =	sadd.s32 $0x9B00, s29;
	s0 =	sadd.s32 s4, s0  }
0x147: {  	[tilespmem:s31], [sflag:$0x1] =	stream.linear.gather [hbm4b:s0+s28], $0x80, $0x38;
	[tilespmem:$0x10200] =	vst v63  }
0x148: {  	s2 =	spop (v2sf)  }
0x149: {  	s0 =	sand.u32 $0x1FFFFFF0, s2  }
0x14a: {  	s17 =	sor.u32 $0x1B80, s29;
	(v2sf) =	vpush v0, $0x6;
	s30 =	sadd.s32 s3, s0  }
0x14b: {  	[tilespmem:s17], [sflag:$0x1] =	stream.linear.gather [hbm4b:s30+s28], $0x80, $0x38;
	[tilespmem:$0x10200] =	vst v63  }
0x14c: {  	s31 =	sadd.s32 $0x9B80, s29;
	s0 =	sadd.s32 s4, s0  }
0x14d: {  	[tilespmem:s31], [sflag:$0x1] =	stream.linear.gather [hbm4b:s0+s28], $0x80, $0x38;
	[tilespmem:$0x10200] =	vst v63  }
0x14e: {  	s2 =	spop (v2sf)  }
0x14f: {  	s0 =	sand.u32 $0x1FFFFFF0, s2  }
0x150: {  	s17 =	sadd.s32 $0x1C00, s29;
	(v2sf) =	vpush v0, $0x7;
	s30 =	sadd.s32 s3, s0  }
0x151: {  	[tilespmem:s17], [sflag:$0x1] =	stream.linear.gather [hbm4b:s30+s28], $0x80, $0x38;
	[tilespmem:$0x10200] =	vst v63  }
0x152: {  	s31 =	sadd.s32 $0x9C00, s29;
	s2 =	spop (v2sf);
	s0 =	sadd.s32 s4, s0  }
0x153: {  	[tilespmem:s31], [sflag:$0x1] =	stream.linear.gather [hbm4b:s0+s28], $0x80, $0x38;
	[tilespmem:$0x10200] =	vst v63  }
0x154: {  	(v2sf) =	vpush v0, $0x8;
	s0 =	sand.u32 $0x1FFFFFF0, s2  }
0x155: {  	s17 =	sadd.s32 $0x1C80, s29;
	s30 =	sadd.s32 s3, s0  }
0x156: {  	[tilespmem:s17], [sflag:$0x1] =	stream.linear.gather [hbm4b:s30+s28], $0x80, $0x38;
	[tilespmem:$0x10200] =	vst v63  }
0x157: {  	s31 =	sadd.s32 $0x9C80, s29;
	s0 =	sadd.s32 s4, s0  }
0x158: {  	[tilespmem:s31], [sflag:$0x1] =	stream.linear.gather [hbm4b:s0+s28], $0x80, $0x38;
	[tilespmem:$0x10200] =	vst v63  }
0x159: {  	s2 =	spop (v2sf)  }
0x15a: {  	s0 =	sand.u32 $0x1FFFFFF0, s2  }
0x15b: {  	s17 =	sadd.s32 $0x1D00, s29;
	(v2sf) =	vpush v0, $0x9;
	s30 =	sadd.s32 s3, s0  }
0x15c: {  	[tilespmem:s17], [sflag:$0x1] =	stream.linear.gather [hbm4b:s30+s28], $0x80, $0x38;
	[tilespmem:$0x10200] =	vst v63  }
0x15d: {  	s31 =	sadd.s32 $0x9D00, s29;
	s0 =	sadd.s32 s4, s0  }
0x15e: {  	[tilespmem:s31], [sflag:$0x1] =	stream.linear.gather [hbm4b:s0+s28], $0x80, $0x38;
	[tilespmem:$0x10200] =	vst v63  }
0x15f: {  	s2 =	spop (v2sf)  }
0x160: {  	s0 =	sand.u32 $0x1FFFFFF0, s2  }
0x161: {  	s17 =	sadd.s32 $0x1D80, s29;
	(v2sf) =	vpush v0, $0xA;
	s30 =	sadd.s32 s3, s0  }
0x162: {  	[tilespmem:s17], [sflag:$0x1] =	stream.linear.gather [hbm4b:s30+s28], $0x80, $0x38;
	[tilespmem:$0x10200] =	vst v63  }
0x163: {  	s31 =	sadd.s32 $0x9D80, s29;
	s2 =	spop (v2sf);
	s0 =	sadd.s32 s4, s0  }
0x164: {  	[tilespmem:s31], [sflag:$0x1] =	stream.linear.gather [hbm4b:s0+s28], $0x80, $0x38;
	[tilespmem:$0x10200] =	vst v63  }
0x165: {  	(v2sf) =	vpush v0, $0xB;
	s0 =	sand.u32 $0x1FFFFFF0, s2  }
0x166: {  	s17 =	sor.u32 $0x1E00, s29;
	s30 =	sadd.s32 s3, s0  }
0x167: {  	[tilespmem:s17], [sflag:$0x1] =	stream.linear.gather [hbm4b:s30+s28], $0x80, $0x38;
	[tilespmem:$0x10200] =	vst v63  }
0x168: {  	s31 =	sadd.s32 $0x9E00, s29;
	s0 =	sadd.s32 s4, s0  }
0x169: {  	[tilespmem:s31], [sflag:$0x1] =	stream.linear.gather [hbm4b:s0+s28], $0x80, $0x38;
	[tilespmem:$0x10200] =	vst v63  }
0x16a: {  	s2 =	spop (v2sf)  }
0x16b: {  	s0 =	sand.u32 $0x1FFFFFF0, s2  }
0x16c: {  	s17 =	sor.u32 $0x1E80, s29;
	(v2sf) =	vpush v0, $0xC;
	s30 =	sadd.s32 s3, s0  }
0x16d: {  	[tilespmem:s17], [sflag:$0x1] =	stream.linear.gather [hbm4b:s30+s28], $0x80, $0x38;
	[tilespmem:$0x10200] =	vst v63  }
0x16e: {  	s31 =	sadd.s32 $0x9E80, s29;
	s0 =	sadd.s32 s4, s0  }
0x16f: {  	[tilespmem:s31], [sflag:$0x1] =	stream.linear.gather [hbm4b:s0+s28], $0x80, $0x38;
	[tilespmem:$0x10200] =	vst v63  }
0x170: {  	s2 =	spop (v2sf);
	(v2sf) =	vpush v0, $0xD  }
0x171: {  	s0 =	sand.u32 $0x1FFFFFF0, s2  }
0x172: {  	s17 =	sor.u32 $0x1F00, s29;
	s30 =	sadd.s32 s3, s0  }
0x173: {  	[tilespmem:s17], [sflag:$0x1] =	stream.linear.gather [hbm4b:s30+s28], $0x80, $0x38;
	[tilespmem:$0x10200] =	vst v63  }
0x174: {  	s31 =	sadd.s32 $0x9F00, s29;
	s2 =	spop (v2sf);
	s0 =	sadd.s32 s4, s0  }
0x175: {  	(v2sf) =	vpush v0, $0xE;
	[tilespmem:s31], [sflag:$0x1] =	stream.linear.gather [hbm4b:s0+s28], $0x80, $0x38;
	[tilespmem:$0x10200] =	vst v63  }
0x176: {  	s0 =	sand.u32 $0x1FFFFFF0, s2  }
0x177: {  	s17 =	sor.u32 $0x1F80, s29;
	s30 =	sadd.s32 s3, s0  }
0x178: {  	[tilespmem:s17], [sflag:$0x1] =	stream.linear.gather [hbm4b:s30+s28], $0x80, $0x38;
	[tilespmem:$0x10200] =	vst v63  }
0x179: {  	s31 =	sadd.s32 $0x9F80, s29;
	s0 =	sadd.s32 s4, s0  }
0x17a: {  	[tilespmem:s31], [sflag:$0x1] =	stream.linear.gather [hbm4b:s0+s28], $0x80, $0x38;
	[tilespmem:$0x10200] =	vst v63  }
0x17b: {  	s17 =	spop (v2sf)  }
0x17c: {  	(v2sf) =	vpush v0, $0xF;
	s0 =	sand.u32 $0x1FFFFFF0, s17  }
0x17d: {  	s30 =	sadd.s32 $0x2000, s29;
	s31 =	sadd.s32 s3, s0  }
0x17e: {  	[tilespmem:s30], [sflag:$0x1] =	stream.linear.gather [hbm4b:s31+s28], $0x80, $0x38;
	[tilespmem:$0x10200] =	vst v63  }
0x17f: {  	s0 =	sadd.s32 s4, s0;
	s31 =	sadd.s32 $0xA000, s29;
	s30 =	spop (v2sf)  }
0x180: {  	[tilespmem:s31], [sflag:$0x1] =	stream.linear.gather [hbm4b:s0+s28], $0x80, $0x38;
	[tilespmem:$0x10200] =	vst v63  }
0x181: {  	s0 =	sand.u32 $0x1FFFFFF0, s30  }
0x182: {  	s30 =	sadd.s32 $0x2080, s29;
	s31 =	sadd.s32 s3, s0  }
0x183: {  	[tilespmem:s30], [sflag:$0x1] =	stream.linear.gather [hbm4b:s31+s28], $0x80, $0x38;
	[tilespmem:$0x10200] =	vst v63  }
0x184: {  	s0 =	sadd.s32 s4, s0;
	s30 =	spop (v2sf);
	s31 =	sadd.s32 $0xA080, s29  }
0x185: {  	[tilespmem:s31], [sflag:$0x1] =	stream.linear.gather [hbm4b:s0+s28], $0x80, $0x38;
	[tilespmem:$0x10200] =	vst v63  }
0x186: {  	s0 =	sand.u32 $0x1FFFFFF0, s30  }
0x187: {  	s17 =	sadd.s32 $0x2100, s29;
	s30 =	sadd.s32 s3, s0  }
0x188: {  	[tilespmem:s17], [sflag:$0x1] =	stream.linear.gather [hbm4b:s30+s28], $0x80, $0x38;
	[tilespmem:$0x10200] =	vst v63  }
0x189: {  	s31 =	sadd.s32 $0xA100, s29;
	s0 =	sadd.s32 s4, s0  }
0x18a: {  	[tilespmem:s31], [sflag:$0x1] =	stream.linear.gather [hbm4b:s0+s28], $0x80, $0x38;
	[tilespmem:$0x10200] =	vst v63  }
0x18b: {  	p2 =	por p1, p1;
	s2 =	spop (v2sf)  }
.Ltmp0:
0x18c: {  	s0 =	sand.u32 $0x1FFFFFF0, s2;
	(pc) =	sbr.rel @p2 .LBB2_2-.Ltmp0, $4  }
0x18d: {  	p1 =	por $0x0, $0x0;
	s17 =	sadd.s32 $0x2180, s29;
	s30 =	sadd.s32 s3, s0  }
0x18e: {  	[tilespmem:s17], [sflag:$0x1] =	stream.linear.gather [hbm4b:s30+s28], $0x80, $0x38;
	[tilespmem:$0x10200] =	vst v63  }
0x18f: {  	s31 =	sadd.s32 $0xA180, s29;
	s29 =	simm.s32 $0x4;
	s0 =	sadd.s32 s4, s0  }
0x190: {  	[tilespmem:s31], [sflag:$0x1] =	stream.linear.gather [hbm4b:s0+s28], $0x80, $0x38;
	[tilespmem:$0x10200] =	vst v63  }
.LBB2_3:
0x191: {  	s0 =	sshll.u32 s28, $0x4  }
0x192: {  	s29 =	sand.u32 $0x3FFFFFF0, s0  }
0x193: {  	v0 =	vld [tilespmem:s29+$0x80];
	_ =	sdelay $0x4  }
0x194: {  	v0 =	vshll.u32 v0, $0x4  }
0x195: {  	(v2sf) =	vpush v0, $0x0;
	_ =	sdelay $0x3  }
0x196: {  	(v2sf) =	vpush v0, $0x1;
	_ =	sdelay $0x4  }
0x197: {  	(v2sf) =	vpush v0, $0x2;
	_ =	sdelay $0x5  }
0x198: {  	s30 =	spop (v2sf)  }
0x199: {  	s28 =	sshll.u32 s28, $0xB;
	(v2sf) =	vpush v0, $0x3;
	s0 =	sand.u32 $0x1FFFFFF0, s30  }
0x19a: {  	s2 =	sadd.s32 $0x4200, s28;
	s17 =	sadd.s32 s3, s0  }
0x19b: {  	[tilespmem:s2], [sflag:$0x2] =	stream.linear.gather [hbm4b:s17+s1], $0x80, $0x38;
	[tilespmem:$0x10200] =	vst v63  }
0x19c: {  	s31 =	sadd.s32 $0xC200, s28;
	s0 =	sadd.s32 s4, s0;
	s2 =	spop (v2sf)  }
0x19d: {  	(v2sf) =	vpush v0, $0x4;
	[tilespmem:s31], [sflag:$0x2] =	stream.linear.gather [hbm4b:s0+s1], $0x80, $0x38;
	[tilespmem:$0x10200] =	vst v63  }
0x19e: {  	s0 =	sand.u32 $0x1FFFFFF0, s2  }
0x19f: {  	s17 =	sadd.s32 $0x4280, s28;
	s30 =	sadd.s32 s3, s0  }
0x1a0: {  	[tilespmem:s17], [sflag:$0x2] =	stream.linear.gather [hbm4b:s30+s1], $0x80, $0x38;
	[tilespmem:$0x10200] =	vst v63  }
0x1a1: {  	s31 =	sadd.s32 $0xC280, s28;
	s2 =	spop (v2sf);
	s0 =	sadd.s32 s4, s0  }
0x1a2: {  	(v2sf) =	vpush v0, $0x5;
	[tilespmem:s31], [sflag:$0x2] =	stream.linear.gather [hbm4b:s0+s1], $0x80, $0x38;
	[tilespmem:$0x10200] =	vst v63  }
0x1a3: {  	s0 =	sand.u32 $0x1FFFFFF0, s2  }
0x1a4: {  	s17 =	sadd.s32 $0x4300, s28;
	s30 =	sadd.s32 s3, s0  }
0x1a5: {  	[tilespmem:s17], [sflag:$0x2] =	stream.linear.gather [hbm4b:s30+s1], $0x80, $0x38;
	[tilespmem:$0x10200] =	vst v63  }
0x1a6: {  	s31 =	sadd.s32 $0xC300, s28;
	s0 =	sadd.s32 s4, s0  }
0x1a7: {  	[tilespmem:s31], [sflag:$0x2] =	stream.linear.gather [hbm4b:s0+s1], $0x80, $0x38;
	[tilespmem:$0x10200] =	vst v63  }
0x1a8: {  	s2 =	spop (v2sf)  }
0x1a9: {  	(v2sf) =	vpush v0, $0x6;
	s0 =	sand.u32 $0x1FFFFFF0, s2  }
0x1aa: {  	s17 =	sadd.s32 $0x4380, s28;
	s30 =	sadd.s32 s3, s0  }
0x1ab: {  	[tilespmem:s17], [sflag:$0x2] =	stream.linear.gather [hbm4b:s30+s1], $0x80, $0x38;
	[tilespmem:$0x10200] =	vst v63  }
0x1ac: {  	s31 =	sadd.s32 $0xC380, s28;
	s0 =	sadd.s32 s4, s0;
	s2 =	spop (v2sf)  }
0x1ad: {  	(v2sf) =	vpush v0, $0x7;
	[tilespmem:s31], [sflag:$0x2] =	stream.linear.gather [hbm4b:s0+s1], $0x80, $0x38;
	[tilespmem:$0x10200] =	vst v63  }
0x1ae: {  	s0 =	sand.u32 $0x1FFFFFF0, s2  }
0x1af: {  	s17 =	sadd.s32 $0x4400, s28;
	s30 =	sadd.s32 s3, s0  }
0x1b0: {  	[tilespmem:s17], [sflag:$0x2] =	stream.linear.gather [hbm4b:s30+s1], $0x80, $0x38;
	[tilespmem:$0x10200] =	vst v63  }
0x1b1: {  	s31 =	sadd.s32 $0xC400, s28;
	s2 =	spop (v2sf);
	s0 =	sadd.s32 s4, s0  }
0x1b2: {  	(v2sf) =	vpush v0, $0x8;
	[tilespmem:s31], [sflag:$0x2] =	stream.linear.gather [hbm4b:s0+s1], $0x80, $0x38;
	[tilespmem:$0x10200] =	vst v63  }
0x1b3: {  	s0 =	sand.u32 $0x1FFFFFF0, s2  }
0x1b4: {  	s17 =	sadd.s32 $0x4480, s28;
	s30 =	sadd.s32 s3, s0  }
0x1b5: {  	[tilespmem:s17], [sflag:$0x2] =	stream.linear.gather [hbm4b:s30+s1], $0x80, $0x38;
	[tilespmem:$0x10200] =	vst v63  }
0x1b6: {  	s31 =	sadd.s32 $0xC480, s28;
	s0 =	sadd.s32 s4, s0  }
0x1b7: {  	[tilespmem:s31], [sflag:$0x2] =	stream.linear.gather [hbm4b:s0+s1], $0x80, $0x38;
	[tilespmem:$0x10200] =	vst v63  }
0x1b8: {  	s2 =	spop (v2sf)  }
0x1b9: {  	(v2sf) =	vpush v0, $0x9;
	s0 =	sand.u32 $0x1FFFFFF0, s2  }
0x1ba: {  	s17 =	sadd.s32 $0x4500, s28;
	s30 =	sadd.s32 s3, s0  }
0x1bb: {  	[tilespmem:s17], [sflag:$0x2] =	stream.linear.gather [hbm4b:s30+s1], $0x80, $0x38;
	[tilespmem:$0x10200] =	vst v63  }
0x1bc: {  	s31 =	sadd.s32 $0xC500, s28;
	s0 =	sadd.s32 s4, s0;
	s2 =	spop (v2sf)  }
0x1bd: {  	(v2sf) =	vpush v0, $0xA;
	[tilespmem:s31], [sflag:$0x2] =	stream.linear.gather [hbm4b:s0+s1], $0x80, $0x38;
	[tilespmem:$0x10200] =	vst v63  }
0x1be: {  	s0 =	sand.u32 $0x1FFFFFF0, s2  }
0x1bf: {  	s17 =	sadd.s32 $0x4580, s28;
	s30 =	sadd.s32 s3, s0  }
0x1c0: {  	[tilespmem:s17], [sflag:$0x2] =	stream.linear.gather [hbm4b:s30+s1], $0x80, $0x38;
	[tilespmem:$0x10200] =	vst v63  }
0x1c1: {  	s31 =	sadd.s32 $0xC580, s28;
	s2 =	spop (v2sf);
	s0 =	sadd.s32 s4, s0  }
0x1c2: {  	(v2sf) =	vpush v0, $0xB;
	[tilespmem:s31], [sflag:$0x2] =	stream.linear.gather [hbm4b:s0+s1], $0x80, $0x38;
	[tilespmem:$0x10200] =	vst v63  }
0x1c3: {  	s0 =	sand.u32 $0x1FFFFFF0, s2  }
0x1c4: {  	s17 =	sadd.s32 $0x4600, s28;
	s30 =	sadd.s32 s3, s0  }
0x1c5: {  	[tilespmem:s17], [sflag:$0x2] =	stream.linear.gather [hbm4b:s30+s1], $0x80, $0x38;
	[tilespmem:$0x10200] =	vst v63  }
0x1c6: {  	s31 =	sadd.s32 $0xC600, s28;
	s0 =	sadd.s32 s4, s0  }
0x1c7: {  	[tilespmem:s31], [sflag:$0x2] =	stream.linear.gather [hbm4b:s0+s1], $0x80, $0x38;
	[tilespmem:$0x10200] =	vst v63  }
0x1c8: {  	s2 =	spop (v2sf)  }
0x1c9: {  	(v2sf) =	vpush v0, $0xC;
	s0 =	sand.u32 $0x1FFFFFF0, s2  }
0x1ca: {  	s17 =	sadd.s32 $0x4680, s28;
	s30 =	sadd.s32 s3, s0  }
0x1cb: {  	[tilespmem:s17], [sflag:$0x2] =	stream.linear.gather [hbm4b:s30+s1], $0x80, $0x38;
	[tilespmem:$0x10200] =	vst v63  }
0x1cc: {  	s31 =	sadd.s32 $0xC680, s28;
	s0 =	sadd.s32 s4, s0;
	s2 =	spop (v2sf)  }
0x1cd: {  	(v2sf) =	vpush v0, $0xD;
	[tilespmem:s31], [sflag:$0x2] =	stream.linear.gather [hbm4b:s0+s1], $0x80, $0x38;
	[tilespmem:$0x10200] =	vst v63  }
0x1ce: {  	s0 =	sand.u32 $0x1FFFFFF0, s2  }
0x1cf: {  	s17 =	sadd.s32 $0x4700, s28;
	s30 =	sadd.s32 s3, s0  }
0x1d0: {  	[tilespmem:s17], [sflag:$0x2] =	stream.linear.gather [hbm4b:s30+s1], $0x80, $0x38;
	[tilespmem:$0x10200] =	vst v63  }
0x1d1: {  	s31 =	sadd.s32 $0xC700, s28;
	s2 =	spop (v2sf);
	s0 =	sadd.s32 s4, s0  }
0x1d2: {  	(v2sf) =	vpush v0, $0xE;
	[tilespmem:s31], [sflag:$0x2] =	stream.linear.gather [hbm4b:s0+s1], $0x80, $0x38;
	[tilespmem:$0x10200] =	vst v63  }
0x1d3: {  	s0 =	sand.u32 $0x1FFFFFF0, s2  }
0x1d4: {  	s17 =	sadd.s32 $0x4780, s28;
	s30 =	sadd.s32 s3, s0  }
0x1d5: {  	[tilespmem:s17], [sflag:$0x2] =	stream.linear.gather [hbm4b:s30+s1], $0x80, $0x38;
	[tilespmem:$0x10200] =	vst v63  }
0x1d6: {  	s31 =	sadd.s32 $0xC780, s28;
	s0 =	sadd.s32 s4, s0  }
0x1d7: {  	[tilespmem:s31], [sflag:$0x2] =	stream.linear.gather [hbm4b:s0+s1], $0x80, $0x38;
	[tilespmem:$0x10200] =	vst v63  }
0x1d8: {  	s2 =	spop (v2sf)  }
0x1d9: {  	(v2sf) =	vpush v0, $0xF;
	s0 =	sand.u32 $0x1FFFFFF0, s2  }
0x1da: {  	s17 =	sadd.s32 $0x4800, s28;
	s30 =	sadd.s32 s3, s0  }
0x1db: {  	[tilespmem:s17], [sflag:$0x2] =	stream.linear.gather [hbm4b:s30+s1], $0x80, $0x38;
	[tilespmem:$0x10200] =	vst v63  }
0x1dc: {  	s31 =	sadd.s32 $0xC800, s28;
	s0 =	sadd.s32 s4, s0;
	s2 =	spop (v2sf)  }
0x1dd: {  	[tilespmem:s31], [sflag:$0x2] =	stream.linear.gather [hbm4b:s0+s1], $0x80, $0x38;
	[tilespmem:$0x10200] =	vst v63  }
0x1de: {  	s0 =	sand.u32 $0x1FFFFFF0, s2  }
0x1df: {  	s17 =	sadd.s32 $0x4880, s28;
	s30 =	sadd.s32 s3, s0  }
0x1e0: {  	[tilespmem:s17], [sflag:$0x2] =	stream.linear.gather [hbm4b:s30+s1], $0x80, $0x38;
	[tilespmem:$0x10200] =	vst v63  }
0x1e1: {  	s31 =	sadd.s32 $0xC880, s28;
	s2 =	spop (v2sf);
	s0 =	sadd.s32 s4, s0  }
0x1e2: {  	[tilespmem:s31], [sflag:$0x2] =	stream.linear.gather [hbm4b:s0+s1], $0x80, $0x38;
	[tilespmem:$0x10200] =	vst v63  }
0x1e3: {  	s0 =	sand.u32 $0x1FFFFFF0, s2  }
0x1e4: {  	s17 =	sadd.s32 $0x4900, s28;
	s30 =	sadd.s32 s3, s0  }
0x1e5: {  	[tilespmem:s17], [sflag:$0x2] =	stream.linear.gather [hbm4b:s30+s1], $0x80, $0x38;
	[tilespmem:$0x10200] =	vst v63  }
0x1e6: {  	s31 =	sadd.s32 $0xC900, s28;
	s0 =	sadd.s32 s4, s0  }
0x1e7: {  	[tilespmem:s31], [sflag:$0x2] =	stream.linear.gather [hbm4b:s0+s1], $0x80, $0x38;
	[tilespmem:$0x10200] =	vst v63  }
0x1e8: {  	s2 =	spop (v2sf)  }
0x1e9: {  	s0 =	sand.u32 $0x1FFFFFF0, s2  }
0x1ea: {  	s17 =	sadd.s32 $0x4980, s28;
	s30 =	sadd.s32 s3, s0  }
0x1eb: {  	[tilespmem:s17], [sflag:$0x2] =	stream.linear.gather [hbm4b:s30+s1], $0x80, $0x38;
	[tilespmem:$0x10200] =	vst v63  }
0x1ec: {  	s31 =	sadd.s32 $0xC980, s28;
	s0 =	sadd.s32 s4, s0  }
0x1ed: {  	[tilespmem:s31], [sflag:$0x2] =	stream.linear.gather [hbm4b:s0+s1], $0x80, $0x38;
	[tilespmem:$0x10200] =	vst v63  }
0x1ee: {  	v61 =	vld [tilespmem:s29+$0x90];
	_ =	sdelay $0x4  }
0x1ef: {  	v0 =	vshll.u32 v61, $0x4  }
0x1f0: {  	(v2sf) =	vpush v0, $0x0;
	_ =	sdelay $0x3  }
0x1f1: {  	(v2sf) =	vpush v0, $0x1;
	_ =	sdelay $0x4  }
0x1f2: {  	(v2sf) =	vpush v0, $0x2;
	_ =	sdelay $0x5  }
0x1f3: {  	s2 =	spop (v2sf)  }
0x1f4: {  	(v2sf) =	vpush v0, $0x3;
	s0 =	sand.u32 $0x1FFFFFF0, s2  }
0x1f5: {  	s17 =	sadd.s32 $0x4A00, s28;
	s30 =	sadd.s32 s3, s0  }
0x1f6: {  	[tilespmem:s17], [sflag:$0x2] =	stream.linear.gather [hbm4b:s30+s1], $0x80, $0x38;
	[tilespmem:$0x10200] =	vst v63  }
0x1f7: {  	s31 =	sadd.s32 $0xCA00, s28;
	s2 =	spop (v2sf);
	s0 =	sadd.s32 s4, s0  }
0x1f8: {  	(v2sf) =	vpush v0, $0x4;
	[tilespmem:s31], [sflag:$0x2] =	stream.linear.gather [hbm4b:s0+s1], $0x80, $0x38;
	[tilespmem:$0x10200] =	vst v63  }
0x1f9: {  	s0 =	sand.u32 $0x1FFFFFF0, s2  }
0x1fa: {  	s17 =	sadd.s32 $0x4A80, s28;
	s30 =	sadd.s32 s3, s0  }
0x1fb: {  	[tilespmem:s17], [sflag:$0x2] =	stream.linear.gather [hbm4b:s30+s1], $0x80, $0x38;
	[tilespmem:$0x10200] =	vst v63  }
0x1fc: {  	s31 =	sadd.s32 $0xCA80, s28;
	s2 =	spop (v2sf);
	s0 =	sadd.s32 s4, s0  }
0x1fd: {  	(v2sf) =	vpush v0, $0x5;
	[tilespmem:s31], [sflag:$0x2] =	stream.linear.gather [hbm4b:s0+s1], $0x80, $0x38;
	[tilespmem:$0x10200] =	vst v63  }
0x1fe: {  	s0 =	sand.u32 $0x1FFFFFF0, s2  }
0x1ff: {  	s17 =	sadd.s32 $0x4B00, s28;
	s30 =	sadd.s32 s3, s0  }
0x200: {  	[tilespmem:s17], [sflag:$0x2] =	stream.linear.gather [hbm4b:s30+s1], $0x80, $0x38;
	[tilespmem:$0x10200] =	vst v63  }
0x201: {  	s31 =	sadd.s32 $0xCB00, s28;
	s0 =	sadd.s32 s4, s0  }
0x202: {  	[tilespmem:s31], [sflag:$0x2] =	stream.linear.gather [hbm4b:s0+s1], $0x80, $0x38;
	[tilespmem:$0x10200] =	vst v63  }
0x203: {  	s2 =	spop (v2sf)  }
0x204: {  	(v2sf) =	vpush v0, $0x6;
	s0 =	sand.u32 $0x1FFFFFF0, s2  }
0x205: {  	s17 =	sadd.s32 $0x4B80, s28;
	s30 =	sadd.s32 s3, s0  }
0x206: {  	[tilespmem:s17], [sflag:$0x2] =	stream.linear.gather [hbm4b:s30+s1], $0x80, $0x38;
	[tilespmem:$0x10200] =	vst v63  }
0x207: {  	s31 =	sadd.s32 $0xCB80, s28;
	s2 =	spop (v2sf);
	s0 =	sadd.s32 s4, s0  }
0x208: {  	(v2sf) =	vpush v0, $0x7;
	[tilespmem:s31], [sflag:$0x2] =	stream.linear.gather [hbm4b:s0+s1], $0x80, $0x38;
	[tilespmem:$0x10200] =	vst v63  }
0x209: {  	s0 =	sand.u32 $0x1FFFFFF0, s2  }
0x20a: {  	s17 =	sadd.s32 $0x4C00, s28;
	s30 =	sadd.s32 s3, s0  }
0x20b: {  	[tilespmem:s17], [sflag:$0x2] =	stream.linear.gather [hbm4b:s30+s1], $0x80, $0x38;
	[tilespmem:$0x10200] =	vst v63  }
0x20c: {  	s31 =	sadd.s32 $0xCC00, s28;
	s2 =	spop (v2sf);
	s0 =	sadd.s32 s4, s0  }
0x20d: {  	(v2sf) =	vpush v0, $0x8;
	[tilespmem:s31], [sflag:$0x2] =	stream.linear.gather [hbm4b:s0+s1], $0x80, $0x38;
	[tilespmem:$0x10200] =	vst v63  }
0x20e: {  	s0 =	sand.u32 $0x1FFFFFF0, s2  }
0x20f: {  	s17 =	sadd.s32 $0x4C80, s28;
	s30 =	sadd.s32 s3, s0  }
0x210: {  	[tilespmem:s17], [sflag:$0x2] =	stream.linear.gather [hbm4b:s30+s1], $0x80, $0x38;
	[tilespmem:$0x10200] =	vst v63  }
0x211: {  	s31 =	sadd.s32 $0xCC80, s28;
	s0 =	sadd.s32 s4, s0  }
0x212: {  	[tilespmem:s31], [sflag:$0x2] =	stream.linear.gather [hbm4b:s0+s1], $0x80, $0x38;
	[tilespmem:$0x10200] =	vst v63  }
0x213: {  	s2 =	spop (v2sf)  }
0x214: {  	(v2sf) =	vpush v0, $0x9;
	s0 =	sand.u32 $0x1FFFFFF0, s2  }
0x215: {  	s17 =	sadd.s32 $0x4D00, s28;
	s30 =	sadd.s32 s3, s0  }
0x216: {  	[tilespmem:s17], [sflag:$0x2] =	stream.linear.gather [hbm4b:s30+s1], $0x80, $0x38;
	[tilespmem:$0x10200] =	vst v63  }
0x217: {  	s31 =	sadd.s32 $0xCD00, s28;
	s2 =	spop (v2sf);
	s0 =	sadd.s32 s4, s0  }
0x218: {  	(v2sf) =	vpush v0, $0xA;
	[tilespmem:s31], [sflag:$0x2] =	stream.linear.gather [hbm4b:s0+s1], $0x80, $0x38;
	[tilespmem:$0x10200] =	vst v63  }
0x219: {  	s0 =	sand.u32 $0x1FFFFFF0, s2  }
0x21a: {  	s17 =	sadd.s32 $0x4D80, s28;
	s30 =	sadd.s32 s3, s0  }
0x21b: {  	[tilespmem:s17], [sflag:$0x2] =	stream.linear.gather [hbm4b:s30+s1], $0x80, $0x38;
	[tilespmem:$0x10200] =	vst v63  }
0x21c: {  	s31 =	sadd.s32 $0xCD80, s28;
	s2 =	spop (v2sf);
	s0 =	sadd.s32 s4, s0  }
0x21d: {  	(v2sf) =	vpush v0, $0xB;
	[tilespmem:s31], [sflag:$0x2] =	stream.linear.gather [hbm4b:s0+s1], $0x80, $0x38;
	[tilespmem:$0x10200] =	vst v63  }
0x21e: {  	s0 =	sand.u32 $0x1FFFFFF0, s2  }
0x21f: {  	s17 =	sadd.s32 $0x4E00, s28;
	s30 =	sadd.s32 s3, s0  }
0x220: {  	[tilespmem:s17], [sflag:$0x2] =	stream.linear.gather [hbm4b:s30+s1], $0x80, $0x38;
	[tilespmem:$0x10200] =	vst v63  }
0x221: {  	s31 =	sadd.s32 $0xCE00, s28;
	s0 =	sadd.s32 s4, s0  }
0x222: {  	[tilespmem:s31], [sflag:$0x2] =	stream.linear.gather [hbm4b:s0+s1], $0x80, $0x38;
	[tilespmem:$0x10200] =	vst v63  }
0x223: {  	s2 =	spop (v2sf)  }
0x224: {  	(v2sf) =	vpush v0, $0xC;
	s0 =	sand.u32 $0x1FFFFFF0, s2  }
0x225: {  	s17 =	sadd.s32 $0x4E80, s28;
	s30 =	sadd.s32 s3, s0  }
0x226: {  	[tilespmem:s17], [sflag:$0x2] =	stream.linear.gather [hbm4b:s30+s1], $0x80, $0x38;
	[tilespmem:$0x10200] =	vst v63  }
0x227: {  	s31 =	sadd.s32 $0xCE80, s28;
	s2 =	spop (v2sf);
	s0 =	sadd.s32 s4, s0  }
0x228: {  	(v2sf) =	vpush v0, $0xD;
	[tilespmem:s31], [sflag:$0x2] =	stream.linear.gather [hbm4b:s0+s1], $0x80, $0x38;
	[tilespmem:$0x10200] =	vst v63  }
0x229: {  	s0 =	sand.u32 $0x1FFFFFF0, s2  }
0x22a: {  	s17 =	sadd.s32 $0x4F00, s28;
	s30 =	sadd.s32 s3, s0  }
0x22b: {  	[tilespmem:s17], [sflag:$0x2] =	stream.linear.gather [hbm4b:s30+s1], $0x80, $0x38;
	[tilespmem:$0x10200] =	vst v63  }
0x22c: {  	s31 =	sadd.s32 $0xCF00, s28;
	s2 =	spop (v2sf);
	s0 =	sadd.s32 s4, s0  }
0x22d: {  	(v2sf) =	vpush v0, $0xE;
	[tilespmem:s31], [sflag:$0x2] =	stream.linear.gather [hbm4b:s0+s1], $0x80, $0x38;
	[tilespmem:$0x10200] =	vst v63  }
0x22e: {  	s0 =	sand.u32 $0x1FFFFFF0, s2  }
0x22f: {  	s17 =	sadd.s32 $0x4F80, s28;
	s30 =	sadd.s32 s3, s0  }
0x230: {  	[tilespmem:s17], [sflag:$0x2] =	stream.linear.gather [hbm4b:s30+s1], $0x80, $0x38;
	[tilespmem:$0x10200] =	vst v63  }
0x231: {  	s31 =	sadd.s32 $0xCF80, s28;
	s0 =	sadd.s32 s4, s0  }
0x232: {  	[tilespmem:s31], [sflag:$0x2] =	stream.linear.gather [hbm4b:s0+s1], $0x80, $0x38;
	[tilespmem:$0x10200] =	vst v63  }
0x233: {  	s2 =	spop (v2sf)  }
0x234: {  	(v2sf) =	vpush v0, $0xF;
	s0 =	sand.u32 $0x1FFFFFF0, s2  }
0x235: {  	s17 =	sadd.s32 $0x5000, s28;
	s30 =	sadd.s32 s3, s0  }
0x236: {  	[tilespmem:s17], [sflag:$0x2] =	stream.linear.gather [hbm4b:s30+s1], $0x80, $0x38;
	[tilespmem:$0x10200] =	vst v63  }
0x237: {  	s31 =	sadd.s32 $0xD000, s28;
	s2 =	spop (v2sf);
	s0 =	sadd.s32 s4, s0  }
0x238: {  	[tilespmem:s31], [sflag:$0x2] =	stream.linear.gather [hbm4b:s0+s1], $0x80, $0x38;
	[tilespmem:$0x10200] =	vst v63  }
0x239: {  	s0 =	sand.u32 $0x1FFFFFF0, s2  }
0x23a: {  	s17 =	sadd.s32 $0x5080, s28;
	s30 =	sadd.s32 s3, s0  }
0x23b: {  	[tilespmem:s17], [sflag:$0x2] =	stream.linear.gather [hbm4b:s30+s1], $0x80, $0x38;
	[tilespmem:$0x10200] =	vst v63  }
0x23c: {  	s31 =	sadd.s32 $0xD080, s28;
	s2 =	spop (v2sf);
	s0 =	sadd.s32 s4, s0  }
0x23d: {  	[tilespmem:s31], [sflag:$0x2] =	stream.linear.gather [hbm4b:s0+s1], $0x80, $0x38;
	[tilespmem:$0x10200] =	vst v63  }
0x23e: {  	s0 =	sand.u32 $0x1FFFFFF0, s2  }
0x23f: {  	s17 =	sadd.s32 $0x5100, s28;
	s30 =	sadd.s32 s3, s0  }
0x240: {  	[tilespmem:s17], [sflag:$0x2] =	stream.linear.gather [hbm4b:s30+s1], $0x80, $0x38;
	[tilespmem:$0x10200] =	vst v63  }
0x241: {  	s31 =	sadd.s32 $0xD100, s28;
	s0 =	sadd.s32 s4, s0  }
0x242: {  	[tilespmem:s31], [sflag:$0x2] =	stream.linear.gather [hbm4b:s0+s1], $0x80, $0x38;
	[tilespmem:$0x10200] =	vst v63  }
0x243: {  	s2 =	spop (v2sf)  }
0x244: {  	s0 =	sand.u32 $0x1FFFFFF0, s2  }
0x245: {  	s17 =	sadd.s32 $0x5180, s28;
	s30 =	sadd.s32 s3, s0  }
0x246: {  	[tilespmem:s17], [sflag:$0x2] =	stream.linear.gather [hbm4b:s30+s1], $0x80, $0x38;
	[tilespmem:$0x10200] =	vst v63  }
0x247: {  	s31 =	sadd.s32 $0xD180, s28;
	s0 =	sadd.s32 s4, s0  }
0x248: {  	[tilespmem:s31], [sflag:$0x2] =	stream.linear.gather [hbm4b:s0+s1], $0x80, $0x38;
	[tilespmem:$0x10200] =	vst v63  }
0x249: {  	v62 =	vld [tilespmem:s29+$0xA0];
	_ =	sdelay $0x4  }
0x24a: {  	v0 =	vshll.u32 v62, $0x4  }
0x24b: {  	(v2sf) =	vpush v0, $0x0;
	_ =	sdelay $0x3  }
0x24c: {  	(v2sf) =	vpush v0, $0x1;
	_ =	sdelay $0x4  }
0x24d: {  	(v2sf) =	vpush v0, $0x2;
	_ =	sdelay $0x5  }
0x24e: {  	s2 =	spop (v2sf)  }
0x24f: {  	(v2sf) =	vpush v0, $0x3;
	s0 =	sand.u32 $0x1FFFFFF0, s2  }
0x250: {  	s17 =	sadd.s32 $0x5200, s28;
	s30 =	sadd.s32 s3, s0  }
0x251: {  	[tilespmem:s17], [sflag:$0x2] =	stream.linear.gather [hbm4b:s30+s1], $0x80, $0x38;
	[tilespmem:$0x10200] =	vst v63  }
0x252: {  	s31 =	sadd.s32 $0xD200, s28;
	s2 =	spop (v2sf);
	s0 =	sadd.s32 s4, s0  }
0x253: {  	(v2sf) =	vpush v0, $0x4;
	[tilespmem:s31], [sflag:$0x2] =	stream.linear.gather [hbm4b:s0+s1], $0x80, $0x38;
	[tilespmem:$0x10200] =	vst v63  }
0x254: {  	s0 =	sand.u32 $0x1FFFFFF0, s2  }
0x255: {  	s17 =	sadd.s32 $0x5280, s28;
	s30 =	sadd.s32 s3, s0  }
0x256: {  	[tilespmem:s17], [sflag:$0x2] =	stream.linear.gather [hbm4b:s30+s1], $0x80, $0x38;
	[tilespmem:$0x10200] =	vst v63  }
0x257: {  	s31 =	sadd.s32 $0xD280, s28;
	s2 =	spop (v2sf);
	s0 =	sadd.s32 s4, s0  }
0x258: {  	(v2sf) =	vpush v0, $0x5;
	[tilespmem:s31], [sflag:$0x2] =	stream.linear.gather [hbm4b:s0+s1], $0x80, $0x38;
	[tilespmem:$0x10200] =	vst v63  }
0x259: {  	s0 =	sand.u32 $0x1FFFFFF0, s2  }
0x25a: {  	s17 =	sadd.s32 $0x5300, s28;
	s30 =	sadd.s32 s3, s0  }
0x25b: {  	[tilespmem:s17], [sflag:$0x2] =	stream.linear.gather [hbm4b:s30+s1], $0x80, $0x38;
	[tilespmem:$0x10200] =	vst v63  }
0x25c: {  	s31 =	sadd.s32 $0xD300, s28;
	s0 =	sadd.s32 s4, s0  }
0x25d: {  	[tilespmem:s31], [sflag:$0x2] =	stream.linear.gather [hbm4b:s0+s1], $0x80, $0x38;
	[tilespmem:$0x10200] =	vst v63  }
0x25e: {  	s2 =	spop (v2sf)  }
0x25f: {  	(v2sf) =	vpush v0, $0x6;
	s0 =	sand.u32 $0x1FFFFFF0, s2  }
0x260: {  	s17 =	sadd.s32 $0x5380, s28;
	s30 =	sadd.s32 s3, s0  }
0x261: {  	[tilespmem:s17], [sflag:$0x2] =	stream.linear.gather [hbm4b:s30+s1], $0x80, $0x38;
	[tilespmem:$0x10200] =	vst v63  }
0x262: {  	s31 =	sadd.s32 $0xD380, s28;
	s2 =	spop (v2sf);
	s0 =	sadd.s32 s4, s0  }
0x263: {  	(v2sf) =	vpush v0, $0x7;
	[tilespmem:s31], [sflag:$0x2] =	stream.linear.gather [hbm4b:s0+s1], $0x80, $0x38;
	[tilespmem:$0x10200] =	vst v63  }
0x264: {  	s0 =	sand.u32 $0x1FFFFFF0, s2  }
0x265: {  	s17 =	sadd.s32 $0x5400, s28;
	s30 =	sadd.s32 s3, s0  }
0x266: {  	[tilespmem:s17], [sflag:$0x2] =	stream.linear.gather [hbm4b:s30+s1], $0x80, $0x38;
	[tilespmem:$0x10200] =	vst v63  }
0x267: {  	s31 =	sadd.s32 $0xD400, s28;
	s2 =	spop (v2sf);
	s0 =	sadd.s32 s4, s0  }
0x268: {  	(v2sf) =	vpush v0, $0x8;
	[tilespmem:s31], [sflag:$0x2] =	stream.linear.gather [hbm4b:s0+s1], $0x80, $0x38;
	[tilespmem:$0x10200] =	vst v63  }
0x269: {  	s0 =	sand.u32 $0x1FFFFFF0, s2  }
0x26a: {  	s17 =	sadd.s32 $0x5480, s28;
	s30 =	sadd.s32 s3, s0  }
0x26b: {  	[tilespmem:s17], [sflag:$0x2] =	stream.linear.gather [hbm4b:s30+s1], $0x80, $0x38;
	[tilespmem:$0x10200] =	vst v63  }
0x26c: {  	s31 =	sadd.s32 $0xD480, s28;
	s0 =	sadd.s32 s4, s0  }
0x26d: {  	[tilespmem:s31], [sflag:$0x2] =	stream.linear.gather [hbm4b:s0+s1], $0x80, $0x38;
	[tilespmem:$0x10200] =	vst v63  }
0x26e: {  	s2 =	spop (v2sf)  }
0x26f: {  	(v2sf) =	vpush v0, $0x9;
	s0 =	sand.u32 $0x1FFFFFF0, s2  }
0x270: {  	s17 =	sadd.s32 $0x5500, s28;
	s30 =	sadd.s32 s3, s0  }
0x271: {  	[tilespmem:s17], [sflag:$0x2] =	stream.linear.gather [hbm4b:s30+s1], $0x80, $0x38;
	[tilespmem:$0x10200] =	vst v63  }
0x272: {  	s31 =	sadd.s32 $0xD500, s28;
	s2 =	spop (v2sf);
	s0 =	sadd.s32 s4, s0  }
0x273: {  	(v2sf) =	vpush v0, $0xA;
	[tilespmem:s31], [sflag:$0x2] =	stream.linear.gather [hbm4b:s0+s1], $0x80, $0x38;
	[tilespmem:$0x10200] =	vst v63  }
0x274: {  	s0 =	sand.u32 $0x1FFFFFF0, s2  }
0x275: {  	s17 =	sadd.s32 $0x5580, s28;
	s30 =	sadd.s32 s3, s0  }
0x276: {  	[tilespmem:s17], [sflag:$0x2] =	stream.linear.gather [hbm4b:s30+s1], $0x80, $0x38;
	[tilespmem:$0x10200] =	vst v63  }
0x277: {  	s31 =	sadd.s32 $0xD580, s28;
	s2 =	spop (v2sf);
	s0 =	sadd.s32 s4, s0  }
0x278: {  	(v2sf) =	vpush v0, $0xB;
	[tilespmem:s31], [sflag:$0x2] =	stream.linear.gather [hbm4b:s0+s1], $0x80, $0x38;
	[tilespmem:$0x10200] =	vst v63  }
0x279: {  	s0 =	sand.u32 $0x1FFFFFF0, s2  }
0x27a: {  	s17 =	sadd.s32 $0x5600, s28;
	s30 =	sadd.s32 s3, s0  }
0x27b: {  	[tilespmem:s17], [sflag:$0x2] =	stream.linear.gather [hbm4b:s30+s1], $0x80, $0x38;
	[tilespmem:$0x10200] =	vst v63  }
0x27c: {  	s31 =	sadd.s32 $0xD600, s28;
	s0 =	sadd.s32 s4, s0  }
0x27d: {  	[tilespmem:s31], [sflag:$0x2] =	stream.linear.gather [hbm4b:s0+s1], $0x80, $0x38;
	[tilespmem:$0x10200] =	vst v63  }
0x27e: {  	s2 =	spop (v2sf)  }
0x27f: {  	(v2sf) =	vpush v0, $0xC;
	s0 =	sand.u32 $0x1FFFFFF0, s2  }
0x280: {  	s17 =	sadd.s32 $0x5680, s28;
	s30 =	sadd.s32 s3, s0  }
0x281: {  	[tilespmem:s17], [sflag:$0x2] =	stream.linear.gather [hbm4b:s30+s1], $0x80, $0x38;
	[tilespmem:$0x10200] =	vst v63  }
0x282: {  	s31 =	sadd.s32 $0xD680, s28;
	s2 =	spop (v2sf);
	s0 =	sadd.s32 s4, s0  }
0x283: {  	(v2sf) =	vpush v0, $0xD;
	[tilespmem:s31], [sflag:$0x2] =	stream.linear.gather [hbm4b:s0+s1], $0x80, $0x38;
	[tilespmem:$0x10200] =	vst v63  }
0x284: {  	s0 =	sand.u32 $0x1FFFFFF0, s2  }
0x285: {  	s17 =	sadd.s32 $0x5700, s28;
	s30 =	sadd.s32 s3, s0  }
0x286: {  	[tilespmem:s17], [sflag:$0x2] =	stream.linear.gather [hbm4b:s30+s1], $0x80, $0x38;
	[tilespmem:$0x10200] =	vst v63  }
0x287: {  	s31 =	sadd.s32 $0xD700, s28;
	s2 =	spop (v2sf);
	s0 =	sadd.s32 s4, s0  }
0x288: {  	(v2sf) =	vpush v0, $0xE;
	[tilespmem:s31], [sflag:$0x2] =	stream.linear.gather [hbm4b:s0+s1], $0x80, $0x38;
	[tilespmem:$0x10200] =	vst v63  }
0x289: {  	s0 =	sand.u32 $0x1FFFFFF0, s2  }
0x28a: {  	s17 =	sadd.s32 $0x5780, s28;
	s30 =	sadd.s32 s3, s0  }
0x28b: {  	[tilespmem:s17], [sflag:$0x2] =	stream.linear.gather [hbm4b:s30+s1], $0x80, $0x38;
	[tilespmem:$0x10200] =	vst v63  }
0x28c: {  	s31 =	sadd.s32 $0xD780, s28;
	s0 =	sadd.s32 s4, s0  }
0x28d: {  	[tilespmem:s31], [sflag:$0x2] =	stream.linear.gather [hbm4b:s0+s1], $0x80, $0x38;
	[tilespmem:$0x10200] =	vst v63  }
0x28e: {  	s2 =	spop (v2sf)  }
0x28f: {  	(v2sf) =	vpush v0, $0xF;
	s0 =	sand.u32 $0x1FFFFFF0, s2  }
0x290: {  	s17 =	sadd.s32 $0x5800, s28;
	s30 =	sadd.s32 s3, s0  }
0x291: {  	[tilespmem:s17], [sflag:$0x2] =	stream.linear.gather [hbm4b:s30+s1], $0x80, $0x38;
	[tilespmem:$0x10200] =	vst v63  }
0x292: {  	s31 =	sadd.s32 $0xD800, s28;
	s2 =	spop (v2sf);
	s0 =	sadd.s32 s4, s0  }
0x293: {  	[tilespmem:s31], [sflag:$0x2] =	stream.linear.gather [hbm4b:s0+s1], $0x80, $0x38;
	[tilespmem:$0x10200] =	vst v63  }
0x294: {  	s0 =	sand.u32 $0x1FFFFFF0, s2  }
0x295: {  	s17 =	sadd.s32 $0x5880, s28;
	s30 =	sadd.s32 s3, s0  }
0x296: {  	[tilespmem:s17], [sflag:$0x2] =	stream.linear.gather [hbm4b:s30+s1], $0x80, $0x38;
	[tilespmem:$0x10200] =	vst v63  }
0x297: {  	s31 =	sadd.s32 $0xD880, s28;
	s2 =	spop (v2sf);
	s0 =	sadd.s32 s4, s0  }
0x298: {  	[tilespmem:s31], [sflag:$0x2] =	stream.linear.gather [hbm4b:s0+s1], $0x80, $0x38;
	[tilespmem:$0x10200] =	vst v63  }
0x299: {  	s0 =	sand.u32 $0x1FFFFFF0, s2  }
0x29a: {  	s17 =	sadd.s32 $0x5900, s28;
	s30 =	sadd.s32 s3, s0  }
0x29b: {  	[tilespmem:s17], [sflag:$0x2] =	stream.linear.gather [hbm4b:s30+s1], $0x80, $0x38;
	[tilespmem:$0x10200] =	vst v63  }
0x29c: {  	s31 =	sadd.s32 $0xD900, s28;
	s0 =	sadd.s32 s4, s0  }
0x29d: {  	[tilespmem:s31], [sflag:$0x2] =	stream.linear.gather [hbm4b:s0+s1], $0x80, $0x38;
	[tilespmem:$0x10200] =	vst v63  }
0x29e: {  	s2 =	spop (v2sf)  }
0x29f: {  	s0 =	sand.u32 $0x1FFFFFF0, s2  }
0x2a0: {  	s17 =	sadd.s32 $0x5980, s28;
	s30 =	sadd.s32 s3, s0  }
0x2a1: {  	[tilespmem:s17], [sflag:$0x2] =	stream.linear.gather [hbm4b:s30+s1], $0x80, $0x38;
	[tilespmem:$0x10200] =	vst v63  }
0x2a2: {  	s31 =	sadd.s32 $0xD980, s28;
	s0 =	sadd.s32 s4, s0  }
0x2a3: {  	[tilespmem:s31], [sflag:$0x2] =	stream.linear.gather [hbm4b:s0+s1], $0x80, $0x38;
	[tilespmem:$0x10200] =	vst v63  }
0x2a4: {  	v63 =	vld [tilespmem:s29+$0xB0];
	_ =	sdelay $0x4  }
0x2a5: {  	v0 =	vshll.u32 v63, $0x4  }
0x2a6: {  	(v2sf) =	vpush v0, $0x0;
	_ =	sdelay $0x3  }
0x2a7: {  	(v2sf) =	vpush v0, $0x1;
	_ =	sdelay $0x4  }
0x2a8: {  	(v2sf) =	vpush v0, $0x2;
	_ =	sdelay $0x5  }
0x2a9: {  	s17 =	spop (v2sf)  }
0x2aa: {  	(v2sf) =	vpush v0, $0x3;
	s0 =	sand.u32 $0x1FFFFFF0, s17  }
0x2ab: {  	s29 =	sadd.s32 $0x5A00, s28;
	s30 =	sadd.s32 s3, s0  }
0x2ac: {  	[tilespmem:s29], [sflag:$0x2] =	stream.linear.gather [hbm4b:s30+s1], $0x80, $0x38;
	[tilespmem:$0x10200] =	vst v63  }
0x2ad: {  	s31 =	sadd.s32 $0xDA00, s28;
	s17 =	spop (v2sf);
	s0 =	sadd.s32 s4, s0  }
0x2ae: {  	(v2sf) =	vpush v0, $0x4;
	[tilespmem:s31], [sflag:$0x2] =	stream.linear.gather [hbm4b:s0+s1], $0x80, $0x38;
	[tilespmem:$0x10200] =	vst v63  }
0x2af: {  	s0 =	sand.u32 $0x1FFFFFF0, s17  }
0x2b0: {  	s29 =	sadd.s32 $0x5A80, s28;
	s30 =	sadd.s32 s3, s0  }
0x2b1: {  	[tilespmem:s29], [sflag:$0x2] =	stream.linear.gather [hbm4b:s30+s1], $0x80, $0x38;
	[tilespmem:$0x10200] =	vst v63  }
0x2b2: {  	s31 =	sadd.s32 $0xDA80, s28;
	s17 =	spop (v2sf);
	s0 =	sadd.s32 s4, s0  }
0x2b3: {  	(v2sf) =	vpush v0, $0x5;
	[tilespmem:s31], [sflag:$0x2] =	stream.linear.gather [hbm4b:s0+s1], $0x80, $0x38;
	[tilespmem:$0x10200] =	vst v63  }
0x2b4: {  	s0 =	sand.u32 $0x1FFFFFF0, s17  }
0x2b5: {  	s29 =	sadd.s32 $0x5B00, s28;
	s30 =	sadd.s32 s3, s0  }
0x2b6: {  	[tilespmem:s29], [sflag:$0x2] =	stream.linear.gather [hbm4b:s30+s1], $0x80, $0x38;
	[tilespmem:$0x10200] =	vst v63  }
0x2b7: {  	s31 =	sadd.s32 $0xDB00, s28;
	s0 =	sadd.s32 s4, s0  }
0x2b8: {  	[tilespmem:s31], [sflag:$0x2] =	stream.linear.gather [hbm4b:s0+s1], $0x80, $0x38;
	[tilespmem:$0x10200] =	vst v63  }
0x2b9: {  	s17 =	spop (v2sf)  }
0x2ba: {  	(v2sf) =	vpush v0, $0x6;
	s0 =	sand.u32 $0x1FFFFFF0, s17  }
0x2bb: {  	s29 =	sadd.s32 $0x5B80, s28;
	s30 =	sadd.s32 s3, s0  }
0x2bc: {  	[tilespmem:s29], [sflag:$0x2] =	stream.linear.gather [hbm4b:s30+s1], $0x80, $0x38;
	[tilespmem:$0x10200] =	vst v63  }
0x2bd: {  	s31 =	sadd.s32 $0xDB80, s28;
	s17 =	spop (v2sf);
	s0 =	sadd.s32 s4, s0  }
0x2be: {  	(v2sf) =	vpush v0, $0x7;
	[tilespmem:s31], [sflag:$0x2] =	stream.linear.gather [hbm4b:s0+s1], $0x80, $0x38;
	[tilespmem:$0x10200] =	vst v63  }
0x2bf: {  	s0 =	sand.u32 $0x1FFFFFF0, s17  }
0x2c0: {  	s29 =	sadd.s32 $0x5C00, s28;
	s30 =	sadd.s32 s3, s0  }
0x2c1: {  	[tilespmem:s29], [sflag:$0x2] =	stream.linear.gather [hbm4b:s30+s1], $0x80, $0x38;
	[tilespmem:$0x10200] =	vst v63  }
0x2c2: {  	s31 =	sadd.s32 $0xDC00, s28;
	s17 =	spop (v2sf);
	s0 =	sadd.s32 s4, s0  }
0x2c3: {  	(v2sf) =	vpush v0, $0x8;
	[tilespmem:s31], [sflag:$0x2] =	stream.linear.gather [hbm4b:s0+s1], $0x80, $0x38;
	[tilespmem:$0x10200] =	vst v63  }
0x2c4: {  	s0 =	sand.u32 $0x1FFFFFF0, s17  }
0x2c5: {  	s29 =	sadd.s32 $0x5C80, s28;
	s30 =	sadd.s32 s3, s0  }
0x2c6: {  	[tilespmem:s29], [sflag:$0x2] =	stream.linear.gather [hbm4b:s30+s1], $0x80, $0x38;
	[tilespmem:$0x10200] =	vst v63  }
0x2c7: {  	s31 =	sadd.s32 $0xDC80, s28;
	s0 =	sadd.s32 s4, s0  }
0x2c8: {  	[tilespmem:s31], [sflag:$0x2] =	stream.linear.gather [hbm4b:s0+s1], $0x80, $0x38;
	[tilespmem:$0x10200] =	vst v63  }
0x2c9: {  	s17 =	spop (v2sf)  }
0x2ca: {  	(v2sf) =	vpush v0, $0x9;
	s0 =	sand.u32 $0x1FFFFFF0, s17  }
0x2cb: {  	s29 =	sadd.s32 $0x5D00, s28;
	s30 =	sadd.s32 s3, s0  }
0x2cc: {  	[tilespmem:s29], [sflag:$0x2] =	stream.linear.gather [hbm4b:s30+s1], $0x80, $0x38;
	[tilespmem:$0x10200] =	vst v63  }
0x2cd: {  	s31 =	sadd.s32 $0xDD00, s28;
	s17 =	spop (v2sf);
	s0 =	sadd.s32 s4, s0  }
0x2ce: {  	(v2sf) =	vpush v0, $0xA;
	[tilespmem:s31], [sflag:$0x2] =	stream.linear.gather [hbm4b:s0+s1], $0x80, $0x38;
	[tilespmem:$0x10200] =	vst v63  }
0x2cf: {  	s0 =	sand.u32 $0x1FFFFFF0, s17  }
0x2d0: {  	s29 =	sadd.s32 $0x5D80, s28;
	s30 =	sadd.s32 s3, s0  }
0x2d1: {  	[tilespmem:s29], [sflag:$0x2] =	stream.linear.gather [hbm4b:s30+s1], $0x80, $0x38;
	[tilespmem:$0x10200] =	vst v63  }
0x2d2: {  	s31 =	sadd.s32 $0xDD80, s28;
	s17 =	spop (v2sf);
	s0 =	sadd.s32 s4, s0  }
0x2d3: {  	(v2sf) =	vpush v0, $0xB;
	[tilespmem:s31], [sflag:$0x2] =	stream.linear.gather [hbm4b:s0+s1], $0x80, $0x38;
	[tilespmem:$0x10200] =	vst v63  }
0x2d4: {  	s0 =	sand.u32 $0x1FFFFFF0, s17  }
0x2d5: {  	s29 =	sadd.s32 $0x5E00, s28;
	s30 =	sadd.s32 s3, s0  }
0x2d6: {  	[tilespmem:s29], [sflag:$0x2] =	stream.linear.gather [hbm4b:s30+s1], $0x80, $0x38;
	[tilespmem:$0x10200] =	vst v63  }
0x2d7: {  	s31 =	sadd.s32 $0xDE00, s28;
	s0 =	sadd.s32 s4, s0  }
0x2d8: {  	[tilespmem:s31], [sflag:$0x2] =	stream.linear.gather [hbm4b:s0+s1], $0x80, $0x38;
	[tilespmem:$0x10200] =	vst v63  }
0x2d9: {  	s17 =	spop (v2sf)  }
0x2da: {  	(v2sf) =	vpush v0, $0xC;
	s0 =	sand.u32 $0x1FFFFFF0, s17  }
0x2db: {  	s29 =	sadd.s32 $0x5E80, s28;
	s30 =	sadd.s32 s3, s0  }
0x2dc: {  	[tilespmem:s29], [sflag:$0x2] =	stream.linear.gather [hbm4b:s30+s1], $0x80, $0x38;
	[tilespmem:$0x10200] =	vst v63  }
0x2dd: {  	s31 =	sadd.s32 $0xDE80, s28;
	s17 =	spop (v2sf);
	s0 =	sadd.s32 s4, s0  }
0x2de: {  	(v2sf) =	vpush v0, $0xD;
	[tilespmem:s31], [sflag:$0x2] =	stream.linear.gather [hbm4b:s0+s1], $0x80, $0x38;
	[tilespmem:$0x10200] =	vst v63  }
0x2df: {  	s0 =	sand.u32 $0x1FFFFFF0, s17  }
0x2e0: {  	s29 =	sadd.s32 $0x5F00, s28;
	s30 =	sadd.s32 s3, s0  }
0x2e1: {  	[tilespmem:s29], [sflag:$0x2] =	stream.linear.gather [hbm4b:s30+s1], $0x80, $0x38;
	[tilespmem:$0x10200] =	vst v63  }
0x2e2: {  	s31 =	sadd.s32 $0xDF00, s28;
	s17 =	spop (v2sf);
	s0 =	sadd.s32 s4, s0  }
0x2e3: {  	(v2sf) =	vpush v0, $0xE;
	[tilespmem:s31], [sflag:$0x2] =	stream.linear.gather [hbm4b:s0+s1], $0x80, $0x38;
	[tilespmem:$0x10200] =	vst v63  }
0x2e4: {  	s0 =	sand.u32 $0x1FFFFFF0, s17  }
0x2e5: {  	s29 =	sadd.s32 $0x5F80, s28;
	s30 =	sadd.s32 s3, s0  }
0x2e6: {  	[tilespmem:s29], [sflag:$0x2] =	stream.linear.gather [hbm4b:s30+s1], $0x80, $0x38;
	[tilespmem:$0x10200] =	vst v63  }
0x2e7: {  	s31 =	sadd.s32 $0xDF80, s28;
	s0 =	sadd.s32 s4, s0  }
0x2e8: {  	[tilespmem:s31], [sflag:$0x2] =	stream.linear.gather [hbm4b:s0+s1], $0x80, $0x38;
	[tilespmem:$0x10200] =	vst v63  }
0x2e9: {  	s2 =	spop (v2sf)  }
0x2ea: {  	(v2sf) =	vpush v0, $0xF;
	s0 =	sand.u32 $0x1FFFFFF0, s2  }
0x2eb: {  	s17 =	sadd.s32 $0x6000, s28;
	s29 =	sadd.s32 s3, s0  }
0x2ec: {  	[tilespmem:s17], [sflag:$0x2] =	stream.linear.gather [hbm4b:s29+s1], $0x80, $0x38;
	[tilespmem:$0x10200] =	vst v63  }
0x2ed: {  	s31 =	sadd.s32 $0xE000, s28;
	s30 =	spop (v2sf);
	s0 =	sadd.s32 s4, s0  }
0x2ee: {  	[tilespmem:s31], [sflag:$0x2] =	stream.linear.gather [hbm4b:s0+s1], $0x80, $0x38;
	[tilespmem:$0x10200] =	vst v63  }
0x2ef: {  	s0 =	sand.u32 $0x1FFFFFF0, s30  }
0x2f0: {  	s17 =	sadd.s32 $0x6080, s28;
	s29 =	sadd.s32 s3, s0  }
0x2f1: {  	[tilespmem:s17], [sflag:$0x2] =	stream.linear.gather [hbm4b:s29+s1], $0x80, $0x38;
	[tilespmem:$0x10200] =	vst v63  }
0x2f2: {  	s30 =	spop (v2sf);
	s31 =	sadd.s32 $0xE080, s28;
	s0 =	sadd.s32 s4, s0  }
0x2f3: {  	[tilespmem:s31], [sflag:$0x2] =	stream.linear.gather [hbm4b:s0+s1], $0x80, $0x38;
	[tilespmem:$0x10200] =	vst v63  }
0x2f4: {  	s0 =	sand.u32 $0x1FFFFFF0, s30  }
0x2f5: {  	s29 =	sadd.s32 $0x6100, s28;
	s30 =	sadd.s32 s3, s0  }
0x2f6: {  	[tilespmem:s29], [sflag:$0x2] =	stream.linear.gather [hbm4b:s30+s1], $0x80, $0x38;
	[tilespmem:$0x10200] =	vst v63  }
0x2f7: {  	s31 =	sadd.s32 $0xE100, s28;
	s0 =	sadd.s32 s4, s0  }
0x2f8: {  	[tilespmem:s31], [sflag:$0x2] =	stream.linear.gather [hbm4b:s0+s1], $0x80, $0x38;
	[tilespmem:$0x10200] =	vst v63  }
0x2f9: {  	p1 =	por p0, p0;
	s17 =	spop (v2sf)  }
.Ltmp1:
0x2fa: {  	s0 =	sand.u32 $0x1FFFFFF0, s17;
	(pc) =	sbr.rel @p1 .LBB2_3-.Ltmp1, $4  }
0x2fb: {  	p0 =	por $0x0, $0x0;
	s29 =	sadd.s32 $0x6180, s28;
	s30 =	sadd.s32 s3, s0  }
0x2fc: {  	[tilespmem:s29], [sflag:$0x2] =	stream.linear.gather [hbm4b:s30+s1], $0x80, $0x38;
	[tilespmem:$0x10200] =	vst v63  }
0x2fd: {  	s31 =	sadd.s32 $0xE180, s28;
	s28 =	simm.s32 $0x4;
	s0 =	sadd.s32 s4, s0  }
0x2fe: {  	[tilespmem:s31], [sflag:$0x2] =	stream.linear.gather [hbm4b:s0+s1], $0x80, $0x38;
	[tilespmem:$0x10200] =	vst v63  }
0x2ff: {  	_ =	swait.ge [sflag:s16], $0x4000  }
0x300: {  	[sflag:s16] =	ssyncset.done $0x0  }
0x301: {  	[sflag:s16] =	ssyncadd.s32 $0xFFFFC000  }
0x302: {  	_ =	swait.ge [sflag:s16], $0x4000  }
0x303: {  	[sflag:s16] =	ssyncset.done $0x0  }
0x304: {  	s28 =	simm.s32 $0x0;
	s30 =	simm.s32 $0x200;
	[sflag:s16] =	ssyncadd.s32 $0xFFFFC000  }
0x305: {  	[hbm4b:s6+s28] =	stream.linear.scatter [tilespmem:s30], [sflag:$0x3], $0x4000, $0x38;
	[tilespmem:$0x10200] =	vst v63  }
0x306: {  	_ = 	snop  }
0x307: {  	[hbm4b:s7+s28] =	stream.linear.scatter [tilespmem:s18], [sflag:$0x5], $0x4000, $0x38;
	[tilespmem:$0x10200] =	vst v63  }
0x308: {  	_ =	swait.ge [sflag:s19], $0x4000  }
0x309: {  	[sflag:s19] =	ssyncset.done $0x0  }
0x30a: {  	[sflag:s19] =	ssyncadd.s32 $0xFFFFC000  }
0x30b: {  	_ =	swait.ge [sflag:s20], $0x4000  }
0x30c: {  	[sflag:s20] =	ssyncset.done $0x0  }
0x30d: {  	p0 =	por $0x1, $0x1;
	[sflag:s20] =	ssyncadd.s32 $0xFFFFC000  }
.LBB2_5:
0x30e: {  	s0 =	sshll.u32 s28, $0x4  }
0x30f: {  	s29 =	sand.u32 $0x3FFFFFF0, s0  }
0x310: {  	v0 =	vld [tilespmem:s29+$0x100];
	_ =	sdelay $0x4  }
0x311: {  	v0 =	vshll.u32 v0, $0x4  }
0x312: {  	(v2sf) =	vpush v0, $0x0;
	_ =	sdelay $0x3  }
0x313: {  	(v2sf) =	vpush v0, $0x1;
	_ =	sdelay $0x4  }
0x314: {  	(v2sf) =	vpush v0, $0x2;
	_ =	sdelay $0x5  }
0x315: {  	s17 =	spop (v2sf)  }
0x316: {  	s28 =	sshll.u32 s28, $0xB;
	(v2sf) =	vpush v0, $0x3;
	s0 =	sand.u32 $0x1FFFFFF0, s17  }
0x317: {  	s2 =	sor.u32 $0x200, s28;
	s17 =	sadd.s32 s3, s0  }
0x318: {  	[tilespmem:s2], [sflag:$0x1] =	stream.linear.gather [hbm4b:s17+s1], $0x80, $0x38;
	[tilespmem:$0x10200] =	vst v63  }
0x319: {  	s31 =	sadd.s32 $0x8200, s28;
	s0 =	sadd.s32 s4, s0;
	s2 =	spop (v2sf)  }
0x31a: {  	(v2sf) =	vpush v0, $0x4;
	[tilespmem:s31], [sflag:$0x1] =	stream.linear.gather [hbm4b:s0+s1], $0x80, $0x38;
	[tilespmem:$0x10200] =	vst v63  }
0x31b: {  	s0 =	sand.u32 $0x1FFFFFF0, s2  }
0x31c: {  	s17 =	sor.u32 $0x280, s28;
	s31 =	sadd.s32 s3, s0  }
0x31d: {  	[tilespmem:s17], [sflag:$0x1] =	stream.linear.gather [hbm4b:s31+s1], $0x80, $0x38;
	[tilespmem:$0x10200] =	vst v63  }
0x31e: {  	s2 =	spop (v2sf);
	s0 =	sadd.s32 s4, s0;
	s31 =	sadd.s32 $0x8280, s28  }
0x31f: {  	(v2sf) =	vpush v0, $0x5;
	[tilespmem:s31], [sflag:$0x1] =	stream.linear.gather [hbm4b:s0+s1], $0x80, $0x38;
	[tilespmem:$0x10200] =	vst v63  }
0x320: {  	s0 =	sand.u32 $0x1FFFFFF0, s2  }
0x321: {  	s17 =	sor.u32 $0x300, s28;
	s31 =	sadd.s32 s3, s0  }
0x322: {  	[tilespmem:s17], [sflag:$0x1] =	stream.linear.gather [hbm4b:s31+s1], $0x80, $0x38;
	[tilespmem:$0x10200] =	vst v63  }
0x323: {  	s0 =	sadd.s32 s4, s0;
	s31 =	sadd.s32 $0x8300, s28  }
0x324: {  	[tilespmem:s31], [sflag:$0x1] =	stream.linear.gather [hbm4b:s0+s1], $0x80, $0x38;
	[tilespmem:$0x10200] =	vst v63  }
0x325: {  	s2 =	spop (v2sf)  }
0x326: {  	(v2sf) =	vpush v0, $0x6;
	s0 =	sand.u32 $0x1FFFFFF0, s2  }
0x327: {  	s17 =	sor.u32 $0x380, s28;
	s31 =	sadd.s32 s3, s0  }
0x328: {  	[tilespmem:s17], [sflag:$0x1] =	stream.linear.gather [hbm4b:s31+s1], $0x80, $0x38;
	[tilespmem:$0x10200] =	vst v63  }
0x329: {  	s0 =	sadd.s32 s4, s0;
	s31 =	sadd.s32 $0x8380, s28;
	s2 =	spop (v2sf)  }
0x32a: {  	(v2sf) =	vpush v0, $0x7;
	[tilespmem:s31], [sflag:$0x1] =	stream.linear.gather [hbm4b:s0+s1], $0x80, $0x38;
	[tilespmem:$0x10200] =	vst v63  }
0x32b: {  	s0 =	sand.u32 $0x1FFFFFF0, s2  }
0x32c: {  	s17 =	sor.u32 $0x400, s28;
	s31 =	sadd.s32 s3, s0  }
0x32d: {  	[tilespmem:s17], [sflag:$0x1] =	stream.linear.gather [hbm4b:s31+s1], $0x80, $0x38;
	[tilespmem:$0x10200] =	vst v63  }
0x32e: {  	s2 =	spop (v2sf);
	s0 =	sadd.s32 s4, s0;
	s31 =	sadd.s32 $0x8400, s28  }
0x32f: {  	(v2sf) =	vpush v0, $0x8;
	[tilespmem:s31], [sflag:$0x1] =	stream.linear.gather [hbm4b:s0+s1], $0x80, $0x38;
	[tilespmem:$0x10200] =	vst v63  }
0x330: {  	s0 =	sand.u32 $0x1FFFFFF0, s2  }
0x331: {  	s17 =	sor.u32 $0x480, s28;
	s31 =	sadd.s32 s3, s0  }
0x332: {  	[tilespmem:s17], [sflag:$0x1] =	stream.linear.gather [hbm4b:s31+s1], $0x80, $0x38;
	[tilespmem:$0x10200] =	vst v63  }
0x333: {  	s0 =	sadd.s32 s4, s0;
	s31 =	sadd.s32 $0x8480, s28  }
0x334: {  	[tilespmem:s31], [sflag:$0x1] =	stream.linear.gather [hbm4b:s0+s1], $0x80, $0x38;
	[tilespmem:$0x10200] =	vst v63  }
0x335: {  	s2 =	spop (v2sf)  }
0x336: {  	(v2sf) =	vpush v0, $0x9;
	s0 =	sand.u32 $0x1FFFFFF0, s2  }
0x337: {  	s17 =	sor.u32 $0x500, s28;
	s31 =	sadd.s32 s3, s0  }
0x338: {  	[tilespmem:s17], [sflag:$0x1] =	stream.linear.gather [hbm4b:s31+s1], $0x80, $0x38;
	[tilespmem:$0x10200] =	vst v63  }
0x339: {  	s0 =	sadd.s32 s4, s0;
	s31 =	sadd.s32 $0x8500, s28;
	s2 =	spop (v2sf)  }
0x33a: {  	(v2sf) =	vpush v0, $0xA;
	[tilespmem:s31], [sflag:$0x1] =	stream.linear.gather [hbm4b:s0+s1], $0x80, $0x38;
	[tilespmem:$0x10200] =	vst v63  }
0x33b: {  	s0 =	sand.u32 $0x1FFFFFF0, s2  }
0x33c: {  	s17 =	sor.u32 $0x580, s28;
	s31 =	sadd.s32 s3, s0  }
0x33d: {  	[tilespmem:s17], [sflag:$0x1] =	stream.linear.gather [hbm4b:s31+s1], $0x80, $0x38;
	[tilespmem:$0x10200] =	vst v63  }
0x33e: {  	s2 =	spop (v2sf);
	s0 =	sadd.s32 s4, s0;
	s31 =	sadd.s32 $0x8580, s28  }
0x33f: {  	(v2sf) =	vpush v0, $0xB;
	[tilespmem:s31], [sflag:$0x1] =	stream.linear.gather [hbm4b:s0+s1], $0x80, $0x38;
	[tilespmem:$0x10200] =	vst v63  }
0x340: {  	s0 =	sand.u32 $0x1FFFFFF0, s2  }
0x341: {  	s17 =	sor.u32 $0x600, s28;
	s31 =	sadd.s32 s3, s0  }
0x342: {  	[tilespmem:s17], [sflag:$0x1] =	stream.linear.gather [hbm4b:s31+s1], $0x80, $0x38;
	[tilespmem:$0x10200] =	vst v63  }
0x343: {  	s0 =	sadd.s32 s4, s0;
	s31 =	sadd.s32 $0x8600, s28  }
0x344: {  	[tilespmem:s31], [sflag:$0x1] =	stream.linear.gather [hbm4b:s0+s1], $0x80, $0x38;
	[tilespmem:$0x10200] =	vst v63  }
0x345: {  	s2 =	spop (v2sf)  }
0x346: {  	(v2sf) =	vpush v0, $0xC;
	s0 =	sand.u32 $0x1FFFFFF0, s2  }
0x347: {  	s17 =	sor.u32 $0x680, s28;
	s31 =	sadd.s32 s3, s0  }
0x348: {  	[tilespmem:s17], [sflag:$0x1] =	stream.linear.gather [hbm4b:s31+s1], $0x80, $0x38;
	[tilespmem:$0x10200] =	vst v63  }
0x349: {  	s0 =	sadd.s32 s4, s0;
	s31 =	sadd.s32 $0x8680, s28;
	s2 =	spop (v2sf)  }
0x34a: {  	(v2sf) =	vpush v0, $0xD;
	[tilespmem:s31], [sflag:$0x1] =	stream.linear.gather [hbm4b:s0+s1], $0x80, $0x38;
	[tilespmem:$0x10200] =	vst v63  }
0x34b: {  	s0 =	sand.u32 $0x1FFFFFF0, s2  }
0x34c: {  	s17 =	sor.u32 $0x700, s28;
	s31 =	sadd.s32 s3, s0  }
0x34d: {  	[tilespmem:s17], [sflag:$0x1] =	stream.linear.gather [hbm4b:s31+s1], $0x80, $0x38;
	[tilespmem:$0x10200] =	vst v63  }
0x34e: {  	s2 =	spop (v2sf);
	s0 =	sadd.s32 s4, s0;
	s31 =	sadd.s32 $0x8700, s28  }
0x34f: {  	(v2sf) =	vpush v0, $0xE;
	[tilespmem:s31], [sflag:$0x1] =	stream.linear.gather [hbm4b:s0+s1], $0x80, $0x38;
	[tilespmem:$0x10200] =	vst v63  }
0x350: {  	s0 =	sand.u32 $0x1FFFFFF0, s2  }
0x351: {  	s17 =	sor.u32 $0x780, s28;
	s31 =	sadd.s32 s3, s0  }
0x352: {  	[tilespmem:s17], [sflag:$0x1] =	stream.linear.gather [hbm4b:s31+s1], $0x80, $0x38;
	[tilespmem:$0x10200] =	vst v63  }
0x353: {  	s0 =	sadd.s32 s4, s0;
	s31 =	sadd.s32 $0x8780, s28  }
0x354: {  	[tilespmem:s31], [sflag:$0x1] =	stream.linear.gather [hbm4b:s0+s1], $0x80, $0x38;
	[tilespmem:$0x10200] =	vst v63  }
0x355: {  	s2 =	spop (v2sf)  }
0x356: {  	(v2sf) =	vpush v0, $0xF;
	s0 =	sand.u32 $0x1FFFFFF0, s2  }
0x357: {  	s17 =	sadd.s32 $0x800, s28;
	s31 =	sadd.s32 s3, s0  }
0x358: {  	[tilespmem:s17], [sflag:$0x1] =	stream.linear.gather [hbm4b:s31+s1], $0x80, $0x38;
	[tilespmem:$0x10200] =	vst v63  }
0x359: {  	s0 =	sadd.s32 s4, s0;
	s31 =	sadd.s32 $0x8800, s28;
	s2 =	spop (v2sf)  }
0x35a: {  	[tilespmem:s31], [sflag:$0x1] =	stream.linear.gather [hbm4b:s0+s1], $0x80, $0x38;
	[tilespmem:$0x10200] =	vst v63  }
0x35b: {  	s0 =	sand.u32 $0x1FFFFFF0, s2  }
0x35c: {  	s17 =	sadd.s32 $0x880, s28;
	s31 =	sadd.s32 s3, s0  }
0x35d: {  	[tilespmem:s17], [sflag:$0x1] =	stream.linear.gather [hbm4b:s31+s1], $0x80, $0x38;
	[tilespmem:$0x10200] =	vst v63  }
0x35e: {  	s2 =	spop (v2sf);
	s0 =	sadd.s32 s4, s0;
	s31 =	sadd.s32 $0x8880, s28  }
0x35f: {  	[tilespmem:s31], [sflag:$0x1] =	stream.linear.gather [hbm4b:s0+s1], $0x80, $0x38;
	[tilespmem:$0x10200] =	vst v63  }
0x360: {  	s0 =	sand.u32 $0x1FFFFFF0, s2  }
0x361: {  	s17 =	sadd.s32 $0x900, s28;
	s31 =	sadd.s32 s3, s0  }
0x362: {  	[tilespmem:s17], [sflag:$0x1] =	stream.linear.gather [hbm4b:s31+s1], $0x80, $0x38;
	[tilespmem:$0x10200] =	vst v63  }
0x363: {  	s0 =	sadd.s32 s4, s0;
	s31 =	sadd.s32 $0x8900, s28  }
0x364: {  	[tilespmem:s31], [sflag:$0x1] =	stream.linear.gather [hbm4b:s0+s1], $0x80, $0x38;
	[tilespmem:$0x10200] =	vst v63  }
0x365: {  	s2 =	spop (v2sf)  }
0x366: {  	s0 =	sand.u32 $0x1FFFFFF0, s2  }
0x367: {  	s17 =	sadd.s32 $0x980, s28;
	s31 =	sadd.s32 s3, s0  }
0x368: {  	[tilespmem:s17], [sflag:$0x1] =	stream.linear.gather [hbm4b:s31+s1], $0x80, $0x38;
	[tilespmem:$0x10200] =	vst v63  }
0x369: {  	s0 =	sadd.s32 s4, s0;
	s31 =	sadd.s32 $0x8980, s28  }
0x36a: {  	[tilespmem:s31], [sflag:$0x1] =	stream.linear.gather [hbm4b:s0+s1], $0x80, $0x38;
	[tilespmem:$0x10200] =	vst v63  }
0x36b: {  	v61 =	vld [tilespmem:s29+$0x110];
	_ =	sdelay $0x4  }
0x36c: {  	v0 =	vshll.u32 v61, $0x4  }
0x36d: {  	(v2sf) =	vpush v0, $0x0;
	_ =	sdelay $0x3  }
0x36e: {  	(v2sf) =	vpush v0, $0x1;
	_ =	sdelay $0x4  }
0x36f: {  	(v2sf) =	vpush v0, $0x2;
	_ =	sdelay $0x5  }
0x370: {  	s2 =	spop (v2sf)  }
0x371: {  	(v2sf) =	vpush v0, $0x3;
	s0 =	sand.u32 $0x1FFFFFF0, s2  }
0x372: {  	s17 =	sor.u32 $0xA00, s28;
	s31 =	sadd.s32 s3, s0  }
0x373: {  	[tilespmem:s17], [sflag:$0x1] =	stream.linear.gather [hbm4b:s31+s1], $0x80, $0x38;
	[tilespmem:$0x10200] =	vst v63  }
0x374: {  	s2 =	spop (v2sf);
	s0 =	sadd.s32 s4, s0;
	s31 =	sadd.s32 $0x8A00, s28  }
0x375: {  	(v2sf) =	vpush v0, $0x4;
	[tilespmem:s31], [sflag:$0x1] =	stream.linear.gather [hbm4b:s0+s1], $0x80, $0x38;
	[tilespmem:$0x10200] =	vst v63  }
0x376: {  	s0 =	sand.u32 $0x1FFFFFF0, s2  }
0x377: {  	s17 =	sor.u32 $0xA80, s28;
	s31 =	sadd.s32 s3, s0  }
0x378: {  	[tilespmem:s17], [sflag:$0x1] =	stream.linear.gather [hbm4b:s31+s1], $0x80, $0x38;
	[tilespmem:$0x10200] =	vst v63  }
0x379: {  	s2 =	spop (v2sf);
	s0 =	sadd.s32 s4, s0;
	s31 =	sadd.s32 $0x8A80, s28  }
0x37a: {  	(v2sf) =	vpush v0, $0x5;
	[tilespmem:s31], [sflag:$0x1] =	stream.linear.gather [hbm4b:s0+s1], $0x80, $0x38;
	[tilespmem:$0x10200] =	vst v63  }
0x37b: {  	s0 =	sand.u32 $0x1FFFFFF0, s2  }
0x37c: {  	s17 =	sor.u32 $0xB00, s28;
	s31 =	sadd.s32 s3, s0  }
0x37d: {  	[tilespmem:s17], [sflag:$0x1] =	stream.linear.gather [hbm4b:s31+s1], $0x80, $0x38;
	[tilespmem:$0x10200] =	vst v63  }
0x37e: {  	s0 =	sadd.s32 s4, s0;
	s31 =	sadd.s32 $0x8B00, s28  }
0x37f: {  	[tilespmem:s31], [sflag:$0x1] =	stream.linear.gather [hbm4b:s0+s1], $0x80, $0x38;
	[tilespmem:$0x10200] =	vst v63  }
0x380: {  	s2 =	spop (v2sf)  }
0x381: {  	(v2sf) =	vpush v0, $0x6;
	s0 =	sand.u32 $0x1FFFFFF0, s2  }
0x382: {  	s17 =	sor.u32 $0xB80, s28;
	s31 =	sadd.s32 s3, s0  }
0x383: {  	[tilespmem:s17], [sflag:$0x1] =	stream.linear.gather [hbm4b:s31+s1], $0x80, $0x38;
	[tilespmem:$0x10200] =	vst v63  }
0x384: {  	s2 =	spop (v2sf);
	s0 =	sadd.s32 s4, s0;
	s31 =	sadd.s32 $0x8B80, s28  }
0x385: {  	(v2sf) =	vpush v0, $0x7;
	[tilespmem:s31], [sflag:$0x1] =	stream.linear.gather [hbm4b:s0+s1], $0x80, $0x38;
	[tilespmem:$0x10200] =	vst v63  }
0x386: {  	s0 =	sand.u32 $0x1FFFFFF0, s2  }
0x387: {  	s17 =	sadd.s32 $0xC00, s28;
	s31 =	sadd.s32 s3, s0  }
0x388: {  	[tilespmem:s17], [sflag:$0x1] =	stream.linear.gather [hbm4b:s31+s1], $0x80, $0x38;
	[tilespmem:$0x10200] =	vst v63  }
0x389: {  	s2 =	spop (v2sf);
	s0 =	sadd.s32 s4, s0;
	s31 =	sadd.s32 $0x8C00, s28  }
0x38a: {  	(v2sf) =	vpush v0, $0x8;
	[tilespmem:s31], [sflag:$0x1] =	stream.linear.gather [hbm4b:s0+s1], $0x80, $0x38;
	[tilespmem:$0x10200] =	vst v63  }
0x38b: {  	s0 =	sand.u32 $0x1FFFFFF0, s2  }
0x38c: {  	s17 =	sadd.s32 $0xC80, s28;
	s31 =	sadd.s32 s3, s0  }
0x38d: {  	[tilespmem:s17], [sflag:$0x1] =	stream.linear.gather [hbm4b:s31+s1], $0x80, $0x38;
	[tilespmem:$0x10200] =	vst v63  }
0x38e: {  	s0 =	sadd.s32 s4, s0;
	s31 =	sadd.s32 $0x8C80, s28  }
0x38f: {  	[tilespmem:s31], [sflag:$0x1] =	stream.linear.gather [hbm4b:s0+s1], $0x80, $0x38;
	[tilespmem:$0x10200] =	vst v63  }
0x390: {  	s2 =	spop (v2sf)  }
0x391: {  	(v2sf) =	vpush v0, $0x9;
	s0 =	sand.u32 $0x1FFFFFF0, s2  }
0x392: {  	s17 =	sadd.s32 $0xD00, s28;
	s31 =	sadd.s32 s3, s0  }
0x393: {  	[tilespmem:s17], [sflag:$0x1] =	stream.linear.gather [hbm4b:s31+s1], $0x80, $0x38;
	[tilespmem:$0x10200] =	vst v63  }
0x394: {  	s2 =	spop (v2sf);
	s0 =	sadd.s32 s4, s0;
	s31 =	sadd.s32 $0x8D00, s28  }
0x395: {  	(v2sf) =	vpush v0, $0xA;
	[tilespmem:s31], [sflag:$0x1] =	stream.linear.gather [hbm4b:s0+s1], $0x80, $0x38;
	[tilespmem:$0x10200] =	vst v63  }
0x396: {  	s0 =	sand.u32 $0x1FFFFFF0, s2  }
0x397: {  	s17 =	sadd.s32 $0xD80, s28;
	s31 =	sadd.s32 s3, s0  }
0x398: {  	[tilespmem:s17], [sflag:$0x1] =	stream.linear.gather [hbm4b:s31+s1], $0x80, $0x38;
	[tilespmem:$0x10200] =	vst v63  }
0x399: {  	s2 =	spop (v2sf);
	s0 =	sadd.s32 s4, s0;
	s31 =	sadd.s32 $0x8D80, s28  }
0x39a: {  	(v2sf) =	vpush v0, $0xB;
	[tilespmem:s31], [sflag:$0x1] =	stream.linear.gather [hbm4b:s0+s1], $0x80, $0x38;
	[tilespmem:$0x10200] =	vst v63  }
0x39b: {  	s0 =	sand.u32 $0x1FFFFFF0, s2  }
0x39c: {  	s17 =	sor.u32 $0xE00, s28;
	s31 =	sadd.s32 s3, s0  }
0x39d: {  	[tilespmem:s17], [sflag:$0x1] =	stream.linear.gather [hbm4b:s31+s1], $0x80, $0x38;
	[tilespmem:$0x10200] =	vst v63  }
0x39e: {  	s0 =	sadd.s32 s4, s0;
	s31 =	sadd.s32 $0x8E00, s28  }
0x39f: {  	[tilespmem:s31], [sflag:$0x1] =	stream.linear.gather [hbm4b:s0+s1], $0x80, $0x38;
	[tilespmem:$0x10200] =	vst v63  }
0x3a0: {  	s2 =	spop (v2sf)  }
0x3a1: {  	(v2sf) =	vpush v0, $0xC;
	s0 =	sand.u32 $0x1FFFFFF0, s2  }
0x3a2: {  	s17 =	sor.u32 $0xE80, s28;
	s31 =	sadd.s32 s3, s0  }
0x3a3: {  	[tilespmem:s17], [sflag:$0x1] =	stream.linear.gather [hbm4b:s31+s1], $0x80, $0x38;
	[tilespmem:$0x10200] =	vst v63  }
0x3a4: {  	s2 =	spop (v2sf);
	s0 =	sadd.s32 s4, s0;
	s31 =	sadd.s32 $0x8E80, s28  }
0x3a5: {  	(v2sf) =	vpush v0, $0xD;
	[tilespmem:s31], [sflag:$0x1] =	stream.linear.gather [hbm4b:s0+s1], $0x80, $0x38;
	[tilespmem:$0x10200] =	vst v63  }
0x3a6: {  	s0 =	sand.u32 $0x1FFFFFF0, s2  }
0x3a7: {  	s17 =	sor.u32 $0xF00, s28;
	s31 =	sadd.s32 s3, s0  }
0x3a8: {  	[tilespmem:s17], [sflag:$0x1] =	stream.linear.gather [hbm4b:s31+s1], $0x80, $0x38;
	[tilespmem:$0x10200] =	vst v63  }
0x3a9: {  	s2 =	spop (v2sf);
	s0 =	sadd.s32 s4, s0;
	s31 =	sadd.s32 $0x8F00, s28  }
0x3aa: {  	(v2sf) =	vpush v0, $0xE;
	[tilespmem:s31], [sflag:$0x1] =	stream.linear.gather [hbm4b:s0+s1], $0x80, $0x38;
	[tilespmem:$0x10200] =	vst v63  }
0x3ab: {  	s0 =	sand.u32 $0x1FFFFFF0, s2  }
0x3ac: {  	s17 =	sor.u32 $0xF80, s28;
	s31 =	sadd.s32 s3, s0  }
0x3ad: {  	[tilespmem:s17], [sflag:$0x1] =	stream.linear.gather [hbm4b:s31+s1], $0x80, $0x38;
	[tilespmem:$0x10200] =	vst v63  }
0x3ae: {  	s0 =	sadd.s32 s4, s0;
	s31 =	sadd.s32 $0x8F80, s28  }
0x3af: {  	[tilespmem:s31], [sflag:$0x1] =	stream.linear.gather [hbm4b:s0+s1], $0x80, $0x38;
	[tilespmem:$0x10200] =	vst v63  }
0x3b0: {  	s2 =	spop (v2sf)  }
0x3b1: {  	(v2sf) =	vpush v0, $0xF;
	s0 =	sand.u32 $0x1FFFFFF0, s2  }
0x3b2: {  	s17 =	sadd.s32 $0x1000, s28;
	s31 =	sadd.s32 s3, s0  }
0x3b3: {  	[tilespmem:s17], [sflag:$0x1] =	stream.linear.gather [hbm4b:s31+s1], $0x80, $0x38;
	[tilespmem:$0x10200] =	vst v63  }
0x3b4: {  	s2 =	spop (v2sf);
	s0 =	sadd.s32 s4, s0;
	s31 =	sadd.s32 $0x9000, s28  }
0x3b5: {  	[tilespmem:s31], [sflag:$0x1] =	stream.linear.gather [hbm4b:s0+s1], $0x80, $0x38;
	[tilespmem:$0x10200] =	vst v63  }
0x3b6: {  	s0 =	sand.u32 $0x1FFFFFF0, s2  }
0x3b7: {  	s17 =	sadd.s32 $0x1080, s28;
	s31 =	sadd.s32 s3, s0  }
0x3b8: {  	[tilespmem:s17], [sflag:$0x1] =	stream.linear.gather [hbm4b:s31+s1], $0x80, $0x38;
	[tilespmem:$0x10200] =	vst v63  }
0x3b9: {  	s2 =	spop (v2sf);
	s0 =	sadd.s32 s4, s0;
	s31 =	sadd.s32 $0x9080, s28  }
0x3ba: {  	[tilespmem:s31], [sflag:$0x1] =	stream.linear.gather [hbm4b:s0+s1], $0x80, $0x38;
	[tilespmem:$0x10200] =	vst v63  }
0x3bb: {  	s0 =	sand.u32 $0x1FFFFFF0, s2  }
0x3bc: {  	s17 =	sadd.s32 $0x1100, s28;
	s31 =	sadd.s32 s3, s0  }
0x3bd: {  	[tilespmem:s17], [sflag:$0x1] =	stream.linear.gather [hbm4b:s31+s1], $0x80, $0x38;
	[tilespmem:$0x10200] =	vst v63  }
0x3be: {  	s0 =	sadd.s32 s4, s0;
	s31 =	sadd.s32 $0x9100, s28  }
0x3bf: {  	[tilespmem:s31], [sflag:$0x1] =	stream.linear.gather [hbm4b:s0+s1], $0x80, $0x38;
	[tilespmem:$0x10200] =	vst v63  }
0x3c0: {  	s2 =	spop (v2sf)  }
0x3c1: {  	s0 =	sand.u32 $0x1FFFFFF0, s2  }
0x3c2: {  	s17 =	sadd.s32 $0x1180, s28;
	s31 =	sadd.s32 s3, s0  }
0x3c3: {  	[tilespmem:s17], [sflag:$0x1] =	stream.linear.gather [hbm4b:s31+s1], $0x80, $0x38;
	[tilespmem:$0x10200] =	vst v63  }
0x3c4: {  	s0 =	sadd.s32 s4, s0;
	s31 =	sadd.s32 $0x9180, s28  }
0x3c5: {  	[tilespmem:s31], [sflag:$0x1] =	stream.linear.gather [hbm4b:s0+s1], $0x80, $0x38;
	[tilespmem:$0x10200] =	vst v63  }
0x3c6: {  	v62 =	vld [tilespmem:s29+$0x120];
	_ =	sdelay $0x4  }
0x3c7: {  	v0 =	vshll.u32 v62, $0x4  }
0x3c8: {  	(v2sf) =	vpush v0, $0x0;
	_ =	sdelay $0x3  }
0x3c9: {  	(v2sf) =	vpush v0, $0x1;
	_ =	sdelay $0x4  }
0x3ca: {  	(v2sf) =	vpush v0, $0x2;
	_ =	sdelay $0x5  }
0x3cb: {  	s2 =	spop (v2sf)  }
0x3cc: {  	(v2sf) =	vpush v0, $0x3;
	s0 =	sand.u32 $0x1FFFFFF0, s2  }
0x3cd: {  	s17 =	sor.u32 $0x1200, s28;
	s31 =	sadd.s32 s3, s0  }
0x3ce: {  	[tilespmem:s17], [sflag:$0x1] =	stream.linear.gather [hbm4b:s31+s1], $0x80, $0x38;
	[tilespmem:$0x10200] =	vst v63  }
0x3cf: {  	s2 =	spop (v2sf);
	s0 =	sadd.s32 s4, s0;
	s31 =	sadd.s32 $0x9200, s28  }
0x3d0: {  	(v2sf) =	vpush v0, $0x4;
	[tilespmem:s31], [sflag:$0x1] =	stream.linear.gather [hbm4b:s0+s1], $0x80, $0x38;
	[tilespmem:$0x10200] =	vst v63  }
0x3d1: {  	s0 =	sand.u32 $0x1FFFFFF0, s2  }
0x3d2: {  	s17 =	sor.u32 $0x1280, s28;
	s31 =	sadd.s32 s3, s0  }
0x3d3: {  	[tilespmem:s17], [sflag:$0x1] =	stream.linear.gather [hbm4b:s31+s1], $0x80, $0x38;
	[tilespmem:$0x10200] =	vst v63  }
0x3d4: {  	s2 =	spop (v2sf);
	s0 =	sadd.s32 s4, s0;
	s31 =	sadd.s32 $0x9280, s28  }
0x3d5: {  	(v2sf) =	vpush v0, $0x5;
	[tilespmem:s31], [sflag:$0x1] =	stream.linear.gather [hbm4b:s0+s1], $0x80, $0x38;
	[tilespmem:$0x10200] =	vst v63  }
0x3d6: {  	s0 =	sand.u32 $0x1FFFFFF0, s2  }
0x3d7: {  	s17 =	sor.u32 $0x1300, s28;
	s31 =	sadd.s32 s3, s0  }
0x3d8: {  	[tilespmem:s17], [sflag:$0x1] =	stream.linear.gather [hbm4b:s31+s1], $0x80, $0x38;
	[tilespmem:$0x10200] =	vst v63  }
0x3d9: {  	s0 =	sadd.s32 s4, s0;
	s31 =	sadd.s32 $0x9300, s28  }
0x3da: {  	[tilespmem:s31], [sflag:$0x1] =	stream.linear.gather [hbm4b:s0+s1], $0x80, $0x38;
	[tilespmem:$0x10200] =	vst v63  }
0x3db: {  	s2 =	spop (v2sf)  }
0x3dc: {  	(v2sf) =	vpush v0, $0x6;
	s0 =	sand.u32 $0x1FFFFFF0, s2  }
0x3dd: {  	s17 =	sor.u32 $0x1380, s28;
	s31 =	sadd.s32 s3, s0  }
0x3de: {  	[tilespmem:s17], [sflag:$0x1] =	stream.linear.gather [hbm4b:s31+s1], $0x80, $0x38;
	[tilespmem:$0x10200] =	vst v63  }
0x3df: {  	s2 =	spop (v2sf);
	s0 =	sadd.s32 s4, s0;
	s31 =	sadd.s32 $0x9380, s28  }
0x3e0: {  	(v2sf) =	vpush v0, $0x7;
	[tilespmem:s31], [sflag:$0x1] =	stream.linear.gather [hbm4b:s0+s1], $0x80, $0x38;
	[tilespmem:$0x10200] =	vst v63  }
0x3e1: {  	s0 =	sand.u32 $0x1FFFFFF0, s2  }
0x3e2: {  	s17 =	sadd.s32 $0x1400, s28;
	s31 =	sadd.s32 s3, s0  }
0x3e3: {  	[tilespmem:s17], [sflag:$0x1] =	stream.linear.gather [hbm4b:s31+s1], $0x80, $0x38;
	[tilespmem:$0x10200] =	vst v63  }
0x3e4: {  	s2 =	spop (v2sf);
	s0 =	sadd.s32 s4, s0;
	s31 =	sadd.s32 $0x9400, s28  }
0x3e5: {  	(v2sf) =	vpush v0, $0x8;
	[tilespmem:s31], [sflag:$0x1] =	stream.linear.gather [hbm4b:s0+s1], $0x80, $0x38;
	[tilespmem:$0x10200] =	vst v63  }
0x3e6: {  	s0 =	sand.u32 $0x1FFFFFF0, s2  }
0x3e7: {  	s17 =	sadd.s32 $0x1480, s28;
	s31 =	sadd.s32 s3, s0  }
0x3e8: {  	[tilespmem:s17], [sflag:$0x1] =	stream.linear.gather [hbm4b:s31+s1], $0x80, $0x38;
	[tilespmem:$0x10200] =	vst v63  }
0x3e9: {  	s0 =	sadd.s32 s4, s0;
	s31 =	sadd.s32 $0x9480, s28  }
0x3ea: {  	[tilespmem:s31], [sflag:$0x1] =	stream.linear.gather [hbm4b:s0+s1], $0x80, $0x38;
	[tilespmem:$0x10200] =	vst v63  }
0x3eb: {  	s2 =	spop (v2sf)  }
0x3ec: {  	(v2sf) =	vpush v0, $0x9;
	s0 =	sand.u32 $0x1FFFFFF0, s2  }
0x3ed: {  	s17 =	sadd.s32 $0x1500, s28;
	s31 =	sadd.s32 s3, s0  }
0x3ee: {  	[tilespmem:s17], [sflag:$0x1] =	stream.linear.gather [hbm4b:s31+s1], $0x80, $0x38;
	[tilespmem:$0x10200] =	vst v63  }
0x3ef: {  	s2 =	spop (v2sf);
	s0 =	sadd.s32 s4, s0;
	s31 =	sadd.s32 $0x9500, s28  }
0x3f0: {  	(v2sf) =	vpush v0, $0xA;
	[tilespmem:s31], [sflag:$0x1] =	stream.linear.gather [hbm4b:s0+s1], $0x80, $0x38;
	[tilespmem:$0x10200] =	vst v63  }
0x3f1: {  	s0 =	sand.u32 $0x1FFFFFF0, s2  }
0x3f2: {  	s17 =	sadd.s32 $0x1580, s28;
	s31 =	sadd.s32 s3, s0  }
0x3f3: {  	[tilespmem:s17], [sflag:$0x1] =	stream.linear.gather [hbm4b:s31+s1], $0x80, $0x38;
	[tilespmem:$0x10200] =	vst v63  }
0x3f4: {  	s2 =	spop (v2sf);
	s0 =	sadd.s32 s4, s0;
	s31 =	sadd.s32 $0x9580, s28  }
0x3f5: {  	(v2sf) =	vpush v0, $0xB;
	[tilespmem:s31], [sflag:$0x1] =	stream.linear.gather [hbm4b:s0+s1], $0x80, $0x38;
	[tilespmem:$0x10200] =	vst v63  }
0x3f6: {  	s0 =	sand.u32 $0x1FFFFFF0, s2  }
0x3f7: {  	s17 =	sor.u32 $0x1600, s28;
	s31 =	sadd.s32 s3, s0  }
0x3f8: {  	[tilespmem:s17], [sflag:$0x1] =	stream.linear.gather [hbm4b:s31+s1], $0x80, $0x38;
	[tilespmem:$0x10200] =	vst v63  }
0x3f9: {  	s0 =	sadd.s32 s4, s0;
	s31 =	sadd.s32 $0x9600, s28  }
0x3fa: {  	[tilespmem:s31], [sflag:$0x1] =	stream.linear.gather [hbm4b:s0+s1], $0x80, $0x38;
	[tilespmem:$0x10200] =	vst v63  }
0x3fb: {  	s2 =	spop (v2sf)  }
0x3fc: {  	(v2sf) =	vpush v0, $0xC;
	s0 =	sand.u32 $0x1FFFFFF0, s2  }
0x3fd: {  	s17 =	sor.u32 $0x1680, s28;
	s31 =	sadd.s32 s3, s0  }
0x3fe: {  	[tilespmem:s17], [sflag:$0x1] =	stream.linear.gather [hbm4b:s31+s1], $0x80, $0x38;
	[tilespmem:$0x10200] =	vst v63  }
0x3ff: {  	s2 =	spop (v2sf);
	s0 =	sadd.s32 s4, s0;
	s31 =	sadd.s32 $0x9680, s28  }
0x400: {  	(v2sf) =	vpush v0, $0xD;
	[tilespmem:s31], [sflag:$0x1] =	stream.linear.gather [hbm4b:s0+s1], $0x80, $0x38;
	[tilespmem:$0x10200] =	vst v63  }
0x401: {  	s0 =	sand.u32 $0x1FFFFFF0, s2  }
0x402: {  	s17 =	sor.u32 $0x1700, s28;
	s31 =	sadd.s32 s3, s0  }
0x403: {  	[tilespmem:s17], [sflag:$0x1] =	stream.linear.gather [hbm4b:s31+s1], $0x80, $0x38;
	[tilespmem:$0x10200] =	vst v63  }
0x404: {  	s2 =	spop (v2sf);
	s0 =	sadd.s32 s4, s0;
	s31 =	sadd.s32 $0x9700, s28  }
0x405: {  	(v2sf) =	vpush v0, $0xE;
	[tilespmem:s31], [sflag:$0x1] =	stream.linear.gather [hbm4b:s0+s1], $0x80, $0x38;
	[tilespmem:$0x10200] =	vst v63  }
0x406: {  	s0 =	sand.u32 $0x1FFFFFF0, s2  }
0x407: {  	s17 =	sor.u32 $0x1780, s28;
	s31 =	sadd.s32 s3, s0  }
0x408: {  	[tilespmem:s17], [sflag:$0x1] =	stream.linear.gather [hbm4b:s31+s1], $0x80, $0x38;
	[tilespmem:$0x10200] =	vst v63  }
0x409: {  	s0 =	sadd.s32 s4, s0;
	s31 =	sadd.s32 $0x9780, s28  }
0x40a: {  	[tilespmem:s31], [sflag:$0x1] =	stream.linear.gather [hbm4b:s0+s1], $0x80, $0x38;
	[tilespmem:$0x10200] =	vst v63  }
0x40b: {  	s2 =	spop (v2sf)  }
0x40c: {  	(v2sf) =	vpush v0, $0xF;
	s0 =	sand.u32 $0x1FFFFFF0, s2  }
0x40d: {  	s17 =	sadd.s32 $0x1800, s28;
	s31 =	sadd.s32 s3, s0  }
0x40e: {  	[tilespmem:s17], [sflag:$0x1] =	stream.linear.gather [hbm4b:s31+s1], $0x80, $0x38;
	[tilespmem:$0x10200] =	vst v63  }
0x40f: {  	s2 =	spop (v2sf);
	s0 =	sadd.s32 s4, s0;
	s31 =	sadd.s32 $0x9800, s28  }
0x410: {  	[tilespmem:s31], [sflag:$0x1] =	stream.linear.gather [hbm4b:s0+s1], $0x80, $0x38;
	[tilespmem:$0x10200] =	vst v63  }
0x411: {  	s0 =	sand.u32 $0x1FFFFFF0, s2  }
0x412: {  	s17 =	sadd.s32 $0x1880, s28;
	s31 =	sadd.s32 s3, s0  }
0x413: {  	[tilespmem:s17], [sflag:$0x1] =	stream.linear.gather [hbm4b:s31+s1], $0x80, $0x38;
	[tilespmem:$0x10200] =	vst v63  }
0x414: {  	s2 =	spop (v2sf);
	s0 =	sadd.s32 s4, s0;
	s31 =	sadd.s32 $0x9880, s28  }
0x415: {  	[tilespmem:s31], [sflag:$0x1] =	stream.linear.gather [hbm4b:s0+s1], $0x80, $0x38;
	[tilespmem:$0x10200] =	vst v63  }
0x416: {  	s0 =	sand.u32 $0x1FFFFFF0, s2  }
0x417: {  	s17 =	sadd.s32 $0x1900, s28;
	s31 =	sadd.s32 s3, s0  }
0x418: {  	[tilespmem:s17], [sflag:$0x1] =	stream.linear.gather [hbm4b:s31+s1], $0x80, $0x38;
	[tilespmem:$0x10200] =	vst v63  }
0x419: {  	s0 =	sadd.s32 s4, s0;
	s31 =	sadd.s32 $0x9900, s28  }
0x41a: {  	[tilespmem:s31], [sflag:$0x1] =	stream.linear.gather [hbm4b:s0+s1], $0x80, $0x38;
	[tilespmem:$0x10200] =	vst v63  }
0x41b: {  	s2 =	spop (v2sf)  }
0x41c: {  	s0 =	sand.u32 $0x1FFFFFF0, s2  }
0x41d: {  	s17 =	sadd.s32 $0x1980, s28;
	s31 =	sadd.s32 s3, s0  }
0x41e: {  	[tilespmem:s17], [sflag:$0x1] =	stream.linear.gather [hbm4b:s31+s1], $0x80, $0x38;
	[tilespmem:$0x10200] =	vst v63  }
0x41f: {  	s0 =	sadd.s32 s4, s0;
	s31 =	sadd.s32 $0x9980, s28  }
0x420: {  	[tilespmem:s31], [sflag:$0x1] =	stream.linear.gather [hbm4b:s0+s1], $0x80, $0x38;
	[tilespmem:$0x10200] =	vst v63  }
0x421: {  	v63 =	vld [tilespmem:s29+$0x130];
	_ =	sdelay $0x4  }
0x422: {  	v0 =	vshll.u32 v63, $0x4  }
0x423: {  	(v2sf) =	vpush v0, $0x0;
	_ =	sdelay $0x3  }
0x424: {  	(v2sf) =	vpush v0, $0x1;
	_ =	sdelay $0x4  }
0x425: {  	(v2sf) =	vpush v0, $0x2;
	_ =	sdelay $0x5  }
0x426: {  	s2 =	spop (v2sf)  }
0x427: {  	(v2sf) =	vpush v0, $0x3;
	s0 =	sand.u32 $0x1FFFFFF0, s2  }
0x428: {  	s17 =	sor.u32 $0x1A00, s28;
	s29 =	sadd.s32 s3, s0  }
0x429: {  	[tilespmem:s17], [sflag:$0x1] =	stream.linear.gather [hbm4b:s29+s1], $0x80, $0x38;
	[tilespmem:$0x10200] =	vst v63  }
0x42a: {  	s31 =	sadd.s32 $0x9A00, s28;
	s2 =	spop (v2sf);
	s0 =	sadd.s32 s4, s0  }
0x42b: {  	(v2sf) =	vpush v0, $0x4;
	[tilespmem:s31], [sflag:$0x1] =	stream.linear.gather [hbm4b:s0+s1], $0x80, $0x38;
	[tilespmem:$0x10200] =	vst v63  }
0x42c: {  	s0 =	sand.u32 $0x1FFFFFF0, s2  }
0x42d: {  	s17 =	sor.u32 $0x1A80, s28;
	s29 =	sadd.s32 s3, s0  }
0x42e: {  	[tilespmem:s17], [sflag:$0x1] =	stream.linear.gather [hbm4b:s29+s1], $0x80, $0x38;
	[tilespmem:$0x10200] =	vst v63  }
0x42f: {  	s31 =	sadd.s32 $0x9A80, s28;
	s2 =	spop (v2sf);
	s0 =	sadd.s32 s4, s0  }
0x430: {  	(v2sf) =	vpush v0, $0x5;
	[tilespmem:s31], [sflag:$0x1] =	stream.linear.gather [hbm4b:s0+s1], $0x80, $0x38;
	[tilespmem:$0x10200] =	vst v63  }
0x431: {  	s0 =	sand.u32 $0x1FFFFFF0, s2  }
0x432: {  	s17 =	sor.u32 $0x1B00, s28;
	s29 =	sadd.s32 s3, s0  }
0x433: {  	[tilespmem:s17], [sflag:$0x1] =	stream.linear.gather [hbm4b:s29+s1], $0x80, $0x38;
	[tilespmem:$0x10200] =	vst v63  }
0x434: {  	s31 =	sadd.s32 $0x9B00, s28;
	s0 =	sadd.s32 s4, s0  }
0x435: {  	[tilespmem:s31], [sflag:$0x1] =	stream.linear.gather [hbm4b:s0+s1], $0x80, $0x38;
	[tilespmem:$0x10200] =	vst v63  }
0x436: {  	s2 =	spop (v2sf)  }
0x437: {  	(v2sf) =	vpush v0, $0x6;
	s0 =	sand.u32 $0x1FFFFFF0, s2  }
0x438: {  	s17 =	sor.u32 $0x1B80, s28;
	s29 =	sadd.s32 s3, s0  }
0x439: {  	[tilespmem:s17], [sflag:$0x1] =	stream.linear.gather [hbm4b:s29+s1], $0x80, $0x38;
	[tilespmem:$0x10200] =	vst v63  }
0x43a: {  	s31 =	sadd.s32 $0x9B80, s28;
	s2 =	spop (v2sf);
	s0 =	sadd.s32 s4, s0  }
0x43b: {  	(v2sf) =	vpush v0, $0x7;
	[tilespmem:s31], [sflag:$0x1] =	stream.linear.gather [hbm4b:s0+s1], $0x80, $0x38;
	[tilespmem:$0x10200] =	vst v63  }
0x43c: {  	s0 =	sand.u32 $0x1FFFFFF0, s2  }
0x43d: {  	s17 =	sadd.s32 $0x1C00, s28;
	s29 =	sadd.s32 s3, s0  }
0x43e: {  	[tilespmem:s17], [sflag:$0x1] =	stream.linear.gather [hbm4b:s29+s1], $0x80, $0x38;
	[tilespmem:$0x10200] =	vst v63  }
0x43f: {  	s31 =	sadd.s32 $0x9C00, s28;
	s2 =	spop (v2sf);
	s0 =	sadd.s32 s4, s0  }
0x440: {  	(v2sf) =	vpush v0, $0x8;
	[tilespmem:s31], [sflag:$0x1] =	stream.linear.gather [hbm4b:s0+s1], $0x80, $0x38;
	[tilespmem:$0x10200] =	vst v63  }
0x441: {  	s0 =	sand.u32 $0x1FFFFFF0, s2  }
0x442: {  	s17 =	sadd.s32 $0x1C80, s28;
	s29 =	sadd.s32 s3, s0  }
0x443: {  	[tilespmem:s17], [sflag:$0x1] =	stream.linear.gather [hbm4b:s29+s1], $0x80, $0x38;
	[tilespmem:$0x10200] =	vst v63  }
0x444: {  	s31 =	sadd.s32 $0x9C80, s28;
	s0 =	sadd.s32 s4, s0  }
0x445: {  	[tilespmem:s31], [sflag:$0x1] =	stream.linear.gather [hbm4b:s0+s1], $0x80, $0x38;
	[tilespmem:$0x10200] =	vst v63  }
0x446: {  	s2 =	spop (v2sf)  }
0x447: {  	(v2sf) =	vpush v0, $0x9;
	s0 =	sand.u32 $0x1FFFFFF0, s2  }
0x448: {  	s17 =	sadd.s32 $0x1D00, s28;
	s29 =	sadd.s32 s3, s0  }
0x449: {  	[tilespmem:s17], [sflag:$0x1] =	stream.linear.gather [hbm4b:s29+s1], $0x80, $0x38;
	[tilespmem:$0x10200] =	vst v63  }
0x44a: {  	s31 =	sadd.s32 $0x9D00, s28;
	s2 =	spop (v2sf);
	s0 =	sadd.s32 s4, s0  }
0x44b: {  	(v2sf) =	vpush v0, $0xA;
	[tilespmem:s31], [sflag:$0x1] =	stream.linear.gather [hbm4b:s0+s1], $0x80, $0x38;
	[tilespmem:$0x10200] =	vst v63  }
0x44c: {  	s0 =	sand.u32 $0x1FFFFFF0, s2  }
0x44d: {  	s17 =	sadd.s32 $0x1D80, s28;
	s29 =	sadd.s32 s3, s0  }
0x44e: {  	[tilespmem:s17], [sflag:$0x1] =	stream.linear.gather [hbm4b:s29+s1], $0x80, $0x38;
	[tilespmem:$0x10200] =	vst v63  }
0x44f: {  	s31 =	sadd.s32 $0x9D80, s28;
	s2 =	spop (v2sf);
	s0 =	sadd.s32 s4, s0  }
0x450: {  	(v2sf) =	vpush v0, $0xB;
	[tilespmem:s31], [sflag:$0x1] =	stream.linear.gather [hbm4b:s0+s1], $0x80, $0x38;
	[tilespmem:$0x10200] =	vst v63  }
0x451: {  	s0 =	sand.u32 $0x1FFFFFF0, s2  }
0x452: {  	s17 =	sor.u32 $0x1E00, s28;
	s29 =	sadd.s32 s3, s0  }
0x453: {  	[tilespmem:s17], [sflag:$0x1] =	stream.linear.gather [hbm4b:s29+s1], $0x80, $0x38;
	[tilespmem:$0x10200] =	vst v63  }
0x454: {  	s31 =	sadd.s32 $0x9E00, s28;
	s0 =	sadd.s32 s4, s0  }
0x455: {  	[tilespmem:s31], [sflag:$0x1] =	stream.linear.gather [hbm4b:s0+s1], $0x80, $0x38;
	[tilespmem:$0x10200] =	vst v63  }
0x456: {  	s2 =	spop (v2sf)  }
0x457: {  	(v2sf) =	vpush v0, $0xC;
	s0 =	sand.u32 $0x1FFFFFF0, s2  }
0x458: {  	s17 =	sor.u32 $0x1E80, s28;
	s29 =	sadd.s32 s3, s0  }
0x459: {  	[tilespmem:s17], [sflag:$0x1] =	stream.linear.gather [hbm4b:s29+s1], $0x80, $0x38;
	[tilespmem:$0x10200] =	vst v63  }
0x45a: {  	s31 =	sadd.s32 $0x9E80, s28;
	s2 =	spop (v2sf);
	s0 =	sadd.s32 s4, s0  }
0x45b: {  	(v2sf) =	vpush v0, $0xD;
	[tilespmem:s31], [sflag:$0x1] =	stream.linear.gather [hbm4b:s0+s1], $0x80, $0x38;
	[tilespmem:$0x10200] =	vst v63  }
0x45c: {  	s0 =	sand.u32 $0x1FFFFFF0, s2  }
0x45d: {  	s17 =	sor.u32 $0x1F00, s28;
	s29 =	sadd.s32 s3, s0  }
0x45e: {  	[tilespmem:s17], [sflag:$0x1] =	stream.linear.gather [hbm4b:s29+s1], $0x80, $0x38;
	[tilespmem:$0x10200] =	vst v63  }
0x45f: {  	s31 =	sadd.s32 $0x9F00, s28;
	s2 =	spop (v2sf);
	s0 =	sadd.s32 s4, s0  }
0x460: {  	(v2sf) =	vpush v0, $0xE;
	[tilespmem:s31], [sflag:$0x1] =	stream.linear.gather [hbm4b:s0+s1], $0x80, $0x38;
	[tilespmem:$0x10200] =	vst v63  }
0x461: {  	s0 =	sand.u32 $0x1FFFFFF0, s2  }
0x462: {  	s17 =	sor.u32 $0x1F80, s28;
	s29 =	sadd.s32 s3, s0  }
0x463: {  	[tilespmem:s17], [sflag:$0x1] =	stream.linear.gather [hbm4b:s29+s1], $0x80, $0x38;
	[tilespmem:$0x10200] =	vst v63  }
0x464: {  	s31 =	sadd.s32 $0x9F80, s28;
	s0 =	sadd.s32 s4, s0  }
0x465: {  	[tilespmem:s31], [sflag:$0x1] =	stream.linear.gather [hbm4b:s0+s1], $0x80, $0x38;
	[tilespmem:$0x10200] =	vst v63  }
0x466: {  	s17 =	spop (v2sf)  }
0x467: {  	(v2sf) =	vpush v0, $0xF;
	s0 =	sand.u32 $0x1FFFFFF0, s17  }
0x468: {  	s29 =	sadd.s32 $0x2000, s28;
	s31 =	sadd.s32 s3, s0  }
0x469: {  	[tilespmem:s29], [sflag:$0x1] =	stream.linear.gather [hbm4b:s31+s1], $0x80, $0x38;
	[tilespmem:$0x10200] =	vst v63  }
0x46a: {  	s0 =	sadd.s32 s4, s0;
	s29 =	spop (v2sf);
	s31 =	sadd.s32 $0xA000, s28  }
0x46b: {  	[tilespmem:s31], [sflag:$0x1] =	stream.linear.gather [hbm4b:s0+s1], $0x80, $0x38;
	[tilespmem:$0x10200] =	vst v63  }
0x46c: {  	s0 =	sand.u32 $0x1FFFFFF0, s29  }
0x46d: {  	s29 =	sadd.s32 $0x2080, s28;
	s31 =	sadd.s32 s3, s0  }
0x46e: {  	[tilespmem:s29], [sflag:$0x1] =	stream.linear.gather [hbm4b:s31+s1], $0x80, $0x38;
	[tilespmem:$0x10200] =	vst v63  }
0x46f: {  	s0 =	sadd.s32 s4, s0;
	s29 =	spop (v2sf);
	s31 =	sadd.s32 $0xA080, s28  }
0x470: {  	[tilespmem:s31], [sflag:$0x1] =	stream.linear.gather [hbm4b:s0+s1], $0x80, $0x38;
	[tilespmem:$0x10200] =	vst v63  }
0x471: {  	s0 =	sand.u32 $0x1FFFFFF0, s29  }
0x472: {  	s17 =	sadd.s32 $0x2100, s28;
	s29 =	sadd.s32 s3, s0  }
0x473: {  	[tilespmem:s17], [sflag:$0x1] =	stream.linear.gather [hbm4b:s29+s1], $0x80, $0x38;
	[tilespmem:$0x10200] =	vst v63  }
0x474: {  	s31 =	sadd.s32 $0xA100, s28;
	s0 =	sadd.s32 s4, s0  }
0x475: {  	[tilespmem:s31], [sflag:$0x1] =	stream.linear.gather [hbm4b:s0+s1], $0x80, $0x38;
	[tilespmem:$0x10200] =	vst v63  }
0x476: {  	p1 =	por p0, p0;
	s2 =	spop (v2sf)  }
.Ltmp2:
0x477: {  	s0 =	sand.u32 $0x1FFFFFF0, s2;
	(pc) =	sbr.rel @p1 .LBB2_5-.Ltmp2, $4  }
0x478: {  	p0 =	por $0x0, $0x0;
	s17 =	sadd.s32 $0x2180, s28;
	s29 =	sadd.s32 s3, s0  }
0x479: {  	[tilespmem:s17], [sflag:$0x1] =	stream.linear.gather [hbm4b:s29+s1], $0x80, $0x38;
	[tilespmem:$0x10200] =	vst v63  }
0x47a: {  	s31 =	sadd.s32 $0xA180, s28;
	s28 =	simm.s32 $0x4;
	s0 =	sadd.s32 s4, s0  }
0x47b: {  	[tilespmem:s31], [sflag:$0x1] =	stream.linear.gather [hbm4b:s0+s1], $0x80, $0x38;
	[tilespmem:$0x10200] =	vst v63  }
0x47c: {  	_ =	swait.ge [sflag:s21], $0x4000  }
0x47d: {  	[sflag:s21] =	ssyncset.done $0x0  }
0x47e: {  	[sflag:s21] =	ssyncadd.s32 $0xFFFFC000  }
0x47f: {  	_ =	swait.ge [sflag:s21], $0x4000  }
0x480: {  	[sflag:s21] =	ssyncset.done $0x0  }
0x481: {  	s28 =	simm.s32 $0x0;
	[sflag:s21] =	ssyncadd.s32 $0xFFFFC000  }
0x482: {  	[hbm4b:s8+s28] =	stream.linear.scatter [tilespmem:s22], [sflag:$0x4], $0x4000, $0x38;
	[tilespmem:$0x10200] =	vst v63  }
0x483: {  	_ = 	snop  }
0x484: {  	[hbm4b:s9+s28] =	stream.linear.scatter [tilespmem:s23], [sflag:$0x6], $0x4000, $0x38;
	[tilespmem:$0x10200] =	vst v63  }
0x485: {  	_ =	swait.ge [sflag:s24], $0x4000  }
0x486: {  	[sflag:s24] =	ssyncset.done $0x0  }
0x487: {  	[sflag:s24] =	ssyncadd.s32 $0xFFFFC000  }
0x488: {  	_ =	swait.ge [sflag:s25], $0x4000  }
0x489: {  	[sflag:s25] =	ssyncset.done $0x0  }
0x48a: {  	p0 =	por $0x1, $0x1;
	[sflag:s25] =	ssyncadd.s32 $0xFFFFC000  }
.LBB2_7:
0x48b: {  	s0 =	sshll.u32 s28, $0x4  }
0x48c: {  	s29 =	sand.u32 $0x3FFFFFF0, s0  }
0x48d: {  	v0 =	vld [tilespmem:s29+$0x180];
	_ =	sdelay $0x4  }
0x48e: {  	v0 =	vshll.u32 v0, $0x4  }
0x48f: {  	(v2sf) =	vpush v0, $0x0;
	_ =	sdelay $0x3  }
0x490: {  	(v2sf) =	vpush v0, $0x1;
	_ =	sdelay $0x4  }
0x491: {  	(v2sf) =	vpush v0, $0x2;
	_ =	sdelay $0x5  }
0x492: {  	s17 =	spop (v2sf)  }
0x493: {  	s28 =	sshll.u32 s28, $0xB;
	(v2sf) =	vpush v0, $0x3;
	s0 =	sand.u32 $0x1FFFFFF0, s17  }
0x494: {  	s2 =	sadd.s32 $0x4200, s28;
	s17 =	sadd.s32 s3, s0  }
0x495: {  	[tilespmem:s2], [sflag:$0x2] =	stream.linear.gather [hbm4b:s17+s1], $0x80, $0x38;
	[tilespmem:$0x10200] =	vst v63  }
0x496: {  	s31 =	sadd.s32 $0xC200, s28;
	s0 =	sadd.s32 s4, s0;
	s2 =	spop (v2sf)  }
0x497: {  	(v2sf) =	vpush v0, $0x4;
	[tilespmem:s31], [sflag:$0x2] =	stream.linear.gather [hbm4b:s0+s1], $0x80, $0x38;
	[tilespmem:$0x10200] =	vst v63  }
0x498: {  	s0 =	sand.u32 $0x1FFFFFF0, s2  }
0x499: {  	s17 =	sadd.s32 $0x4280, s28;
	s31 =	sadd.s32 s3, s0  }
0x49a: {  	[tilespmem:s17], [sflag:$0x2] =	stream.linear.gather [hbm4b:s31+s1], $0x80, $0x38;
	[tilespmem:$0x10200] =	vst v63  }
0x49b: {  	s2 =	spop (v2sf);
	s0 =	sadd.s32 s4, s0;
	s31 =	sadd.s32 $0xC280, s28  }
0x49c: {  	(v2sf) =	vpush v0, $0x5;
	[tilespmem:s31], [sflag:$0x2] =	stream.linear.gather [hbm4b:s0+s1], $0x80, $0x38;
	[tilespmem:$0x10200] =	vst v63  }
0x49d: {  	s0 =	sand.u32 $0x1FFFFFF0, s2  }
0x49e: {  	s17 =	sadd.s32 $0x4300, s28;
	s31 =	sadd.s32 s3, s0  }
0x49f: {  	[tilespmem:s17], [sflag:$0x2] =	stream.linear.gather [hbm4b:s31+s1], $0x80, $0x38;
	[tilespmem:$0x10200] =	vst v63  }
0x4a0: {  	s0 =	sadd.s32 s4, s0;
	s31 =	sadd.s32 $0xC300, s28  }
0x4a1: {  	[tilespmem:s31], [sflag:$0x2] =	stream.linear.gather [hbm4b:s0+s1], $0x80, $0x38;
	[tilespmem:$0x10200] =	vst v63  }
0x4a2: {  	s2 =	spop (v2sf)  }
0x4a3: {  	(v2sf) =	vpush v0, $0x6;
	s0 =	sand.u32 $0x1FFFFFF0, s2  }
0x4a4: {  	s17 =	sadd.s32 $0x4380, s28;
	s31 =	sadd.s32 s3, s0  }
0x4a5: {  	[tilespmem:s17], [sflag:$0x2] =	stream.linear.gather [hbm4b:s31+s1], $0x80, $0x38;
	[tilespmem:$0x10200] =	vst v63  }
0x4a6: {  	s0 =	sadd.s32 s4, s0;
	s31 =	sadd.s32 $0xC380, s28;
	s2 =	spop (v2sf)  }
0x4a7: {  	(v2sf) =	vpush v0, $0x7;
	[tilespmem:s31], [sflag:$0x2] =	stream.linear.gather [hbm4b:s0+s1], $0x80, $0x38;
	[tilespmem:$0x10200] =	vst v63  }
0x4a8: {  	s0 =	sand.u32 $0x1FFFFFF0, s2  }
0x4a9: {  	s17 =	sadd.s32 $0x4400, s28;
	s31 =	sadd.s32 s3, s0  }
0x4aa: {  	[tilespmem:s17], [sflag:$0x2] =	stream.linear.gather [hbm4b:s31+s1], $0x80, $0x38;
	[tilespmem:$0x10200] =	vst v63  }
0x4ab: {  	s2 =	spop (v2sf);
	s0 =	sadd.s32 s4, s0;
	s31 =	sadd.s32 $0xC400, s28  }
0x4ac: {  	(v2sf) =	vpush v0, $0x8;
	[tilespmem:s31], [sflag:$0x2] =	stream.linear.gather [hbm4b:s0+s1], $0x80, $0x38;
	[tilespmem:$0x10200] =	vst v63  }
0x4ad: {  	s0 =	sand.u32 $0x1FFFFFF0, s2  }
0x4ae: {  	s17 =	sadd.s32 $0x4480, s28;
	s31 =	sadd.s32 s3, s0  }
0x4af: {  	[tilespmem:s17], [sflag:$0x2] =	stream.linear.gather [hbm4b:s31+s1], $0x80, $0x38;
	[tilespmem:$0x10200] =	vst v63  }
0x4b0: {  	s0 =	sadd.s32 s4, s0;
	s31 =	sadd.s32 $0xC480, s28  }
0x4b1: {  	[tilespmem:s31], [sflag:$0x2] =	stream.linear.gather [hbm4b:s0+s1], $0x80, $0x38;
	[tilespmem:$0x10200] =	vst v63  }
0x4b2: {  	s2 =	spop (v2sf)  }
0x4b3: {  	(v2sf) =	vpush v0, $0x9;
	s0 =	sand.u32 $0x1FFFFFF0, s2  }
0x4b4: {  	s17 =	sadd.s32 $0x4500, s28;
	s31 =	sadd.s32 s3, s0  }
0x4b5: {  	[tilespmem:s17], [sflag:$0x2] =	stream.linear.gather [hbm4b:s31+s1], $0x80, $0x38;
	[tilespmem:$0x10200] =	vst v63  }
0x4b6: {  	s0 =	sadd.s32 s4, s0;
	s31 =	sadd.s32 $0xC500, s28;
	s2 =	spop (v2sf)  }
0x4b7: {  	(v2sf) =	vpush v0, $0xA;
	[tilespmem:s31], [sflag:$0x2] =	stream.linear.gather [hbm4b:s0+s1], $0x80, $0x38;
	[tilespmem:$0x10200] =	vst v63  }
0x4b8: {  	s0 =	sand.u32 $0x1FFFFFF0, s2  }
0x4b9: {  	s17 =	sadd.s32 $0x4580, s28;
	s31 =	sadd.s32 s3, s0  }
0x4ba: {  	[tilespmem:s17], [sflag:$0x2] =	stream.linear.gather [hbm4b:s31+s1], $0x80, $0x38;
	[tilespmem:$0x10200] =	vst v63  }
0x4bb: {  	s2 =	spop (v2sf);
	s0 =	sadd.s32 s4, s0;
	s31 =	sadd.s32 $0xC580, s28  }
0x4bc: {  	(v2sf) =	vpush v0, $0xB;
	[tilespmem:s31], [sflag:$0x2] =	stream.linear.gather [hbm4b:s0+s1], $0x80, $0x38;
	[tilespmem:$0x10200] =	vst v63  }
0x4bd: {  	s0 =	sand.u32 $0x1FFFFFF0, s2  }
0x4be: {  	s17 =	sadd.s32 $0x4600, s28;
	s31 =	sadd.s32 s3, s0  }
0x4bf: {  	[tilespmem:s17], [sflag:$0x2] =	stream.linear.gather [hbm4b:s31+s1], $0x80, $0x38;
	[tilespmem:$0x10200] =	vst v63  }
0x4c0: {  	s0 =	sadd.s32 s4, s0;
	s31 =	sadd.s32 $0xC600, s28  }
0x4c1: {  	[tilespmem:s31], [sflag:$0x2] =	stream.linear.gather [hbm4b:s0+s1], $0x80, $0x38;
	[tilespmem:$0x10200] =	vst v63  }
0x4c2: {  	s2 =	spop (v2sf)  }
0x4c3: {  	(v2sf) =	vpush v0, $0xC;
	s0 =	sand.u32 $0x1FFFFFF0, s2  }
0x4c4: {  	s17 =	sadd.s32 $0x4680, s28;
	s31 =	sadd.s32 s3, s0  }
0x4c5: {  	[tilespmem:s17], [sflag:$0x2] =	stream.linear.gather [hbm4b:s31+s1], $0x80, $0x38;
	[tilespmem:$0x10200] =	vst v63  }
0x4c6: {  	s0 =	sadd.s32 s4, s0;
	s31 =	sadd.s32 $0xC680, s28;
	s2 =	spop (v2sf)  }
0x4c7: {  	(v2sf) =	vpush v0, $0xD;
	[tilespmem:s31], [sflag:$0x2] =	stream.linear.gather [hbm4b:s0+s1], $0x80, $0x38;
	[tilespmem:$0x10200] =	vst v63  }
0x4c8: {  	s0 =	sand.u32 $0x1FFFFFF0, s2  }
0x4c9: {  	s17 =	sadd.s32 $0x4700, s28;
	s31 =	sadd.s32 s3, s0  }
0x4ca: {  	[tilespmem:s17], [sflag:$0x2] =	stream.linear.gather [hbm4b:s31+s1], $0x80, $0x38;
	[tilespmem:$0x10200] =	vst v63  }
0x4cb: {  	s2 =	spop (v2sf);
	s0 =	sadd.s32 s4, s0;
	s31 =	sadd.s32 $0xC700, s28  }
0x4cc: {  	(v2sf) =	vpush v0, $0xE;
	[tilespmem:s31], [sflag:$0x2] =	stream.linear.gather [hbm4b:s0+s1], $0x80, $0x38;
	[tilespmem:$0x10200] =	vst v63  }
0x4cd: {  	s0 =	sand.u32 $0x1FFFFFF0, s2  }
0x4ce: {  	s17 =	sadd.s32 $0x4780, s28;
	s31 =	sadd.s32 s3, s0  }
0x4cf: {  	[tilespmem:s17], [sflag:$0x2] =	stream.linear.gather [hbm4b:s31+s1], $0x80, $0x38;
	[tilespmem:$0x10200] =	vst v63  }
0x4d0: {  	s0 =	sadd.s32 s4, s0;
	s31 =	sadd.s32 $0xC780, s28  }
0x4d1: {  	[tilespmem:s31], [sflag:$0x2] =	stream.linear.gather [hbm4b:s0+s1], $0x80, $0x38;
	[tilespmem:$0x10200] =	vst v63  }
0x4d2: {  	s2 =	spop (v2sf)  }
0x4d3: {  	(v2sf) =	vpush v0, $0xF;
	s0 =	sand.u32 $0x1FFFFFF0, s2  }
0x4d4: {  	s17 =	sadd.s32 $0x4800, s28;
	s31 =	sadd.s32 s3, s0  }
0x4d5: {  	[tilespmem:s17], [sflag:$0x2] =	stream.linear.gather [hbm4b:s31+s1], $0x80, $0x38;
	[tilespmem:$0x10200] =	vst v63  }
0x4d6: {  	s0 =	sadd.s32 s4, s0;
	s31 =	sadd.s32 $0xC800, s28;
	s2 =	spop (v2sf)  }
0x4d7: {  	[tilespmem:s31], [sflag:$0x2] =	stream.linear.gather [hbm4b:s0+s1], $0x80, $0x38;
	[tilespmem:$0x10200] =	vst v63  }
0x4d8: {  	s0 =	sand.u32 $0x1FFFFFF0, s2  }
0x4d9: {  	s17 =	sadd.s32 $0x4880, s28;
	s31 =	sadd.s32 s3, s0  }
0x4da: {  	[tilespmem:s17], [sflag:$0x2] =	stream.linear.gather [hbm4b:s31+s1], $0x80, $0x38;
	[tilespmem:$0x10200] =	vst v63  }
0x4db: {  	s2 =	spop (v2sf);
	s0 =	sadd.s32 s4, s0;
	s31 =	sadd.s32 $0xC880, s28  }
0x4dc: {  	[tilespmem:s31], [sflag:$0x2] =	stream.linear.gather [hbm4b:s0+s1], $0x80, $0x38;
	[tilespmem:$0x10200] =	vst v63  }
0x4dd: {  	s0 =	sand.u32 $0x1FFFFFF0, s2  }
0x4de: {  	s17 =	sadd.s32 $0x4900, s28;
	s31 =	sadd.s32 s3, s0  }
0x4df: {  	[tilespmem:s17], [sflag:$0x2] =	stream.linear.gather [hbm4b:s31+s1], $0x80, $0x38;
	[tilespmem:$0x10200] =	vst v63  }
0x4e0: {  	s0 =	sadd.s32 s4, s0;
	s31 =	sadd.s32 $0xC900, s28  }
0x4e1: {  	[tilespmem:s31], [sflag:$0x2] =	stream.linear.gather [hbm4b:s0+s1], $0x80, $0x38;
	[tilespmem:$0x10200] =	vst v63  }
0x4e2: {  	s2 =	spop (v2sf)  }
0x4e3: {  	s0 =	sand.u32 $0x1FFFFFF0, s2  }
0x4e4: {  	s17 =	sadd.s32 $0x4980, s28;
	s31 =	sadd.s32 s3, s0  }
0x4e5: {  	[tilespmem:s17], [sflag:$0x2] =	stream.linear.gather [hbm4b:s31+s1], $0x80, $0x38;
	[tilespmem:$0x10200] =	vst v63  }
0x4e6: {  	s0 =	sadd.s32 s4, s0;
	s31 =	sadd.s32 $0xC980, s28  }
0x4e7: {  	[tilespmem:s31], [sflag:$0x2] =	stream.linear.gather [hbm4b:s0+s1], $0x80, $0x38;
	[tilespmem:$0x10200] =	vst v63  }
0x4e8: {  	v61 =	vld [tilespmem:s29+$0x190];
	_ =	sdelay $0x4  }
0x4e9: {  	v0 =	vshll.u32 v61, $0x4  }
0x4ea: {  	(v2sf) =	vpush v0, $0x0;
	_ =	sdelay $0x3  }
0x4eb: {  	(v2sf) =	vpush v0, $0x1;
	_ =	sdelay $0x4  }
0x4ec: {  	(v2sf) =	vpush v0, $0x2;
	_ =	sdelay $0x5  }
0x4ed: {  	s2 =	spop (v2sf)  }
0x4ee: {  	(v2sf) =	vpush v0, $0x3;
	s0 =	sand.u32 $0x1FFFFFF0, s2  }
0x4ef: {  	s17 =	sadd.s32 $0x4A00, s28;
	s31 =	sadd.s32 s3, s0  }
0x4f0: {  	[tilespmem:s17], [sflag:$0x2] =	stream.linear.gather [hbm4b:s31+s1], $0x80, $0x38;
	[tilespmem:$0x10200] =	vst v63  }
0x4f1: {  	s2 =	spop (v2sf);
	s0 =	sadd.s32 s4, s0;
	s31 =	sadd.s32 $0xCA00, s28  }
0x4f2: {  	(v2sf) =	vpush v0, $0x4;
	[tilespmem:s31], [sflag:$0x2] =	stream.linear.gather [hbm4b:s0+s1], $0x80, $0x38;
	[tilespmem:$0x10200] =	vst v63  }
0x4f3: {  	s0 =	sand.u32 $0x1FFFFFF0, s2  }
0x4f4: {  	s17 =	sadd.s32 $0x4A80, s28;
	s31 =	sadd.s32 s3, s0  }
0x4f5: {  	[tilespmem:s17], [sflag:$0x2] =	stream.linear.gather [hbm4b:s31+s1], $0x80, $0x38;
	[tilespmem:$0x10200] =	vst v63  }
0x4f6: {  	s2 =	spop (v2sf);
	s0 =	sadd.s32 s4, s0;
	s31 =	sadd.s32 $0xCA80, s28  }
0x4f7: {  	(v2sf) =	vpush v0, $0x5;
	[tilespmem:s31], [sflag:$0x2] =	stream.linear.gather [hbm4b:s0+s1], $0x80, $0x38;
	[tilespmem:$0x10200] =	vst v63  }
0x4f8: {  	s0 =	sand.u32 $0x1FFFFFF0, s2  }
0x4f9: {  	s17 =	sadd.s32 $0x4B00, s28;
	s31 =	sadd.s32 s3, s0  }
0x4fa: {  	[tilespmem:s17], [sflag:$0x2] =	stream.linear.gather [hbm4b:s31+s1], $0x80, $0x38;
	[tilespmem:$0x10200] =	vst v63  }
0x4fb: {  	s0 =	sadd.s32 s4, s0;
	s31 =	sadd.s32 $0xCB00, s28  }
0x4fc: {  	[tilespmem:s31], [sflag:$0x2] =	stream.linear.gather [hbm4b:s0+s1], $0x80, $0x38;
	[tilespmem:$0x10200] =	vst v63  }
0x4fd: {  	s2 =	spop (v2sf)  }
0x4fe: {  	(v2sf) =	vpush v0, $0x6;
	s0 =	sand.u32 $0x1FFFFFF0, s2  }
0x4ff: {  	s17 =	sadd.s32 $0x4B80, s28;
	s31 =	sadd.s32 s3, s0  }
0x500: {  	[tilespmem:s17], [sflag:$0x2] =	stream.linear.gather [hbm4b:s31+s1], $0x80, $0x38;
	[tilespmem:$0x10200] =	vst v63  }
0x501: {  	s2 =	spop (v2sf);
	s0 =	sadd.s32 s4, s0;
	s31 =	sadd.s32 $0xCB80, s28  }
0x502: {  	(v2sf) =	vpush v0, $0x7;
	[tilespmem:s31], [sflag:$0x2] =	stream.linear.gather [hbm4b:s0+s1], $0x80, $0x38;
	[tilespmem:$0x10200] =	vst v63  }
0x503: {  	s0 =	sand.u32 $0x1FFFFFF0, s2  }
0x504: {  	s17 =	sadd.s32 $0x4C00, s28;
	s31 =	sadd.s32 s3, s0  }
0x505: {  	[tilespmem:s17], [sflag:$0x2] =	stream.linear.gather [hbm4b:s31+s1], $0x80, $0x38;
	[tilespmem:$0x10200] =	vst v63  }
0x506: {  	s2 =	spop (v2sf);
	s0 =	sadd.s32 s4, s0;
	s31 =	sadd.s32 $0xCC00, s28  }
0x507: {  	(v2sf) =	vpush v0, $0x8;
	[tilespmem:s31], [sflag:$0x2] =	stream.linear.gather [hbm4b:s0+s1], $0x80, $0x38;
	[tilespmem:$0x10200] =	vst v63  }
0x508: {  	s0 =	sand.u32 $0x1FFFFFF0, s2  }
0x509: {  	s17 =	sadd.s32 $0x4C80, s28;
	s31 =	sadd.s32 s3, s0  }
0x50a: {  	[tilespmem:s17], [sflag:$0x2] =	stream.linear.gather [hbm4b:s31+s1], $0x80, $0x38;
	[tilespmem:$0x10200] =	vst v63  }
0x50b: {  	s0 =	sadd.s32 s4, s0;
	s31 =	sadd.s32 $0xCC80, s28  }
0x50c: {  	[tilespmem:s31], [sflag:$0x2] =	stream.linear.gather [hbm4b:s0+s1], $0x80, $0x38;
	[tilespmem:$0x10200] =	vst v63  }
0x50d: {  	s2 =	spop (v2sf)  }
0x50e: {  	(v2sf) =	vpush v0, $0x9;
	s0 =	sand.u32 $0x1FFFFFF0, s2  }
0x50f: {  	s17 =	sadd.s32 $0x4D00, s28;
	s31 =	sadd.s32 s3, s0  }
0x510: {  	[tilespmem:s17], [sflag:$0x2] =	stream.linear.gather [hbm4b:s31+s1], $0x80, $0x38;
	[tilespmem:$0x10200] =	vst v63  }
0x511: {  	s2 =	spop (v2sf);
	s0 =	sadd.s32 s4, s0;
	s31 =	sadd.s32 $0xCD00, s28  }
0x512: {  	(v2sf) =	vpush v0, $0xA;
	[tilespmem:s31], [sflag:$0x2] =	stream.linear.gather [hbm4b:s0+s1], $0x80, $0x38;
	[tilespmem:$0x10200] =	vst v63  }
0x513: {  	s0 =	sand.u32 $0x1FFFFFF0, s2  }
0x514: {  	s17 =	sadd.s32 $0x4D80, s28;
	s31 =	sadd.s32 s3, s0  }
0x515: {  	[tilespmem:s17], [sflag:$0x2] =	stream.linear.gather [hbm4b:s31+s1], $0x80, $0x38;
	[tilespmem:$0x10200] =	vst v63  }
0x516: {  	s2 =	spop (v2sf);
	s0 =	sadd.s32 s4, s0;
	s31 =	sadd.s32 $0xCD80, s28  }
0x517: {  	(v2sf) =	vpush v0, $0xB;
	[tilespmem:s31], [sflag:$0x2] =	stream.linear.gather [hbm4b:s0+s1], $0x80, $0x38;
	[tilespmem:$0x10200] =	vst v63  }
0x518: {  	s0 =	sand.u32 $0x1FFFFFF0, s2  }
0x519: {  	s17 =	sadd.s32 $0x4E00, s28;
	s31 =	sadd.s32 s3, s0  }
0x51a: {  	[tilespmem:s17], [sflag:$0x2] =	stream.linear.gather [hbm4b:s31+s1], $0x80, $0x38;
	[tilespmem:$0x10200] =	vst v63  }
0x51b: {  	s0 =	sadd.s32 s4, s0;
	s31 =	sadd.s32 $0xCE00, s28  }
0x51c: {  	[tilespmem:s31], [sflag:$0x2] =	stream.linear.gather [hbm4b:s0+s1], $0x80, $0x38;
	[tilespmem:$0x10200] =	vst v63  }
0x51d: {  	s2 =	spop (v2sf)  }
0x51e: {  	(v2sf) =	vpush v0, $0xC;
	s0 =	sand.u32 $0x1FFFFFF0, s2  }
0x51f: {  	s17 =	sadd.s32 $0x4E80, s28;
	s31 =	sadd.s32 s3, s0  }
0x520: {  	[tilespmem:s17], [sflag:$0x2] =	stream.linear.gather [hbm4b:s31+s1], $0x80, $0x38;
	[tilespmem:$0x10200] =	vst v63  }
0x521: {  	s2 =	spop (v2sf);
	s0 =	sadd.s32 s4, s0;
	s31 =	sadd.s32 $0xCE80, s28  }
0x522: {  	(v2sf) =	vpush v0, $0xD;
	[tilespmem:s31], [sflag:$0x2] =	stream.linear.gather [hbm4b:s0+s1], $0x80, $0x38;
	[tilespmem:$0x10200] =	vst v63  }
0x523: {  	s0 =	sand.u32 $0x1FFFFFF0, s2  }
0x524: {  	s17 =	sadd.s32 $0x4F00, s28;
	s31 =	sadd.s32 s3, s0  }
0x525: {  	[tilespmem:s17], [sflag:$0x2] =	stream.linear.gather [hbm4b:s31+s1], $0x80, $0x38;
	[tilespmem:$0x10200] =	vst v63  }
0x526: {  	s2 =	spop (v2sf);
	s0 =	sadd.s32 s4, s0;
	s31 =	sadd.s32 $0xCF00, s28  }
0x527: {  	(v2sf) =	vpush v0, $0xE;
	[tilespmem:s31], [sflag:$0x2] =	stream.linear.gather [hbm4b:s0+s1], $0x80, $0x38;
	[tilespmem:$0x10200] =	vst v63  }
0x528: {  	s0 =	sand.u32 $0x1FFFFFF0, s2  }
0x529: {  	s17 =	sadd.s32 $0x4F80, s28;
	s31 =	sadd.s32 s3, s0  }
0x52a: {  	[tilespmem:s17], [sflag:$0x2] =	stream.linear.gather [hbm4b:s31+s1], $0x80, $0x38;
	[tilespmem:$0x10200] =	vst v63  }
0x52b: {  	s0 =	sadd.s32 s4, s0;
	s31 =	sadd.s32 $0xCF80, s28  }
0x52c: {  	[tilespmem:s31], [sflag:$0x2] =	stream.linear.gather [hbm4b:s0+s1], $0x80, $0x38;
	[tilespmem:$0x10200] =	vst v63  }
0x52d: {  	s2 =	spop (v2sf)  }
0x52e: {  	(v2sf) =	vpush v0, $0xF;
	s0 =	sand.u32 $0x1FFFFFF0, s2  }
0x52f: {  	s17 =	sadd.s32 $0x5000, s28;
	s31 =	sadd.s32 s3, s0  }
0x530: {  	[tilespmem:s17], [sflag:$0x2] =	stream.linear.gather [hbm4b:s31+s1], $0x80, $0x38;
	[tilespmem:$0x10200] =	vst v63  }
0x531: {  	s2 =	spop (v2sf);
	s0 =	sadd.s32 s4, s0;
	s31 =	sadd.s32 $0xD000, s28  }
0x532: {  	[tilespmem:s31], [sflag:$0x2] =	stream.linear.gather [hbm4b:s0+s1], $0x80, $0x38;
	[tilespmem:$0x10200] =	vst v63  }
0x533: {  	s0 =	sand.u32 $0x1FFFFFF0, s2  }
0x534: {  	s17 =	sadd.s32 $0x5080, s28;
	s31 =	sadd.s32 s3, s0  }
0x535: {  	[tilespmem:s17], [sflag:$0x2] =	stream.linear.gather [hbm4b:s31+s1], $0x80, $0x38;
	[tilespmem:$0x10200] =	vst v63  }
0x536: {  	s2 =	spop (v2sf);
	s0 =	sadd.s32 s4, s0;
	s31 =	sadd.s32 $0xD080, s28  }
0x537: {  	[tilespmem:s31], [sflag:$0x2] =	stream.linear.gather [hbm4b:s0+s1], $0x80, $0x38;
	[tilespmem:$0x10200] =	vst v63  }
0x538: {  	s0 =	sand.u32 $0x1FFFFFF0, s2  }
0x539: {  	s17 =	sadd.s32 $0x5100, s28;
	s31 =	sadd.s32 s3, s0  }
0x53a: {  	[tilespmem:s17], [sflag:$0x2] =	stream.linear.gather [hbm4b:s31+s1], $0x80, $0x38;
	[tilespmem:$0x10200] =	vst v63  }
0x53b: {  	s0 =	sadd.s32 s4, s0;
	s31 =	sadd.s32 $0xD100, s28  }
0x53c: {  	[tilespmem:s31], [sflag:$0x2] =	stream.linear.gather [hbm4b:s0+s1], $0x80, $0x38;
	[tilespmem:$0x10200] =	vst v63  }
0x53d: {  	s2 =	spop (v2sf)  }
0x53e: {  	s0 =	sand.u32 $0x1FFFFFF0, s2  }
0x53f: {  	s17 =	sadd.s32 $0x5180, s28;
	s31 =	sadd.s32 s3, s0  }
0x540: {  	[tilespmem:s17], [sflag:$0x2] =	stream.linear.gather [hbm4b:s31+s1], $0x80, $0x38;
	[tilespmem:$0x10200] =	vst v63  }
0x541: {  	s0 =	sadd.s32 s4, s0;
	s31 =	sadd.s32 $0xD180, s28  }
0x542: {  	[tilespmem:s31], [sflag:$0x2] =	stream.linear.gather [hbm4b:s0+s1], $0x80, $0x38;
	[tilespmem:$0x10200] =	vst v63  }
0x543: {  	v62 =	vld [tilespmem:s29+$0x1A0];
	_ =	sdelay $0x4  }
0x544: {  	v0 =	vshll.u32 v62, $0x4  }
0x545: {  	(v2sf) =	vpush v0, $0x0;
	_ =	sdelay $0x3  }
0x546: {  	(v2sf) =	vpush v0, $0x1;
	_ =	sdelay $0x4  }
0x547: {  	(v2sf) =	vpush v0, $0x2;
	_ =	sdelay $0x5  }
0x548: {  	s2 =	spop (v2sf)  }
0x549: {  	(v2sf) =	vpush v0, $0x3;
	s0 =	sand.u32 $0x1FFFFFF0, s2  }
0x54a: {  	s17 =	sadd.s32 $0x5200, s28;
	s31 =	sadd.s32 s3, s0  }
0x54b: {  	[tilespmem:s17], [sflag:$0x2] =	stream.linear.gather [hbm4b:s31+s1], $0x80, $0x38;
	[tilespmem:$0x10200] =	vst v63  }
0x54c: {  	s2 =	spop (v2sf);
	s0 =	sadd.s32 s4, s0;
	s31 =	sadd.s32 $0xD200, s28  }
0x54d: {  	(v2sf) =	vpush v0, $0x4;
	[tilespmem:s31], [sflag:$0x2] =	stream.linear.gather [hbm4b:s0+s1], $0x80, $0x38;
	[tilespmem:$0x10200] =	vst v63  }
0x54e: {  	s0 =	sand.u32 $0x1FFFFFF0, s2  }
0x54f: {  	s17 =	sadd.s32 $0x5280, s28;
	s31 =	sadd.s32 s3, s0  }
0x550: {  	[tilespmem:s17], [sflag:$0x2] =	stream.linear.gather [hbm4b:s31+s1], $0x80, $0x38;
	[tilespmem:$0x10200] =	vst v63  }
0x551: {  	s2 =	spop (v2sf);
	s0 =	sadd.s32 s4, s0;
	s31 =	sadd.s32 $0xD280, s28  }
0x552: {  	(v2sf) =	vpush v0, $0x5;
	[tilespmem:s31], [sflag:$0x2] =	stream.linear.gather [hbm4b:s0+s1], $0x80, $0x38;
	[tilespmem:$0x10200] =	vst v63  }
0x553: {  	s0 =	sand.u32 $0x1FFFFFF0, s2  }
0x554: {  	s17 =	sadd.s32 $0x5300, s28;
	s31 =	sadd.s32 s3, s0  }
0x555: {  	[tilespmem:s17], [sflag:$0x2] =	stream.linear.gather [hbm4b:s31+s1], $0x80, $0x38;
	[tilespmem:$0x10200] =	vst v63  }
0x556: {  	s0 =	sadd.s32 s4, s0;
	s31 =	sadd.s32 $0xD300, s28  }
0x557: {  	[tilespmem:s31], [sflag:$0x2] =	stream.linear.gather [hbm4b:s0+s1], $0x80, $0x38;
	[tilespmem:$0x10200] =	vst v63  }
0x558: {  	s2 =	spop (v2sf)  }
0x559: {  	(v2sf) =	vpush v0, $0x6;
	s0 =	sand.u32 $0x1FFFFFF0, s2  }
0x55a: {  	s17 =	sadd.s32 $0x5380, s28;
	s31 =	sadd.s32 s3, s0  }
0x55b: {  	[tilespmem:s17], [sflag:$0x2] =	stream.linear.gather [hbm4b:s31+s1], $0x80, $0x38;
	[tilespmem:$0x10200] =	vst v63  }
0x55c: {  	s2 =	spop (v2sf);
	s0 =	sadd.s32 s4, s0;
	s31 =	sadd.s32 $0xD380, s28  }
0x55d: {  	(v2sf) =	vpush v0, $0x7;
	[tilespmem:s31], [sflag:$0x2] =	stream.linear.gather [hbm4b:s0+s1], $0x80, $0x38;
	[tilespmem:$0x10200] =	vst v63  }
0x55e: {  	s0 =	sand.u32 $0x1FFFFFF0, s2  }
0x55f: {  	s17 =	sadd.s32 $0x5400, s28;
	s31 =	sadd.s32 s3, s0  }
0x560: {  	[tilespmem:s17], [sflag:$0x2] =	stream.linear.gather [hbm4b:s31+s1], $0x80, $0x38;
	[tilespmem:$0x10200] =	vst v63  }
0x561: {  	s2 =	spop (v2sf);
	s0 =	sadd.s32 s4, s0;
	s31 =	sadd.s32 $0xD400, s28  }
0x562: {  	(v2sf) =	vpush v0, $0x8;
	[tilespmem:s31], [sflag:$0x2] =	stream.linear.gather [hbm4b:s0+s1], $0x80, $0x38;
	[tilespmem:$0x10200] =	vst v63  }
0x563: {  	s0 =	sand.u32 $0x1FFFFFF0, s2  }
0x564: {  	s17 =	sadd.s32 $0x5480, s28;
	s31 =	sadd.s32 s3, s0  }
0x565: {  	[tilespmem:s17], [sflag:$0x2] =	stream.linear.gather [hbm4b:s31+s1], $0x80, $0x38;
	[tilespmem:$0x10200] =	vst v63  }
0x566: {  	s0 =	sadd.s32 s4, s0;
	s31 =	sadd.s32 $0xD480, s28  }
0x567: {  	[tilespmem:s31], [sflag:$0x2] =	stream.linear.gather [hbm4b:s0+s1], $0x80, $0x38;
	[tilespmem:$0x10200] =	vst v63  }
0x568: {  	s2 =	spop (v2sf)  }
0x569: {  	(v2sf) =	vpush v0, $0x9;
	s0 =	sand.u32 $0x1FFFFFF0, s2  }
0x56a: {  	s17 =	sadd.s32 $0x5500, s28;
	s31 =	sadd.s32 s3, s0  }
0x56b: {  	[tilespmem:s17], [sflag:$0x2] =	stream.linear.gather [hbm4b:s31+s1], $0x80, $0x38;
	[tilespmem:$0x10200] =	vst v63  }
0x56c: {  	s2 =	spop (v2sf);
	s0 =	sadd.s32 s4, s0;
	s31 =	sadd.s32 $0xD500, s28  }
0x56d: {  	(v2sf) =	vpush v0, $0xA;
	[tilespmem:s31], [sflag:$0x2] =	stream.linear.gather [hbm4b:s0+s1], $0x80, $0x38;
	[tilespmem:$0x10200] =	vst v63  }
0x56e: {  	s0 =	sand.u32 $0x1FFFFFF0, s2  }
0x56f: {  	s17 =	sadd.s32 $0x5580, s28;
	s31 =	sadd.s32 s3, s0  }
0x570: {  	[tilespmem:s17], [sflag:$0x2] =	stream.linear.gather [hbm4b:s31+s1], $0x80, $0x38;
	[tilespmem:$0x10200] =	vst v63  }
0x571: {  	s2 =	spop (v2sf);
	s0 =	sadd.s32 s4, s0;
	s31 =	sadd.s32 $0xD580, s28  }
0x572: {  	(v2sf) =	vpush v0, $0xB;
	[tilespmem:s31], [sflag:$0x2] =	stream.linear.gather [hbm4b:s0+s1], $0x80, $0x38;
	[tilespmem:$0x10200] =	vst v63  }
0x573: {  	s0 =	sand.u32 $0x1FFFFFF0, s2  }
0x574: {  	s17 =	sadd.s32 $0x5600, s28;
	s31 =	sadd.s32 s3, s0  }
0x575: {  	[tilespmem:s17], [sflag:$0x2] =	stream.linear.gather [hbm4b:s31+s1], $0x80, $0x38;
	[tilespmem:$0x10200] =	vst v63  }
0x576: {  	s0 =	sadd.s32 s4, s0;
	s31 =	sadd.s32 $0xD600, s28  }
0x577: {  	[tilespmem:s31], [sflag:$0x2] =	stream.linear.gather [hbm4b:s0+s1], $0x80, $0x38;
	[tilespmem:$0x10200] =	vst v63  }
0x578: {  	s2 =	spop (v2sf)  }
0x579: {  	(v2sf) =	vpush v0, $0xC;
	s0 =	sand.u32 $0x1FFFFFF0, s2  }
0x57a: {  	s17 =	sadd.s32 $0x5680, s28;
	s31 =	sadd.s32 s3, s0  }
0x57b: {  	[tilespmem:s17], [sflag:$0x2] =	stream.linear.gather [hbm4b:s31+s1], $0x80, $0x38;
	[tilespmem:$0x10200] =	vst v63  }
0x57c: {  	s2 =	spop (v2sf);
	s0 =	sadd.s32 s4, s0;
	s31 =	sadd.s32 $0xD680, s28  }
0x57d: {  	(v2sf) =	vpush v0, $0xD;
	[tilespmem:s31], [sflag:$0x2] =	stream.linear.gather [hbm4b:s0+s1], $0x80, $0x38;
	[tilespmem:$0x10200] =	vst v63  }
0x57e: {  	s0 =	sand.u32 $0x1FFFFFF0, s2  }
0x57f: {  	s17 =	sadd.s32 $0x5700, s28;
	s31 =	sadd.s32 s3, s0  }
0x580: {  	[tilespmem:s17], [sflag:$0x2] =	stream.linear.gather [hbm4b:s31+s1], $0x80, $0x38;
	[tilespmem:$0x10200] =	vst v63  }
0x581: {  	s2 =	spop (v2sf);
	s0 =	sadd.s32 s4, s0;
	s31 =	sadd.s32 $0xD700, s28  }
0x582: {  	(v2sf) =	vpush v0, $0xE;
	[tilespmem:s31], [sflag:$0x2] =	stream.linear.gather [hbm4b:s0+s1], $0x80, $0x38;
	[tilespmem:$0x10200] =	vst v63  }
0x583: {  	s0 =	sand.u32 $0x1FFFFFF0, s2  }
0x584: {  	s17 =	sadd.s32 $0x5780, s28;
	s31 =	sadd.s32 s3, s0  }
0x585: {  	[tilespmem:s17], [sflag:$0x2] =	stream.linear.gather [hbm4b:s31+s1], $0x80, $0x38;
	[tilespmem:$0x10200] =	vst v63  }
0x586: {  	s0 =	sadd.s32 s4, s0;
	s31 =	sadd.s32 $0xD780, s28  }
0x587: {  	[tilespmem:s31], [sflag:$0x2] =	stream.linear.gather [hbm4b:s0+s1], $0x80, $0x38;
	[tilespmem:$0x10200] =	vst v63  }
0x588: {  	s2 =	spop (v2sf)  }
0x589: {  	(v2sf) =	vpush v0, $0xF;
	s0 =	sand.u32 $0x1FFFFFF0, s2  }
0x58a: {  	s17 =	sadd.s32 $0x5800, s28;
	s31 =	sadd.s32 s3, s0  }
0x58b: {  	[tilespmem:s17], [sflag:$0x2] =	stream.linear.gather [hbm4b:s31+s1], $0x80, $0x38;
	[tilespmem:$0x10200] =	vst v63  }
0x58c: {  	s2 =	spop (v2sf);
	s0 =	sadd.s32 s4, s0;
	s31 =	sadd.s32 $0xD800, s28  }
0x58d: {  	[tilespmem:s31], [sflag:$0x2] =	stream.linear.gather [hbm4b:s0+s1], $0x80, $0x38;
	[tilespmem:$0x10200] =	vst v63  }
0x58e: {  	s0 =	sand.u32 $0x1FFFFFF0, s2  }
0x58f: {  	s17 =	sadd.s32 $0x5880, s28;
	s31 =	sadd.s32 s3, s0  }
0x590: {  	[tilespmem:s17], [sflag:$0x2] =	stream.linear.gather [hbm4b:s31+s1], $0x80, $0x38;
	[tilespmem:$0x10200] =	vst v63  }
0x591: {  	s2 =	spop (v2sf);
	s0 =	sadd.s32 s4, s0;
	s31 =	sadd.s32 $0xD880, s28  }
0x592: {  	[tilespmem:s31], [sflag:$0x2] =	stream.linear.gather [hbm4b:s0+s1], $0x80, $0x38;
	[tilespmem:$0x10200] =	vst v63  }
0x593: {  	s0 =	sand.u32 $0x1FFFFFF0, s2  }
0x594: {  	s17 =	sadd.s32 $0x5900, s28;
	s31 =	sadd.s32 s3, s0  }
0x595: {  	[tilespmem:s17], [sflag:$0x2] =	stream.linear.gather [hbm4b:s31+s1], $0x80, $0x38;
	[tilespmem:$0x10200] =	vst v63  }
0x596: {  	s0 =	sadd.s32 s4, s0;
	s31 =	sadd.s32 $0xD900, s28  }
0x597: {  	[tilespmem:s31], [sflag:$0x2] =	stream.linear.gather [hbm4b:s0+s1], $0x80, $0x38;
	[tilespmem:$0x10200] =	vst v63  }
0x598: {  	s2 =	spop (v2sf)  }
0x599: {  	s0 =	sand.u32 $0x1FFFFFF0, s2  }
0x59a: {  	s17 =	sadd.s32 $0x5980, s28;
	s31 =	sadd.s32 s3, s0  }
0x59b: {  	[tilespmem:s17], [sflag:$0x2] =	stream.linear.gather [hbm4b:s31+s1], $0x80, $0x38;
	[tilespmem:$0x10200] =	vst v63  }
0x59c: {  	s0 =	sadd.s32 s4, s0;
	s31 =	sadd.s32 $0xD980, s28  }
0x59d: {  	[tilespmem:s31], [sflag:$0x2] =	stream.linear.gather [hbm4b:s0+s1], $0x80, $0x38;
	[tilespmem:$0x10200] =	vst v63  }
0x59e: {  	v63 =	vld [tilespmem:s29+$0x1B0];
	_ =	sdelay $0x4  }
0x59f: {  	v0 =	vshll.u32 v63, $0x4  }
0x5a0: {  	(v2sf) =	vpush v0, $0x0;
	_ =	sdelay $0x3  }
0x5a1: {  	(v2sf) =	vpush v0, $0x1;
	_ =	sdelay $0x4  }
0x5a2: {  	(v2sf) =	vpush v0, $0x2;
	_ =	sdelay $0x5  }
0x5a3: {  	s2 =	spop (v2sf)  }
0x5a4: {  	(v2sf) =	vpush v0, $0x3;
	s0 =	sand.u32 $0x1FFFFFF0, s2  }
0x5a5: {  	s17 =	sadd.s32 $0x5A00, s28;
	s29 =	sadd.s32 s3, s0  }
0x5a6: {  	[tilespmem:s17], [sflag:$0x2] =	stream.linear.gather [hbm4b:s29+s1], $0x80, $0x38;
	[tilespmem:$0x10200] =	vst v63  }
0x5a7: {  	s31 =	sadd.s32 $0xDA00, s28;
	s2 =	spop (v2sf);
	s0 =	sadd.s32 s4, s0  }
0x5a8: {  	(v2sf) =	vpush v0, $0x4;
	[tilespmem:s31], [sflag:$0x2] =	stream.linear.gather [hbm4b:s0+s1], $0x80, $0x38;
	[tilespmem:$0x10200] =	vst v63  }
0x5a9: {  	s0 =	sand.u32 $0x1FFFFFF0, s2  }
0x5aa: {  	s17 =	sadd.s32 $0x5A80, s28;
	s29 =	sadd.s32 s3, s0  }
0x5ab: {  	[tilespmem:s17], [sflag:$0x2] =	stream.linear.gather [hbm4b:s29+s1], $0x80, $0x38;
	[tilespmem:$0x10200] =	vst v63  }
0x5ac: {  	s31 =	sadd.s32 $0xDA80, s28;
	s2 =	spop (v2sf);
	s0 =	sadd.s32 s4, s0  }
0x5ad: {  	(v2sf) =	vpush v0, $0x5;
	[tilespmem:s31], [sflag:$0x2] =	stream.linear.gather [hbm4b:s0+s1], $0x80, $0x38;
	[tilespmem:$0x10200] =	vst v63  }
0x5ae: {  	s0 =	sand.u32 $0x1FFFFFF0, s2  }
0x5af: {  	s17 =	sadd.s32 $0x5B00, s28;
	s29 =	sadd.s32 s3, s0  }
0x5b0: {  	[tilespmem:s17], [sflag:$0x2] =	stream.linear.gather [hbm4b:s29+s1], $0x80, $0x38;
	[tilespmem:$0x10200] =	vst v63  }
0x5b1: {  	s31 =	sadd.s32 $0xDB00, s28;
	s0 =	sadd.s32 s4, s0  }
0x5b2: {  	[tilespmem:s31], [sflag:$0x2] =	stream.linear.gather [hbm4b:s0+s1], $0x80, $0x38;
	[tilespmem:$0x10200] =	vst v63  }
0x5b3: {  	s2 =	spop (v2sf)  }
0x5b4: {  	(v2sf) =	vpush v0, $0x6;
	s0 =	sand.u32 $0x1FFFFFF0, s2  }
0x5b5: {  	s17 =	sadd.s32 $0x5B80, s28;
	s29 =	sadd.s32 s3, s0  }
0x5b6: {  	[tilespmem:s17], [sflag:$0x2] =	stream.linear.gather [hbm4b:s29+s1], $0x80, $0x38;
	[tilespmem:$0x10200] =	vst v63  }
0x5b7: {  	s31 =	sadd.s32 $0xDB80, s28;
	s2 =	spop (v2sf);
	s0 =	sadd.s32 s4, s0  }
0x5b8: {  	(v2sf) =	vpush v0, $0x7;
	[tilespmem:s31], [sflag:$0x2] =	stream.linear.gather [hbm4b:s0+s1], $0x80, $0x38;
	[tilespmem:$0x10200] =	vst v63  }
0x5b9: {  	s0 =	sand.u32 $0x1FFFFFF0, s2  }
0x5ba: {  	s17 =	sadd.s32 $0x5C00, s28;
	s29 =	sadd.s32 s3, s0  }
0x5bb: {  	[tilespmem:s17], [sflag:$0x2] =	stream.linear.gather [hbm4b:s29+s1], $0x80, $0x38;
	[tilespmem:$0x10200] =	vst v63  }
0x5bc: {  	s31 =	sadd.s32 $0xDC00, s28;
	s2 =	spop (v2sf);
	s0 =	sadd.s32 s4, s0  }
0x5bd: {  	(v2sf) =	vpush v0, $0x8;
	[tilespmem:s31], [sflag:$0x2] =	stream.linear.gather [hbm4b:s0+s1], $0x80, $0x38;
	[tilespmem:$0x10200] =	vst v63  }
0x5be: {  	s0 =	sand.u32 $0x1FFFFFF0, s2  }
0x5bf: {  	s17 =	sadd.s32 $0x5C80, s28;
	s29 =	sadd.s32 s3, s0  }
0x5c0: {  	[tilespmem:s17], [sflag:$0x2] =	stream.linear.gather [hbm4b:s29+s1], $0x80, $0x38;
	[tilespmem:$0x10200] =	vst v63  }
0x5c1: {  	s31 =	sadd.s32 $0xDC80, s28;
	s0 =	sadd.s32 s4, s0  }
0x5c2: {  	[tilespmem:s31], [sflag:$0x2] =	stream.linear.gather [hbm4b:s0+s1], $0x80, $0x38;
	[tilespmem:$0x10200] =	vst v63  }
0x5c3: {  	s2 =	spop (v2sf)  }
0x5c4: {  	(v2sf) =	vpush v0, $0x9;
	s0 =	sand.u32 $0x1FFFFFF0, s2  }
0x5c5: {  	s17 =	sadd.s32 $0x5D00, s28;
	s29 =	sadd.s32 s3, s0  }
0x5c6: {  	[tilespmem:s17], [sflag:$0x2] =	stream.linear.gather [hbm4b:s29+s1], $0x80, $0x38;
	[tilespmem:$0x10200] =	vst v63  }
0x5c7: {  	s31 =	sadd.s32 $0xDD00, s28;
	s2 =	spop (v2sf);
	s0 =	sadd.s32 s4, s0  }
0x5c8: {  	(v2sf) =	vpush v0, $0xA;
	[tilespmem:s31], [sflag:$0x2] =	stream.linear.gather [hbm4b:s0+s1], $0x80, $0x38;
	[tilespmem:$0x10200] =	vst v63  }
0x5c9: {  	s0 =	sand.u32 $0x1FFFFFF0, s2  }
0x5ca: {  	s17 =	sadd.s32 $0x5D80, s28;
	s29 =	sadd.s32 s3, s0  }
0x5cb: {  	[tilespmem:s17], [sflag:$0x2] =	stream.linear.gather [hbm4b:s29+s1], $0x80, $0x38;
	[tilespmem:$0x10200] =	vst v63  }
0x5cc: {  	s31 =	sadd.s32 $0xDD80, s28;
	s2 =	spop (v2sf);
	s0 =	sadd.s32 s4, s0  }
0x5cd: {  	(v2sf) =	vpush v0, $0xB;
	[tilespmem:s31], [sflag:$0x2] =	stream.linear.gather [hbm4b:s0+s1], $0x80, $0x38;
	[tilespmem:$0x10200] =	vst v63  }
0x5ce: {  	s0 =	sand.u32 $0x1FFFFFF0, s2  }
0x5cf: {  	s17 =	sadd.s32 $0x5E00, s28;
	s29 =	sadd.s32 s3, s0  }
0x5d0: {  	[tilespmem:s17], [sflag:$0x2] =	stream.linear.gather [hbm4b:s29+s1], $0x80, $0x38;
	[tilespmem:$0x10200] =	vst v63  }
0x5d1: {  	s31 =	sadd.s32 $0xDE00, s28;
	s0 =	sadd.s32 s4, s0  }
0x5d2: {  	[tilespmem:s31], [sflag:$0x2] =	stream.linear.gather [hbm4b:s0+s1], $0x80, $0x38;
	[tilespmem:$0x10200] =	vst v63  }
0x5d3: {  	s2 =	spop (v2sf)  }
0x5d4: {  	(v2sf) =	vpush v0, $0xC;
	s0 =	sand.u32 $0x1FFFFFF0, s2  }
0x5d5: {  	s17 =	sadd.s32 $0x5E80, s28;
	s29 =	sadd.s32 s3, s0  }
0x5d6: {  	[tilespmem:s17], [sflag:$0x2] =	stream.linear.gather [hbm4b:s29+s1], $0x80, $0x38;
	[tilespmem:$0x10200] =	vst v63  }
0x5d7: {  	s31 =	sadd.s32 $0xDE80, s28;
	s2 =	spop (v2sf);
	s0 =	sadd.s32 s4, s0  }
0x5d8: {  	(v2sf) =	vpush v0, $0xD;
	[tilespmem:s31], [sflag:$0x2] =	stream.linear.gather [hbm4b:s0+s1], $0x80, $0x38;
	[tilespmem:$0x10200] =	vst v63  }
0x5d9: {  	s0 =	sand.u32 $0x1FFFFFF0, s2  }
0x5da: {  	s17 =	sadd.s32 $0x5F00, s28;
	s29 =	sadd.s32 s3, s0  }
0x5db: {  	[tilespmem:s17], [sflag:$0x2] =	stream.linear.gather [hbm4b:s29+s1], $0x80, $0x38;
	[tilespmem:$0x10200] =	vst v63  }
0x5dc: {  	s31 =	sadd.s32 $0xDF00, s28;
	s2 =	spop (v2sf);
	s0 =	sadd.s32 s4, s0  }
0x5dd: {  	(v2sf) =	vpush v0, $0xE;
	[tilespmem:s31], [sflag:$0x2] =	stream.linear.gather [hbm4b:s0+s1], $0x80, $0x38;
	[tilespmem:$0x10200] =	vst v63  }
0x5de: {  	s0 =	sand.u32 $0x1FFFFFF0, s2  }
0x5df: {  	s17 =	sadd.s32 $0x5F80, s28;
	s29 =	sadd.s32 s3, s0  }
0x5e0: {  	[tilespmem:s17], [sflag:$0x2] =	stream.linear.gather [hbm4b:s29+s1], $0x80, $0x38;
	[tilespmem:$0x10200] =	vst v63  }
0x5e1: {  	s31 =	sadd.s32 $0xDF80, s28;
	s0 =	sadd.s32 s4, s0  }
0x5e2: {  	[tilespmem:s31], [sflag:$0x2] =	stream.linear.gather [hbm4b:s0+s1], $0x80, $0x38;
	[tilespmem:$0x10200] =	vst v63  }
0x5e3: {  	s17 =	spop (v2sf)  }
0x5e4: {  	(v2sf) =	vpush v0, $0xF;
	s0 =	sand.u32 $0x1FFFFFF0, s17  }
0x5e5: {  	s29 =	sadd.s32 $0x6000, s28;
	s31 =	sadd.s32 s3, s0  }
0x5e6: {  	[tilespmem:s29], [sflag:$0x2] =	stream.linear.gather [hbm4b:s31+s1], $0x80, $0x38;
	[tilespmem:$0x10200] =	vst v63  }
0x5e7: {  	s0 =	sadd.s32 s4, s0;
	s29 =	spop (v2sf);
	s31 =	sadd.s32 $0xE000, s28  }
0x5e8: {  	[tilespmem:s31], [sflag:$0x2] =	stream.linear.gather [hbm4b:s0+s1], $0x80, $0x38;
	[tilespmem:$0x10200] =	vst v63  }
0x5e9: {  	s0 =	sand.u32 $0x1FFFFFF0, s29  }
0x5ea: {  	s29 =	sadd.s32 $0x6080, s28;
	s31 =	sadd.s32 s3, s0  }
0x5eb: {  	[tilespmem:s29], [sflag:$0x2] =	stream.linear.gather [hbm4b:s31+s1], $0x80, $0x38;
	[tilespmem:$0x10200] =	vst v63  }
0x5ec: {  	s0 =	sadd.s32 s4, s0;
	s29 =	spop (v2sf);
	s31 =	sadd.s32 $0xE080, s28  }
0x5ed: {  	[tilespmem:s31], [sflag:$0x2] =	stream.linear.gather [hbm4b:s0+s1], $0x80, $0x38;
	[tilespmem:$0x10200] =	vst v63  }
0x5ee: {  	s0 =	sand.u32 $0x1FFFFFF0, s29  }
0x5ef: {  	s17 =	sadd.s32 $0x6100, s28;
	s29 =	sadd.s32 s3, s0  }
0x5f0: {  	[tilespmem:s17], [sflag:$0x2] =	stream.linear.gather [hbm4b:s29+s1], $0x80, $0x38;
	[tilespmem:$0x10200] =	vst v63  }
0x5f1: {  	s31 =	sadd.s32 $0xE100, s28;
	s0 =	sadd.s32 s4, s0  }
0x5f2: {  	[tilespmem:s31], [sflag:$0x2] =	stream.linear.gather [hbm4b:s0+s1], $0x80, $0x38;
	[tilespmem:$0x10200] =	vst v63  }
0x5f3: {  	p1 =	por p0, p0;
	s2 =	spop (v2sf)  }
.Ltmp3:
0x5f4: {  	s0 =	sand.u32 $0x1FFFFFF0, s2;
	(pc) =	sbr.rel @p1 .LBB2_7-.Ltmp3, $4  }
0x5f5: {  	p0 =	por $0x0, $0x0;
	s17 =	sadd.s32 $0x6180, s28;
	s29 =	sadd.s32 s3, s0  }
0x5f6: {  	[tilespmem:s17], [sflag:$0x2] =	stream.linear.gather [hbm4b:s29+s1], $0x80, $0x38;
	[tilespmem:$0x10200] =	vst v63  }
0x5f7: {  	s31 =	sadd.s32 $0xE180, s28;
	s28 =	simm.s32 $0x4;
	s0 =	sadd.s32 s4, s0  }
0x5f8: {  	[tilespmem:s31], [sflag:$0x2] =	stream.linear.gather [hbm4b:s0+s1], $0x80, $0x38;
	[tilespmem:$0x10200] =	vst v63  }
0x5f9: {  	_ =	swait.ge [sflag:s16], $0x4000  }
0x5fa: {  	[sflag:s16] =	ssyncset.done $0x0  }
0x5fb: {  	[sflag:s16] =	ssyncadd.s32 $0xFFFFC000  }
0x5fc: {  	_ =	swait.ge [sflag:s16], $0x4000  }
0x5fd: {  	[sflag:s16] =	ssyncset.done $0x0  }
0x5fe: {  	[sflag:s16] =	ssyncadd.s32 $0xFFFFC000  }
0x5ff: {  	[hbm4b:s10+s1] =	stream.linear.scatter [tilespmem:s30], [sflag:$0x3], $0x4000, $0x38;
	[tilespmem:$0x10200] =	vst v63  }
0x600: {  	_ = 	snop  }
0x601: {  	[hbm4b:s11+s1] =	stream.linear.scatter [tilespmem:s18], [sflag:$0x5], $0x4000, $0x38;
	[tilespmem:$0x10200] =	vst v63  }
0x602: {  	_ =	swait.ge [sflag:s21], $0x4000  }
0x603: {  	[sflag:s21] =	ssyncset.done $0x0  }
0x604: {  	[sflag:s21] =	ssyncadd.s32 $0xFFFFC000  }
0x605: {  	_ =	swait.ge [sflag:s21], $0x4000  }
0x606: {  	[sflag:s21] =	ssyncset.done $0x0  }
0x607: {  	[sflag:s21] =	ssyncadd.s32 $0xFFFFC000  }
0x608: {  	[hbm4b:s12+s1] =	stream.linear.scatter [tilespmem:s22], [sflag:$0x4], $0x4000, $0x38;
	[tilespmem:$0x10200] =	vst v63  }
0x609: {  	_ = 	snop  }
0x60a: {  	[hbm4b:s13+s1] =	stream.linear.scatter [tilespmem:s23], [sflag:$0x6], $0x4000, $0x38;
	[tilespmem:$0x10200] =	vst v63  }
0x60b: {  	_ =	swait.ge [sflag:s19], $0x4000  }
0x60c: {  	[sflag:s19] =	ssyncset.done $0x0  }
0x60d: {  	[sflag:s19] =	ssyncadd.s32 $0xFFFFC000  }
0x60e: {  	_ =	swait.ge [sflag:s20], $0x4000  }
0x60f: {  	[sflag:s20] =	ssyncset.done $0x0  }
0x610: {  	s26 =	sadd.s32 $0x1, s26;
	[sflag:s20] =	ssyncadd.s32 $0xFFFFC000  }
0x611: {  	p0 =	sne.s32 s26, s14;
	_ =	swait.ge [sflag:s24], $0x4000  }
.Ltmp4:
0x612: {  	[sflag:s24] =	ssyncset.done $0x0;
	(pc) =	sbr.rel @p0 .LBB2_1-.Ltmp4, $4  }
0x613: {  	[sflag:s24] =	ssyncadd.s32 $0xFFFFC000  }
0x614: {  	_ =	swait.ge [sflag:s25], $0x4000  }
0x615: {  	[sflag:s25] =	ssyncset.done $0x0  }
0x616: {  	[sflag:s25] =	ssyncadd.s32 $0xFFFFC000  }
0x617: {  	_ =	sfence.sel $0x180000  }
0x618: {  	[bflag:$0x0] =	sbarrier.arrive $0xFFFF  }
0x619: {  	_ =	strace $0x90000047  }
0x61a: {  	s0 =	stileid.u32;
	[bflag:$0x2] =	sbarrier.arrive $0xFFFF  }
0x61b: {  	p0 =	sne.s32 s0, $0x0;
	s0 =	rddreg [dreg:$0x2]  }
0x61c: {  	s0 =	sadd.s32 @!p0 $0x100000, s0  }
0x61d: {  	[sflag:s0] =	ssyncadd.tile.s32 @!p0 $0x1;
	_ =	shalt  }
.Lfunc_end2:
_tile_overlayer_lowered:
.L_overlay_start_2:
0x61e: {  	(tag) =	ssettag $0x2  }
0x61f: {  	s0 =	rddreg [dreg:$0x0];
	s2 =	stileid.u32  }
0x620: {  	s1 =	rddreg [dreg:$0x1];
	p0 =	sne.s32 s2, $0x0  }
0x621: {  	s3 =	rddreg [dreg:$0x2];
	[bflag:$0x3] =	sbarrier.arrive $0xFFFF;
	s2 =	simm.s32 @!p0 $0x1C07  }
0x622: {  	[timem:s3], [sflag:s2] =	dma.local @!p0 [hbm:s0], s1  }
0x623: {  	s0 =	simm.s32 @!p0 $0x7  }
0x624: {  	_ =	swait.ge @!p0 [sflag:s0], s1  }
0x625: {  	s1 =	ssub.s32 @!p0 $0x0, s1;
	[sflag:s0] =	ssyncset.done @!p0 $0x0  }
0x626: {  	[sflag:s0] =	ssyncadd.s32 @!p0 s1  }
0x627: {  	[bflag:$0x3] =	sbarrier.arrive $0xFFFF  }
0x628: {  	_ =	shalt  }

</sc_bundles>
